<compile_context>
chip_gen: v7x
topology: tpu7x:2x2x1
jax: 0.10.2.dev20260603
libtpu: 0.0.44.dev20260713+nightly
codegen_flags: <defaults>
</compile_context>

<pallas_src>
import functools

import jax
import jax.numpy as jnp
from jax import lax
from jax.experimental import pallas as pl
from jax.experimental.pallas import tpu as pltpu, tpu_sc as plsc

N = 10000
NACC = 10240
E = 320000
D = 128
SUB = 16
CORES = 2
CH = 128
NCH = 79
EPS = NCH * CH
EPAD = CORES * SUB * EPS
RPT = NACC // SUB


def _mm1_body(x_ref, w_ref, b_ref, o_ref):
    o_ref[...] = (
        jnp.dot(x_ref[...], w_ref[...], preferred_element_type=jnp.float32)
        + b_ref[...]
    )


def _matmul1(x, W, b):
    BM = 400
    return pl.pallas_call(
        _mm1_body,
        grid=(N // BM,),
        in_specs=[
            pl.BlockSpec((BM, D), lambda i: (i, 0)),
            pl.BlockSpec((D, D), lambda i: (0, 0)),
            pl.BlockSpec((1, D), lambda i: (0, 0)),
        ],
        out_specs=pl.BlockSpec((BM, D), lambda i: (i, 0)),
        out_shape=jax.ShapeDtypeStruct((N, D), jnp.float32),
    )(x, W, b)


def _mm2_body(a_ref, b_ref, w_ref, bias_ref, o_ref):
    x = jnp.maximum(a_ref[0] + b_ref[0], 0.0)
    o_ref[...] = (
        jnp.dot(x, w_ref[...], preferred_element_type=jnp.float32)
        + bias_ref[...]
    )


def _matmul2(parts, W, b):
    BM = 400
    return pl.pallas_call(
        _mm2_body,
        grid=(N // BM,),
        in_specs=[
            pl.BlockSpec((1, BM, D), lambda i: (0, i, 0)),
            pl.BlockSpec((1, BM, D), lambda i: (1, i, 0)),
            pl.BlockSpec((D, D), lambda i: (0, 0)),
            pl.BlockSpec((1, D), lambda i: (0, 0)),
        ],
        out_specs=pl.BlockSpec((BM, D), lambda i: (i, 0)),
        out_shape=jax.ShapeDtypeStruct((N, D), jnp.float32),
    )(parts, parts, W, b)


def _add_body(a_ref, b_ref, o_ref):
    o_ref[...] = a_ref[0] + b_ref[0]


def _add_parts(parts):
    BM = 400
    return pl.pallas_call(
        _add_body,
        grid=(N // BM,),
        in_specs=[
            pl.BlockSpec((1, BM, D), lambda i: (0, i, 0)),
            pl.BlockSpec((1, BM, D), lambda i: (1, i, 0)),
        ],
        out_specs=pl.BlockSpec((BM, D), lambda i: (i, 0)),
        out_shape=jax.ShapeDtypeStruct((N, D), jnp.float32),
    )(parts, parts)


def _conv_body(h_hbm, src_hbm, dst_hbm, w_hbm, out_hbm,
               src_v, dst_v, w_v, rows_v, accum, sem):
    c = lax.axis_index("c")
    s = lax.axis_index("s")

    pltpu.sync_copy(src_hbm.at[c, s], src_v)
    pltpu.sync_copy(dst_hbm.at[c, s], dst_v)
    pltpu.sync_copy(w_hbm.at[c, s], w_v)

    zero = jnp.zeros((16,), jnp.float32)

    def zb(i, carry):
        rows_v[i // 8, pl.ds((i % 8) * 16, 16)] = zero
        return carry

    lax.fori_loop(0, CH * 8, zb, 0)
    r0 = s * RPT
    for k in range(RPT // CH):
        pltpu.sync_copy(rows_v, accum.at[pl.ds(r0 + CH * k, CH), :])
    plsc.subcore_barrier()

    def chunk(j, carry):
        pltpu.async_copy(h_hbm.at[src_v.at[j]], rows_v, sem).wait()

        def grp(g, carry2):
            base = g * 16
            wrow = w_v[j, pl.ds(base, 16)]
            for e in range(16):
                wv = jnp.full((16,), wrow[e])
                for f in range(8):
                    sl = (base + e, pl.ds(16 * f, 16))
                    rows_v[sl] = rows_v[sl] * wv
            return carry2

        lax.fori_loop(0, 8, grp, 0)

        pltpu.sync_copy(rows_v, accum.at[dst_v.at[j]], add=True)
        return carry

    lax.fori_loop(0, NCH, chunk, 0)
    plsc.subcore_barrier()

    @pl.when(s < SUB - 1)
    def _():
        pltpu.sync_copy(
            accum.at[pl.ds(r0, RPT), :],
            out_hbm.at[c, pl.ds(r0, RPT), :],
        )

    @pl.when(s == SUB - 1)
    def _():
        last = N - (SUB - 1) * RPT
        pltpu.sync_copy(
            accum.at[pl.ds((SUB - 1) * RPT, last), :],
            out_hbm.at[c, pl.ds((SUB - 1) * RPT, last), :],
        )


_conv = functools.partial(
    pl.kernel,
    out_type=jax.ShapeDtypeStruct((CORES, N, D), jnp.float32),
    mesh=plsc.VectorSubcoreMesh(core_axis_name="c", subcore_axis_name="s"),
    scratch_types=[
        pltpu.VMEM((NCH, CH), jnp.int32),
        pltpu.VMEM((NCH, CH), jnp.int32),
        pltpu.VMEM((NCH, CH), jnp.float32),
        pltpu.VMEM((CH, D), jnp.float32),
        pltpu.VMEM_SHARED((NACC, D), jnp.float32),
        pltpu.SemaphoreType.DMA,
    ],
)(_conv_body)


def _prep_indices(edge_index, edge_weight):
    src = edge_index[0].astype(jnp.int32)
    dst = edge_index[1].astype(jnp.int32)
    w = edge_weight.astype(jnp.float32)
    pad = EPAD - E
    src_g = jnp.pad(src, (0, pad)).reshape(CORES, SUB, NCH, CH)
    dst_g = jnp.pad(dst, (0, pad)).reshape(CORES, SUB, NCH, CH)
    w_g = jnp.pad(w, (0, pad)).reshape(CORES, SUB, NCH, CH)
    return src_g, dst_g, w_g


def kernel(x, edge_index, edge_weight, W1, b1, W2, b2):
    src_g, dst_g, w_g = _prep_indices(edge_index, edge_weight)
    b1r = b1.reshape(1, D)
    b2r = b2.reshape(1, D)

    h = _matmul1(x, W1, b1r)
    parts = _conv(h, src_g, dst_g, w_g)
    h = _matmul2(parts, W2, b2r)
    parts = _conv(h, src_g, dst_g, w_g)
    return _add_parts(parts)

# --- scband reference (transcript-rebuilt; emitter-appended) ---
"""Pipeline reference for scband-graph-encoder-42966852829219 (READ-ONLY COPY).

The authoritative reference and input builder live on the scoring server;
editing this copy changes nothing except your own understanding.
"""

import jax, jax.numpy as jnp
import numpy as np

N = 10000
E = 320000
D_IN = 128
D_HID = 128
D_EMB = 128

def setup_inputs(seed: int = 0) -> dict:
    key = jax.random.key(seed)
    k1, k2, k3, k4, k5, k6, k7 = jax.random.split(key, 7)
    x = jax.random.normal(k1, (N, D_IN), dtype=jnp.float32)
    edge_index = jax.random.randint(k2, (2, E), 0, N, dtype=jnp.int64)
    edge_weight = jax.random.uniform(k3, (E,), dtype=jnp.float32)
    s1 = 1.0 / np.sqrt(D_IN)
    s2 = 1.0 / np.sqrt(D_HID)
    W1 = jax.random.uniform(k4, (D_IN, D_HID), dtype=jnp.float32, minval=-s1, maxval=s1)
    b1 = jax.random.uniform(k5, (D_HID,), dtype=jnp.float32, minval=-s1, maxval=s1)
    W2 = jax.random.uniform(k6, (D_HID, D_EMB), dtype=jnp.float32, minval=-s2, maxval=s2)
    b2 = jax.random.uniform(k7, (D_EMB,), dtype=jnp.float32, minval=-s2, maxval=s2)
    return {"x": x, "edge_index": edge_index, "edge_weight": edge_weight, "W1": W1, "b1": b1, "W2": W2, "b2": b2}

def _gcn_conv_dgl(h, src, dst, w, num_nodes):
    # DGL: g.update_all(fn.u_mul_e('h','w','m'), fn.sum('m','h'))
    m = h[src] * w[:, None]
    return jax.ops.segment_sum(m, dst, num_segments=num_nodes)

def reference(x, edge_index, edge_weight, W1, b1, W2, b2):
    src = edge_index[0]
    dst = edge_index[1]
    n = x.shape[0]
    # dropout is identity in eval mode
    h = x @ W1 + b1
    h = _gcn_conv_dgl(h, src, dst, edge_weight, n)
    h = jax.nn.relu(h)
    h = h @ W2 + b2
    h = _gcn_conv_dgl(h, src, dst, edge_weight, n)
    return h

if __name__ == "__main__":
    import jax
    _d = setup_inputs()
    print(jax.jit(kernel)(*tuple(_d.values())))

</pallas_src>

<mosaic_0001>
#map = affine_map<(d0, d1) -> (0, 0)>
#map1 = affine_map<(d0, d1) -> (0, 0, 0, 0)>
#map2 = affine_map<(d0, d1) -> (0, 0, 0)>
module attributes {stable_mosaic.version = 14 : i64} {
  func.func @_conv_body(%arg0: i32, %arg1: i32, %arg2: memref<10000x128xf32, #tpu.memory_space<hbm>>, %arg3: memref<2x16x79x128xi32, #tpu.memory_space<hbm>>, %arg4: memref<2x16x79x128xi32, #tpu.memory_space<hbm>>, %arg5: memref<2x16x79x128xf32, #tpu.memory_space<hbm>>, %arg6: memref<2x10000x128xf32, #tpu.memory_space<hbm>>, %arg7: memref<79x128xi32, #tpu.memory_space<vmem>>, %arg8: memref<79x128xi32, #tpu.memory_space<vmem>>, %arg9: memref<79x128xf32, #tpu.memory_space<vmem>>, %arg10: memref<128x128xf32, #tpu.memory_space<vmem>>, %arg11: memref<10240x128xf32, #tpu.memory_space<vmem_shared>>, %arg12: memref<!tpu.dma_semaphore, #tpu.memory_space<semaphore_mem>>) attributes {dimension_semantics = [#tpu.dimension_semantics<core_parallel>, #tpu.dimension_semantics<subcore_parallel>], iteration_bounds = array<i64: 2, 16>, scalar_prefetch = 0 : i64, scratch_operands = 6 : i64, tpu.core_type = #tpu.core_type<sc_vector_subcore>, window_params = [{transform_indices = #map}, {transform_indices = #map1}, {transform_indices = #map1}, {transform_indices = #map1}, {transform_indices = #map2}]} {
    "tpu.region"() ({
      %run_scoped3A = tpu.sem_alloc : memref<!tpu.dma_semaphore, #tpu.memory_space<semaphore_mem>>
      %dma_start3A = arith.constant 0 : i32
      %dma_start3A_29 = arith.constant 0 : i32
      %dma_start3A_30 = tpu.memref_slice %arg3[%arg0, %arg1, %dma_start3A, %dma_start3A_29] : memref<2x16x79x128xi32, #tpu.memory_space<hbm>> -> memref<1x1x79x128xi32, #tpu.memory_space<hbm>>
      %dma_start3A_31 = tpu.memref_squeeze %dma_start3A_30 : memref<1x1x79x128xi32, #tpu.memory_space<hbm>> -> memref<79x128xi32, #tpu.memory_space<hbm>>
      %dma_start3A_32 = arith.constant 0 : i32
      %dma_start3A_33 = arith.constant 0 : i32
      %dma_start3A_34 = tpu.memref_slice %arg3[%arg0, %arg1, %dma_start3A_32, %dma_start3A_33] : memref<2x16x79x128xi32, #tpu.memory_space<hbm>> -> memref<1x1x79x128xi32, #tpu.memory_space<hbm>>
      %dma_start3A_35 = tpu.memref_squeeze %dma_start3A_34 : memref<1x1x79x128xi32, #tpu.memory_space<hbm>> -> memref<79x128xi32, #tpu.memory_space<hbm>>
      tpu.enqueue_dma source(%dma_start3A_35 : memref<79x128xi32, #tpu.memory_space<hbm>>) target(%arg7 : memref<79x128xi32, #tpu.memory_space<vmem>>) target_semaphore(%run_scoped3A : memref<!tpu.dma_semaphore, #tpu.memory_space<semaphore_mem>>)
      %dma_wait3A = arith.constant 0 : i32
      %dma_wait3A_36 = arith.constant 0 : i32
      %dma_wait3A_37 = tpu.memref_slice %arg3[%arg0, %arg1, %dma_wait3A, %dma_wait3A_36] : memref<2x16x79x128xi32, #tpu.memory_space<hbm>> -> memref<1x1x79x128xi32, #tpu.memory_space<hbm>>
      %dma_wait3A_38 = tpu.memref_squeeze %dma_wait3A_37 : memref<1x1x79x128xi32, #tpu.memory_space<hbm>> -> memref<79x128xi32, #tpu.memory_space<hbm>>
      %dma_wait3A_39 = arith.constant 0 : i32
      %dma_wait3A_40 = arith.constant 0 : i32
      %dma_wait3A_41 = tpu.memref_slice %arg3[%arg0, %arg1, %dma_wait3A_39, %dma_wait3A_40] : memref<2x16x79x128xi32, #tpu.memory_space<hbm>> -> memref<1x1x79x128xi32, #tpu.memory_space<hbm>>
      %dma_wait3A_42 = tpu.memref_squeeze %dma_wait3A_41 : memref<1x1x79x128xi32, #tpu.memory_space<hbm>> -> memref<79x128xi32, #tpu.memory_space<hbm>>
      tpu.wait_dma2 semaphore(%run_scoped3A : memref<!tpu.dma_semaphore, #tpu.memory_space<semaphore_mem>>) src(%dma_wait3A_42 : memref<79x128xi32, #tpu.memory_space<hbm>>) dst(%arg7 : memref<79x128xi32, #tpu.memory_space<vmem>>)
      tpu.yield
    }) : () -> ()
    "tpu.region"() ({
      %run_scoped3A = tpu.sem_alloc : memref<!tpu.dma_semaphore, #tpu.memory_space<semaphore_mem>>
      %dma_start3A = arith.constant 0 : i32
      %dma_start3A_29 = arith.constant 0 : i32
      %dma_start3A_30 = tpu.memref_slice %arg4[%arg0, %arg1, %dma_start3A, %dma_start3A_29] : memref<2x16x79x128xi32, #tpu.memory_space<hbm>> -> memref<1x1x79x128xi32, #tpu.memory_space<hbm>>
      %dma_start3A_31 = tpu.memref_squeeze %dma_start3A_30 : memref<1x1x79x128xi32, #tpu.memory_space<hbm>> -> memref<79x128xi32, #tpu.memory_space<hbm>>
      %dma_start3A_32 = arith.constant 0 : i32
      %dma_start3A_33 = arith.constant 0 : i32
      %dma_start3A_34 = tpu.memref_slice %arg4[%arg0, %arg1, %dma_start3A_32, %dma_start3A_33] : memref<2x16x79x128xi32, #tpu.memory_space<hbm>> -> memref<1x1x79x128xi32, #tpu.memory_space<hbm>>
      %dma_start3A_35 = tpu.memref_squeeze %dma_start3A_34 : memref<1x1x79x128xi32, #tpu.memory_space<hbm>> -> memref<79x128xi32, #tpu.memory_space<hbm>>
      tpu.enqueue_dma source(%dma_start3A_35 : memref<79x128xi32, #tpu.memory_space<hbm>>) target(%arg8 : memref<79x128xi32, #tpu.memory_space<vmem>>) target_semaphore(%run_scoped3A : memref<!tpu.dma_semaphore, #tpu.memory_space<semaphore_mem>>)
      %dma_wait3A = arith.constant 0 : i32
      %dma_wait3A_36 = arith.constant 0 : i32
      %dma_wait3A_37 = tpu.memref_slice %arg4[%arg0, %arg1, %dma_wait3A, %dma_wait3A_36] : memref<2x16x79x128xi32, #tpu.memory_space<hbm>> -> memref<1x1x79x128xi32, #tpu.memory_space<hbm>>
      %dma_wait3A_38 = tpu.memref_squeeze %dma_wait3A_37 : memref<1x1x79x128xi32, #tpu.memory_space<hbm>> -> memref<79x128xi32, #tpu.memory_space<hbm>>
      %dma_wait3A_39 = arith.constant 0 : i32
      %dma_wait3A_40 = arith.constant 0 : i32
      %dma_wait3A_41 = tpu.memref_slice %arg4[%arg0, %arg1, %dma_wait3A_39, %dma_wait3A_40] : memref<2x16x79x128xi32, #tpu.memory_space<hbm>> -> memref<1x1x79x128xi32, #tpu.memory_space<hbm>>
      %dma_wait3A_42 = tpu.memref_squeeze %dma_wait3A_41 : memref<1x1x79x128xi32, #tpu.memory_space<hbm>> -> memref<79x128xi32, #tpu.memory_space<hbm>>
      tpu.wait_dma2 semaphore(%run_scoped3A : memref<!tpu.dma_semaphore, #tpu.memory_space<semaphore_mem>>) src(%dma_wait3A_42 : memref<79x128xi32, #tpu.memory_space<hbm>>) dst(%arg8 : memref<79x128xi32, #tpu.memory_space<vmem>>)
      tpu.yield
    }) : () -> ()
    "tpu.region"() ({
      %run_scoped3A = tpu.sem_alloc : memref<!tpu.dma_semaphore, #tpu.memory_space<semaphore_mem>>
      %dma_start3A = arith.constant 0 : i32
      %dma_start3A_29 = arith.constant 0 : i32
      %dma_start3A_30 = tpu.memref_slice %arg5[%arg0, %arg1, %dma_start3A, %dma_start3A_29] : memref<2x16x79x128xf32, #tpu.memory_space<hbm>> -> memref<1x1x79x128xf32, #tpu.memory_space<hbm>>
      %dma_start3A_31 = tpu.memref_squeeze %dma_start3A_30 : memref<1x1x79x128xf32, #tpu.memory_space<hbm>> -> memref<79x128xf32, #tpu.memory_space<hbm>>
      %dma_start3A_32 = arith.constant 0 : i32
      %dma_start3A_33 = arith.constant 0 : i32
      %dma_start3A_34 = tpu.memref_slice %arg5[%arg0, %arg1, %dma_start3A_32, %dma_start3A_33] : memref<2x16x79x128xf32, #tpu.memory_space<hbm>> -> memref<1x1x79x128xf32, #tpu.memory_space<hbm>>
      %dma_start3A_35 = tpu.memref_squeeze %dma_start3A_34 : memref<1x1x79x128xf32, #tpu.memory_space<hbm>> -> memref<79x128xf32, #tpu.memory_space<hbm>>
      tpu.enqueue_dma source(%dma_start3A_35 : memref<79x128xf32, #tpu.memory_space<hbm>>) target(%arg9 : memref<79x128xf32, #tpu.memory_space<vmem>>) target_semaphore(%run_scoped3A : memref<!tpu.dma_semaphore, #tpu.memory_space<semaphore_mem>>)
      %dma_wait3A = arith.constant 0 : i32
      %dma_wait3A_36 = arith.constant 0 : i32
      %dma_wait3A_37 = tpu.memref_slice %arg5[%arg0, %arg1, %dma_wait3A, %dma_wait3A_36] : memref<2x16x79x128xf32, #tpu.memory_space<hbm>> -> memref<1x1x79x128xf32, #tpu.memory_space<hbm>>
      %dma_wait3A_38 = tpu.memref_squeeze %dma_wait3A_37 : memref<1x1x79x128xf32, #tpu.memory_space<hbm>> -> memref<79x128xf32, #tpu.memory_space<hbm>>
      %dma_wait3A_39 = arith.constant 0 : i32
      %dma_wait3A_40 = arith.constant 0 : i32
      %dma_wait3A_41 = tpu.memref_slice %arg5[%arg0, %arg1, %dma_wait3A_39, %dma_wait3A_40] : memref<2x16x79x128xf32, #tpu.memory_space<hbm>> -> memref<1x1x79x128xf32, #tpu.memory_space<hbm>>
      %dma_wait3A_42 = tpu.memref_squeeze %dma_wait3A_41 : memref<1x1x79x128xf32, #tpu.memory_space<hbm>> -> memref<79x128xf32, #tpu.memory_space<hbm>>
      tpu.wait_dma2 semaphore(%run_scoped3A : memref<!tpu.dma_semaphore, #tpu.memory_space<semaphore_mem>>) src(%dma_wait3A_42 : memref<79x128xf32, #tpu.memory_space<hbm>>) dst(%arg9 : memref<79x128xf32, #tpu.memory_space<vmem>>)
      tpu.yield
    }) : () -> ()
    %broadcast_in_dim3A = arith.constant 0.000000e+00 : f32
    %broadcast_in_dim3A_0 = vector.broadcast %broadcast_in_dim3A : f32 to vector<16xf32>
    %scan3A = arith.constant 0 : i32
    %scan3A_1 = arith.constant 0 : i32
    %scan3A_2 = arith.constant 1024 : i32
    %scan3A_3 = arith.addi %scan3A_1, %scan3A_2 : i32
    %scan3A_4 = arith.constant 1 : i32
    scf.for %scan3A_29 = %scan3A_1 to %scan3A_3 step %scan3A_4  : i32 {
      %jit3A = arith.constant 8 : i32
      %div3A = arith.divsi %scan3A_29, %jit3A : i32
      %sign3A = arith.constant 0 : i32
      %sign3A_30 = arith.cmpi sgt, %scan3A_29, %sign3A : i32
      %sign3A_31 = arith.extui %sign3A_30 : i1 to i32
      %sign3A_32 = arith.constant 0 : i32
      %sign3A_33 = arith.cmpi slt, %scan3A_29, %sign3A_32 : i32
      %sign3A_34 = arith.extui %sign3A_33 : i1 to i32
      %sign3A_35 = arith.subi %sign3A_31, %sign3A_34 : i32
      %sign3A_36 = arith.constant 0 : i32
      %sign3A_37 = arith.cmpi sgt, %jit3A, %sign3A_36 : i32
      %sign3A_38 = arith.extui %sign3A_37 : i1 to i32
      %sign3A_39 = arith.constant 0 : i32
      %sign3A_40 = arith.cmpi slt, %jit3A, %sign3A_39 : i32
      %sign3A_41 = arith.extui %sign3A_40 : i1 to i32
      %sign3A_42 = arith.subi %sign3A_38, %sign3A_41 : i32
      %ne3A = arith.cmpi ne, %sign3A_35, %sign3A_42 : i32
      %rem3A = arith.remsi %scan3A_29, %jit3A : i32
      %ne3A_43 = arith.constant 0 : i32
      %ne3A_44 = arith.cmpi ne, %rem3A, %ne3A_43 : i32
      %and3A = arith.andi %ne3A, %ne3A_44 : i1
      %sub3A = arith.constant 1 : i32
      %sub3A_45 = arith.subi %div3A, %sub3A : i32
      %select_n3A = arith.select %and3A, %sub3A_45, %div3A : i32
      %jit3A_46 = arith.constant 8 : i32
      %eq3A_47 = arith.constant 0 : i32
      %eq3A_48 = arith.cmpi eq, %jit3A_46, %eq3A_47 : i32
      %jit3A_49 = arith.constant 1 : i32
      %select_n3A_50 = arith.select %eq3A_48, %jit3A_49, %jit3A_46 : i32
      %rem3A_51 = arith.remsi %scan3A_29, %select_n3A_50 : i32
      %ne3A_52 = arith.constant 0 : i32
      %ne3A_53 = arith.cmpi ne, %rem3A_51, %ne3A_52 : i32
      %lt3A_54 = arith.constant 0 : i32
      %lt3A_55 = arith.cmpi slt, %rem3A_51, %lt3A_54 : i32
      %lt3A_56 = arith.constant 0 : i32
      %lt3A_57 = arith.cmpi slt, %select_n3A_50, %lt3A_56 : i32
      %ne3A_58 = arith.xori %lt3A_55, %lt3A_57 : i1
      %and3A_59 = arith.andi %ne3A_58, %ne3A_53 : i1
      %add3A_60 = arith.addi %rem3A_51, %select_n3A_50 : i32
      %select_n3A_61 = arith.select %and3A_59, %add3A_60, %rem3A_51 : i32
      %mul3A_62 = arith.constant 16 : i32
      %mul3A_63 = arith.muli %select_n3A_61, %mul3A_62 : i32
      %swap3A = arith.index_cast %select_n3A : i32 to index
      %swap3A_64 = arith.index_cast %mul3A_63 : i32 to index
      %swap3A_65 = tpu.vector_load %arg10[%swap3A, %swap3A_64] {strides = array<i32>} : memref<128x128xf32, #tpu.memory_space<vmem>>, vector<1x16xf32>,
      %swap3A_66 = vector.shape_cast %swap3A_65 : vector<1x16xf32> to vector<16xf32>
      %swap3A_67 = vector.shape_cast %broadcast_in_dim3A_0 : vector<16xf32> to vector<1x16xf32>
      tpu.vector_store %arg10[%swap3A, %swap3A_64], %swap3A_67 {strides = array<i32>} : memref<128x128xf32, #tpu.memory_space<vmem>>, vector<1x16xf32>,
    }
    %scan3A_5 = arith.constant 1024 : i32
    %mul3A = arith.constant 640 : i32
    %mul3A_6 = arith.muli %arg1, %mul3A : i32
    %add3A = arith.constant 0 : i32
    %add3A_7 = arith.addi %mul3A_6, %add3A : i32
    "tpu.region"() ({
      %run_scoped3A = tpu.sem_alloc : memref<!tpu.dma_semaphore, #tpu.memory_space<semaphore_mem>>
      %dma_start3A = arith.constant 0 : i32
      %dma_start3A_29 = tpu.memref_slice %arg11[%add3A_7, %dma_start3A] : memref<10240x128xf32, #tpu.memory_space<vmem_shared>> -> memref<128x128xf32, #tpu.memory_space<vmem_shared>>
      %dma_start3A_30 = arith.constant 0 : i32
      %dma_start3A_31 = tpu.memref_slice %arg11[%add3A_7, %dma_start3A_30] : memref<10240x128xf32, #tpu.memory_space<vmem_shared>> -> memref<128x128xf32, #tpu.memory_space<vmem_shared>>
      tpu.enqueue_dma source(%arg10 : memref<128x128xf32, #tpu.memory_space<vmem>>) target(%dma_start3A_31 : memref<128x128xf32, #tpu.memory_space<vmem_shared>>) target_semaphore(%run_scoped3A : memref<!tpu.dma_semaphore, #tpu.memory_space<semaphore_mem>>)
      %dma_wait3A = arith.constant 0 : i32
      %dma_wait3A_32 = tpu.memref_slice %arg11[%add3A_7, %dma_wait3A] : memref<10240x128xf32, #tpu.memory_space<vmem_shared>> -> memref<128x128xf32, #tpu.memory_space<vmem_shared>>
      %dma_wait3A_33 = arith.constant 0 : i32
      %dma_wait3A_34 = tpu.memref_slice %arg11[%add3A_7, %dma_wait3A_33] : memref<10240x128xf32, #tpu.memory_space<vmem_shared>> -> memref<128x128xf32, #tpu.memory_space<vmem_shared>>
      tpu.wait_dma2 semaphore(%run_scoped3A : memref<!tpu.dma_semaphore, #tpu.memory_space<semaphore_mem>>) src(%arg10 : memref<128x128xf32, #tpu.memory_space<vmem>>) dst(%dma_wait3A_34 : memref<128x128xf32, #tpu.memory_space<vmem_shared>>)
      tpu.yield
    }) : () -> ()
    %add3A_8 = arith.constant 128 : i32
    %add3A_9 = arith.addi %mul3A_6, %add3A_8 : i32
    "tpu.region"() ({
      %run_scoped3A = tpu.sem_alloc : memref<!tpu.dma_semaphore, #tpu.memory_space<semaphore_mem>>
      %dma_start3A = arith.constant 0 : i32
      %dma_start3A_29 = tpu.memref_slice %arg11[%add3A_9, %dma_start3A] : memref<10240x128xf32, #tpu.memory_space<vmem_shared>> -> memref<128x128xf32, #tpu.memory_space<vmem_shared>>
      %dma_start3A_30 = arith.constant 0 : i32
      %dma_start3A_31 = tpu.memref_slice %arg11[%add3A_9, %dma_start3A_30] : memref<10240x128xf32, #tpu.memory_space<vmem_shared>> -> memref<128x128xf32, #tpu.memory_space<vmem_shared>>
      tpu.enqueue_dma source(%arg10 : memref<128x128xf32, #tpu.memory_space<vmem>>) target(%dma_start3A_31 : memref<128x128xf32, #tpu.memory_space<vmem_shared>>) target_semaphore(%run_scoped3A : memref<!tpu.dma_semaphore, #tpu.memory_space<semaphore_mem>>)
      %dma_wait3A = arith.constant 0 : i32
      %dma_wait3A_32 = tpu.memref_slice %arg11[%add3A_9, %dma_wait3A] : memref<10240x128xf32, #tpu.memory_space<vmem_shared>> -> memref<128x128xf32, #tpu.memory_space<vmem_shared>>
      %dma_wait3A_33 = arith.constant 0 : i32
      %dma_wait3A_34 = tpu.memref_slice %arg11[%add3A_9, %dma_wait3A_33] : memref<10240x128xf32, #tpu.memory_space<vmem_shared>> -> memref<128x128xf32, #tpu.memory_space<vmem_shared>>
      tpu.wait_dma2 semaphore(%run_scoped3A : memref<!tpu.dma_semaphore, #tpu.memory_space<semaphore_mem>>) src(%arg10 : memref<128x128xf32, #tpu.memory_space<vmem>>) dst(%dma_wait3A_34 : memref<128x128xf32, #tpu.memory_space<vmem_shared>>)
      tpu.yield
    }) : () -> ()
    %add3A_10 = arith.constant 256 : i32
    %add3A_11 = arith.addi %mul3A_6, %add3A_10 : i32
    "tpu.region"() ({
      %run_scoped3A = tpu.sem_alloc : memref<!tpu.dma_semaphore, #tpu.memory_space<semaphore_mem>>
      %dma_start3A = arith.constant 0 : i32
      %dma_start3A_29 = tpu.memref_slice %arg11[%add3A_11, %dma_start3A] : memref<10240x128xf32, #tpu.memory_space<vmem_shared>> -> memref<128x128xf32, #tpu.memory_space<vmem_shared>>
      %dma_start3A_30 = arith.constant 0 : i32
      %dma_start3A_31 = tpu.memref_slice %arg11[%add3A_11, %dma_start3A_30] : memref<10240x128xf32, #tpu.memory_space<vmem_shared>> -> memref<128x128xf32, #tpu.memory_space<vmem_shared>>
      tpu.enqueue_dma source(%arg10 : memref<128x128xf32, #tpu.memory_space<vmem>>) target(%dma_start3A_31 : memref<128x128xf32, #tpu.memory_space<vmem_shared>>) target_semaphore(%run_scoped3A : memref<!tpu.dma_semaphore, #tpu.memory_space<semaphore_mem>>)
      %dma_wait3A = arith.constant 0 : i32
      %dma_wait3A_32 = tpu.memref_slice %arg11[%add3A_11, %dma_wait3A] : memref<10240x128xf32, #tpu.memory_space<vmem_shared>> -> memref<128x128xf32, #tpu.memory_space<vmem_shared>>
      %dma_wait3A_33 = arith.constant 0 : i32
      %dma_wait3A_34 = tpu.memref_slice %arg11[%add3A_11, %dma_wait3A_33] : memref<10240x128xf32, #tpu.memory_space<vmem_shared>> -> memref<128x128xf32, #tpu.memory_space<vmem_shared>>
      tpu.wait_dma2 semaphore(%run_scoped3A : memref<!tpu.dma_semaphore, #tpu.memory_space<semaphore_mem>>) src(%arg10 : memref<128x128xf32, #tpu.memory_space<vmem>>) dst(%dma_wait3A_34 : memref<128x128xf32, #tpu.memory_space<vmem_shared>>)
      tpu.yield
    }) : () -> ()
    %add3A_12 = arith.constant 384 : i32
    %add3A_13 = arith.addi %mul3A_6, %add3A_12 : i32
    "tpu.region"() ({
      %run_scoped3A = tpu.sem_alloc : memref<!tpu.dma_semaphore, #tpu.memory_space<semaphore_mem>>
      %dma_start3A = arith.constant 0 : i32
      %dma_start3A_29 = tpu.memref_slice %arg11[%add3A_13, %dma_start3A] : memref<10240x128xf32, #tpu.memory_space<vmem_shared>> -> memref<128x128xf32, #tpu.memory_space<vmem_shared>>
      %dma_start3A_30 = arith.constant 0 : i32
      %dma_start3A_31 = tpu.memref_slice %arg11[%add3A_13, %dma_start3A_30] : memref<10240x128xf32, #tpu.memory_space<vmem_shared>> -> memref<128x128xf32, #tpu.memory_space<vmem_shared>>
      tpu.enqueue_dma source(%arg10 : memref<128x128xf32, #tpu.memory_space<vmem>>) target(%dma_start3A_31 : memref<128x128xf32, #tpu.memory_space<vmem_shared>>) target_semaphore(%run_scoped3A : memref<!tpu.dma_semaphore, #tpu.memory_space<semaphore_mem>>)
      %dma_wait3A = arith.constant 0 : i32
      %dma_wait3A_32 = tpu.memref_slice %arg11[%add3A_13, %dma_wait3A] : memref<10240x128xf32, #tpu.memory_space<vmem_shared>> -> memref<128x128xf32, #tpu.memory_space<vmem_shared>>
      %dma_wait3A_33 = arith.constant 0 : i32
      %dma_wait3A_34 = tpu.memref_slice %arg11[%add3A_13, %dma_wait3A_33] : memref<10240x128xf32, #tpu.memory_space<vmem_shared>> -> memref<128x128xf32, #tpu.memory_space<vmem_shared>>
      tpu.wait_dma2 semaphore(%run_scoped3A : memref<!tpu.dma_semaphore, #tpu.memory_space<semaphore_mem>>) src(%arg10 : memref<128x128xf32, #tpu.memory_space<vmem>>) dst(%dma_wait3A_34 : memref<128x128xf32, #tpu.memory_space<vmem_shared>>)
      tpu.yield
    }) : () -> ()
    %add3A_14 = arith.constant 512 : i32
    %add3A_15 = arith.addi %mul3A_6, %add3A_14 : i32
    "tpu.region"() ({
      %run_scoped3A = tpu.sem_alloc : memref<!tpu.dma_semaphore, #tpu.memory_space<semaphore_mem>>
      %dma_start3A = arith.constant 0 : i32
      %dma_start3A_29 = tpu.memref_slice %arg11[%add3A_15, %dma_start3A] : memref<10240x128xf32, #tpu.memory_space<vmem_shared>> -> memref<128x128xf32, #tpu.memory_space<vmem_shared>>
      %dma_start3A_30 = arith.constant 0 : i32
      %dma_start3A_31 = tpu.memref_slice %arg11[%add3A_15, %dma_start3A_30] : memref<10240x128xf32, #tpu.memory_space<vmem_shared>> -> memref<128x128xf32, #tpu.memory_space<vmem_shared>>
      tpu.enqueue_dma source(%arg10 : memref<128x128xf32, #tpu.memory_space<vmem>>) target(%dma_start3A_31 : memref<128x128xf32, #tpu.memory_space<vmem_shared>>) target_semaphore(%run_scoped3A : memref<!tpu.dma_semaphore, #tpu.memory_space<semaphore_mem>>)
      %dma_wait3A = arith.constant 0 : i32
      %dma_wait3A_32 = tpu.memref_slice %arg11[%add3A_15, %dma_wait3A] : memref<10240x128xf32, #tpu.memory_space<vmem_shared>> -> memref<128x128xf32, #tpu.memory_space<vmem_shared>>
      %dma_wait3A_33 = arith.constant 0 : i32
      %dma_wait3A_34 = tpu.memref_slice %arg11[%add3A_15, %dma_wait3A_33] : memref<10240x128xf32, #tpu.memory_space<vmem_shared>> -> memref<128x128xf32, #tpu.memory_space<vmem_shared>>
      tpu.wait_dma2 semaphore(%run_scoped3A : memref<!tpu.dma_semaphore, #tpu.memory_space<semaphore_mem>>) src(%arg10 : memref<128x128xf32, #tpu.memory_space<vmem>>) dst(%dma_wait3A_34 : memref<128x128xf32, #tpu.memory_space<vmem_shared>>)
      tpu.yield
    }) : () -> ()
    %barrier3A = arith.constant 0 : index
    tpu.barrier barrier_id(%barrier3A)
    %scan3A_16 = arith.constant 0 : i32
    %scan3A_17 = arith.constant 0 : i32
    %scan3A_18 = arith.constant 79 : i32
    %scan3A_19 = arith.addi %scan3A_17, %scan3A_18 : i32
    %scan3A_20 = arith.constant 1 : i32
    scf.for %scan3A_29 = %scan3A_17 to %scan3A_19 step %scan3A_20  : i32 {
      %dma_start3A = arith.constant 0 : i32
      %dma_start3A_30 = tpu.memref_slice %arg7[%scan3A_29, %dma_start3A] : memref<79x128xi32, #tpu.memory_space<vmem>> -> memref<1x128xi32, #tpu.memory_space<vmem>>
      %dma_start3A_31 = tpu.memref_squeeze %dma_start3A_30 : memref<1x128xi32, #tpu.memory_space<vmem>> -> memref<128xi32, #tpu.memory_space<vmem>>
      %dma_start3A_32 = arith.constant 0 : i32
      %dma_start3A_33 = arith.constant 0 : i32
      %dma_start3A_34 = tpu.memref_slice %arg2[%dma_start3A_32, %dma_start3A_33] : memref<10000x128xf32, #tpu.memory_space<hbm>> -> memref<10000x128xf32, #tpu.memory_space<hbm>>
      tpu.enqueue_indirect_dma source(%dma_start3A_34 : memref<10000x128xf32, #tpu.memory_space<hbm>>) target(%arg10 : memref<128x128xf32, #tpu.memory_space<vmem>>) offsets(%dma_start3A_31 : memref<128xi32, #tpu.memory_space<vmem>>) semaphore(%arg12 : memref<!tpu.dma_semaphore, #tpu.memory_space<semaphore_mem>>)
      %dma_wait3A = arith.constant 0 : i32
      %dma_wait3A_35 = tpu.memref_slice %arg7[%scan3A_29, %dma_wait3A] : memref<79x128xi32, #tpu.memory_space<vmem>> -> memref<1x128xi32, #tpu.memory_space<vmem>>
      %dma_wait3A_36 = tpu.memref_squeeze %dma_wait3A_35 : memref<1x128xi32, #tpu.memory_space<vmem>> -> memref<128xi32, #tpu.memory_space<vmem>>
      %dma_wait3A_37 = arith.constant 0 : i32
      %dma_wait3A_38 = arith.constant 0 : i32
      %dma_wait3A_39 = tpu.memref_slice %arg2[%dma_wait3A_37, %dma_wait3A_38] : memref<10000x128xf32, #tpu.memory_space<hbm>> -> memref<10000x128xf32, #tpu.memory_space<hbm>>
      tpu.wait_indirect_dma semaphore(%arg12 : memref<!tpu.dma_semaphore, #tpu.memory_space<semaphore_mem>>) src(%dma_wait3A_39 : memref<10000x128xf32, #tpu.memory_space<hbm>>) dst(%arg10 : memref<128x128xf32, #tpu.memory_space<vmem>>)
      %scan3A_40 = arith.constant 0 : i32
      %scan3A_41 = arith.constant 0 : i32
      %scan3A_42 = arith.constant 8 : i32
      %scan3A_43 = arith.addi %scan3A_41, %scan3A_42 : i32
      %scan3A_44 = arith.constant 1 : i32
      scf.for %scan3A_46 = %scan3A_41 to %scan3A_43 step %scan3A_44  : i32 {
        %mul3A_47 = arith.constant 16 : i32
        %mul3A_48 = arith.muli %scan3A_46, %mul3A_47 : i32
        %get3A = arith.index_cast %scan3A_29 : i32 to index
        %get3A_49 = arith.index_cast %mul3A_48 : i32 to index
        %get3A_50 = tpu.vector_load %arg9[%get3A, %get3A_49] {strides = array<i32>} : memref<79x128xf32, #tpu.memory_space<vmem>>, vector<1x16xf32>,
        %get3A_51 = vector.shape_cast %get3A_50 : vector<1x16xf32> to vector<16xf32>
        %slice3A = vector.extract_strided_slice %get3A_51 {offsets = [0], sizes = [1], strides = [1]} : vector<16xf32> to vector<1xf32>
        %squeeze3A = vector.extract %slice3A[0] : f32 from vector<1xf32>
        %broadcast_in_dim3A_52 = vector.broadcast %squeeze3A : f32 to vector<16xf32>
        %add3A_53 = arith.constant 0 : i32
        %add3A_54 = arith.addi %mul3A_48, %add3A_53 : i32
        %get3A_55 = arith.index_cast %add3A_54 : i32 to index
        %get3A_56 = arith.constant 0 : index
        %get3A_57 = tpu.vector_load %arg10[%get3A_55, %get3A_56] {strides = array<i32>} : memref<128x128xf32, #tpu.memory_space<vmem>>, vector<1x16xf32>,
        %get3A_58 = vector.shape_cast %get3A_57 : vector<1x16xf32> to vector<16xf32>
        %mul3A_59 = arith.mulf %get3A_58, %broadcast_in_dim3A_52 : vector<16xf32>
        %swap3A = arith.index_cast %add3A_54 : i32 to index
        %swap3A_60 = arith.constant 0 : index
        %swap3A_61 = tpu.vector_load %arg10[%swap3A, %swap3A_60] {strides = array<i32>} : memref<128x128xf32, #tpu.memory_space<vmem>>, vector<1x16xf32>,
        %swap3A_62 = vector.shape_cast %swap3A_61 : vector<1x16xf32> to vector<16xf32>
        %swap3A_63 = vector.shape_cast %mul3A_59 : vector<16xf32> to vector<1x16xf32>
        tpu.vector_store %arg10[%swap3A, %swap3A_60], %swap3A_63 {strides = array<i32>} : memref<128x128xf32, #tpu.memory_space<vmem>>, vector<1x16xf32>,
        %add3A_64 = arith.constant 0 : i32
        %add3A_65 = arith.addi %mul3A_48, %add3A_64 : i32
        %get3A_66 = arith.index_cast %add3A_65 : i32 to index
        %get3A_67 = arith.constant 16 : index
        %get3A_68 = tpu.vector_load %arg10[%get3A_66, %get3A_67] {strides = array<i32>} : memref<128x128xf32, #tpu.memory_space<vmem>>, vector<1x16xf32>,
        %get3A_69 = vector.shape_cast %get3A_68 : vector<1x16xf32> to vector<16xf32>
        %mul3A_70 = arith.mulf %get3A_69, %broadcast_in_dim3A_52 : vector<16xf32>
        %swap3A_71 = arith.index_cast %add3A_65 : i32 to index
        %swap3A_72 = arith.constant 16 : index
        %swap3A_73 = tpu.vector_load %arg10[%swap3A_71, %swap3A_72] {strides = array<i32>} : memref<128x128xf32, #tpu.memory_space<vmem>>, vector<1x16xf32>,
        %swap3A_74 = vector.shape_cast %swap3A_73 : vector<1x16xf32> to vector<16xf32>
        %swap3A_75 = vector.shape_cast %mul3A_70 : vector<16xf32> to vector<1x16xf32>
        tpu.vector_store %arg10[%swap3A_71, %swap3A_72], %swap3A_75 {strides = array<i32>} : memref<128x128xf32, #tpu.memory_space<vmem>>, vector<1x16xf32>,
        %add3A_76 = arith.constant 0 : i32
        %add3A_77 = arith.addi %mul3A_48, %add3A_76 : i32
        %get3A_78 = arith.index_cast %add3A_77 : i32 to index
        %get3A_79 = arith.constant 32 : index
        %get3A_80 = tpu.vector_load %arg10[%get3A_78, %get3A_79] {strides = array<i32>} : memref<128x128xf32, #tpu.memory_space<vmem>>, vector<1x16xf32>,
        %get3A_81 = vector.shape_cast %get3A_80 : vector<1x16xf32> to vector<16xf32>
        %mul3A_82 = arith.mulf %get3A_81, %broadcast_in_dim3A_52 : vector<16xf32>
        %swap3A_83 = arith.index_cast %add3A_77 : i32 to index
        %swap3A_84 = arith.constant 32 : index
        %swap3A_85 = tpu.vector_load %arg10[%swap3A_83, %swap3A_84] {strides = array<i32>} : memref<128x128xf32, #tpu.memory_space<vmem>>, vector<1x16xf32>,
        %swap3A_86 = vector.shape_cast %swap3A_85 : vector<1x16xf32> to vector<16xf32>
        %swap3A_87 = vector.shape_cast %mul3A_82 : vector<16xf32> to vector<1x16xf32>
        tpu.vector_store %arg10[%swap3A_83, %swap3A_84], %swap3A_87 {strides = array<i32>} : memref<128x128xf32, #tpu.memory_space<vmem>>, vector<1x16xf32>,
        %add3A_88 = arith.constant 0 : i32
        %add3A_89 = arith.addi %mul3A_48, %add3A_88 : i32
        %get3A_90 = arith.index_cast %add3A_89 : i32 to index
        %get3A_91 = arith.constant 48 : index
        %get3A_92 = tpu.vector_load %arg10[%get3A_90, %get3A_91] {strides = array<i32>} : memref<128x128xf32, #tpu.memory_space<vmem>>, vector<1x16xf32>,
        %get3A_93 = vector.shape_cast %get3A_92 : vector<1x16xf32> to vector<16xf32>
        %mul3A_94 = arith.mulf %get3A_93, %broadcast_in_dim3A_52 : vector<16xf32>
        %swap3A_95 = arith.index_cast %add3A_89 : i32 to index
        %swap3A_96 = arith.constant 48 : index
        %swap3A_97 = tpu.vector_load %arg10[%swap3A_95, %swap3A_96] {strides = array<i32>} : memref<128x128xf32, #tpu.memory_space<vmem>>, vector<1x16xf32>,
        %swap3A_98 = vector.shape_cast %swap3A_97 : vector<1x16xf32> to vector<16xf32>
        %swap3A_99 = vector.shape_cast %mul3A_94 : vector<16xf32> to vector<1x16xf32>
        tpu.vector_store %arg10[%swap3A_95, %swap3A_96], %swap3A_99 {strides = array<i32>} : memref<128x128xf32, #tpu.memory_space<vmem>>, vector<1x16xf32>,
        %add3A_100 = arith.constant 0 : i32
        %add3A_101 = arith.addi %mul3A_48, %add3A_100 : i32
        %get3A_102 = arith.index_cast %add3A_101 : i32 to index
        %get3A_103 = arith.constant 64 : index
        %get3A_104 = tpu.vector_load %arg10[%get3A_102, %get3A_103] {strides = array<i32>} : memref<128x128xf32, #tpu.memory_space<vmem>>, vector<1x16xf32>,
        %get3A_105 = vector.shape_cast %get3A_104 : vector<1x16xf32> to vector<16xf32>
        %mul3A_106 = arith.mulf %get3A_105, %broadcast_in_dim3A_52 : vector<16xf32>
        %swap3A_107 = arith.index_cast %add3A_101 : i32 to index
        %swap3A_108 = arith.constant 64 : index
        %swap3A_109 = tpu.vector_load %arg10[%swap3A_107, %swap3A_108] {strides = array<i32>} : memref<128x128xf32, #tpu.memory_space<vmem>>, vector<1x16xf32>,
        %swap3A_110 = vector.shape_cast %swap3A_109 : vector<1x16xf32> to vector<16xf32>
        %swap3A_111 = vector.shape_cast %mul3A_106 : vector<16xf32> to vector<1x16xf32>
        tpu.vector_store %arg10[%swap3A_107, %swap3A_108], %swap3A_111 {strides = array<i32>} : memref<128x128xf32, #tpu.memory_space<vmem>>, vector<1x16xf32>,
        %add3A_112 = arith.constant 0 : i32
        %add3A_113 = arith.addi %mul3A_48, %add3A_112 : i32
        %get3A_114 = arith.index_cast %add3A_113 : i32 to index
        %get3A_115 = arith.constant 80 : index
        %get3A_116 = tpu.vector_load %arg10[%get3A_114, %get3A_115] {strides = array<i32>} : memref<128x128xf32, #tpu.memory_space<vmem>>, vector<1x16xf32>,
        %get3A_117 = vector.shape_cast %get3A_116 : vector<1x16xf32> to vector<16xf32>
        %mul3A_118 = arith.mulf %get3A_117, %broadcast_in_dim3A_52 : vector<16xf32>
        %swap3A_119 = arith.index_cast %add3A_113 : i32 to index
        %swap3A_120 = arith.constant 80 : index
        %swap3A_121 = tpu.vector_load %arg10[%swap3A_119, %swap3A_120] {strides = array<i32>} : memref<128x128xf32, #tpu.memory_space<vmem>>, vector<1x16xf32>,
        %swap3A_122 = vector.shape_cast %swap3A_121 : vector<1x16xf32> to vector<16xf32>
        %swap3A_123 = vector.shape_cast %mul3A_118 : vector<16xf32> to vector<1x16xf32>
        tpu.vector_store %arg10[%swap3A_119, %swap3A_120], %swap3A_123 {strides = array<i32>} : memref<128x128xf32, #tpu.memory_space<vmem>>, vector<1x16xf32>,
        %add3A_124 = arith.constant 0 : i32
        %add3A_125 = arith.addi %mul3A_48, %add3A_124 : i32
        %get3A_126 = arith.index_cast %add3A_125 : i32 to index
        %get3A_127 = arith.constant 96 : index
        %get3A_128 = tpu.vector_load %arg10[%get3A_126, %get3A_127] {strides = array<i32>} : memref<128x128xf32, #tpu.memory_space<vmem>>, vector<1x16xf32>,
        %get3A_129 = vector.shape_cast %get3A_128 : vector<1x16xf32> to vector<16xf32>
        %mul3A_130 = arith.mulf %get3A_129, %broadcast_in_dim3A_52 : vector<16xf32>
        %swap3A_131 = arith.index_cast %add3A_125 : i32 to index
        %swap3A_132 = arith.constant 96 : index
        %swap3A_133 = tpu.vector_load %arg10[%swap3A_131, %swap3A_132] {strides = array<i32>} : memref<128x128xf32, #tpu.memory_space<vmem>>, vector<1x16xf32>,
        %swap3A_134 = vector.shape_cast %swap3A_133 : vector<1x16xf32> to vector<16xf32>
        %swap3A_135 = vector.shape_cast %mul3A_130 : vector<16xf32> to vector<1x16xf32>
        tpu.vector_store %arg10[%swap3A_131, %swap3A_132], %swap3A_135 {strides = array<i32>} : memref<128x128xf32, #tpu.memory_space<vmem>>, vector<1x16xf32>,
        %add3A_136 = arith.constant 0 : i32
        %add3A_137 = arith.addi %mul3A_48, %add3A_136 : i32
        %get3A_138 = arith.index_cast %add3A_137 : i32 to index
        %get3A_139 = arith.constant 112 : index
        %get3A_140 = tpu.vector_load %arg10[%get3A_138, %get3A_139] {strides = array<i32>} : memref<128x128xf32, #tpu.memory_space<vmem>>, vector<1x16xf32>,
        %get3A_141 = vector.shape_cast %get3A_140 : vector<1x16xf32> to vector<16xf32>
        %mul3A_142 = arith.mulf %get3A_141, %broadcast_in_dim3A_52 : vector<16xf32>
        %swap3A_143 = arith.index_cast %add3A_137 : i32 to index
        %swap3A_144 = arith.constant 112 : index
        %swap3A_145 = tpu.vector_load %arg10[%swap3A_143, %swap3A_144] {strides = array<i32>} : memref<128x128xf32, #tpu.memory_space<vmem>>, vector<1x16xf32>,
        %swap3A_146 = vector.shape_cast %swap3A_145 : vector<1x16xf32> to vector<16xf32>
        %swap3A_147 = vector.shape_cast %mul3A_142 : vector<16xf32> to vector<1x16xf32>
        tpu.vector_store %arg10[%swap3A_143, %swap3A_144], %swap3A_147 {strides = array<i32>} : memref<128x128xf32, #tpu.memory_space<vmem>>, vector<1x16xf32>,
        %slice3A_148 = vector.extract_strided_slice %get3A_51 {offsets = [1], sizes = [1], strides = [1]} : vector<16xf32> to vector<1xf32>
        %squeeze3A_149 = vector.extract %slice3A_148[0] : f32 from vector<1xf32>
        %broadcast_in_dim3A_150 = vector.broadcast %squeeze3A_149 : f32 to vector<16xf32>
        %add3A_151 = arith.constant 1 : i32
        %add3A_152 = arith.addi %mul3A_48, %add3A_151 : i32
        %get3A_153 = arith.index_cast %add3A_152 : i32 to index
        %get3A_154 = arith.constant 0 : index
        %get3A_155 = tpu.vector_load %arg10[%get3A_153, %get3A_154] {strides = array<i32>} : memref<128x128xf32, #tpu.memory_space<vmem>>, vector<1x16xf32>,
        %get3A_156 = vector.shape_cast %get3A_155 : vector<1x16xf32> to vector<16xf32>
        %mul3A_157 = arith.mulf %get3A_156, %broadcast_in_dim3A_150 : vector<16xf32>
        %swap3A_158 = arith.index_cast %add3A_152 : i32 to index
        %swap3A_159 = arith.constant 0 : index
        %swap3A_160 = tpu.vector_load %arg10[%swap3A_158, %swap3A_159] {strides = array<i32>} : memref<128x128xf32, #tpu.memory_space<vmem>>, vector<1x16xf32>,
        %swap3A_161 = vector.shape_cast %swap3A_160 : vector<1x16xf32> to vector<16xf32>
        %swap3A_162 = vector.shape_cast %mul3A_157 : vector<16xf32> to vector<1x16xf32>
        tpu.vector_store %arg10[%swap3A_158, %swap3A_159], %swap3A_162 {strides = array<i32>} : memref<128x128xf32, #tpu.memory_space<vmem>>, vector<1x16xf32>,
        %add3A_163 = arith.constant 1 : i32
        %add3A_164 = arith.addi %mul3A_48, %add3A_163 : i32
        %get3A_165 = arith.index_cast %add3A_164 : i32 to index
        %get3A_166 = arith.constant 16 : index
        %get3A_167 = tpu.vector_load %arg10[%get3A_165, %get3A_166] {strides = array<i32>} : memref<128x128xf32, #tpu.memory_space<vmem>>, vector<1x16xf32>,
        %get3A_168 = vector.shape_cast %get3A_167 : vector<1x16xf32> to vector<16xf32>
        %mul3A_169 = arith.mulf %get3A_168, %broadcast_in_dim3A_150 : vector<16xf32>
        %swap3A_170 = arith.index_cast %add3A_164 : i32 to index
        %swap3A_171 = arith.constant 16 : index
        %swap3A_172 = tpu.vector_load %arg10[%swap3A_170, %swap3A_171] {strides = array<i32>} : memref<128x128xf32, #tpu.memory_space<vmem>>, vector<1x16xf32>,
        %swap3A_173 = vector.shape_cast %swap3A_172 : vector<1x16xf32> to vector<16xf32>
        %swap3A_174 = vector.shape_cast %mul3A_169 : vector<16xf32> to vector<1x16xf32>
        tpu.vector_store %arg10[%swap3A_170, %swap3A_171], %swap3A_174 {strides = array<i32>} : memref<128x128xf32, #tpu.memory_space<vmem>>, vector<1x16xf32>,
        %add3A_175 = arith.constant 1 : i32
        %add3A_176 = arith.addi %mul3A_48, %add3A_175 : i32
        %get3A_177 = arith.index_cast %add3A_176 : i32 to index
        %get3A_178 = arith.constant 32 : index
        %get3A_179 = tpu.vector_load %arg10[%get3A_177, %get3A_178] {strides = array<i32>} : memref<128x128xf32, #tpu.memory_space<vmem>>, vector<1x16xf32>,
        %get3A_180 = vector.shape_cast %get3A_179 : vector<1x16xf32> to vector<16xf32>
        %mul3A_181 = arith.mulf %get3A_180, %broadcast_in_dim3A_150 : vector<16xf32>
        %swap3A_182 = arith.index_cast %add3A_176 : i32 to index
        %swap3A_183 = arith.constant 32 : index
        %swap3A_184 = tpu.vector_load %arg10[%swap3A_182, %swap3A_183] {strides = array<i32>} : memref<128x128xf32, #tpu.memory_space<vmem>>, vector<1x16xf32>,
        %swap3A_185 = vector.shape_cast %swap3A_184 : vector<1x16xf32> to vector<16xf32>
        %swap3A_186 = vector.shape_cast %mul3A_181 : vector<16xf32> to vector<1x16xf32>
        tpu.vector_store %arg10[%swap3A_182, %swap3A_183], %swap3A_186 {strides = array<i32>} : memref<128x128xf32, #tpu.memory_space<vmem>>, vector<1x16xf32>,
        %add3A_187 = arith.constant 1 : i32
        %add3A_188 = arith.addi %mul3A_48, %add3A_187 : i32
        %get3A_189 = arith.index_cast %add3A_188 : i32 to index
        %get3A_190 = arith.constant 48 : index
        %get3A_191 = tpu.vector_load %arg10[%get3A_189, %get3A_190] {strides = array<i32>} : memref<128x128xf32, #tpu.memory_space<vmem>>, vector<1x16xf32>,
        %get3A_192 = vector.shape_cast %get3A_191 : vector<1x16xf32> to vector<16xf32>
        %mul3A_193 = arith.mulf %get3A_192, %broadcast_in_dim3A_150 : vector<16xf32>
        %swap3A_194 = arith.index_cast %add3A_188 : i32 to index
        %swap3A_195 = arith.constant 48 : index
        %swap3A_196 = tpu.vector_load %arg10[%swap3A_194, %swap3A_195] {strides = array<i32>} : memref<128x128xf32, #tpu.memory_space<vmem>>, vector<1x16xf32>,
        %swap3A_197 = vector.shape_cast %swap3A_196 : vector<1x16xf32> to vector<16xf32>
        %swap3A_198 = vector.shape_cast %mul3A_193 : vector<16xf32> to vector<1x16xf32>
        tpu.vector_store %arg10[%swap3A_194, %swap3A_195], %swap3A_198 {strides = array<i32>} : memref<128x128xf32, #tpu.memory_space<vmem>>, vector<1x16xf32>,
        %add3A_199 = arith.constant 1 : i32
        %add3A_200 = arith.addi %mul3A_48, %add3A_199 : i32
        %get3A_201 = arith.index_cast %add3A_200 : i32 to index
        %get3A_202 = arith.constant 64 : index
        %get3A_203 = tpu.vector_load %arg10[%get3A_201, %get3A_202] {strides = array<i32>} : memref<128x128xf32, #tpu.memory_space<vmem>>, vector<1x16xf32>,
        %get3A_204 = vector.shape_cast %get3A_203 : vector<1x16xf32> to vector<16xf32>
        %mul3A_205 = arith.mulf %get3A_204, %broadcast_in_dim3A_150 : vector<16xf32>
        %swap3A_206 = arith.index_cast %add3A_200 : i32 to index
        %swap3A_207 = arith.constant 64 : index
        %swap3A_208 = tpu.vector_load %arg10[%swap3A_206, %swap3A_207] {strides = array<i32>} : memref<128x128xf32, #tpu.memory_space<vmem>>, vector<1x16xf32>,
        %swap3A_209 = vector.shape_cast %swap3A_208 : vector<1x16xf32> to vector<16xf32>
        %swap3A_210 = vector.shape_cast %mul3A_205 : vector<16xf32> to vector<1x16xf32>
        tpu.vector_store %arg10[%swap3A_206, %swap3A_207], %swap3A_210 {strides = array<i32>} : memref<128x128xf32, #tpu.memory_space<vmem>>, vector<1x16xf32>,
        %add3A_211 = arith.constant 1 : i32
        %add3A_212 = arith.addi %mul3A_48, %add3A_211 : i32
        %get3A_213 = arith.index_cast %add3A_212 : i32 to index
        %get3A_214 = arith.constant 80 : index
        %get3A_215 = tpu.vector_load %arg10[%get3A_213, %get3A_214] {strides = array<i32>} : memref<128x128xf32, #tpu.memory_space<vmem>>, vector<1x16xf32>,
        %get3A_216 = vector.shape_cast %get3A_215 : vector<1x16xf32> to vector<16xf32>
        %mul3A_217 = arith.mulf %get3A_216, %broadcast_in_dim3A_150 : vector<16xf32>
        %swap3A_218 = arith.index_cast %add3A_212 : i32 to index
        %swap3A_219 = arith.constant 80 : index
        %swap3A_220 = tpu.vector_load %arg10[%swap3A_218, %swap3A_219] {strides = array<i32>} : memref<128x128xf32, #tpu.memory_space<vmem>>, vector<1x16xf32>,
        %swap3A_221 = vector.shape_cast %swap3A_220 : vector<1x16xf32> to vector<16xf32>
        %swap3A_222 = vector.shape_cast %mul3A_217 : vector<16xf32> to vector<1x16xf32>
        tpu.vector_store %arg10[%swap3A_218, %swap3A_219], %swap3A_222 {strides = array<i32>} : memref<128x128xf32, #tpu.memory_space<vmem>>, vector<1x16xf32>,
        %add3A_223 = arith.constant 1 : i32
        %add3A_224 = arith.addi %mul3A_48, %add3A_223 : i32
        %get3A_225 = arith.index_cast %add3A_224 : i32 to index
        %get3A_226 = arith.constant 96 : index
        %get3A_227 = tpu.vector_load %arg10[%get3A_225, %get3A_226] {strides = array<i32>} : memref<128x128xf32, #tpu.memory_space<vmem>>, vector<1x16xf32>,
        %get3A_228 = vector.shape_cast %get3A_227 : vector<1x16xf32> to vector<16xf32>
        %mul3A_229 = arith.mulf %get3A_228, %broadcast_in_dim3A_150 : vector<16xf32>
        %swap3A_230 = arith.index_cast %add3A_224 : i32 to index
        %swap3A_231 = arith.constant 96 : index
        %swap3A_232 = tpu.vector_load %arg10[%swap3A_230, %swap3A_231] {strides = array<i32>} : memref<128x128xf32, #tpu.memory_space<vmem>>, vector<1x16xf32>,
        %swap3A_233 = vector.shape_cast %swap3A_232 : vector<1x16xf32> to vector<16xf32>
        %swap3A_234 = vector.shape_cast %mul3A_229 : vector<16xf32> to vector<1x16xf32>
        tpu.vector_store %arg10[%swap3A_230, %swap3A_231], %swap3A_234 {strides = array<i32>} : memref<128x128xf32, #tpu.memory_space<vmem>>, vector<1x16xf32>,
        %add3A_235 = arith.constant 1 : i32
        %add3A_236 = arith.addi %mul3A_48, %add3A_235 : i32
        %get3A_237 = arith.index_cast %add3A_236 : i32 to index
        %get3A_238 = arith.constant 112 : index
        %get3A_239 = tpu.vector_load %arg10[%get3A_237, %get3A_238] {strides = array<i32>} : memref<128x128xf32, #tpu.memory_space<vmem>>, vector<1x16xf32>,
        %get3A_240 = vector.shape_cast %get3A_239 : vector<1x16xf32> to vector<16xf32>
        %mul3A_241 = arith.mulf %get3A_240, %broadcast_in_dim3A_150 : vector<16xf32>
        %swap3A_242 = arith.index_cast %add3A_236 : i32 to index
        %swap3A_243 = arith.constant 112 : index
        %swap3A_244 = tpu.vector_load %arg10[%swap3A_242, %swap3A_243] {strides = array<i32>} : memref<128x128xf32, #tpu.memory_space<vmem>>, vector<1x16xf32>,
        %swap3A_245 = vector.shape_cast %swap3A_244 : vector<1x16xf32> to vector<16xf32>
        %swap3A_246 = vector.shape_cast %mul3A_241 : vector<16xf32> to vector<1x16xf32>
        tpu.vector_store %arg10[%swap3A_242, %swap3A_243], %swap3A_246 {strides = array<i32>} : memref<128x128xf32, #tpu.memory_space<vmem>>, vector<1x16xf32>,
        %slice3A_247 = vector.extract_strided_slice %get3A_51 {offsets = [2], sizes = [1], strides = [1]} : vector<16xf32> to vector<1xf32>
        %squeeze3A_248 = vector.extract %slice3A_247[0] : f32 from vector<1xf32>
        %broadcast_in_dim3A_249 = vector.broadcast %squeeze3A_248 : f32 to vector<16xf32>
        %add3A_250 = arith.constant 2 : i32
        %add3A_251 = arith.addi %mul3A_48, %add3A_250 : i32
        %get3A_252 = arith.index_cast %add3A_251 : i32 to index
        %get3A_253 = arith.constant 0 : index
        %get3A_254 = tpu.vector_load %arg10[%get3A_252, %get3A_253] {strides = array<i32>} : memref<128x128xf32, #tpu.memory_space<vmem>>, vector<1x16xf32>,
        %get3A_255 = vector.shape_cast %get3A_254 : vector<1x16xf32> to vector<16xf32>
        %mul3A_256 = arith.mulf %get3A_255, %broadcast_in_dim3A_249 : vector<16xf32>
        %swap3A_257 = arith.index_cast %add3A_251 : i32 to index
        %swap3A_258 = arith.constant 0 : index
        %swap3A_259 = tpu.vector_load %arg10[%swap3A_257, %swap3A_258] {strides = array<i32>} : memref<128x128xf32, #tpu.memory_space<vmem>>, vector<1x16xf32>,
        %swap3A_260 = vector.shape_cast %swap3A_259 : vector<1x16xf32> to vector<16xf32>
        %swap3A_261 = vector.shape_cast %mul3A_256 : vector<16xf32> to vector<1x16xf32>
        tpu.vector_store %arg10[%swap3A_257, %swap3A_258], %swap3A_261 {strides = array<i32>} : memref<128x128xf32, #tpu.memory_space<vmem>>, vector<1x16xf32>,
        %add3A_262 = arith.constant 2 : i32
        %add3A_263 = arith.addi %mul3A_48, %add3A_262 : i32
        %get3A_264 = arith.index_cast %add3A_263 : i32 to index
        %get3A_265 = arith.constant 16 : index
        %get3A_266 = tpu.vector_load %arg10[%get3A_264, %get3A_265] {strides = array<i32>} : memref<128x128xf32, #tpu.memory_space<vmem>>, vector<1x16xf32>,
        %get3A_267 = vector.shape_cast %get3A_266 : vector<1x16xf32> to vector<16xf32>
        %mul3A_268 = arith.mulf %get3A_267, %broadcast_in_dim3A_249 : vector<16xf32>
        %swap3A_269 = arith.index_cast %add3A_263 : i32 to index
        %swap3A_270 = arith.constant 16 : index
        %swap3A_271 = tpu.vector_load %arg10[%swap3A_269, %swap3A_270] {strides = array<i32>} : memref<128x128xf32, #tpu.memory_space<vmem>>, vector<1x16xf32>,
        %swap3A_272 = vector.shape_cast %swap3A_271 : vector<1x16xf32> to vector<16xf32>
        %swap3A_273 = vector.shape_cast %mul3A_268 : vector<16xf32> to vector<1x16xf32>
        tpu.vector_store %arg10[%swap3A_269, %swap3A_270], %swap3A_273 {strides = array<i32>} : memref<128x128xf32, #tpu.memory_space<vmem>>, vector<1x16xf32>,
        %add3A_274 = arith.constant 2 : i32
        %add3A_275 = arith.addi %mul3A_48, %add3A_274 : i32
        %get3A_276 = arith.index_cast %add3A_275 : i32 to index
        %get3A_277 = arith.constant 32 : index
        %get3A_278 = tpu.vector_load %arg10[%get3A_276, %get3A_277] {strides = array<i32>} : memref<128x128xf32, #tpu.memory_space<vmem>>, vector<1x16xf32>,
        %get3A_279 = vector.shape_cast %get3A_278 : vector<1x16xf32> to vector<16xf32>
        %mul3A_280 = arith.mulf %get3A_279, %broadcast_in_dim3A_249 : vector<16xf32>
        %swap3A_281 = arith.index_cast %add3A_275 : i32 to index
        %swap3A_282 = arith.constant 32 : index
        %swap3A_283 = tpu.vector_load %arg10[%swap3A_281, %swap3A_282] {strides = array<i32>} : memref<128x128xf32, #tpu.memory_space<vmem>>, vector<1x16xf32>,
        %swap3A_284 = vector.shape_cast %swap3A_283 : vector<1x16xf32> to vector<16xf32>
        %swap3A_285 = vector.shape_cast %mul3A_280 : vector<16xf32> to vector<1x16xf32>
        tpu.vector_store %arg10[%swap3A_281, %swap3A_282], %swap3A_285 {strides = array<i32>} : memref<128x128xf32, #tpu.memory_space<vmem>>, vector<1x16xf32>,
        %add3A_286 = arith.constant 2 : i32
        %add3A_287 = arith.addi %mul3A_48, %add3A_286 : i32
        %get3A_288 = arith.index_cast %add3A_287 : i32 to index
        %get3A_289 = arith.constant 48 : index
        %get3A_290 = tpu.vector_load %arg10[%get3A_288, %get3A_289] {strides = array<i32>} : memref<128x128xf32, #tpu.memory_space<vmem>>, vector<1x16xf32>,
        %get3A_291 = vector.shape_cast %get3A_290 : vector<1x16xf32> to vector<16xf32>
        %mul3A_292 = arith.mulf %get3A_291, %broadcast_in_dim3A_249 : vector<16xf32>
        %swap3A_293 = arith.index_cast %add3A_287 : i32 to index
        %swap3A_294 = arith.constant 48 : index
        %swap3A_295 = tpu.vector_load %arg10[%swap3A_293, %swap3A_294] {strides = array<i32>} : memref<128x128xf32, #tpu.memory_space<vmem>>, vector<1x16xf32>,
        %swap3A_296 = vector.shape_cast %swap3A_295 : vector<1x16xf32> to vector<16xf32>
        %swap3A_297 = vector.shape_cast %mul3A_292 : vector<16xf32> to vector<1x16xf32>
        tpu.vector_store %arg10[%swap3A_293, %swap3A_294], %swap3A_297 {strides = array<i32>} : memref<128x128xf32, #tpu.memory_space<vmem>>, vector<1x16xf32>,
        %add3A_298 = arith.constant 2 : i32
        %add3A_299 = arith.addi %mul3A_48, %add3A_298 : i32
        %get3A_300 = arith.index_cast %add3A_299 : i32 to index
        %get3A_301 = arith.constant 64 : index
        %get3A_302 = tpu.vector_load %arg10[%get3A_300, %get3A_301] {strides = array<i32>} : memref<128x128xf32, #tpu.memory_space<vmem>>, vector<1x16xf32>,
        %get3A_303 = vector.shape_cast %get3A_302 : vector<1x16xf32> to vector<16xf32>
        %mul3A_304 = arith.mulf %get3A_303, %broadcast_in_dim3A_249 : vector<16xf32>
        %swap3A_305 = arith.index_cast %add3A_299 : i32 to index
        %swap3A_306 = arith.constant 64 : index
        %swap3A_307 = tpu.vector_load %arg10[%swap3A_305, %swap3A_306] {strides = array<i32>} : memref<128x128xf32, #tpu.memory_space<vmem>>, vector<1x16xf32>,
        %swap3A_308 = vector.shape_cast %swap3A_307 : vector<1x16xf32> to vector<16xf32>
        %swap3A_309 = vector.shape_cast %mul3A_304 : vector<16xf32> to vector<1x16xf32>
        tpu.vector_store %arg10[%swap3A_305, %swap3A_306], %swap3A_309 {strides = array<i32>} : memref<128x128xf32, #tpu.memory_space<vmem>>, vector<1x16xf32>,
        %add3A_310 = arith.constant 2 : i32
        %add3A_311 = arith.addi %mul3A_48, %add3A_310 : i32
        %get3A_312 = arith.index_cast %add3A_311 : i32 to index
        %get3A_313 = arith.constant 80 : index
        %get3A_314 = tpu.vector_load %arg10[%get3A_312, %get3A_313] {strides = array<i32>} : memref<128x128xf32, #tpu.memory_space<vmem>>, vector<1x16xf32>,
        %get3A_315 = vector.shape_cast %get3A_314 : vector<1x16xf32> to vector<16xf32>
        %mul3A_316 = arith.mulf %get3A_315, %broadcast_in_dim3A_249 : vector<16xf32>
        %swap3A_317 = arith.index_cast %add3A_311 : i32 to index
        %swap3A_318 = arith.constant 80 : index
        %swap3A_319 = tpu.vector_load %arg10[%swap3A_317, %swap3A_318] {strides = array<i32>} : memref<128x128xf32, #tpu.memory_space<vmem>>, vector<1x16xf32>,
        %swap3A_320 = vector.shape_cast %swap3A_319 : vector<1x16xf32> to vector<16xf32>
        %swap3A_321 = vector.shape_cast %mul3A_316 : vector<16xf32> to vector<1x16xf32>
        tpu.vector_store %arg10[%swap3A_317, %swap3A_318], %swap3A_321 {strides = array<i32>} : memref<128x128xf32, #tpu.memory_space<vmem>>, vector<1x16xf32>,
        %add3A_322 = arith.constant 2 : i32
        %add3A_323 = arith.addi %mul3A_48, %add3A_322 : i32
        %get3A_324 = arith.index_cast %add3A_323 : i32 to index
        %get3A_325 = arith.constant 96 : index
        %get3A_326 = tpu.vector_load %arg10[%get3A_324, %get3A_325] {strides = array<i32>} : memref<128x128xf32, #tpu.memory_space<vmem>>, vector<1x16xf32>,
        %get3A_327 = vector.shape_cast %get3A_326 : vector<1x16xf32> to vector<16xf32>
        %mul3A_328 = arith.mulf %get3A_327, %broadcast_in_dim3A_249 : vector<16xf32>
        %swap3A_329 = arith.index_cast %add3A_323 : i32 to index
        %swap3A_330 = arith.constant 96 : index
        %swap3A_331 = tpu.vector_load %arg10[%swap3A_329, %swap3A_330] {strides = array<i32>} : memref<128x128xf32, #tpu.memory_space<vmem>>, vector<1x16xf32>,
        %swap3A_332 = vector.shape_cast %swap3A_331 : vector<1x16xf32> to vector<16xf32>
        %swap3A_333 = vector.shape_cast %mul3A_328 : vector<16xf32> to vector<1x16xf32>
        tpu.vector_store %arg10[%swap3A_329, %swap3A_330], %swap3A_333 {strides = array<i32>} : memref<128x128xf32, #tpu.memory_space<vmem>>, vector<1x16xf32>,
        %add3A_334 = arith.constant 2 : i32
        %add3A_335 = arith.addi %mul3A_48, %add3A_334 : i32
        %get3A_336 = arith.index_cast %add3A_335 : i32 to index
        %get3A_337 = arith.constant 112 : index
        %get3A_338 = tpu.vector_load %arg10[%get3A_336, %get3A_337] {strides = array<i32>} : memref<128x128xf32, #tpu.memory_space<vmem>>, vector<1x16xf32>,
        %get3A_339 = vector.shape_cast %get3A_338 : vector<1x16xf32> to vector<16xf32>
        %mul3A_340 = arith.mulf %get3A_339, %broadcast_in_dim3A_249 : vector<16xf32>
        %swap3A_341 = arith.index_cast %add3A_335 : i32 to index
        %swap3A_342 = arith.constant 112 : index
        %swap3A_343 = tpu.vector_load %arg10[%swap3A_341, %swap3A_342] {strides = array<i32>} : memref<128x128xf32, #tpu.memory_space<vmem>>, vector<1x16xf32>,
        %swap3A_344 = vector.shape_cast %swap3A_343 : vector<1x16xf32> to vector<16xf32>
        %swap3A_345 = vector.shape_cast %mul3A_340 : vector<16xf32> to vector<1x16xf32>
        tpu.vector_store %arg10[%swap3A_341, %swap3A_342], %swap3A_345 {strides = array<i32>} : memref<128x128xf32, #tpu.memory_space<vmem>>, vector<1x16xf32>,
        %slice3A_346 = vector.extract_strided_slice %get3A_51 {offsets = [3], sizes = [1], strides = [1]} : vector<16xf32> to vector<1xf32>
        %squeeze3A_347 = vector.extract %slice3A_346[0] : f32 from vector<1xf32>
        %broadcast_in_dim3A_348 = vector.broadcast %squeeze3A_347 : f32 to vector<16xf32>
        %add3A_349 = arith.constant 3 : i32
        %add3A_350 = arith.addi %mul3A_48, %add3A_349 : i32
        %get3A_351 = arith.index_cast %add3A_350 : i32 to index
        %get3A_352 = arith.constant 0 : index
        %get3A_353 = tpu.vector_load %arg10[%get3A_351, %get3A_352] {strides = array<i32>} : memref<128x128xf32, #tpu.memory_space<vmem>>, vector<1x16xf32>,
        %get3A_354 = vector.shape_cast %get3A_353 : vector<1x16xf32> to vector<16xf32>
        %mul3A_355 = arith.mulf %get3A_354, %broadcast_in_dim3A_348 : vector<16xf32>
        %swap3A_356 = arith.index_cast %add3A_350 : i32 to index
        %swap3A_357 = arith.constant 0 : index
        %swap3A_358 = tpu.vector_load %arg10[%swap3A_356, %swap3A_357] {strides = array<i32>} : memref<128x128xf32, #tpu.memory_space<vmem>>, vector<1x16xf32>,
        %swap3A_359 = vector.shape_cast %swap3A_358 : vector<1x16xf32> to vector<16xf32>
        %swap3A_360 = vector.shape_cast %mul3A_355 : vector<16xf32> to vector<1x16xf32>
        tpu.vector_store %arg10[%swap3A_356, %swap3A_357], %swap3A_360 {strides = array<i32>} : memref<128x128xf32, #tpu.memory_space<vmem>>, vector<1x16xf32>,
        %add3A_361 = arith.constant 3 : i32
        %add3A_362 = arith.addi %mul3A_48, %add3A_361 : i32
        %get3A_363 = arith.index_cast %add3A_362 : i32 to index
        %get3A_364 = arith.constant 16 : index
        %get3A_365 = tpu.vector_load %arg10[%get3A_363, %get3A_364] {strides = array<i32>} : memref<128x128xf32, #tpu.memory_space<vmem>>, vector<1x16xf32>,
        %get3A_366 = vector.shape_cast %get3A_365 : vector<1x16xf32> to vector<16xf32>
        %mul3A_367 = arith.mulf %get3A_366, %broadcast_in_dim3A_348 : vector<16xf32>
        %swap3A_368 = arith.index_cast %add3A_362 : i32 to index
        %swap3A_369 = arith.constant 16 : index
        %swap3A_370 = tpu.vector_load %arg10[%swap3A_368, %swap3A_369] {strides = array<i32>} : memref<128x128xf32, #tpu.memory_space<vmem>>, vector<1x16xf32>,
        %swap3A_371 = vector.shape_cast %swap3A_370 : vector<1x16xf32> to vector<16xf32>
        %swap3A_372 = vector.shape_cast %mul3A_367 : vector<16xf32> to vector<1x16xf32>
        tpu.vector_store %arg10[%swap3A_368, %swap3A_369], %swap3A_372 {strides = array<i32>} : memref<128x128xf32, #tpu.memory_space<vmem>>, vector<1x16xf32>,
        %add3A_373 = arith.constant 3 : i32
        %add3A_374 = arith.addi %mul3A_48, %add3A_373 : i32
        %get3A_375 = arith.index_cast %add3A_374 : i32 to index
        %get3A_376 = arith.constant 32 : index
        %get3A_377 = tpu.vector_load %arg10[%get3A_375, %get3A_376] {strides = array<i32>} : memref<128x128xf32, #tpu.memory_space<vmem>>, vector<1x16xf32>,
        %get3A_378 = vector.shape_cast %get3A_377 : vector<1x16xf32> to vector<16xf32>
        %mul3A_379 = arith.mulf %get3A_378, %broadcast_in_dim3A_348 : vector<16xf32>
        %swap3A_380 = arith.index_cast %add3A_374 : i32 to index
        %swap3A_381 = arith.constant 32 : index
        %swap3A_382 = tpu.vector_load %arg10[%swap3A_380, %swap3A_381] {strides = array<i32>} : memref<128x128xf32, #tpu.memory_space<vmem>>, vector<1x16xf32>,
        %swap3A_383 = vector.shape_cast %swap3A_382 : vector<1x16xf32> to vector<16xf32>
        %swap3A_384 = vector.shape_cast %mul3A_379 : vector<16xf32> to vector<1x16xf32>
        tpu.vector_store %arg10[%swap3A_380, %swap3A_381], %swap3A_384 {strides = array<i32>} : memref<128x128xf32, #tpu.memory_space<vmem>>, vector<1x16xf32>,
        %add3A_385 = arith.constant 3 : i32
        %add3A_386 = arith.addi %mul3A_48, %add3A_385 : i32
        %get3A_387 = arith.index_cast %add3A_386 : i32 to index
        %get3A_388 = arith.constant 48 : index
        %get3A_389 = tpu.vector_load %arg10[%get3A_387, %get3A_388] {strides = array<i32>} : memref<128x128xf32, #tpu.memory_space<vmem>>, vector<1x16xf32>,
        %get3A_390 = vector.shape_cast %get3A_389 : vector<1x16xf32> to vector<16xf32>
        %mul3A_391 = arith.mulf %get3A_390, %broadcast_in_dim3A_348 : vector<16xf32>
        %swap3A_392 = arith.index_cast %add3A_386 : i32 to index
        %swap3A_393 = arith.constant 48 : index
        %swap3A_394 = tpu.vector_load %arg10[%swap3A_392, %swap3A_393] {strides = array<i32>} : memref<128x128xf32, #tpu.memory_space<vmem>>, vector<1x16xf32>,
        %swap3A_395 = vector.shape_cast %swap3A_394 : vector<1x16xf32> to vector<16xf32>
        %swap3A_396 = vector.shape_cast %mul3A_391 : vector<16xf32> to vector<1x16xf32>
        tpu.vector_store %arg10[%swap3A_392, %swap3A_393], %swap3A_396 {strides = array<i32>} : memref<128x128xf32, #tpu.memory_space<vmem>>, vector<1x16xf32>,
        %add3A_397 = arith.constant 3 : i32
        %add3A_398 = arith.addi %mul3A_48, %add3A_397 : i32
        %get3A_399 = arith.index_cast %add3A_398 : i32 to index
        %get3A_400 = arith.constant 64 : index
        %get3A_401 = tpu.vector_load %arg10[%get3A_399, %get3A_400] {strides = array<i32>} : memref<128x128xf32, #tpu.memory_space<vmem>>, vector<1x16xf32>,
        %get3A_402 = vector.shape_cast %get3A_401 : vector<1x16xf32> to vector<16xf32>
        %mul3A_403 = arith.mulf %get3A_402, %broadcast_in_dim3A_348 : vector<16xf32>
        %swap3A_404 = arith.index_cast %add3A_398 : i32 to index
        %swap3A_405 = arith.constant 64 : index
        %swap3A_406 = tpu.vector_load %arg10[%swap3A_404, %swap3A_405] {strides = array<i32>} : memref<128x128xf32, #tpu.memory_space<vmem>>, vector<1x16xf32>,
        %swap3A_407 = vector.shape_cast %swap3A_406 : vector<1x16xf32> to vector<16xf32>
        %swap3A_408 = vector.shape_cast %mul3A_403 : vector<16xf32> to vector<1x16xf32>
        tpu.vector_store %arg10[%swap3A_404, %swap3A_405], %swap3A_408 {strides = array<i32>} : memref<128x128xf32, #tpu.memory_space<vmem>>, vector<1x16xf32>,
        %add3A_409 = arith.constant 3 : i32
        %add3A_410 = arith.addi %mul3A_48, %add3A_409 : i32
        %get3A_411 = arith.index_cast %add3A_410 : i32 to index
        %get3A_412 = arith.constant 80 : index
        %get3A_413 = tpu.vector_load %arg10[%get3A_411, %get3A_412] {strides = array<i32>} : memref<128x128xf32, #tpu.memory_space<vmem>>, vector<1x16xf32>,
        %get3A_414 = vector.shape_cast %get3A_413 : vector<1x16xf32> to vector<16xf32>
        %mul3A_415 = arith.mulf %get3A_414, %broadcast_in_dim3A_348 : vector<16xf32>
        %swap3A_416 = arith.index_cast %add3A_410 : i32 to index
        %swap3A_417 = arith.constant 80 : index
        %swap3A_418 = tpu.vector_load %arg10[%swap3A_416, %swap3A_417] {strides = array<i32>} : memref<128x128xf32, #tpu.memory_space<vmem>>, vector<1x16xf32>,
        %swap3A_419 = vector.shape_cast %swap3A_418 : vector<1x16xf32> to vector<16xf32>
        %swap3A_420 = vector.shape_cast %mul3A_415 : vector<16xf32> to vector<1x16xf32>
        tpu.vector_store %arg10[%swap3A_416, %swap3A_417], %swap3A_420 {strides = array<i32>} : memref<128x128xf32, #tpu.memory_space<vmem>>, vector<1x16xf32>,
        %add3A_421 = arith.constant 3 : i32
        %add3A_422 = arith.addi %mul3A_48, %add3A_421 : i32
        %get3A_423 = arith.index_cast %add3A_422 : i32 to index
        %get3A_424 = arith.constant 96 : index
        %get3A_425 = tpu.vector_load %arg10[%get3A_423, %get3A_424] {strides = array<i32>} : memref<128x128xf32, #tpu.memory_space<vmem>>, vector<1x16xf32>,
        %get3A_426 = vector.shape_cast %get3A_425 : vector<1x16xf32> to vector<16xf32>
        %mul3A_427 = arith.mulf %get3A_426, %broadcast_in_dim3A_348 : vector<16xf32>
        %swap3A_428 = arith.index_cast %add3A_422 : i32 to index
        %swap3A_429 = arith.constant 96 : index
        %swap3A_430 = tpu.vector_load %arg10[%swap3A_428, %swap3A_429] {strides = array<i32>} : memref<128x128xf32, #tpu.memory_space<vmem>>, vector<1x16xf32>,
        %swap3A_431 = vector.shape_cast %swap3A_430 : vector<1x16xf32> to vector<16xf32>
        %swap3A_432 = vector.shape_cast %mul3A_427 : vector<16xf32> to vector<1x16xf32>
        tpu.vector_store %arg10[%swap3A_428, %swap3A_429], %swap3A_432 {strides = array<i32>} : memref<128x128xf32, #tpu.memory_space<vmem>>, vector<1x16xf32>,
        %add3A_433 = arith.constant 3 : i32
        %add3A_434 = arith.addi %mul3A_48, %add3A_433 : i32
        %get3A_435 = arith.index_cast %add3A_434 : i32 to index
        %get3A_436 = arith.constant 112 : index
        %get3A_437 = tpu.vector_load %arg10[%get3A_435, %get3A_436] {strides = array<i32>} : memref<128x128xf32, #tpu.memory_space<vmem>>, vector<1x16xf32>,
        %get3A_438 = vector.shape_cast %get3A_437 : vector<1x16xf32> to vector<16xf32>
        %mul3A_439 = arith.mulf %get3A_438, %broadcast_in_dim3A_348 : vector<16xf32>
        %swap3A_440 = arith.index_cast %add3A_434 : i32 to index
        %swap3A_441 = arith.constant 112 : index
        %swap3A_442 = tpu.vector_load %arg10[%swap3A_440, %swap3A_441] {strides = array<i32>} : memref<128x128xf32, #tpu.memory_space<vmem>>, vector<1x16xf32>,
        %swap3A_443 = vector.shape_cast %swap3A_442 : vector<1x16xf32> to vector<16xf32>
        %swap3A_444 = vector.shape_cast %mul3A_439 : vector<16xf32> to vector<1x16xf32>
        tpu.vector_store %arg10[%swap3A_440, %swap3A_441], %swap3A_444 {strides = array<i32>} : memref<128x128xf32, #tpu.memory_space<vmem>>, vector<1x16xf32>,
        %slice3A_445 = vector.extract_strided_slice %get3A_51 {offsets = [4], sizes = [1], strides = [1]} : vector<16xf32> to vector<1xf32>
        %squeeze3A_446 = vector.extract %slice3A_445[0] : f32 from vector<1xf32>
        %broadcast_in_dim3A_447 = vector.broadcast %squeeze3A_446 : f32 to vector<16xf32>
        %add3A_448 = arith.constant 4 : i32
        %add3A_449 = arith.addi %mul3A_48, %add3A_448 : i32
        %get3A_450 = arith.index_cast %add3A_449 : i32 to index
        %get3A_451 = arith.constant 0 : index
        %get3A_452 = tpu.vector_load %arg10[%get3A_450, %get3A_451] {strides = array<i32>} : memref<128x128xf32, #tpu.memory_space<vmem>>, vector<1x16xf32>,
        %get3A_453 = vector.shape_cast %get3A_452 : vector<1x16xf32> to vector<16xf32>
        %mul3A_454 = arith.mulf %get3A_453, %broadcast_in_dim3A_447 : vector<16xf32>
        %swap3A_455 = arith.index_cast %add3A_449 : i32 to index
        %swap3A_456 = arith.constant 0 : index
        %swap3A_457 = tpu.vector_load %arg10[%swap3A_455, %swap3A_456] {strides = array<i32>} : memref<128x128xf32, #tpu.memory_space<vmem>>, vector<1x16xf32>,
        %swap3A_458 = vector.shape_cast %swap3A_457 : vector<1x16xf32> to vector<16xf32>
        %swap3A_459 = vector.shape_cast %mul3A_454 : vector<16xf32> to vector<1x16xf32>
        tpu.vector_store %arg10[%swap3A_455, %swap3A_456], %swap3A_459 {strides = array<i32>} : memref<128x128xf32, #tpu.memory_space<vmem>>, vector<1x16xf32>,
        %add3A_460 = arith.constant 4 : i32
        %add3A_461 = arith.addi %mul3A_48, %add3A_460 : i32
        %get3A_462 = arith.index_cast %add3A_461 : i32 to index
        %get3A_463 = arith.constant 16 : index
        %get3A_464 = tpu.vector_load %arg10[%get3A_462, %get3A_463] {strides = array<i32>} : memref<128x128xf32, #tpu.memory_space<vmem>>, vector<1x16xf32>,
        %get3A_465 = vector.shape_cast %get3A_464 : vector<1x16xf32> to vector<16xf32>
        %mul3A_466 = arith.mulf %get3A_465, %broadcast_in_dim3A_447 : vector<16xf32>
        %swap3A_467 = arith.index_cast %add3A_461 : i32 to index
        %swap3A_468 = arith.constant 16 : index
        %swap3A_469 = tpu.vector_load %arg10[%swap3A_467, %swap3A_468] {strides = array<i32>} : memref<128x128xf32, #tpu.memory_space<vmem>>, vector<1x16xf32>,
        %swap3A_470 = vector.shape_cast %swap3A_469 : vector<1x16xf32> to vector<16xf32>
        %swap3A_471 = vector.shape_cast %mul3A_466 : vector<16xf32> to vector<1x16xf32>
        tpu.vector_store %arg10[%swap3A_467, %swap3A_468], %swap3A_471 {strides = array<i32>} : memref<128x128xf32, #tpu.memory_space<vmem>>, vector<1x16xf32>,
        %add3A_472 = arith.constant 4 : i32
        %add3A_473 = arith.addi %mul3A_48, %add3A_472 : i32
        %get3A_474 = arith.index_cast %add3A_473 : i32 to index
        %get3A_475 = arith.constant 32 : index
        %get3A_476 = tpu.vector_load %arg10[%get3A_474, %get3A_475] {strides = array<i32>} : memref<128x128xf32, #tpu.memory_space<vmem>>, vector<1x16xf32>,
        %get3A_477 = vector.shape_cast %get3A_476 : vector<1x16xf32> to vector<16xf32>
        %mul3A_478 = arith.mulf %get3A_477, %broadcast_in_dim3A_447 : vector<16xf32>
        %swap3A_479 = arith.index_cast %add3A_473 : i32 to index
        %swap3A_480 = arith.constant 32 : index
        %swap3A_481 = tpu.vector_load %arg10[%swap3A_479, %swap3A_480] {strides = array<i32>} : memref<128x128xf32, #tpu.memory_space<vmem>>, vector<1x16xf32>,
        %swap3A_482 = vector.shape_cast %swap3A_481 : vector<1x16xf32> to vector<16xf32>
        %swap3A_483 = vector.shape_cast %mul3A_478 : vector<16xf32> to vector<1x16xf32>
        tpu.vector_store %arg10[%swap3A_479, %swap3A_480], %swap3A_483 {strides = array<i32>} : memref<128x128xf32, #tpu.memory_space<vmem>>, vector<1x16xf32>,
        %add3A_484 = arith.constant 4 : i32
        %add3A_485 = arith.addi %mul3A_48, %add3A_484 : i32
        %get3A_486 = arith.index_cast %add3A_485 : i32 to index
        %get3A_487 = arith.constant 48 : index
        %get3A_488 = tpu.vector_load %arg10[%get3A_486, %get3A_487] {strides = array<i32>} : memref<128x128xf32, #tpu.memory_space<vmem>>, vector<1x16xf32>,
        %get3A_489 = vector.shape_cast %get3A_488 : vector<1x16xf32> to vector<16xf32>
        %mul3A_490 = arith.mulf %get3A_489, %broadcast_in_dim3A_447 : vector<16xf32>
        %swap3A_491 = arith.index_cast %add3A_485 : i32 to index
        %swap3A_492 = arith.constant 48 : index
        %swap3A_493 = tpu.vector_load %arg10[%swap3A_491, %swap3A_492] {strides = array<i32>} : memref<128x128xf32, #tpu.memory_space<vmem>>, vector<1x16xf32>,
        %swap3A_494 = vector.shape_cast %swap3A_493 : vector<1x16xf32> to vector<16xf32>
        %swap3A_495 = vector.shape_cast %mul3A_490 : vector<16xf32> to vector<1x16xf32>
        tpu.vector_store %arg10[%swap3A_491, %swap3A_492], %swap3A_495 {strides = array<i32>} : memref<128x128xf32, #tpu.memory_space<vmem>>, vector<1x16xf32>,
        %add3A_496 = arith.constant 4 : i32
        %add3A_497 = arith.addi %mul3A_48, %add3A_496 : i32
        %get3A_498 = arith.index_cast %add3A_497 : i32 to index
        %get3A_499 = arith.constant 64 : index
        %get3A_500 = tpu.vector_load %arg10[%get3A_498, %get3A_499] {strides = array<i32>} : memref<128x128xf32, #tpu.memory_space<vmem>>, vector<1x16xf32>,
        %get3A_501 = vector.shape_cast %get3A_500 : vector<1x16xf32> to vector<16xf32>
        %mul3A_502 = arith.mulf %get3A_501, %broadcast_in_dim3A_447 : vector<16xf32>
        %swap3A_503 = arith.index_cast %add3A_497 : i32 to index
        %swap3A_504 = arith.constant 64 : index
        %swap3A_505 = tpu.vector_load %arg10[%swap3A_503, %swap3A_504] {strides = array<i32>} : memref<128x128xf32, #tpu.memory_space<vmem>>, vector<1x16xf32>,
        %swap3A_506 = vector.shape_cast %swap3A_505 : vector<1x16xf32> to vector<16xf32>
        %swap3A_507 = vector.shape_cast %mul3A_502 : vector<16xf32> to vector<1x16xf32>
        tpu.vector_store %arg10[%swap3A_503, %swap3A_504], %swap3A_507 {strides = array<i32>} : memref<128x128xf32, #tpu.memory_space<vmem>>, vector<1x16xf32>,
        %add3A_508 = arith.constant 4 : i32
        %add3A_509 = arith.addi %mul3A_48, %add3A_508 : i32
        %get3A_510 = arith.index_cast %add3A_509 : i32 to index
        %get3A_511 = arith.constant 80 : index
        %get3A_512 = tpu.vector_load %arg10[%get3A_510, %get3A_511] {strides = array<i32>} : memref<128x128xf32, #tpu.memory_space<vmem>>, vector<1x16xf32>,
        %get3A_513 = vector.shape_cast %get3A_512 : vector<1x16xf32> to vector<16xf32>
        %mul3A_514 = arith.mulf %get3A_513, %broadcast_in_dim3A_447 : vector<16xf32>
        %swap3A_515 = arith.index_cast %add3A_509 : i32 to index
        %swap3A_516 = arith.constant 80 : index
        %swap3A_517 = tpu.vector_load %arg10[%swap3A_515, %swap3A_516] {strides = array<i32>} : memref<128x128xf32, #tpu.memory_space<vmem>>, vector<1x16xf32>,
        %swap3A_518 = vector.shape_cast %swap3A_517 : vector<1x16xf32> to vector<16xf32>
        %swap3A_519 = vector.shape_cast %mul3A_514 : vector<16xf32> to vector<1x16xf32>
        tpu.vector_store %arg10[%swap3A_515, %swap3A_516], %swap3A_519 {strides = array<i32>} : memref<128x128xf32, #tpu.memory_space<vmem>>, vector<1x16xf32>,
        %add3A_520 = arith.constant 4 : i32
        %add3A_521 = arith.addi %mul3A_48, %add3A_520 : i32
        %get3A_522 = arith.index_cast %add3A_521 : i32 to index
        %get3A_523 = arith.constant 96 : index
        %get3A_524 = tpu.vector_load %arg10[%get3A_522, %get3A_523] {strides = array<i32>} : memref<128x128xf32, #tpu.memory_space<vmem>>, vector<1x16xf32>,
        %get3A_525 = vector.shape_cast %get3A_524 : vector<1x16xf32> to vector<16xf32>
        %mul3A_526 = arith.mulf %get3A_525, %broadcast_in_dim3A_447 : vector<16xf32>
        %swap3A_527 = arith.index_cast %add3A_521 : i32 to index
        %swap3A_528 = arith.constant 96 : index
        %swap3A_529 = tpu.vector_load %arg10[%swap3A_527, %swap3A_528] {strides = array<i32>} : memref<128x128xf32, #tpu.memory_space<vmem>>, vector<1x16xf32>,
        %swap3A_530 = vector.shape_cast %swap3A_529 : vector<1x16xf32> to vector<16xf32>
        %swap3A_531 = vector.shape_cast %mul3A_526 : vector<16xf32> to vector<1x16xf32>
        tpu.vector_store %arg10[%swap3A_527, %swap3A_528], %swap3A_531 {strides = array<i32>} : memref<128x128xf32, #tpu.memory_space<vmem>>, vector<1x16xf32>,
        %add3A_532 = arith.constant 4 : i32
        %add3A_533 = arith.addi %mul3A_48, %add3A_532 : i32
        %get3A_534 = arith.index_cast %add3A_533 : i32 to index
        %get3A_535 = arith.constant 112 : index
        %get3A_536 = tpu.vector_load %arg10[%get3A_534, %get3A_535] {strides = array<i32>} : memref<128x128xf32, #tpu.memory_space<vmem>>, vector<1x16xf32>,
        %get3A_537 = vector.shape_cast %get3A_536 : vector<1x16xf32> to vector<16xf32>
        %mul3A_538 = arith.mulf %get3A_537, %broadcast_in_dim3A_447 : vector<16xf32>
        %swap3A_539 = arith.index_cast %add3A_533 : i32 to index
        %swap3A_540 = arith.constant 112 : index
        %swap3A_541 = tpu.vector_load %arg10[%swap3A_539, %swap3A_540] {strides = array<i32>} : memref<128x128xf32, #tpu.memory_space<vmem>>, vector<1x16xf32>,
        %swap3A_542 = vector.shape_cast %swap3A_541 : vector<1x16xf32> to vector<16xf32>
        %swap3A_543 = vector.shape_cast %mul3A_538 : vector<16xf32> to vector<1x16xf32>
        tpu.vector_store %arg10[%swap3A_539, %swap3A_540], %swap3A_543 {strides = array<i32>} : memref<128x128xf32, #tpu.memory_space<vmem>>, vector<1x16xf32>,
        %slice3A_544 = vector.extract_strided_slice %get3A_51 {offsets = [5], sizes = [1], strides = [1]} : vector<16xf32> to vector<1xf32>
        %squeeze3A_545 = vector.extract %slice3A_544[0] : f32 from vector<1xf32>
        %broadcast_in_dim3A_546 = vector.broadcast %squeeze3A_545 : f32 to vector<16xf32>
        %add3A_547 = arith.constant 5 : i32
        %add3A_548 = arith.addi %mul3A_48, %add3A_547 : i32
        %get3A_549 = arith.index_cast %add3A_548 : i32 to index
        %get3A_550 = arith.constant 0 : index
        %get3A_551 = tpu.vector_load %arg10[%get3A_549, %get3A_550] {strides = array<i32>} : memref<128x128xf32, #tpu.memory_space<vmem>>, vector<1x16xf32>,
        %get3A_552 = vector.shape_cast %get3A_551 : vector<1x16xf32> to vector<16xf32>
        %mul3A_553 = arith.mulf %get3A_552, %broadcast_in_dim3A_546 : vector<16xf32>
        %swap3A_554 = arith.index_cast %add3A_548 : i32 to index
        %swap3A_555 = arith.constant 0 : index
        %swap3A_556 = tpu.vector_load %arg10[%swap3A_554, %swap3A_555] {strides = array<i32>} : memref<128x128xf32, #tpu.memory_space<vmem>>, vector<1x16xf32>,
        %swap3A_557 = vector.shape_cast %swap3A_556 : vector<1x16xf32> to vector<16xf32>
        %swap3A_558 = vector.shape_cast %mul3A_553 : vector<16xf32> to vector<1x16xf32>
        tpu.vector_store %arg10[%swap3A_554, %swap3A_555], %swap3A_558 {strides = array<i32>} : memref<128x128xf32, #tpu.memory_space<vmem>>, vector<1x16xf32>,
        %add3A_559 = arith.constant 5 : i32
        %add3A_560 = arith.addi %mul3A_48, %add3A_559 : i32
        %get3A_561 = arith.index_cast %add3A_560 : i32 to index
        %get3A_562 = arith.constant 16 : index
        %get3A_563 = tpu.vector_load %arg10[%get3A_561, %get3A_562] {strides = array<i32>} : memref<128x128xf32, #tpu.memory_space<vmem>>, vector<1x16xf32>,
        %get3A_564 = vector.shape_cast %get3A_563 : vector<1x16xf32> to vector<16xf32>
        %mul3A_565 = arith.mulf %get3A_564, %broadcast_in_dim3A_546 : vector<16xf32>
        %swap3A_566 = arith.index_cast %add3A_560 : i32 to index
        %swap3A_567 = arith.constant 16 : index
        %swap3A_568 = tpu.vector_load %arg10[%swap3A_566, %swap3A_567] {strides = array<i32>} : memref<128x128xf32, #tpu.memory_space<vmem>>, vector<1x16xf32>,
        %swap3A_569 = vector.shape_cast %swap3A_568 : vector<1x16xf32> to vector<16xf32>
        %swap3A_570 = vector.shape_cast %mul3A_565 : vector<16xf32> to vector<1x16xf32>
        tpu.vector_store %arg10[%swap3A_566, %swap3A_567], %swap3A_570 {strides = array<i32>} : memref<128x128xf32, #tpu.memory_space<vmem>>, vector<1x16xf32>,
        %add3A_571 = arith.constant 5 : i32
        %add3A_572 = arith.addi %mul3A_48, %add3A_571 : i32
        %get3A_573 = arith.index_cast %add3A_572 : i32 to index
        %get3A_574 = arith.constant 32 : index
        %get3A_575 = tpu.vector_load %arg10[%get3A_573, %get3A_574] {strides = array<i32>} : memref<128x128xf32, #tpu.memory_space<vmem>>, vector<1x16xf32>,
        %get3A_576 = vector.shape_cast %get3A_575 : vector<1x16xf32> to vector<16xf32>
        %mul3A_577 = arith.mulf %get3A_576, %broadcast_in_dim3A_546 : vector<16xf32>
        %swap3A_578 = arith.index_cast %add3A_572 : i32 to index
        %swap3A_579 = arith.constant 32 : index
        %swap3A_580 = tpu.vector_load %arg10[%swap3A_578, %swap3A_579] {strides = array<i32>} : memref<128x128xf32, #tpu.memory_space<vmem>>, vector<1x16xf32>,
        %swap3A_581 = vector.shape_cast %swap3A_580 : vector<1x16xf32> to vector<16xf32>
        %swap3A_582 = vector.shape_cast %mul3A_577 : vector<16xf32> to vector<1x16xf32>
        tpu.vector_store %arg10[%swap3A_578, %swap3A_579], %swap3A_582 {strides = array<i32>} : memref<128x128xf32, #tpu.memory_space<vmem>>, vector<1x16xf32>,
        %add3A_583 = arith.constant 5 : i32
        %add3A_584 = arith.addi %mul3A_48, %add3A_583 : i32
        %get3A_585 = arith.index_cast %add3A_584 : i32 to index
        %get3A_586 = arith.constant 48 : index
        %get3A_587 = tpu.vector_load %arg10[%get3A_585, %get3A_586] {strides = array<i32>} : memref<128x128xf32, #tpu.memory_space<vmem>>, vector<1x16xf32>,
        %get3A_588 = vector.shape_cast %get3A_587 : vector<1x16xf32> to vector<16xf32>
        %mul3A_589 = arith.mulf %get3A_588, %broadcast_in_dim3A_546 : vector<16xf32>
        %swap3A_590 = arith.index_cast %add3A_584 : i32 to index
        %swap3A_591 = arith.constant 48 : index
        %swap3A_592 = tpu.vector_load %arg10[%swap3A_590, %swap3A_591] {strides = array<i32>} : memref<128x128xf32, #tpu.memory_space<vmem>>, vector<1x16xf32>,
        %swap3A_593 = vector.shape_cast %swap3A_592 : vector<1x16xf32> to vector<16xf32>
        %swap3A_594 = vector.shape_cast %mul3A_589 : vector<16xf32> to vector<1x16xf32>
        tpu.vector_store %arg10[%swap3A_590, %swap3A_591], %swap3A_594 {strides = array<i32>} : memref<128x128xf32, #tpu.memory_space<vmem>>, vector<1x16xf32>,
        %add3A_595 = arith.constant 5 : i32
        %add3A_596 = arith.addi %mul3A_48, %add3A_595 : i32
        %get3A_597 = arith.index_cast %add3A_596 : i32 to index
        %get3A_598 = arith.constant 64 : index
        %get3A_599 = tpu.vector_load %arg10[%get3A_597, %get3A_598] {strides = array<i32>} : memref<128x128xf32, #tpu.memory_space<vmem>>, vector<1x16xf32>,
        %get3A_600 = vector.shape_cast %get3A_599 : vector<1x16xf32> to vector<16xf32>
        %mul3A_601 = arith.mulf %get3A_600, %broadcast_in_dim3A_546 : vector<16xf32>
        %swap3A_602 = arith.index_cast %add3A_596 : i32 to index
        %swap3A_603 = arith.constant 64 : index
        %swap3A_604 = tpu.vector_load %arg10[%swap3A_602, %swap3A_603] {strides = array<i32>} : memref<128x128xf32, #tpu.memory_space<vmem>>, vector<1x16xf32>,
        %swap3A_605 = vector.shape_cast %swap3A_604 : vector<1x16xf32> to vector<16xf32>
        %swap3A_606 = vector.shape_cast %mul3A_601 : vector<16xf32> to vector<1x16xf32>
        tpu.vector_store %arg10[%swap3A_602, %swap3A_603], %swap3A_606 {strides = array<i32>} : memref<128x128xf32, #tpu.memory_space<vmem>>, vector<1x16xf32>,
        %add3A_607 = arith.constant 5 : i32
        %add3A_608 = arith.addi %mul3A_48, %add3A_607 : i32
        %get3A_609 = arith.index_cast %add3A_608 : i32 to index
        %get3A_610 = arith.constant 80 : index
        %get3A_611 = tpu.vector_load %arg10[%get3A_609, %get3A_610] {strides = array<i32>} : memref<128x128xf32, #tpu.memory_space<vmem>>, vector<1x16xf32>,
        %get3A_612 = vector.shape_cast %get3A_611 : vector<1x16xf32> to vector<16xf32>
        %mul3A_613 = arith.mulf %get3A_612, %broadcast_in_dim3A_546 : vector<16xf32>
        %swap3A_614 = arith.index_cast %add3A_608 : i32 to index
        %swap3A_615 = arith.constant 80 : index
        %swap3A_616 = tpu.vector_load %arg10[%swap3A_614, %swap3A_615] {strides = array<i32>} : memref<128x128xf32, #tpu.memory_space<vmem>>, vector<1x16xf32>,
        %swap3A_617 = vector.shape_cast %swap3A_616 : vector<1x16xf32> to vector<16xf32>
        %swap3A_618 = vector.shape_cast %mul3A_613 : vector<16xf32> to vector<1x16xf32>
        tpu.vector_store %arg10[%swap3A_614, %swap3A_615], %swap3A_618 {strides = array<i32>} : memref<128x128xf32, #tpu.memory_space<vmem>>, vector<1x16xf32>,
        %add3A_619 = arith.constant 5 : i32
        %add3A_620 = arith.addi %mul3A_48, %add3A_619 : i32
        %get3A_621 = arith.index_cast %add3A_620 : i32 to index
        %get3A_622 = arith.constant 96 : index
        %get3A_623 = tpu.vector_load %arg10[%get3A_621, %get3A_622] {strides = array<i32>} : memref<128x128xf32, #tpu.memory_space<vmem>>, vector<1x16xf32>,
        %get3A_624 = vector.shape_cast %get3A_623 : vector<1x16xf32> to vector<16xf32>
        %mul3A_625 = arith.mulf %get3A_624, %broadcast_in_dim3A_546 : vector<16xf32>
        %swap3A_626 = arith.index_cast %add3A_620 : i32 to index
        %swap3A_627 = arith.constant 96 : index
        %swap3A_628 = tpu.vector_load %arg10[%swap3A_626, %swap3A_627] {strides = array<i32>} : memref<128x128xf32, #tpu.memory_space<vmem>>, vector<1x16xf32>,
        %swap3A_629 = vector.shape_cast %swap3A_628 : vector<1x16xf32> to vector<16xf32>
        %swap3A_630 = vector.shape_cast %mul3A_625 : vector<16xf32> to vector<1x16xf32>
        tpu.vector_store %arg10[%swap3A_626, %swap3A_627], %swap3A_630 {strides = array<i32>} : memref<128x128xf32, #tpu.memory_space<vmem>>, vector<1x16xf32>,
        %add3A_631 = arith.constant 5 : i32
        %add3A_632 = arith.addi %mul3A_48, %add3A_631 : i32
        %get3A_633 = arith.index_cast %add3A_632 : i32 to index
        %get3A_634 = arith.constant 112 : index
        %get3A_635 = tpu.vector_load %arg10[%get3A_633, %get3A_634] {strides = array<i32>} : memref<128x128xf32, #tpu.memory_space<vmem>>, vector<1x16xf32>,
        %get3A_636 = vector.shape_cast %get3A_635 : vector<1x16xf32> to vector<16xf32>
        %mul3A_637 = arith.mulf %get3A_636, %broadcast_in_dim3A_546 : vector<16xf32>
        %swap3A_638 = arith.index_cast %add3A_632 : i32 to index
        %swap3A_639 = arith.constant 112 : index
        %swap3A_640 = tpu.vector_load %arg10[%swap3A_638, %swap3A_639] {strides = array<i32>} : memref<128x128xf32, #tpu.memory_space<vmem>>, vector<1x16xf32>,
        %swap3A_641 = vector.shape_cast %swap3A_640 : vector<1x16xf32> to vector<16xf32>
        %swap3A_642 = vector.shape_cast %mul3A_637 : vector<16xf32> to vector<1x16xf32>
        tpu.vector_store %arg10[%swap3A_638, %swap3A_639], %swap3A_642 {strides = array<i32>} : memref<128x128xf32, #tpu.memory_space<vmem>>, vector<1x16xf32>,
        %slice3A_643 = vector.extract_strided_slice %get3A_51 {offsets = [6], sizes = [1], strides = [1]} : vector<16xf32> to vector<1xf32>
        %squeeze3A_644 = vector.extract %slice3A_643[0] : f32 from vector<1xf32>
        %broadcast_in_dim3A_645 = vector.broadcast %squeeze3A_644 : f32 to vector<16xf32>
        %add3A_646 = arith.constant 6 : i32
        %add3A_647 = arith.addi %mul3A_48, %add3A_646 : i32
        %get3A_648 = arith.index_cast %add3A_647 : i32 to index
        %get3A_649 = arith.constant 0 : index
        %get3A_650 = tpu.vector_load %arg10[%get3A_648, %get3A_649] {strides = array<i32>} : memref<128x128xf32, #tpu.memory_space<vmem>>, vector<1x16xf32>,
        %get3A_651 = vector.shape_cast %get3A_650 : vector<1x16xf32> to vector<16xf32>
        %mul3A_652 = arith.mulf %get3A_651, %broadcast_in_dim3A_645 : vector<16xf32>
        %swap3A_653 = arith.index_cast %add3A_647 : i32 to index
        %swap3A_654 = arith.constant 0 : index
        %swap3A_655 = tpu.vector_load %arg10[%swap3A_653, %swap3A_654] {strides = array<i32>} : memref<128x128xf32, #tpu.memory_space<vmem>>, vector<1x16xf32>,
        %swap3A_656 = vector.shape_cast %swap3A_655 : vector<1x16xf32> to vector<16xf32>
        %swap3A_657 = vector.shape_cast %mul3A_652 : vector<16xf32> to vector<1x16xf32>
        tpu.vector_store %arg10[%swap3A_653, %swap3A_654], %swap3A_657 {strides = array<i32>} : memref<128x128xf32, #tpu.memory_space<vmem>>, vector<1x16xf32>,
        %add3A_658 = arith.constant 6 : i32
        %add3A_659 = arith.addi %mul3A_48, %add3A_658 : i32
        %get3A_660 = arith.index_cast %add3A_659 : i32 to index
        %get3A_661 = arith.constant 16 : index
        %get3A_662 = tpu.vector_load %arg10[%get3A_660, %get3A_661] {strides = array<i32>} : memref<128x128xf32, #tpu.memory_space<vmem>>, vector<1x16xf32>,
        %get3A_663 = vector.shape_cast %get3A_662 : vector<1x16xf32> to vector<16xf32>
        %mul3A_664 = arith.mulf %get3A_663, %broadcast_in_dim3A_645 : vector<16xf32>
        %swap3A_665 = arith.index_cast %add3A_659 : i32 to index
        %swap3A_666 = arith.constant 16 : index
        %swap3A_667 = tpu.vector_load %arg10[%swap3A_665, %swap3A_666] {strides = array<i32>} : memref<128x128xf32, #tpu.memory_space<vmem>>, vector<1x16xf32>,
        %swap3A_668 = vector.shape_cast %swap3A_667 : vector<1x16xf32> to vector<16xf32>
        %swap3A_669 = vector.shape_cast %mul3A_664 : vector<16xf32> to vector<1x16xf32>
        tpu.vector_store %arg10[%swap3A_665, %swap3A_666], %swap3A_669 {strides = array<i32>} : memref<128x128xf32, #tpu.memory_space<vmem>>, vector<1x16xf32>,
        %add3A_670 = arith.constant 6 : i32
        %add3A_671 = arith.addi %mul3A_48, %add3A_670 : i32
        %get3A_672 = arith.index_cast %add3A_671 : i32 to index
        %get3A_673 = arith.constant 32 : index
        %get3A_674 = tpu.vector_load %arg10[%get3A_672, %get3A_673] {strides = array<i32>} : memref<128x128xf32, #tpu.memory_space<vmem>>, vector<1x16xf32>,
        %get3A_675 = vector.shape_cast %get3A_674 : vector<1x16xf32> to vector<16xf32>
        %mul3A_676 = arith.mulf %get3A_675, %broadcast_in_dim3A_645 : vector<16xf32>
        %swap3A_677 = arith.index_cast %add3A_671 : i32 to index
        %swap3A_678 = arith.constant 32 : index
        %swap3A_679 = tpu.vector_load %arg10[%swap3A_677, %swap3A_678] {strides = array<i32>} : memref<128x128xf32, #tpu.memory_space<vmem>>, vector<1x16xf32>,
        %swap3A_680 = vector.shape_cast %swap3A_679 : vector<1x16xf32> to vector<16xf32>
        %swap3A_681 = vector.shape_cast %mul3A_676 : vector<16xf32> to vector<1x16xf32>
        tpu.vector_store %arg10[%swap3A_677, %swap3A_678], %swap3A_681 {strides = array<i32>} : memref<128x128xf32, #tpu.memory_space<vmem>>, vector<1x16xf32>,
        %add3A_682 = arith.constant 6 : i32
        %add3A_683 = arith.addi %mul3A_48, %add3A_682 : i32
        %get3A_684 = arith.index_cast %add3A_683 : i32 to index
        %get3A_685 = arith.constant 48 : index
        %get3A_686 = tpu.vector_load %arg10[%get3A_684, %get3A_685] {strides = array<i32>} : memref<128x128xf32, #tpu.memory_space<vmem>>, vector<1x16xf32>,
        %get3A_687 = vector.shape_cast %get3A_686 : vector<1x16xf32> to vector<16xf32>
        %mul3A_688 = arith.mulf %get3A_687, %broadcast_in_dim3A_645 : vector<16xf32>
        %swap3A_689 = arith.index_cast %add3A_683 : i32 to index
        %swap3A_690 = arith.constant 48 : index
        %swap3A_691 = tpu.vector_load %arg10[%swap3A_689, %swap3A_690] {strides = array<i32>} : memref<128x128xf32, #tpu.memory_space<vmem>>, vector<1x16xf32>,
        %swap3A_692 = vector.shape_cast %swap3A_691 : vector<1x16xf32> to vector<16xf32>
        %swap3A_693 = vector.shape_cast %mul3A_688 : vector<16xf32> to vector<1x16xf32>
        tpu.vector_store %arg10[%swap3A_689, %swap3A_690], %swap3A_693 {strides = array<i32>} : memref<128x128xf32, #tpu.memory_space<vmem>>, vector<1x16xf32>,
        %add3A_694 = arith.constant 6 : i32
        %add3A_695 = arith.addi %mul3A_48, %add3A_694 : i32
        %get3A_696 = arith.index_cast %add3A_695 : i32 to index
        %get3A_697 = arith.constant 64 : index
        %get3A_698 = tpu.vector_load %arg10[%get3A_696, %get3A_697] {strides = array<i32>} : memref<128x128xf32, #tpu.memory_space<vmem>>, vector<1x16xf32>,
        %get3A_699 = vector.shape_cast %get3A_698 : vector<1x16xf32> to vector<16xf32>
        %mul3A_700 = arith.mulf %get3A_699, %broadcast_in_dim3A_645 : vector<16xf32>
        %swap3A_701 = arith.index_cast %add3A_695 : i32 to index
        %swap3A_702 = arith.constant 64 : index
        %swap3A_703 = tpu.vector_load %arg10[%swap3A_701, %swap3A_702] {strides = array<i32>} : memref<128x128xf32, #tpu.memory_space<vmem>>, vector<1x16xf32>,
        %swap3A_704 = vector.shape_cast %swap3A_703 : vector<1x16xf32> to vector<16xf32>
        %swap3A_705 = vector.shape_cast %mul3A_700 : vector<16xf32> to vector<1x16xf32>
        tpu.vector_store %arg10[%swap3A_701, %swap3A_702], %swap3A_705 {strides = array<i32>} : memref<128x128xf32, #tpu.memory_space<vmem>>, vector<1x16xf32>,
        %add3A_706 = arith.constant 6 : i32
        %add3A_707 = arith.addi %mul3A_48, %add3A_706 : i32
        %get3A_708 = arith.index_cast %add3A_707 : i32 to index
        %get3A_709 = arith.constant 80 : index
        %get3A_710 = tpu.vector_load %arg10[%get3A_708, %get3A_709] {strides = array<i32>} : memref<128x128xf32, #tpu.memory_space<vmem>>, vector<1x16xf32>,
        %get3A_711 = vector.shape_cast %get3A_710 : vector<1x16xf32> to vector<16xf32>
        %mul3A_712 = arith.mulf %get3A_711, %broadcast_in_dim3A_645 : vector<16xf32>
        %swap3A_713 = arith.index_cast %add3A_707 : i32 to index
        %swap3A_714 = arith.constant 80 : index
        %swap3A_715 = tpu.vector_load %arg10[%swap3A_713, %swap3A_714] {strides = array<i32>} : memref<128x128xf32, #tpu.memory_space<vmem>>, vector<1x16xf32>,
        %swap3A_716 = vector.shape_cast %swap3A_715 : vector<1x16xf32> to vector<16xf32>
        %swap3A_717 = vector.shape_cast %mul3A_712 : vector<16xf32> to vector<1x16xf32>
        tpu.vector_store %arg10[%swap3A_713, %swap3A_714], %swap3A_717 {strides = array<i32>} : memref<128x128xf32, #tpu.memory_space<vmem>>, vector<1x16xf32>,
        %add3A_718 = arith.constant 6 : i32
        %add3A_719 = arith.addi %mul3A_48, %add3A_718 : i32
        %get3A_720 = arith.index_cast %add3A_719 : i32 to index
        %get3A_721 = arith.constant 96 : index
        %get3A_722 = tpu.vector_load %arg10[%get3A_720, %get3A_721] {strides = array<i32>} : memref<128x128xf32, #tpu.memory_space<vmem>>, vector<1x16xf32>,
        %get3A_723 = vector.shape_cast %get3A_722 : vector<1x16xf32> to vector<16xf32>
        %mul3A_724 = arith.mulf %get3A_723, %broadcast_in_dim3A_645 : vector<16xf32>
        %swap3A_725 = arith.index_cast %add3A_719 : i32 to index
        %swap3A_726 = arith.constant 96 : index
        %swap3A_727 = tpu.vector_load %arg10[%swap3A_725, %swap3A_726] {strides = array<i32>} : memref<128x128xf32, #tpu.memory_space<vmem>>, vector<1x16xf32>,
        %swap3A_728 = vector.shape_cast %swap3A_727 : vector<1x16xf32> to vector<16xf32>
        %swap3A_729 = vector.shape_cast %mul3A_724 : vector<16xf32> to vector<1x16xf32>
        tpu.vector_store %arg10[%swap3A_725, %swap3A_726], %swap3A_729 {strides = array<i32>} : memref<128x128xf32, #tpu.memory_space<vmem>>, vector<1x16xf32>,
        %add3A_730 = arith.constant 6 : i32
        %add3A_731 = arith.addi %mul3A_48, %add3A_730 : i32
        %get3A_732 = arith.index_cast %add3A_731 : i32 to index
        %get3A_733 = arith.constant 112 : index
        %get3A_734 = tpu.vector_load %arg10[%get3A_732, %get3A_733] {strides = array<i32>} : memref<128x128xf32, #tpu.memory_space<vmem>>, vector<1x16xf32>,
        %get3A_735 = vector.shape_cast %get3A_734 : vector<1x16xf32> to vector<16xf32>
        %mul3A_736 = arith.mulf %get3A_735, %broadcast_in_dim3A_645 : vector<16xf32>
        %swap3A_737 = arith.index_cast %add3A_731 : i32 to index
        %swap3A_738 = arith.constant 112 : index
        %swap3A_739 = tpu.vector_load %arg10[%swap3A_737, %swap3A_738] {strides = array<i32>} : memref<128x128xf32, #tpu.memory_space<vmem>>, vector<1x16xf32>,
        %swap3A_740 = vector.shape_cast %swap3A_739 : vector<1x16xf32> to vector<16xf32>
        %swap3A_741 = vector.shape_cast %mul3A_736 : vector<16xf32> to vector<1x16xf32>
        tpu.vector_store %arg10[%swap3A_737, %swap3A_738], %swap3A_741 {strides = array<i32>} : memref<128x128xf32, #tpu.memory_space<vmem>>, vector<1x16xf32>,
        %slice3A_742 = vector.extract_strided_slice %get3A_51 {offsets = [7], sizes = [1], strides = [1]} : vector<16xf32> to vector<1xf32>
        %squeeze3A_743 = vector.extract %slice3A_742[0] : f32 from vector<1xf32>
        %broadcast_in_dim3A_744 = vector.broadcast %squeeze3A_743 : f32 to vector<16xf32>
        %add3A_745 = arith.constant 7 : i32
        %add3A_746 = arith.addi %mul3A_48, %add3A_745 : i32
        %get3A_747 = arith.index_cast %add3A_746 : i32 to index
        %get3A_748 = arith.constant 0 : index
        %get3A_749 = tpu.vector_load %arg10[%get3A_747, %get3A_748] {strides = array<i32>} : memref<128x128xf32, #tpu.memory_space<vmem>>, vector<1x16xf32>,
        %get3A_750 = vector.shape_cast %get3A_749 : vector<1x16xf32> to vector<16xf32>
        %mul3A_751 = arith.mulf %get3A_750, %broadcast_in_dim3A_744 : vector<16xf32>
        %swap3A_752 = arith.index_cast %add3A_746 : i32 to index
        %swap3A_753 = arith.constant 0 : index
        %swap3A_754 = tpu.vector_load %arg10[%swap3A_752, %swap3A_753] {strides = array<i32>} : memref<128x128xf32, #tpu.memory_space<vmem>>, vector<1x16xf32>,
        %swap3A_755 = vector.shape_cast %swap3A_754 : vector<1x16xf32> to vector<16xf32>
        %swap3A_756 = vector.shape_cast %mul3A_751 : vector<16xf32> to vector<1x16xf32>
        tpu.vector_store %arg10[%swap3A_752, %swap3A_753], %swap3A_756 {strides = array<i32>} : memref<128x128xf32, #tpu.memory_space<vmem>>, vector<1x16xf32>,
        %add3A_757 = arith.constant 7 : i32
        %add3A_758 = arith.addi %mul3A_48, %add3A_757 : i32
        %get3A_759 = arith.index_cast %add3A_758 : i32 to index
        %get3A_760 = arith.constant 16 : index
        %get3A_761 = tpu.vector_load %arg10[%get3A_759, %get3A_760] {strides = array<i32>} : memref<128x128xf32, #tpu.memory_space<vmem>>, vector<1x16xf32>,
        %get3A_762 = vector.shape_cast %get3A_761 : vector<1x16xf32> to vector<16xf32>
        %mul3A_763 = arith.mulf %get3A_762, %broadcast_in_dim3A_744 : vector<16xf32>
        %swap3A_764 = arith.index_cast %add3A_758 : i32 to index
        %swap3A_765 = arith.constant 16 : index
        %swap3A_766 = tpu.vector_load %arg10[%swap3A_764, %swap3A_765] {strides = array<i32>} : memref<128x128xf32, #tpu.memory_space<vmem>>, vector<1x16xf32>,
        %swap3A_767 = vector.shape_cast %swap3A_766 : vector<1x16xf32> to vector<16xf32>
        %swap3A_768 = vector.shape_cast %mul3A_763 : vector<16xf32> to vector<1x16xf32>
        tpu.vector_store %arg10[%swap3A_764, %swap3A_765], %swap3A_768 {strides = array<i32>} : memref<128x128xf32, #tpu.memory_space<vmem>>, vector<1x16xf32>,
        %add3A_769 = arith.constant 7 : i32
        %add3A_770 = arith.addi %mul3A_48, %add3A_769 : i32
        %get3A_771 = arith.index_cast %add3A_770 : i32 to index
        %get3A_772 = arith.constant 32 : index
        %get3A_773 = tpu.vector_load %arg10[%get3A_771, %get3A_772] {strides = array<i32>} : memref<128x128xf32, #tpu.memory_space<vmem>>, vector<1x16xf32>,
        %get3A_774 = vector.shape_cast %get3A_773 : vector<1x16xf32> to vector<16xf32>
        %mul3A_775 = arith.mulf %get3A_774, %broadcast_in_dim3A_744 : vector<16xf32>
        %swap3A_776 = arith.index_cast %add3A_770 : i32 to index
        %swap3A_777 = arith.constant 32 : index
        %swap3A_778 = tpu.vector_load %arg10[%swap3A_776, %swap3A_777] {strides = array<i32>} : memref<128x128xf32, #tpu.memory_space<vmem>>, vector<1x16xf32>,
        %swap3A_779 = vector.shape_cast %swap3A_778 : vector<1x16xf32> to vector<16xf32>
        %swap3A_780 = vector.shape_cast %mul3A_775 : vector<16xf32> to vector<1x16xf32>
        tpu.vector_store %arg10[%swap3A_776, %swap3A_777], %swap3A_780 {strides = array<i32>} : memref<128x128xf32, #tpu.memory_space<vmem>>, vector<1x16xf32>,
        %add3A_781 = arith.constant 7 : i32
        %add3A_782 = arith.addi %mul3A_48, %add3A_781 : i32
        %get3A_783 = arith.index_cast %add3A_782 : i32 to index
        %get3A_784 = arith.constant 48 : index
        %get3A_785 = tpu.vector_load %arg10[%get3A_783, %get3A_784] {strides = array<i32>} : memref<128x128xf32, #tpu.memory_space<vmem>>, vector<1x16xf32>,
        %get3A_786 = vector.shape_cast %get3A_785 : vector<1x16xf32> to vector<16xf32>
        %mul3A_787 = arith.mulf %get3A_786, %broadcast_in_dim3A_744 : vector<16xf32>
        %swap3A_788 = arith.index_cast %add3A_782 : i32 to index
        %swap3A_789 = arith.constant 48 : index
        %swap3A_790 = tpu.vector_load %arg10[%swap3A_788, %swap3A_789] {strides = array<i32>} : memref<128x128xf32, #tpu.memory_space<vmem>>, vector<1x16xf32>,
        %swap3A_791 = vector.shape_cast %swap3A_790 : vector<1x16xf32> to vector<16xf32>
        %swap3A_792 = vector.shape_cast %mul3A_787 : vector<16xf32> to vector<1x16xf32>
        tpu.vector_store %arg10[%swap3A_788, %swap3A_789], %swap3A_792 {strides = array<i32>} : memref<128x128xf32, #tpu.memory_space<vmem>>, vector<1x16xf32>,
        %add3A_793 = arith.constant 7 : i32
        %add3A_794 = arith.addi %mul3A_48, %add3A_793 : i32
        %get3A_795 = arith.index_cast %add3A_794 : i32 to index
        %get3A_796 = arith.constant 64 : index
        %get3A_797 = tpu.vector_load %arg10[%get3A_795, %get3A_796] {strides = array<i32>} : memref<128x128xf32, #tpu.memory_space<vmem>>, vector<1x16xf32>,
        %get3A_798 = vector.shape_cast %get3A_797 : vector<1x16xf32> to vector<16xf32>
        %mul3A_799 = arith.mulf %get3A_798, %broadcast_in_dim3A_744 : vector<16xf32>
        %swap3A_800 = arith.index_cast %add3A_794 : i32 to index
        %swap3A_801 = arith.constant 64 : index
        %swap3A_802 = tpu.vector_load %arg10[%swap3A_800, %swap3A_801] {strides = array<i32>} : memref<128x128xf32, #tpu.memory_space<vmem>>, vector<1x16xf32>,
        %swap3A_803 = vector.shape_cast %swap3A_802 : vector<1x16xf32> to vector<16xf32>
        %swap3A_804 = vector.shape_cast %mul3A_799 : vector<16xf32> to vector<1x16xf32>
        tpu.vector_store %arg10[%swap3A_800, %swap3A_801], %swap3A_804 {strides = array<i32>} : memref<128x128xf32, #tpu.memory_space<vmem>>, vector<1x16xf32>,
        %add3A_805 = arith.constant 7 : i32
        %add3A_806 = arith.addi %mul3A_48, %add3A_805 : i32
        %get3A_807 = arith.index_cast %add3A_806 : i32 to index
        %get3A_808 = arith.constant 80 : index
        %get3A_809 = tpu.vector_load %arg10[%get3A_807, %get3A_808] {strides = array<i32>} : memref<128x128xf32, #tpu.memory_space<vmem>>, vector<1x16xf32>,
        %get3A_810 = vector.shape_cast %get3A_809 : vector<1x16xf32> to vector<16xf32>
        %mul3A_811 = arith.mulf %get3A_810, %broadcast_in_dim3A_744 : vector<16xf32>
        %swap3A_812 = arith.index_cast %add3A_806 : i32 to index
        %swap3A_813 = arith.constant 80 : index
        %swap3A_814 = tpu.vector_load %arg10[%swap3A_812, %swap3A_813] {strides = array<i32>} : memref<128x128xf32, #tpu.memory_space<vmem>>, vector<1x16xf32>,
        %swap3A_815 = vector.shape_cast %swap3A_814 : vector<1x16xf32> to vector<16xf32>
        %swap3A_816 = vector.shape_cast %mul3A_811 : vector<16xf32> to vector<1x16xf32>
        tpu.vector_store %arg10[%swap3A_812, %swap3A_813], %swap3A_816 {strides = array<i32>} : memref<128x128xf32, #tpu.memory_space<vmem>>, vector<1x16xf32>,
        %add3A_817 = arith.constant 7 : i32
        %add3A_818 = arith.addi %mul3A_48, %add3A_817 : i32
        %get3A_819 = arith.index_cast %add3A_818 : i32 to index
        %get3A_820 = arith.constant 96 : index
        %get3A_821 = tpu.vector_load %arg10[%get3A_819, %get3A_820] {strides = array<i32>} : memref<128x128xf32, #tpu.memory_space<vmem>>, vector<1x16xf32>,
        %get3A_822 = vector.shape_cast %get3A_821 : vector<1x16xf32> to vector<16xf32>
        %mul3A_823 = arith.mulf %get3A_822, %broadcast_in_dim3A_744 : vector<16xf32>
        %swap3A_824 = arith.index_cast %add3A_818 : i32 to index
        %swap3A_825 = arith.constant 96 : index
        %swap3A_826 = tpu.vector_load %arg10[%swap3A_824, %swap3A_825] {strides = array<i32>} : memref<128x128xf32, #tpu.memory_space<vmem>>, vector<1x16xf32>,
        %swap3A_827 = vector.shape_cast %swap3A_826 : vector<1x16xf32> to vector<16xf32>
        %swap3A_828 = vector.shape_cast %mul3A_823 : vector<16xf32> to vector<1x16xf32>
        tpu.vector_store %arg10[%swap3A_824, %swap3A_825], %swap3A_828 {strides = array<i32>} : memref<128x128xf32, #tpu.memory_space<vmem>>, vector<1x16xf32>,
        %add3A_829 = arith.constant 7 : i32
        %add3A_830 = arith.addi %mul3A_48, %add3A_829 : i32
        %get3A_831 = arith.index_cast %add3A_830 : i32 to index
        %get3A_832 = arith.constant 112 : index
        %get3A_833 = tpu.vector_load %arg10[%get3A_831, %get3A_832] {strides = array<i32>} : memref<128x128xf32, #tpu.memory_space<vmem>>, vector<1x16xf32>,
        %get3A_834 = vector.shape_cast %get3A_833 : vector<1x16xf32> to vector<16xf32>
        %mul3A_835 = arith.mulf %get3A_834, %broadcast_in_dim3A_744 : vector<16xf32>
        %swap3A_836 = arith.index_cast %add3A_830 : i32 to index
        %swap3A_837 = arith.constant 112 : index
        %swap3A_838 = tpu.vector_load %arg10[%swap3A_836, %swap3A_837] {strides = array<i32>} : memref<128x128xf32, #tpu.memory_space<vmem>>, vector<1x16xf32>,
        %swap3A_839 = vector.shape_cast %swap3A_838 : vector<1x16xf32> to vector<16xf32>
        %swap3A_840 = vector.shape_cast %mul3A_835 : vector<16xf32> to vector<1x16xf32>
        tpu.vector_store %arg10[%swap3A_836, %swap3A_837], %swap3A_840 {strides = array<i32>} : memref<128x128xf32, #tpu.memory_space<vmem>>, vector<1x16xf32>,
        %slice3A_841 = vector.extract_strided_slice %get3A_51 {offsets = [8], sizes = [1], strides = [1]} : vector<16xf32> to vector<1xf32>
        %squeeze3A_842 = vector.extract %slice3A_841[0] : f32 from vector<1xf32>
        %broadcast_in_dim3A_843 = vector.broadcast %squeeze3A_842 : f32 to vector<16xf32>
        %add3A_844 = arith.constant 8 : i32
        %add3A_845 = arith.addi %mul3A_48, %add3A_844 : i32
        %get3A_846 = arith.index_cast %add3A_845 : i32 to index
        %get3A_847 = arith.constant 0 : index
        %get3A_848 = tpu.vector_load %arg10[%get3A_846, %get3A_847] {strides = array<i32>} : memref<128x128xf32, #tpu.memory_space<vmem>>, vector<1x16xf32>,
        %get3A_849 = vector.shape_cast %get3A_848 : vector<1x16xf32> to vector<16xf32>
        %mul3A_850 = arith.mulf %get3A_849, %broadcast_in_dim3A_843 : vector<16xf32>
        %swap3A_851 = arith.index_cast %add3A_845 : i32 to index
        %swap3A_852 = arith.constant 0 : index
        %swap3A_853 = tpu.vector_load %arg10[%swap3A_851, %swap3A_852] {strides = array<i32>} : memref<128x128xf32, #tpu.memory_space<vmem>>, vector<1x16xf32>,
        %swap3A_854 = vector.shape_cast %swap3A_853 : vector<1x16xf32> to vector<16xf32>
        %swap3A_855 = vector.shape_cast %mul3A_850 : vector<16xf32> to vector<1x16xf32>
        tpu.vector_store %arg10[%swap3A_851, %swap3A_852], %swap3A_855 {strides = array<i32>} : memref<128x128xf32, #tpu.memory_space<vmem>>, vector<1x16xf32>,
        %add3A_856 = arith.constant 8 : i32
        %add3A_857 = arith.addi %mul3A_48, %add3A_856 : i32
        %get3A_858 = arith.index_cast %add3A_857 : i32 to index
        %get3A_859 = arith.constant 16 : index
        %get3A_860 = tpu.vector_load %arg10[%get3A_858, %get3A_859] {strides = array<i32>} : memref<128x128xf32, #tpu.memory_space<vmem>>, vector<1x16xf32>,
        %get3A_861 = vector.shape_cast %get3A_860 : vector<1x16xf32> to vector<16xf32>
        %mul3A_862 = arith.mulf %get3A_861, %broadcast_in_dim3A_843 : vector<16xf32>
        %swap3A_863 = arith.index_cast %add3A_857 : i32 to index
        %swap3A_864 = arith.constant 16 : index
        %swap3A_865 = tpu.vector_load %arg10[%swap3A_863, %swap3A_864] {strides = array<i32>} : memref<128x128xf32, #tpu.memory_space<vmem>>, vector<1x16xf32>,
        %swap3A_866 = vector.shape_cast %swap3A_865 : vector<1x16xf32> to vector<16xf32>
        %swap3A_867 = vector.shape_cast %mul3A_862 : vector<16xf32> to vector<1x16xf32>
        tpu.vector_store %arg10[%swap3A_863, %swap3A_864], %swap3A_867 {strides = array<i32>} : memref<128x128xf32, #tpu.memory_space<vmem>>, vector<1x16xf32>,
        %add3A_868 = arith.constant 8 : i32
        %add3A_869 = arith.addi %mul3A_48, %add3A_868 : i32
        %get3A_870 = arith.index_cast %add3A_869 : i32 to index
        %get3A_871 = arith.constant 32 : index
        %get3A_872 = tpu.vector_load %arg10[%get3A_870, %get3A_871] {strides = array<i32>} : memref<128x128xf32, #tpu.memory_space<vmem>>, vector<1x16xf32>,
        %get3A_873 = vector.shape_cast %get3A_872 : vector<1x16xf32> to vector<16xf32>
        %mul3A_874 = arith.mulf %get3A_873, %broadcast_in_dim3A_843 : vector<16xf32>
        %swap3A_875 = arith.index_cast %add3A_869 : i32 to index
        %swap3A_876 = arith.constant 32 : index
        %swap3A_877 = tpu.vector_load %arg10[%swap3A_875, %swap3A_876] {strides = array<i32>} : memref<128x128xf32, #tpu.memory_space<vmem>>, vector<1x16xf32>,
        %swap3A_878 = vector.shape_cast %swap3A_877 : vector<1x16xf32> to vector<16xf32>
        %swap3A_879 = vector.shape_cast %mul3A_874 : vector<16xf32> to vector<1x16xf32>
        tpu.vector_store %arg10[%swap3A_875, %swap3A_876], %swap3A_879 {strides = array<i32>} : memref<128x128xf32, #tpu.memory_space<vmem>>, vector<1x16xf32>,
        %add3A_880 = arith.constant 8 : i32
        %add3A_881 = arith.addi %mul3A_48, %add3A_880 : i32
        %get3A_882 = arith.index_cast %add3A_881 : i32 to index
        %get3A_883 = arith.constant 48 : index
        %get3A_884 = tpu.vector_load %arg10[%get3A_882, %get3A_883] {strides = array<i32>} : memref<128x128xf32, #tpu.memory_space<vmem>>, vector<1x16xf32>,
        %get3A_885 = vector.shape_cast %get3A_884 : vector<1x16xf32> to vector<16xf32>
        %mul3A_886 = arith.mulf %get3A_885, %broadcast_in_dim3A_843 : vector<16xf32>
        %swap3A_887 = arith.index_cast %add3A_881 : i32 to index
        %swap3A_888 = arith.constant 48 : index
        %swap3A_889 = tpu.vector_load %arg10[%swap3A_887, %swap3A_888] {strides = array<i32>} : memref<128x128xf32, #tpu.memory_space<vmem>>, vector<1x16xf32>,
        %swap3A_890 = vector.shape_cast %swap3A_889 : vector<1x16xf32> to vector<16xf32>
        %swap3A_891 = vector.shape_cast %mul3A_886 : vector<16xf32> to vector<1x16xf32>
        tpu.vector_store %arg10[%swap3A_887, %swap3A_888], %swap3A_891 {strides = array<i32>} : memref<128x128xf32, #tpu.memory_space<vmem>>, vector<1x16xf32>,
        %add3A_892 = arith.constant 8 : i32
        %add3A_893 = arith.addi %mul3A_48, %add3A_892 : i32
        %get3A_894 = arith.index_cast %add3A_893 : i32 to index
        %get3A_895 = arith.constant 64 : index
        %get3A_896 = tpu.vector_load %arg10[%get3A_894, %get3A_895] {strides = array<i32>} : memref<128x128xf32, #tpu.memory_space<vmem>>, vector<1x16xf32>,
        %get3A_897 = vector.shape_cast %get3A_896 : vector<1x16xf32> to vector<16xf32>
        %mul3A_898 = arith.mulf %get3A_897, %broadcast_in_dim3A_843 : vector<16xf32>
        %swap3A_899 = arith.index_cast %add3A_893 : i32 to index
        %swap3A_900 = arith.constant 64 : index
        %swap3A_901 = tpu.vector_load %arg10[%swap3A_899, %swap3A_900] {strides = array<i32>} : memref<128x128xf32, #tpu.memory_space<vmem>>, vector<1x16xf32>,
        %swap3A_902 = vector.shape_cast %swap3A_901 : vector<1x16xf32> to vector<16xf32>
        %swap3A_903 = vector.shape_cast %mul3A_898 : vector<16xf32> to vector<1x16xf32>
        tpu.vector_store %arg10[%swap3A_899, %swap3A_900], %swap3A_903 {strides = array<i32>} : memref<128x128xf32, #tpu.memory_space<vmem>>, vector<1x16xf32>,
        %add3A_904 = arith.constant 8 : i32
        %add3A_905 = arith.addi %mul3A_48, %add3A_904 : i32
        %get3A_906 = arith.index_cast %add3A_905 : i32 to index
        %get3A_907 = arith.constant 80 : index
        %get3A_908 = tpu.vector_load %arg10[%get3A_906, %get3A_907] {strides = array<i32>} : memref<128x128xf32, #tpu.memory_space<vmem>>, vector<1x16xf32>,
        %get3A_909 = vector.shape_cast %get3A_908 : vector<1x16xf32> to vector<16xf32>
        %mul3A_910 = arith.mulf %get3A_909, %broadcast_in_dim3A_843 : vector<16xf32>
        %swap3A_911 = arith.index_cast %add3A_905 : i32 to index
        %swap3A_912 = arith.constant 80 : index
        %swap3A_913 = tpu.vector_load %arg10[%swap3A_911, %swap3A_912] {strides = array<i32>} : memref<128x128xf32, #tpu.memory_space<vmem>>, vector<1x16xf32>,
        %swap3A_914 = vector.shape_cast %swap3A_913 : vector<1x16xf32> to vector<16xf32>
        %swap3A_915 = vector.shape_cast %mul3A_910 : vector<16xf32> to vector<1x16xf32>
        tpu.vector_store %arg10[%swap3A_911, %swap3A_912], %swap3A_915 {strides = array<i32>} : memref<128x128xf32, #tpu.memory_space<vmem>>, vector<1x16xf32>,
        %add3A_916 = arith.constant 8 : i32
        %add3A_917 = arith.addi %mul3A_48, %add3A_916 : i32
        %get3A_918 = arith.index_cast %add3A_917 : i32 to index
        %get3A_919 = arith.constant 96 : index
        %get3A_920 = tpu.vector_load %arg10[%get3A_918, %get3A_919] {strides = array<i32>} : memref<128x128xf32, #tpu.memory_space<vmem>>, vector<1x16xf32>,
        %get3A_921 = vector.shape_cast %get3A_920 : vector<1x16xf32> to vector<16xf32>
        %mul3A_922 = arith.mulf %get3A_921, %broadcast_in_dim3A_843 : vector<16xf32>
        %swap3A_923 = arith.index_cast %add3A_917 : i32 to index
        %swap3A_924 = arith.constant 96 : index
        %swap3A_925 = tpu.vector_load %arg10[%swap3A_923, %swap3A_924] {strides = array<i32>} : memref<128x128xf32, #tpu.memory_space<vmem>>, vector<1x16xf32>,
        %swap3A_926 = vector.shape_cast %swap3A_925 : vector<1x16xf32> to vector<16xf32>
        %swap3A_927 = vector.shape_cast %mul3A_922 : vector<16xf32> to vector<1x16xf32>
        tpu.vector_store %arg10[%swap3A_923, %swap3A_924], %swap3A_927 {strides = array<i32>} : memref<128x128xf32, #tpu.memory_space<vmem>>, vector<1x16xf32>,
        %add3A_928 = arith.constant 8 : i32
        %add3A_929 = arith.addi %mul3A_48, %add3A_928 : i32
        %get3A_930 = arith.index_cast %add3A_929 : i32 to index
        %get3A_931 = arith.constant 112 : index
        %get3A_932 = tpu.vector_load %arg10[%get3A_930, %get3A_931] {strides = array<i32>} : memref<128x128xf32, #tpu.memory_space<vmem>>, vector<1x16xf32>,
        %get3A_933 = vector.shape_cast %get3A_932 : vector<1x16xf32> to vector<16xf32>
        %mul3A_934 = arith.mulf %get3A_933, %broadcast_in_dim3A_843 : vector<16xf32>
        %swap3A_935 = arith.index_cast %add3A_929 : i32 to index
        %swap3A_936 = arith.constant 112 : index
        %swap3A_937 = tpu.vector_load %arg10[%swap3A_935, %swap3A_936] {strides = array<i32>} : memref<128x128xf32, #tpu.memory_space<vmem>>, vector<1x16xf32>,
        %swap3A_938 = vector.shape_cast %swap3A_937 : vector<1x16xf32> to vector<16xf32>
        %swap3A_939 = vector.shape_cast %mul3A_934 : vector<16xf32> to vector<1x16xf32>
        tpu.vector_store %arg10[%swap3A_935, %swap3A_936], %swap3A_939 {strides = array<i32>} : memref<128x128xf32, #tpu.memory_space<vmem>>, vector<1x16xf32>,
        %slice3A_940 = vector.extract_strided_slice %get3A_51 {offsets = [9], sizes = [1], strides = [1]} : vector<16xf32> to vector<1xf32>
        %squeeze3A_941 = vector.extract %slice3A_940[0] : f32 from vector<1xf32>
        %broadcast_in_dim3A_942 = vector.broadcast %squeeze3A_941 : f32 to vector<16xf32>
        %add3A_943 = arith.constant 9 : i32
        %add3A_944 = arith.addi %mul3A_48, %add3A_943 : i32
        %get3A_945 = arith.index_cast %add3A_944 : i32 to index
        %get3A_946 = arith.constant 0 : index
        %get3A_947 = tpu.vector_load %arg10[%get3A_945, %get3A_946] {strides = array<i32>} : memref<128x128xf32, #tpu.memory_space<vmem>>, vector<1x16xf32>,
        %get3A_948 = vector.shape_cast %get3A_947 : vector<1x16xf32> to vector<16xf32>
        %mul3A_949 = arith.mulf %get3A_948, %broadcast_in_dim3A_942 : vector<16xf32>
        %swap3A_950 = arith.index_cast %add3A_944 : i32 to index
        %swap3A_951 = arith.constant 0 : index
        %swap3A_952 = tpu.vector_load %arg10[%swap3A_950, %swap3A_951] {strides = array<i32>} : memref<128x128xf32, #tpu.memory_space<vmem>>, vector<1x16xf32>,
        %swap3A_953 = vector.shape_cast %swap3A_952 : vector<1x16xf32> to vector<16xf32>
        %swap3A_954 = vector.shape_cast %mul3A_949 : vector<16xf32> to vector<1x16xf32>
        tpu.vector_store %arg10[%swap3A_950, %swap3A_951], %swap3A_954 {strides = array<i32>} : memref<128x128xf32, #tpu.memory_space<vmem>>, vector<1x16xf32>,
        %add3A_955 = arith.constant 9 : i32
        %add3A_956 = arith.addi %mul3A_48, %add3A_955 : i32
        %get3A_957 = arith.index_cast %add3A_956 : i32 to index
        %get3A_958 = arith.constant 16 : index
        %get3A_959 = tpu.vector_load %arg10[%get3A_957, %get3A_958] {strides = array<i32>} : memref<128x128xf32, #tpu.memory_space<vmem>>, vector<1x16xf32>,
        %get3A_960 = vector.shape_cast %get3A_959 : vector<1x16xf32> to vector<16xf32>
        %mul3A_961 = arith.mulf %get3A_960, %broadcast_in_dim3A_942 : vector<16xf32>
        %swap3A_962 = arith.index_cast %add3A_956 : i32 to index
        %swap3A_963 = arith.constant 16 : index
        %swap3A_964 = tpu.vector_load %arg10[%swap3A_962, %swap3A_963] {strides = array<i32>} : memref<128x128xf32, #tpu.memory_space<vmem>>, vector<1x16xf32>,
        %swap3A_965 = vector.shape_cast %swap3A_964 : vector<1x16xf32> to vector<16xf32>
        %swap3A_966 = vector.shape_cast %mul3A_961 : vector<16xf32> to vector<1x16xf32>
        tpu.vector_store %arg10[%swap3A_962, %swap3A_963], %swap3A_966 {strides = array<i32>} : memref<128x128xf32, #tpu.memory_space<vmem>>, vector<1x16xf32>,
        %add3A_967 = arith.constant 9 : i32
        %add3A_968 = arith.addi %mul3A_48, %add3A_967 : i32
        %get3A_969 = arith.index_cast %add3A_968 : i32 to index
        %get3A_970 = arith.constant 32 : index
        %get3A_971 = tpu.vector_load %arg10[%get3A_969, %get3A_970] {strides = array<i32>} : memref<128x128xf32, #tpu.memory_space<vmem>>, vector<1x16xf32>,
        %get3A_972 = vector.shape_cast %get3A_971 : vector<1x16xf32> to vector<16xf32>
        %mul3A_973 = arith.mulf %get3A_972, %broadcast_in_dim3A_942 : vector<16xf32>
        %swap3A_974 = arith.index_cast %add3A_968 : i32 to index
        %swap3A_975 = arith.constant 32 : index
        %swap3A_976 = tpu.vector_load %arg10[%swap3A_974, %swap3A_975] {strides = array<i32>} : memref<128x128xf32, #tpu.memory_space<vmem>>, vector<1x16xf32>,
        %swap3A_977 = vector.shape_cast %swap3A_976 : vector<1x16xf32> to vector<16xf32>
        %swap3A_978 = vector.shape_cast %mul3A_973 : vector<16xf32> to vector<1x16xf32>
        tpu.vector_store %arg10[%swap3A_974, %swap3A_975], %swap3A_978 {strides = array<i32>} : memref<128x128xf32, #tpu.memory_space<vmem>>, vector<1x16xf32>,
        %add3A_979 = arith.constant 9 : i32
        %add3A_980 = arith.addi %mul3A_48, %add3A_979 : i32
        %get3A_981 = arith.index_cast %add3A_980 : i32 to index
        %get3A_982 = arith.constant 48 : index
        %get3A_983 = tpu.vector_load %arg10[%get3A_981, %get3A_982] {strides = array<i32>} : memref<128x128xf32, #tpu.memory_space<vmem>>, vector<1x16xf32>,
        %get3A_984 = vector.shape_cast %get3A_983 : vector<1x16xf32> to vector<16xf32>
        %mul3A_985 = arith.mulf %get3A_984, %broadcast_in_dim3A_942 : vector<16xf32>
        %swap3A_986 = arith.index_cast %add3A_980 : i32 to index
        %swap3A_987 = arith.constant 48 : index
        %swap3A_988 = tpu.vector_load %arg10[%swap3A_986, %swap3A_987] {strides = array<i32>} : memref<128x128xf32, #tpu.memory_space<vmem>>, vector<1x16xf32>,
        %swap3A_989 = vector.shape_cast %swap3A_988 : vector<1x16xf32> to vector<16xf32>
        %swap3A_990 = vector.shape_cast %mul3A_985 : vector<16xf32> to vector<1x16xf32>
        tpu.vector_store %arg10[%swap3A_986, %swap3A_987], %swap3A_990 {strides = array<i32>} : memref<128x128xf32, #tpu.memory_space<vmem>>, vector<1x16xf32>,
        %add3A_991 = arith.constant 9 : i32
        %add3A_992 = arith.addi %mul3A_48, %add3A_991 : i32
        %get3A_993 = arith.index_cast %add3A_992 : i32 to index
        %get3A_994 = arith.constant 64 : index
        %get3A_995 = tpu.vector_load %arg10[%get3A_993, %get3A_994] {strides = array<i32>} : memref<128x128xf32, #tpu.memory_space<vmem>>, vector<1x16xf32>,
        %get3A_996 = vector.shape_cast %get3A_995 : vector<1x16xf32> to vector<16xf32>
        %mul3A_997 = arith.mulf %get3A_996, %broadcast_in_dim3A_942 : vector<16xf32>
        %swap3A_998 = arith.index_cast %add3A_992 : i32 to index
        %swap3A_999 = arith.constant 64 : index
        %swap3A_1000 = tpu.vector_load %arg10[%swap3A_998, %swap3A_999] {strides = array<i32>} : memref<128x128xf32, #tpu.memory_space<vmem>>, vector<1x16xf32>,
        %swap3A_1001 = vector.shape_cast %swap3A_1000 : vector<1x16xf32> to vector<16xf32>
        %swap3A_1002 = vector.shape_cast %mul3A_997 : vector<16xf32> to vector<1x16xf32>
        tpu.vector_store %arg10[%swap3A_998, %swap3A_999], %swap3A_1002 {strides = array<i32>} : memref<128x128xf32, #tpu.memory_space<vmem>>, vector<1x16xf32>,
        %add3A_1003 = arith.constant 9 : i32
        %add3A_1004 = arith.addi %mul3A_48, %add3A_1003 : i32
        %get3A_1005 = arith.index_cast %add3A_1004 : i32 to index
        %get3A_1006 = arith.constant 80 : index
        %get3A_1007 = tpu.vector_load %arg10[%get3A_1005, %get3A_1006] {strides = array<i32>} : memref<128x128xf32, #tpu.memory_space<vmem>>, vector<1x16xf32>,
        %get3A_1008 = vector.shape_cast %get3A_1007 : vector<1x16xf32> to vector<16xf32>
        %mul3A_1009 = arith.mulf %get3A_1008, %broadcast_in_dim3A_942 : vector<16xf32>
        %swap3A_1010 = arith.index_cast %add3A_1004 : i32 to index
        %swap3A_1011 = arith.constant 80 : index
        %swap3A_1012 = tpu.vector_load %arg10[%swap3A_1010, %swap3A_1011] {strides = array<i32>} : memref<128x128xf32, #tpu.memory_space<vmem>>, vector<1x16xf32>,
        %swap3A_1013 = vector.shape_cast %swap3A_1012 : vector<1x16xf32> to vector<16xf32>
        %swap3A_1014 = vector.shape_cast %mul3A_1009 : vector<16xf32> to vector<1x16xf32>
        tpu.vector_store %arg10[%swap3A_1010, %swap3A_1011], %swap3A_1014 {strides = array<i32>} : memref<128x128xf32, #tpu.memory_space<vmem>>, vector<1x16xf32>,
        %add3A_1015 = arith.constant 9 : i32
        %add3A_1016 = arith.addi %mul3A_48, %add3A_1015 : i32
        %get3A_1017 = arith.index_cast %add3A_1016 : i32 to index
        %get3A_1018 = arith.constant 96 : index
        %get3A_1019 = tpu.vector_load %arg10[%get3A_1017, %get3A_1018] {strides = array<i32>} : memref<128x128xf32, #tpu.memory_space<vmem>>, vector<1x16xf32>,
        %get3A_1020 = vector.shape_cast %get3A_1019 : vector<1x16xf32> to vector<16xf32>
        %mul3A_1021 = arith.mulf %get3A_1020, %broadcast_in_dim3A_942 : vector<16xf32>
        %swap3A_1022 = arith.index_cast %add3A_1016 : i32 to index
        %swap3A_1023 = arith.constant 96 : index
        %swap3A_1024 = tpu.vector_load %arg10[%swap3A_1022, %swap3A_1023] {strides = array<i32>} : memref<128x128xf32, #tpu.memory_space<vmem>>, vector<1x16xf32>,
        %swap3A_1025 = vector.shape_cast %swap3A_1024 : vector<1x16xf32> to vector<16xf32>
        %swap3A_1026 = vector.shape_cast %mul3A_1021 : vector<16xf32> to vector<1x16xf32>
        tpu.vector_store %arg10[%swap3A_1022, %swap3A_1023], %swap3A_1026 {strides = array<i32>} : memref<128x128xf32, #tpu.memory_space<vmem>>, vector<1x16xf32>,
        %add3A_1027 = arith.constant 9 : i32
        %add3A_1028 = arith.addi %mul3A_48, %add3A_1027 : i32
        %get3A_1029 = arith.index_cast %add3A_1028 : i32 to index
        %get3A_1030 = arith.constant 112 : index
        %get3A_1031 = tpu.vector_load %arg10[%get3A_1029, %get3A_1030] {strides = array<i32>} : memref<128x128xf32, #tpu.memory_space<vmem>>, vector<1x16xf32>,
        %get3A_1032 = vector.shape_cast %get3A_1031 : vector<1x16xf32> to vector<16xf32>
        %mul3A_1033 = arith.mulf %get3A_1032, %broadcast_in_dim3A_942 : vector<16xf32>
        %swap3A_1034 = arith.index_cast %add3A_1028 : i32 to index
        %swap3A_1035 = arith.constant 112 : index
        %swap3A_1036 = tpu.vector_load %arg10[%swap3A_1034, %swap3A_1035] {strides = array<i32>} : memref<128x128xf32, #tpu.memory_space<vmem>>, vector<1x16xf32>,
        %swap3A_1037 = vector.shape_cast %swap3A_1036 : vector<1x16xf32> to vector<16xf32>
        %swap3A_1038 = vector.shape_cast %mul3A_1033 : vector<16xf32> to vector<1x16xf32>
        tpu.vector_store %arg10[%swap3A_1034, %swap3A_1035], %swap3A_1038 {strides = array<i32>} : memref<128x128xf32, #tpu.memory_space<vmem>>, vector<1x16xf32>,
        %slice3A_1039 = vector.extract_strided_slice %get3A_51 {offsets = [10], sizes = [1], strides = [1]} : vector<16xf32> to vector<1xf32>
        %squeeze3A_1040 = vector.extract %slice3A_1039[0] : f32 from vector<1xf32>
        %broadcast_in_dim3A_1041 = vector.broadcast %squeeze3A_1040 : f32 to vector<16xf32>
        %add3A_1042 = arith.constant 10 : i32
        %add3A_1043 = arith.addi %mul3A_48, %add3A_1042 : i32
        %get3A_1044 = arith.index_cast %add3A_1043 : i32 to index
        %get3A_1045 = arith.constant 0 : index
        %get3A_1046 = tpu.vector_load %arg10[%get3A_1044, %get3A_1045] {strides = array<i32>} : memref<128x128xf32, #tpu.memory_space<vmem>>, vector<1x16xf32>,
        %get3A_1047 = vector.shape_cast %get3A_1046 : vector<1x16xf32> to vector<16xf32>
        %mul3A_1048 = arith.mulf %get3A_1047, %broadcast_in_dim3A_1041 : vector<16xf32>
        %swap3A_1049 = arith.index_cast %add3A_1043 : i32 to index
        %swap3A_1050 = arith.constant 0 : index
        %swap3A_1051 = tpu.vector_load %arg10[%swap3A_1049, %swap3A_1050] {strides = array<i32>} : memref<128x128xf32, #tpu.memory_space<vmem>>, vector<1x16xf32>,
        %swap3A_1052 = vector.shape_cast %swap3A_1051 : vector<1x16xf32> to vector<16xf32>
        %swap3A_1053 = vector.shape_cast %mul3A_1048 : vector<16xf32> to vector<1x16xf32>
        tpu.vector_store %arg10[%swap3A_1049, %swap3A_1050], %swap3A_1053 {strides = array<i32>} : memref<128x128xf32, #tpu.memory_space<vmem>>, vector<1x16xf32>,
        %add3A_1054 = arith.constant 10 : i32
        %add3A_1055 = arith.addi %mul3A_48, %add3A_1054 : i32
        %get3A_1056 = arith.index_cast %add3A_1055 : i32 to index
        %get3A_1057 = arith.constant 16 : index
        %get3A_1058 = tpu.vector_load %arg10[%get3A_1056, %get3A_1057] {strides = array<i32>} : memref<128x128xf32, #tpu.memory_space<vmem>>, vector<1x16xf32>,
        %get3A_1059 = vector.shape_cast %get3A_1058 : vector<1x16xf32> to vector<16xf32>
        %mul3A_1060 = arith.mulf %get3A_1059, %broadcast_in_dim3A_1041 : vector<16xf32>
        %swap3A_1061 = arith.index_cast %add3A_1055 : i32 to index
        %swap3A_1062 = arith.constant 16 : index
        %swap3A_1063 = tpu.vector_load %arg10[%swap3A_1061, %swap3A_1062] {strides = array<i32>} : memref<128x128xf32, #tpu.memory_space<vmem>>, vector<1x16xf32>,
        %swap3A_1064 = vector.shape_cast %swap3A_1063 : vector<1x16xf32> to vector<16xf32>
        %swap3A_1065 = vector.shape_cast %mul3A_1060 : vector<16xf32> to vector<1x16xf32>
        tpu.vector_store %arg10[%swap3A_1061, %swap3A_1062], %swap3A_1065 {strides = array<i32>} : memref<128x128xf32, #tpu.memory_space<vmem>>, vector<1x16xf32>,
        %add3A_1066 = arith.constant 10 : i32
        %add3A_1067 = arith.addi %mul3A_48, %add3A_1066 : i32
        %get3A_1068 = arith.index_cast %add3A_1067 : i32 to index
        %get3A_1069 = arith.constant 32 : index
        %get3A_1070 = tpu.vector_load %arg10[%get3A_1068, %get3A_1069] {strides = array<i32>} : memref<128x128xf32, #tpu.memory_space<vmem>>, vector<1x16xf32>,
        %get3A_1071 = vector.shape_cast %get3A_1070 : vector<1x16xf32> to vector<16xf32>
        %mul3A_1072 = arith.mulf %get3A_1071, %broadcast_in_dim3A_1041 : vector<16xf32>
        %swap3A_1073 = arith.index_cast %add3A_1067 : i32 to index
        %swap3A_1074 = arith.constant 32 : index
        %swap3A_1075 = tpu.vector_load %arg10[%swap3A_1073, %swap3A_1074] {strides = array<i32>} : memref<128x128xf32, #tpu.memory_space<vmem>>, vector<1x16xf32>,
        %swap3A_1076 = vector.shape_cast %swap3A_1075 : vector<1x16xf32> to vector<16xf32>
        %swap3A_1077 = vector.shape_cast %mul3A_1072 : vector<16xf32> to vector<1x16xf32>
        tpu.vector_store %arg10[%swap3A_1073, %swap3A_1074], %swap3A_1077 {strides = array<i32>} : memref<128x128xf32, #tpu.memory_space<vmem>>, vector<1x16xf32>,
        %add3A_1078 = arith.constant 10 : i32
        %add3A_1079 = arith.addi %mul3A_48, %add3A_1078 : i32
        %get3A_1080 = arith.index_cast %add3A_1079 : i32 to index
        %get3A_1081 = arith.constant 48 : index
        %get3A_1082 = tpu.vector_load %arg10[%get3A_1080, %get3A_1081] {strides = array<i32>} : memref<128x128xf32, #tpu.memory_space<vmem>>, vector<1x16xf32>,
        %get3A_1083 = vector.shape_cast %get3A_1082 : vector<1x16xf32> to vector<16xf32>
        %mul3A_1084 = arith.mulf %get3A_1083, %broadcast_in_dim3A_1041 : vector<16xf32>
        %swap3A_1085 = arith.index_cast %add3A_1079 : i32 to index
        %swap3A_1086 = arith.constant 48 : index
        %swap3A_1087 = tpu.vector_load %arg10[%swap3A_1085, %swap3A_1086] {strides = array<i32>} : memref<128x128xf32, #tpu.memory_space<vmem>>, vector<1x16xf32>,
        %swap3A_1088 = vector.shape_cast %swap3A_1087 : vector<1x16xf32> to vector<16xf32>
        %swap3A_1089 = vector.shape_cast %mul3A_1084 : vector<16xf32> to vector<1x16xf32>
        tpu.vector_store %arg10[%swap3A_1085, %swap3A_1086], %swap3A_1089 {strides = array<i32>} : memref<128x128xf32, #tpu.memory_space<vmem>>, vector<1x16xf32>,
        %add3A_1090 = arith.constant 10 : i32
        %add3A_1091 = arith.addi %mul3A_48, %add3A_1090 : i32
        %get3A_1092 = arith.index_cast %add3A_1091 : i32 to index
        %get3A_1093 = arith.constant 64 : index
        %get3A_1094 = tpu.vector_load %arg10[%get3A_1092, %get3A_1093] {strides = array<i32>} : memref<128x128xf32, #tpu.memory_space<vmem>>, vector<1x16xf32>,
        %get3A_1095 = vector.shape_cast %get3A_1094 : vector<1x16xf32> to vector<16xf32>
        %mul3A_1096 = arith.mulf %get3A_1095, %broadcast_in_dim3A_1041 : vector<16xf32>
        %swap3A_1097 = arith.index_cast %add3A_1091 : i32 to index
        %swap3A_1098 = arith.constant 64 : index
        %swap3A_1099 = tpu.vector_load %arg10[%swap3A_1097, %swap3A_1098] {strides = array<i32>} : memref<128x128xf32, #tpu.memory_space<vmem>>, vector<1x16xf32>,
        %swap3A_1100 = vector.shape_cast %swap3A_1099 : vector<1x16xf32> to vector<16xf32>
        %swap3A_1101 = vector.shape_cast %mul3A_1096 : vector<16xf32> to vector<1x16xf32>
        tpu.vector_store %arg10[%swap3A_1097, %swap3A_1098], %swap3A_1101 {strides = array<i32>} : memref<128x128xf32, #tpu.memory_space<vmem>>, vector<1x16xf32>,
        %add3A_1102 = arith.constant 10 : i32
        %add3A_1103 = arith.addi %mul3A_48, %add3A_1102 : i32
        %get3A_1104 = arith.index_cast %add3A_1103 : i32 to index
        %get3A_1105 = arith.constant 80 : index
        %get3A_1106 = tpu.vector_load %arg10[%get3A_1104, %get3A_1105] {strides = array<i32>} : memref<128x128xf32, #tpu.memory_space<vmem>>, vector<1x16xf32>,
        %get3A_1107 = vector.shape_cast %get3A_1106 : vector<1x16xf32> to vector<16xf32>
        %mul3A_1108 = arith.mulf %get3A_1107, %broadcast_in_dim3A_1041 : vector<16xf32>
        %swap3A_1109 = arith.index_cast %add3A_1103 : i32 to index
        %swap3A_1110 = arith.constant 80 : index
        %swap3A_1111 = tpu.vector_load %arg10[%swap3A_1109, %swap3A_1110] {strides = array<i32>} : memref<128x128xf32, #tpu.memory_space<vmem>>, vector<1x16xf32>,
        %swap3A_1112 = vector.shape_cast %swap3A_1111 : vector<1x16xf32> to vector<16xf32>
        %swap3A_1113 = vector.shape_cast %mul3A_1108 : vector<16xf32> to vector<1x16xf32>
        tpu.vector_store %arg10[%swap3A_1109, %swap3A_1110], %swap3A_1113 {strides = array<i32>} : memref<128x128xf32, #tpu.memory_space<vmem>>, vector<1x16xf32>,
        %add3A_1114 = arith.constant 10 : i32
        %add3A_1115 = arith.addi %mul3A_48, %add3A_1114 : i32
        %get3A_1116 = arith.index_cast %add3A_1115 : i32 to index
        %get3A_1117 = arith.constant 96 : index
        %get3A_1118 = tpu.vector_load %arg10[%get3A_1116, %get3A_1117] {strides = array<i32>} : memref<128x128xf32, #tpu.memory_space<vmem>>, vector<1x16xf32>,
        %get3A_1119 = vector.shape_cast %get3A_1118 : vector<1x16xf32> to vector<16xf32>
        %mul3A_1120 = arith.mulf %get3A_1119, %broadcast_in_dim3A_1041 : vector<16xf32>
        %swap3A_1121 = arith.index_cast %add3A_1115 : i32 to index
        %swap3A_1122 = arith.constant 96 : index
        %swap3A_1123 = tpu.vector_load %arg10[%swap3A_1121, %swap3A_1122] {strides = array<i32>} : memref<128x128xf32, #tpu.memory_space<vmem>>, vector<1x16xf32>,
        %swap3A_1124 = vector.shape_cast %swap3A_1123 : vector<1x16xf32> to vector<16xf32>
        %swap3A_1125 = vector.shape_cast %mul3A_1120 : vector<16xf32> to vector<1x16xf32>
        tpu.vector_store %arg10[%swap3A_1121, %swap3A_1122], %swap3A_1125 {strides = array<i32>} : memref<128x128xf32, #tpu.memory_space<vmem>>, vector<1x16xf32>,
        %add3A_1126 = arith.constant 10 : i32
        %add3A_1127 = arith.addi %mul3A_48, %add3A_1126 : i32
        %get3A_1128 = arith.index_cast %add3A_1127 : i32 to index
        %get3A_1129 = arith.constant 112 : index
        %get3A_1130 = tpu.vector_load %arg10[%get3A_1128, %get3A_1129] {strides = array<i32>} : memref<128x128xf32, #tpu.memory_space<vmem>>, vector<1x16xf32>,
        %get3A_1131 = vector.shape_cast %get3A_1130 : vector<1x16xf32> to vector<16xf32>
        %mul3A_1132 = arith.mulf %get3A_1131, %broadcast_in_dim3A_1041 : vector<16xf32>
        %swap3A_1133 = arith.index_cast %add3A_1127 : i32 to index
        %swap3A_1134 = arith.constant 112 : index
        %swap3A_1135 = tpu.vector_load %arg10[%swap3A_1133, %swap3A_1134] {strides = array<i32>} : memref<128x128xf32, #tpu.memory_space<vmem>>, vector<1x16xf32>,
        %swap3A_1136 = vector.shape_cast %swap3A_1135 : vector<1x16xf32> to vector<16xf32>
        %swap3A_1137 = vector.shape_cast %mul3A_1132 : vector<16xf32> to vector<1x16xf32>
        tpu.vector_store %arg10[%swap3A_1133, %swap3A_1134], %swap3A_1137 {strides = array<i32>} : memref<128x128xf32, #tpu.memory_space<vmem>>, vector<1x16xf32>,
        %slice3A_1138 = vector.extract_strided_slice %get3A_51 {offsets = [11], sizes = [1], strides = [1]} : vector<16xf32> to vector<1xf32>
        %squeeze3A_1139 = vector.extract %slice3A_1138[0] : f32 from vector<1xf32>
        %broadcast_in_dim3A_1140 = vector.broadcast %squeeze3A_1139 : f32 to vector<16xf32>
        %add3A_1141 = arith.constant 11 : i32
        %add3A_1142 = arith.addi %mul3A_48, %add3A_1141 : i32
        %get3A_1143 = arith.index_cast %add3A_1142 : i32 to index
        %get3A_1144 = arith.constant 0 : index
        %get3A_1145 = tpu.vector_load %arg10[%get3A_1143, %get3A_1144] {strides = array<i32>} : memref<128x128xf32, #tpu.memory_space<vmem>>, vector<1x16xf32>,
        %get3A_1146 = vector.shape_cast %get3A_1145 : vector<1x16xf32> to vector<16xf32>
        %mul3A_1147 = arith.mulf %get3A_1146, %broadcast_in_dim3A_1140 : vector<16xf32>
        %swap3A_1148 = arith.index_cast %add3A_1142 : i32 to index
        %swap3A_1149 = arith.constant 0 : index
        %swap3A_1150 = tpu.vector_load %arg10[%swap3A_1148, %swap3A_1149] {strides = array<i32>} : memref<128x128xf32, #tpu.memory_space<vmem>>, vector<1x16xf32>,
        %swap3A_1151 = vector.shape_cast %swap3A_1150 : vector<1x16xf32> to vector<16xf32>
        %swap3A_1152 = vector.shape_cast %mul3A_1147 : vector<16xf32> to vector<1x16xf32>
        tpu.vector_store %arg10[%swap3A_1148, %swap3A_1149], %swap3A_1152 {strides = array<i32>} : memref<128x128xf32, #tpu.memory_space<vmem>>, vector<1x16xf32>,
        %add3A_1153 = arith.constant 11 : i32
        %add3A_1154 = arith.addi %mul3A_48, %add3A_1153 : i32
        %get3A_1155 = arith.index_cast %add3A_1154 : i32 to index
        %get3A_1156 = arith.constant 16 : index
        %get3A_1157 = tpu.vector_load %arg10[%get3A_1155, %get3A_1156] {strides = array<i32>} : memref<128x128xf32, #tpu.memory_space<vmem>>, vector<1x16xf32>,
        %get3A_1158 = vector.shape_cast %get3A_1157 : vector<1x16xf32> to vector<16xf32>
        %mul3A_1159 = arith.mulf %get3A_1158, %broadcast_in_dim3A_1140 : vector<16xf32>
        %swap3A_1160 = arith.index_cast %add3A_1154 : i32 to index
        %swap3A_1161 = arith.constant 16 : index
        %swap3A_1162 = tpu.vector_load %arg10[%swap3A_1160, %swap3A_1161] {strides = array<i32>} : memref<128x128xf32, #tpu.memory_space<vmem>>, vector<1x16xf32>,
        %swap3A_1163 = vector.shape_cast %swap3A_1162 : vector<1x16xf32> to vector<16xf32>
        %swap3A_1164 = vector.shape_cast %mul3A_1159 : vector<16xf32> to vector<1x16xf32>
        tpu.vector_store %arg10[%swap3A_1160, %swap3A_1161], %swap3A_1164 {strides = array<i32>} : memref<128x128xf32, #tpu.memory_space<vmem>>, vector<1x16xf32>,
        %add3A_1165 = arith.constant 11 : i32
        %add3A_1166 = arith.addi %mul3A_48, %add3A_1165 : i32
        %get3A_1167 = arith.index_cast %add3A_1166 : i32 to index
        %get3A_1168 = arith.constant 32 : index
        %get3A_1169 = tpu.vector_load %arg10[%get3A_1167, %get3A_1168] {strides = array<i32>} : memref<128x128xf32, #tpu.memory_space<vmem>>, vector<1x16xf32>,
        %get3A_1170 = vector.shape_cast %get3A_1169 : vector<1x16xf32> to vector<16xf32>
        %mul3A_1171 = arith.mulf %get3A_1170, %broadcast_in_dim3A_1140 : vector<16xf32>
        %swap3A_1172 = arith.index_cast %add3A_1166 : i32 to index
        %swap3A_1173 = arith.constant 32 : index
        %swap3A_1174 = tpu.vector_load %arg10[%swap3A_1172, %swap3A_1173] {strides = array<i32>} : memref<128x128xf32, #tpu.memory_space<vmem>>, vector<1x16xf32>,
        %swap3A_1175 = vector.shape_cast %swap3A_1174 : vector<1x16xf32> to vector<16xf32>
        %swap3A_1176 = vector.shape_cast %mul3A_1171 : vector<16xf32> to vector<1x16xf32>
        tpu.vector_store %arg10[%swap3A_1172, %swap3A_1173], %swap3A_1176 {strides = array<i32>} : memref<128x128xf32, #tpu.memory_space<vmem>>, vector<1x16xf32>,
        %add3A_1177 = arith.constant 11 : i32
        %add3A_1178 = arith.addi %mul3A_48, %add3A_1177 : i32
        %get3A_1179 = arith.index_cast %add3A_1178 : i32 to index
        %get3A_1180 = arith.constant 48 : index
        %get3A_1181 = tpu.vector_load %arg10[%get3A_1179, %get3A_1180] {strides = array<i32>} : memref<128x128xf32, #tpu.memory_space<vmem>>, vector<1x16xf32>,
        %get3A_1182 = vector.shape_cast %get3A_1181 : vector<1x16xf32> to vector<16xf32>
        %mul3A_1183 = arith.mulf %get3A_1182, %broadcast_in_dim3A_1140 : vector<16xf32>
        %swap3A_1184 = arith.index_cast %add3A_1178 : i32 to index
        %swap3A_1185 = arith.constant 48 : index
        %swap3A_1186 = tpu.vector_load %arg10[%swap3A_1184, %swap3A_1185] {strides = array<i32>} : memref<128x128xf32, #tpu.memory_space<vmem>>, vector<1x16xf32>,
        %swap3A_1187 = vector.shape_cast %swap3A_1186 : vector<1x16xf32> to vector<16xf32>
        %swap3A_1188 = vector.shape_cast %mul3A_1183 : vector<16xf32> to vector<1x16xf32>
        tpu.vector_store %arg10[%swap3A_1184, %swap3A_1185], %swap3A_1188 {strides = array<i32>} : memref<128x128xf32, #tpu.memory_space<vmem>>, vector<1x16xf32>,
        %add3A_1189 = arith.constant 11 : i32
        %add3A_1190 = arith.addi %mul3A_48, %add3A_1189 : i32
        %get3A_1191 = arith.index_cast %add3A_1190 : i32 to index
        %get3A_1192 = arith.constant 64 : index
        %get3A_1193 = tpu.vector_load %arg10[%get3A_1191, %get3A_1192] {strides = array<i32>} : memref<128x128xf32, #tpu.memory_space<vmem>>, vector<1x16xf32>,
        %get3A_1194 = vector.shape_cast %get3A_1193 : vector<1x16xf32> to vector<16xf32>
        %mul3A_1195 = arith.mulf %get3A_1194, %broadcast_in_dim3A_1140 : vector<16xf32>
        %swap3A_1196 = arith.index_cast %add3A_1190 : i32 to index
        %swap3A_1197 = arith.constant 64 : index
        %swap3A_1198 = tpu.vector_load %arg10[%swap3A_1196, %swap3A_1197] {strides = array<i32>} : memref<128x128xf32, #tpu.memory_space<vmem>>, vector<1x16xf32>,
        %swap3A_1199 = vector.shape_cast %swap3A_1198 : vector<1x16xf32> to vector<16xf32>
        %swap3A_1200 = vector.shape_cast %mul3A_1195 : vector<16xf32> to vector<1x16xf32>
        tpu.vector_store %arg10[%swap3A_1196, %swap3A_1197], %swap3A_1200 {strides = array<i32>} : memref<128x128xf32, #tpu.memory_space<vmem>>, vector<1x16xf32>,
        %add3A_1201 = arith.constant 11 : i32
        %add3A_1202 = arith.addi %mul3A_48, %add3A_1201 : i32
        %get3A_1203 = arith.index_cast %add3A_1202 : i32 to index
        %get3A_1204 = arith.constant 80 : index
        %get3A_1205 = tpu.vector_load %arg10[%get3A_1203, %get3A_1204] {strides = array<i32>} : memref<128x128xf32, #tpu.memory_space<vmem>>, vector<1x16xf32>,
        %get3A_1206 = vector.shape_cast %get3A_1205 : vector<1x16xf32> to vector<16xf32>
        %mul3A_1207 = arith.mulf %get3A_1206, %broadcast_in_dim3A_1140 : vector<16xf32>
        %swap3A_1208 = arith.index_cast %add3A_1202 : i32 to index
        %swap3A_1209 = arith.constant 80 : index
        %swap3A_1210 = tpu.vector_load %arg10[%swap3A_1208, %swap3A_1209] {strides = array<i32>} : memref<128x128xf32, #tpu.memory_space<vmem>>, vector<1x16xf32>,
        %swap3A_1211 = vector.shape_cast %swap3A_1210 : vector<1x16xf32> to vector<16xf32>
        %swap3A_1212 = vector.shape_cast %mul3A_1207 : vector<16xf32> to vector<1x16xf32>
        tpu.vector_store %arg10[%swap3A_1208, %swap3A_1209], %swap3A_1212 {strides = array<i32>} : memref<128x128xf32, #tpu.memory_space<vmem>>, vector<1x16xf32>,
        %add3A_1213 = arith.constant 11 : i32
        %add3A_1214 = arith.addi %mul3A_48, %add3A_1213 : i32
        %get3A_1215 = arith.index_cast %add3A_1214 : i32 to index
        %get3A_1216 = arith.constant 96 : index
        %get3A_1217 = tpu.vector_load %arg10[%get3A_1215, %get3A_1216] {strides = array<i32>} : memref<128x128xf32, #tpu.memory_space<vmem>>, vector<1x16xf32>,
        %get3A_1218 = vector.shape_cast %get3A_1217 : vector<1x16xf32> to vector<16xf32>
        %mul3A_1219 = arith.mulf %get3A_1218, %broadcast_in_dim3A_1140 : vector<16xf32>
        %swap3A_1220 = arith.index_cast %add3A_1214 : i32 to index
        %swap3A_1221 = arith.constant 96 : index
        %swap3A_1222 = tpu.vector_load %arg10[%swap3A_1220, %swap3A_1221] {strides = array<i32>} : memref<128x128xf32, #tpu.memory_space<vmem>>, vector<1x16xf32>,
        %swap3A_1223 = vector.shape_cast %swap3A_1222 : vector<1x16xf32> to vector<16xf32>
        %swap3A_1224 = vector.shape_cast %mul3A_1219 : vector<16xf32> to vector<1x16xf32>
        tpu.vector_store %arg10[%swap3A_1220, %swap3A_1221], %swap3A_1224 {strides = array<i32>} : memref<128x128xf32, #tpu.memory_space<vmem>>, vector<1x16xf32>,
        %add3A_1225 = arith.constant 11 : i32
        %add3A_1226 = arith.addi %mul3A_48, %add3A_1225 : i32
        %get3A_1227 = arith.index_cast %add3A_1226 : i32 to index
        %get3A_1228 = arith.constant 112 : index
        %get3A_1229 = tpu.vector_load %arg10[%get3A_1227, %get3A_1228] {strides = array<i32>} : memref<128x128xf32, #tpu.memory_space<vmem>>, vector<1x16xf32>,
        %get3A_1230 = vector.shape_cast %get3A_1229 : vector<1x16xf32> to vector<16xf32>
        %mul3A_1231 = arith.mulf %get3A_1230, %broadcast_in_dim3A_1140 : vector<16xf32>
        %swap3A_1232 = arith.index_cast %add3A_1226 : i32 to index
        %swap3A_1233 = arith.constant 112 : index
        %swap3A_1234 = tpu.vector_load %arg10[%swap3A_1232, %swap3A_1233] {strides = array<i32>} : memref<128x128xf32, #tpu.memory_space<vmem>>, vector<1x16xf32>,
        %swap3A_1235 = vector.shape_cast %swap3A_1234 : vector<1x16xf32> to vector<16xf32>
        %swap3A_1236 = vector.shape_cast %mul3A_1231 : vector<16xf32> to vector<1x16xf32>
        tpu.vector_store %arg10[%swap3A_1232, %swap3A_1233], %swap3A_1236 {strides = array<i32>} : memref<128x128xf32, #tpu.memory_space<vmem>>, vector<1x16xf32>,
        %slice3A_1237 = vector.extract_strided_slice %get3A_51 {offsets = [12], sizes = [1], strides = [1]} : vector<16xf32> to vector<1xf32>
        %squeeze3A_1238 = vector.extract %slice3A_1237[0] : f32 from vector<1xf32>
        %broadcast_in_dim3A_1239 = vector.broadcast %squeeze3A_1238 : f32 to vector<16xf32>
        %add3A_1240 = arith.constant 12 : i32
        %add3A_1241 = arith.addi %mul3A_48, %add3A_1240 : i32
        %get3A_1242 = arith.index_cast %add3A_1241 : i32 to index
        %get3A_1243 = arith.constant 0 : index
        %get3A_1244 = tpu.vector_load %arg10[%get3A_1242, %get3A_1243] {strides = array<i32>} : memref<128x128xf32, #tpu.memory_space<vmem>>, vector<1x16xf32>,
        %get3A_1245 = vector.shape_cast %get3A_1244 : vector<1x16xf32> to vector<16xf32>
        %mul3A_1246 = arith.mulf %get3A_1245, %broadcast_in_dim3A_1239 : vector<16xf32>
        %swap3A_1247 = arith.index_cast %add3A_1241 : i32 to index
        %swap3A_1248 = arith.constant 0 : index
        %swap3A_1249 = tpu.vector_load %arg10[%swap3A_1247, %swap3A_1248] {strides = array<i32>} : memref<128x128xf32, #tpu.memory_space<vmem>>, vector<1x16xf32>,
        %swap3A_1250 = vector.shape_cast %swap3A_1249 : vector<1x16xf32> to vector<16xf32>
        %swap3A_1251 = vector.shape_cast %mul3A_1246 : vector<16xf32> to vector<1x16xf32>
        tpu.vector_store %arg10[%swap3A_1247, %swap3A_1248], %swap3A_1251 {strides = array<i32>} : memref<128x128xf32, #tpu.memory_space<vmem>>, vector<1x16xf32>,
        %add3A_1252 = arith.constant 12 : i32
        %add3A_1253 = arith.addi %mul3A_48, %add3A_1252 : i32
        %get3A_1254 = arith.index_cast %add3A_1253 : i32 to index
        %get3A_1255 = arith.constant 16 : index
        %get3A_1256 = tpu.vector_load %arg10[%get3A_1254, %get3A_1255] {strides = array<i32>} : memref<128x128xf32, #tpu.memory_space<vmem>>, vector<1x16xf32>,
        %get3A_1257 = vector.shape_cast %get3A_1256 : vector<1x16xf32> to vector<16xf32>
        %mul3A_1258 = arith.mulf %get3A_1257, %broadcast_in_dim3A_1239 : vector<16xf32>
        %swap3A_1259 = arith.index_cast %add3A_1253 : i32 to index
        %swap3A_1260 = arith.constant 16 : index
        %swap3A_1261 = tpu.vector_load %arg10[%swap3A_1259, %swap3A_1260] {strides = array<i32>} : memref<128x128xf32, #tpu.memory_space<vmem>>, vector<1x16xf32>,
        %swap3A_1262 = vector.shape_cast %swap3A_1261 : vector<1x16xf32> to vector<16xf32>
        %swap3A_1263 = vector.shape_cast %mul3A_1258 : vector<16xf32> to vector<1x16xf32>
        tpu.vector_store %arg10[%swap3A_1259, %swap3A_1260], %swap3A_1263 {strides = array<i32>} : memref<128x128xf32, #tpu.memory_space<vmem>>, vector<1x16xf32>,
        %add3A_1264 = arith.constant 12 : i32
        %add3A_1265 = arith.addi %mul3A_48, %add3A_1264 : i32
        %get3A_1266 = arith.index_cast %add3A_1265 : i32 to index
        %get3A_1267 = arith.constant 32 : index
        %get3A_1268 = tpu.vector_load %arg10[%get3A_1266, %get3A_1267] {strides = array<i32>} : memref<128x128xf32, #tpu.memory_space<vmem>>, vector<1x16xf32>,
        %get3A_1269 = vector.shape_cast %get3A_1268 : vector<1x16xf32> to vector<16xf32>
        %mul3A_1270 = arith.mulf %get3A_1269, %broadcast_in_dim3A_1239 : vector<16xf32>
        %swap3A_1271 = arith.index_cast %add3A_1265 : i32 to index
        %swap3A_1272 = arith.constant 32 : index
        %swap3A_1273 = tpu.vector_load %arg10[%swap3A_1271, %swap3A_1272] {strides = array<i32>} : memref<128x128xf32, #tpu.memory_space<vmem>>, vector<1x16xf32>,
        %swap3A_1274 = vector.shape_cast %swap3A_1273 : vector<1x16xf32> to vector<16xf32>
        %swap3A_1275 = vector.shape_cast %mul3A_1270 : vector<16xf32> to vector<1x16xf32>
        tpu.vector_store %arg10[%swap3A_1271, %swap3A_1272], %swap3A_1275 {strides = array<i32>} : memref<128x128xf32, #tpu.memory_space<vmem>>, vector<1x16xf32>,
        %add3A_1276 = arith.constant 12 : i32
        %add3A_1277 = arith.addi %mul3A_48, %add3A_1276 : i32
        %get3A_1278 = arith.index_cast %add3A_1277 : i32 to index
        %get3A_1279 = arith.constant 48 : index
        %get3A_1280 = tpu.vector_load %arg10[%get3A_1278, %get3A_1279] {strides = array<i32>} : memref<128x128xf32, #tpu.memory_space<vmem>>, vector<1x16xf32>,
        %get3A_1281 = vector.shape_cast %get3A_1280 : vector<1x16xf32> to vector<16xf32>
        %mul3A_1282 = arith.mulf %get3A_1281, %broadcast_in_dim3A_1239 : vector<16xf32>
        %swap3A_1283 = arith.index_cast %add3A_1277 : i32 to index
        %swap3A_1284 = arith.constant 48 : index
        %swap3A_1285 = tpu.vector_load %arg10[%swap3A_1283, %swap3A_1284] {strides = array<i32>} : memref<128x128xf32, #tpu.memory_space<vmem>>, vector<1x16xf32>,
        %swap3A_1286 = vector.shape_cast %swap3A_1285 : vector<1x16xf32> to vector<16xf32>
        %swap3A_1287 = vector.shape_cast %mul3A_1282 : vector<16xf32> to vector<1x16xf32>
        tpu.vector_store %arg10[%swap3A_1283, %swap3A_1284], %swap3A_1287 {strides = array<i32>} : memref<128x128xf32, #tpu.memory_space<vmem>>, vector<1x16xf32>,
        %add3A_1288 = arith.constant 12 : i32
        %add3A_1289 = arith.addi %mul3A_48, %add3A_1288 : i32
        %get3A_1290 = arith.index_cast %add3A_1289 : i32 to index
        %get3A_1291 = arith.constant 64 : index
        %get3A_1292 = tpu.vector_load %arg10[%get3A_1290, %get3A_1291] {strides = array<i32>} : memref<128x128xf32, #tpu.memory_space<vmem>>, vector<1x16xf32>,
        %get3A_1293 = vector.shape_cast %get3A_1292 : vector<1x16xf32> to vector<16xf32>
        %mul3A_1294 = arith.mulf %get3A_1293, %broadcast_in_dim3A_1239 : vector<16xf32>
        %swap3A_1295 = arith.index_cast %add3A_1289 : i32 to index
        %swap3A_1296 = arith.constant 64 : index
        %swap3A_1297 = tpu.vector_load %arg10[%swap3A_1295, %swap3A_1296] {strides = array<i32>} : memref<128x128xf32, #tpu.memory_space<vmem>>, vector<1x16xf32>,
        %swap3A_1298 = vector.shape_cast %swap3A_1297 : vector<1x16xf32> to vector<16xf32>
        %swap3A_1299 = vector.shape_cast %mul3A_1294 : vector<16xf32> to vector<1x16xf32>
        tpu.vector_store %arg10[%swap3A_1295, %swap3A_1296], %swap3A_1299 {strides = array<i32>} : memref<128x128xf32, #tpu.memory_space<vmem>>, vector<1x16xf32>,
        %add3A_1300 = arith.constant 12 : i32
        %add3A_1301 = arith.addi %mul3A_48, %add3A_1300 : i32
        %get3A_1302 = arith.index_cast %add3A_1301 : i32 to index
        %get3A_1303 = arith.constant 80 : index
        %get3A_1304 = tpu.vector_load %arg10[%get3A_1302, %get3A_1303] {strides = array<i32>} : memref<128x128xf32, #tpu.memory_space<vmem>>, vector<1x16xf32>,
        %get3A_1305 = vector.shape_cast %get3A_1304 : vector<1x16xf32> to vector<16xf32>
        %mul3A_1306 = arith.mulf %get3A_1305, %broadcast_in_dim3A_1239 : vector<16xf32>
        %swap3A_1307 = arith.index_cast %add3A_1301 : i32 to index
        %swap3A_1308 = arith.constant 80 : index
        %swap3A_1309 = tpu.vector_load %arg10[%swap3A_1307, %swap3A_1308] {strides = array<i32>} : memref<128x128xf32, #tpu.memory_space<vmem>>, vector<1x16xf32>,
        %swap3A_1310 = vector.shape_cast %swap3A_1309 : vector<1x16xf32> to vector<16xf32>
        %swap3A_1311 = vector.shape_cast %mul3A_1306 : vector<16xf32> to vector<1x16xf32>
        tpu.vector_store %arg10[%swap3A_1307, %swap3A_1308], %swap3A_1311 {strides = array<i32>} : memref<128x128xf32, #tpu.memory_space<vmem>>, vector<1x16xf32>,
        %add3A_1312 = arith.constant 12 : i32
        %add3A_1313 = arith.addi %mul3A_48, %add3A_1312 : i32
        %get3A_1314 = arith.index_cast %add3A_1313 : i32 to index
        %get3A_1315 = arith.constant 96 : index
        %get3A_1316 = tpu.vector_load %arg10[%get3A_1314, %get3A_1315] {strides = array<i32>} : memref<128x128xf32, #tpu.memory_space<vmem>>, vector<1x16xf32>,
        %get3A_1317 = vector.shape_cast %get3A_1316 : vector<1x16xf32> to vector<16xf32>
        %mul3A_1318 = arith.mulf %get3A_1317, %broadcast_in_dim3A_1239 : vector<16xf32>
        %swap3A_1319 = arith.index_cast %add3A_1313 : i32 to index
        %swap3A_1320 = arith.constant 96 : index
        %swap3A_1321 = tpu.vector_load %arg10[%swap3A_1319, %swap3A_1320] {strides = array<i32>} : memref<128x128xf32, #tpu.memory_space<vmem>>, vector<1x16xf32>,
        %swap3A_1322 = vector.shape_cast %swap3A_1321 : vector<1x16xf32> to vector<16xf32>
        %swap3A_1323 = vector.shape_cast %mul3A_1318 : vector<16xf32> to vector<1x16xf32>
        tpu.vector_store %arg10[%swap3A_1319, %swap3A_1320], %swap3A_1323 {strides = array<i32>} : memref<128x128xf32, #tpu.memory_space<vmem>>, vector<1x16xf32>,
        %add3A_1324 = arith.constant 12 : i32
        %add3A_1325 = arith.addi %mul3A_48, %add3A_1324 : i32
        %get3A_1326 = arith.index_cast %add3A_1325 : i32 to index
        %get3A_1327 = arith.constant 112 : index
        %get3A_1328 = tpu.vector_load %arg10[%get3A_1326, %get3A_1327] {strides = array<i32>} : memref<128x128xf32, #tpu.memory_space<vmem>>, vector<1x16xf32>,
        %get3A_1329 = vector.shape_cast %get3A_1328 : vector<1x16xf32> to vector<16xf32>
        %mul3A_1330 = arith.mulf %get3A_1329, %broadcast_in_dim3A_1239 : vector<16xf32>
        %swap3A_1331 = arith.index_cast %add3A_1325 : i32 to index
        %swap3A_1332 = arith.constant 112 : index
        %swap3A_1333 = tpu.vector_load %arg10[%swap3A_1331, %swap3A_1332] {strides = array<i32>} : memref<128x128xf32, #tpu.memory_space<vmem>>, vector<1x16xf32>,
        %swap3A_1334 = vector.shape_cast %swap3A_1333 : vector<1x16xf32> to vector<16xf32>
        %swap3A_1335 = vector.shape_cast %mul3A_1330 : vector<16xf32> to vector<1x16xf32>
        tpu.vector_store %arg10[%swap3A_1331, %swap3A_1332], %swap3A_1335 {strides = array<i32>} : memref<128x128xf32, #tpu.memory_space<vmem>>, vector<1x16xf32>,
        %slice3A_1336 = vector.extract_strided_slice %get3A_51 {offsets = [13], sizes = [1], strides = [1]} : vector<16xf32> to vector<1xf32>
        %squeeze3A_1337 = vector.extract %slice3A_1336[0] : f32 from vector<1xf32>
        %broadcast_in_dim3A_1338 = vector.broadcast %squeeze3A_1337 : f32 to vector<16xf32>
        %add3A_1339 = arith.constant 13 : i32
        %add3A_1340 = arith.addi %mul3A_48, %add3A_1339 : i32
        %get3A_1341 = arith.index_cast %add3A_1340 : i32 to index
        %get3A_1342 = arith.constant 0 : index
        %get3A_1343 = tpu.vector_load %arg10[%get3A_1341, %get3A_1342] {strides = array<i32>} : memref<128x128xf32, #tpu.memory_space<vmem>>, vector<1x16xf32>,
        %get3A_1344 = vector.shape_cast %get3A_1343 : vector<1x16xf32> to vector<16xf32>
        %mul3A_1345 = arith.mulf %get3A_1344, %broadcast_in_dim3A_1338 : vector<16xf32>
        %swap3A_1346 = arith.index_cast %add3A_1340 : i32 to index
        %swap3A_1347 = arith.constant 0 : index
        %swap3A_1348 = tpu.vector_load %arg10[%swap3A_1346, %swap3A_1347] {strides = array<i32>} : memref<128x128xf32, #tpu.memory_space<vmem>>, vector<1x16xf32>,
        %swap3A_1349 = vector.shape_cast %swap3A_1348 : vector<1x16xf32> to vector<16xf32>
        %swap3A_1350 = vector.shape_cast %mul3A_1345 : vector<16xf32> to vector<1x16xf32>
        tpu.vector_store %arg10[%swap3A_1346, %swap3A_1347], %swap3A_1350 {strides = array<i32>} : memref<128x128xf32, #tpu.memory_space<vmem>>, vector<1x16xf32>,
        %add3A_1351 = arith.constant 13 : i32
        %add3A_1352 = arith.addi %mul3A_48, %add3A_1351 : i32
        %get3A_1353 = arith.index_cast %add3A_1352 : i32 to index
        %get3A_1354 = arith.constant 16 : index
        %get3A_1355 = tpu.vector_load %arg10[%get3A_1353, %get3A_1354] {strides = array<i32>} : memref<128x128xf32, #tpu.memory_space<vmem>>, vector<1x16xf32>,
        %get3A_1356 = vector.shape_cast %get3A_1355 : vector<1x16xf32> to vector<16xf32>
        %mul3A_1357 = arith.mulf %get3A_1356, %broadcast_in_dim3A_1338 : vector<16xf32>
        %swap3A_1358 = arith.index_cast %add3A_1352 : i32 to index
        %swap3A_1359 = arith.constant 16 : index
        %swap3A_1360 = tpu.vector_load %arg10[%swap3A_1358, %swap3A_1359] {strides = array<i32>} : memref<128x128xf32, #tpu.memory_space<vmem>>, vector<1x16xf32>,
        %swap3A_1361 = vector.shape_cast %swap3A_1360 : vector<1x16xf32> to vector<16xf32>
        %swap3A_1362 = vector.shape_cast %mul3A_1357 : vector<16xf32> to vector<1x16xf32>
        tpu.vector_store %arg10[%swap3A_1358, %swap3A_1359], %swap3A_1362 {strides = array<i32>} : memref<128x128xf32, #tpu.memory_space<vmem>>, vector<1x16xf32>,
        %add3A_1363 = arith.constant 13 : i32
        %add3A_1364 = arith.addi %mul3A_48, %add3A_1363 : i32
        %get3A_1365 = arith.index_cast %add3A_1364 : i32 to index
        %get3A_1366 = arith.constant 32 : index
        %get3A_1367 = tpu.vector_load %arg10[%get3A_1365, %get3A_1366] {strides = array<i32>} : memref<128x128xf32, #tpu.memory_space<vmem>>, vector<1x16xf32>,
        %get3A_1368 = vector.shape_cast %get3A_1367 : vector<1x16xf32> to vector<16xf32>
        %mul3A_1369 = arith.mulf %get3A_1368, %broadcast_in_dim3A_1338 : vector<16xf32>
        %swap3A_1370 = arith.index_cast %add3A_1364 : i32 to index
        %swap3A_1371 = arith.constant 32 : index
        %swap3A_1372 = tpu.vector_load %arg10[%swap3A_1370, %swap3A_1371] {strides = array<i32>} : memref<128x128xf32, #tpu.memory_space<vmem>>, vector<1x16xf32>,
        %swap3A_1373 = vector.shape_cast %swap3A_1372 : vector<1x16xf32> to vector<16xf32>
        %swap3A_1374 = vector.shape_cast %mul3A_1369 : vector<16xf32> to vector<1x16xf32>
        tpu.vector_store %arg10[%swap3A_1370, %swap3A_1371], %swap3A_1374 {strides = array<i32>} : memref<128x128xf32, #tpu.memory_space<vmem>>, vector<1x16xf32>,
        %add3A_1375 = arith.constant 13 : i32
        %add3A_1376 = arith.addi %mul3A_48, %add3A_1375 : i32
        %get3A_1377 = arith.index_cast %add3A_1376 : i32 to index
        %get3A_1378 = arith.constant 48 : index
        %get3A_1379 = tpu.vector_load %arg10[%get3A_1377, %get3A_1378] {strides = array<i32>} : memref<128x128xf32, #tpu.memory_space<vmem>>, vector<1x16xf32>,
        %get3A_1380 = vector.shape_cast %get3A_1379 : vector<1x16xf32> to vector<16xf32>
        %mul3A_1381 = arith.mulf %get3A_1380, %broadcast_in_dim3A_1338 : vector<16xf32>
        %swap3A_1382 = arith.index_cast %add3A_1376 : i32 to index
        %swap3A_1383 = arith.constant 48 : index
        %swap3A_1384 = tpu.vector_load %arg10[%swap3A_1382, %swap3A_1383] {strides = array<i32>} : memref<128x128xf32, #tpu.memory_space<vmem>>, vector<1x16xf32>,
        %swap3A_1385 = vector.shape_cast %swap3A_1384 : vector<1x16xf32> to vector<16xf32>
        %swap3A_1386 = vector.shape_cast %mul3A_1381 : vector<16xf32> to vector<1x16xf32>
        tpu.vector_store %arg10[%swap3A_1382, %swap3A_1383], %swap3A_1386 {strides = array<i32>} : memref<128x128xf32, #tpu.memory_space<vmem>>, vector<1x16xf32>,
        %add3A_1387 = arith.constant 13 : i32
        %add3A_1388 = arith.addi %mul3A_48, %add3A_1387 : i32
        %get3A_1389 = arith.index_cast %add3A_1388 : i32 to index
        %get3A_1390 = arith.constant 64 : index
        %get3A_1391 = tpu.vector_load %arg10[%get3A_1389, %get3A_1390] {strides = array<i32>} : memref<128x128xf32, #tpu.memory_space<vmem>>, vector<1x16xf32>,
        %get3A_1392 = vector.shape_cast %get3A_1391 : vector<1x16xf32> to vector<16xf32>
        %mul3A_1393 = arith.mulf %get3A_1392, %broadcast_in_dim3A_1338 : vector<16xf32>
        %swap3A_1394 = arith.index_cast %add3A_1388 : i32 to index
        %swap3A_1395 = arith.constant 64 : index
        %swap3A_1396 = tpu.vector_load %arg10[%swap3A_1394, %swap3A_1395] {strides = array<i32>} : memref<128x128xf32, #tpu.memory_space<vmem>>, vector<1x16xf32>,
        %swap3A_1397 = vector.shape_cast %swap3A_1396 : vector<1x16xf32> to vector<16xf32>
        %swap3A_1398 = vector.shape_cast %mul3A_1393 : vector<16xf32> to vector<1x16xf32>
        tpu.vector_store %arg10[%swap3A_1394, %swap3A_1395], %swap3A_1398 {strides = array<i32>} : memref<128x128xf32, #tpu.memory_space<vmem>>, vector<1x16xf32>,
        %add3A_1399 = arith.constant 13 : i32
        %add3A_1400 = arith.addi %mul3A_48, %add3A_1399 : i32
        %get3A_1401 = arith.index_cast %add3A_1400 : i32 to index
        %get3A_1402 = arith.constant 80 : index
        %get3A_1403 = tpu.vector_load %arg10[%get3A_1401, %get3A_1402] {strides = array<i32>} : memref<128x128xf32, #tpu.memory_space<vmem>>, vector<1x16xf32>,
        %get3A_1404 = vector.shape_cast %get3A_1403 : vector<1x16xf32> to vector<16xf32>
        %mul3A_1405 = arith.mulf %get3A_1404, %broadcast_in_dim3A_1338 : vector<16xf32>
        %swap3A_1406 = arith.index_cast %add3A_1400 : i32 to index
        %swap3A_1407 = arith.constant 80 : index
        %swap3A_1408 = tpu.vector_load %arg10[%swap3A_1406, %swap3A_1407] {strides = array<i32>} : memref<128x128xf32, #tpu.memory_space<vmem>>, vector<1x16xf32>,
        %swap3A_1409 = vector.shape_cast %swap3A_1408 : vector<1x16xf32> to vector<16xf32>
        %swap3A_1410 = vector.shape_cast %mul3A_1405 : vector<16xf32> to vector<1x16xf32>
        tpu.vector_store %arg10[%swap3A_1406, %swap3A_1407], %swap3A_1410 {strides = array<i32>} : memref<128x128xf32, #tpu.memory_space<vmem>>, vector<1x16xf32>,
        %add3A_1411 = arith.constant 13 : i32
        %add3A_1412 = arith.addi %mul3A_48, %add3A_1411 : i32
        %get3A_1413 = arith.index_cast %add3A_1412 : i32 to index
        %get3A_1414 = arith.constant 96 : index
        %get3A_1415 = tpu.vector_load %arg10[%get3A_1413, %get3A_1414] {strides = array<i32>} : memref<128x128xf32, #tpu.memory_space<vmem>>, vector<1x16xf32>,
        %get3A_1416 = vector.shape_cast %get3A_1415 : vector<1x16xf32> to vector<16xf32>
        %mul3A_1417 = arith.mulf %get3A_1416, %broadcast_in_dim3A_1338 : vector<16xf32>
        %swap3A_1418 = arith.index_cast %add3A_1412 : i32 to index
        %swap3A_1419 = arith.constant 96 : index
        %swap3A_1420 = tpu.vector_load %arg10[%swap3A_1418, %swap3A_1419] {strides = array<i32>} : memref<128x128xf32, #tpu.memory_space<vmem>>, vector<1x16xf32>,
        %swap3A_1421 = vector.shape_cast %swap3A_1420 : vector<1x16xf32> to vector<16xf32>
        %swap3A_1422 = vector.shape_cast %mul3A_1417 : vector<16xf32> to vector<1x16xf32>
        tpu.vector_store %arg10[%swap3A_1418, %swap3A_1419], %swap3A_1422 {strides = array<i32>} : memref<128x128xf32, #tpu.memory_space<vmem>>, vector<1x16xf32>,
        %add3A_1423 = arith.constant 13 : i32
        %add3A_1424 = arith.addi %mul3A_48, %add3A_1423 : i32
        %get3A_1425 = arith.index_cast %add3A_1424 : i32 to index
        %get3A_1426 = arith.constant 112 : index
        %get3A_1427 = tpu.vector_load %arg10[%get3A_1425, %get3A_1426] {strides = array<i32>} : memref<128x128xf32, #tpu.memory_space<vmem>>, vector<1x16xf32>,
        %get3A_1428 = vector.shape_cast %get3A_1427 : vector<1x16xf32> to vector<16xf32>
        %mul3A_1429 = arith.mulf %get3A_1428, %broadcast_in_dim3A_1338 : vector<16xf32>
        %swap3A_1430 = arith.index_cast %add3A_1424 : i32 to index
        %swap3A_1431 = arith.constant 112 : index
        %swap3A_1432 = tpu.vector_load %arg10[%swap3A_1430, %swap3A_1431] {strides = array<i32>} : memref<128x128xf32, #tpu.memory_space<vmem>>, vector<1x16xf32>,
        %swap3A_1433 = vector.shape_cast %swap3A_1432 : vector<1x16xf32> to vector<16xf32>
        %swap3A_1434 = vector.shape_cast %mul3A_1429 : vector<16xf32> to vector<1x16xf32>
        tpu.vector_store %arg10[%swap3A_1430, %swap3A_1431], %swap3A_1434 {strides = array<i32>} : memref<128x128xf32, #tpu.memory_space<vmem>>, vector<1x16xf32>,
        %slice3A_1435 = vector.extract_strided_slice %get3A_51 {offsets = [14], sizes = [1], strides = [1]} : vector<16xf32> to vector<1xf32>
        %squeeze3A_1436 = vector.extract %slice3A_1435[0] : f32 from vector<1xf32>
        %broadcast_in_dim3A_1437 = vector.broadcast %squeeze3A_1436 : f32 to vector<16xf32>
        %add3A_1438 = arith.constant 14 : i32
        %add3A_1439 = arith.addi %mul3A_48, %add3A_1438 : i32
        %get3A_1440 = arith.index_cast %add3A_1439 : i32 to index
        %get3A_1441 = arith.constant 0 : index
        %get3A_1442 = tpu.vector_load %arg10[%get3A_1440, %get3A_1441] {strides = array<i32>} : memref<128x128xf32, #tpu.memory_space<vmem>>, vector<1x16xf32>,
        %get3A_1443 = vector.shape_cast %get3A_1442 : vector<1x16xf32> to vector<16xf32>
        %mul3A_1444 = arith.mulf %get3A_1443, %broadcast_in_dim3A_1437 : vector<16xf32>
        %swap3A_1445 = arith.index_cast %add3A_1439 : i32 to index
        %swap3A_1446 = arith.constant 0 : index
        %swap3A_1447 = tpu.vector_load %arg10[%swap3A_1445, %swap3A_1446] {strides = array<i32>} : memref<128x128xf32, #tpu.memory_space<vmem>>, vector<1x16xf32>,
        %swap3A_1448 = vector.shape_cast %swap3A_1447 : vector<1x16xf32> to vector<16xf32>
        %swap3A_1449 = vector.shape_cast %mul3A_1444 : vector<16xf32> to vector<1x16xf32>
        tpu.vector_store %arg10[%swap3A_1445, %swap3A_1446], %swap3A_1449 {strides = array<i32>} : memref<128x128xf32, #tpu.memory_space<vmem>>, vector<1x16xf32>,
        %add3A_1450 = arith.constant 14 : i32
        %add3A_1451 = arith.addi %mul3A_48, %add3A_1450 : i32
        %get3A_1452 = arith.index_cast %add3A_1451 : i32 to index
        %get3A_1453 = arith.constant 16 : index
        %get3A_1454 = tpu.vector_load %arg10[%get3A_1452, %get3A_1453] {strides = array<i32>} : memref<128x128xf32, #tpu.memory_space<vmem>>, vector<1x16xf32>,
        %get3A_1455 = vector.shape_cast %get3A_1454 : vector<1x16xf32> to vector<16xf32>
        %mul3A_1456 = arith.mulf %get3A_1455, %broadcast_in_dim3A_1437 : vector<16xf32>
        %swap3A_1457 = arith.index_cast %add3A_1451 : i32 to index
        %swap3A_1458 = arith.constant 16 : index
        %swap3A_1459 = tpu.vector_load %arg10[%swap3A_1457, %swap3A_1458] {strides = array<i32>} : memref<128x128xf32, #tpu.memory_space<vmem>>, vector<1x16xf32>,
        %swap3A_1460 = vector.shape_cast %swap3A_1459 : vector<1x16xf32> to vector<16xf32>
        %swap3A_1461 = vector.shape_cast %mul3A_1456 : vector<16xf32> to vector<1x16xf32>
        tpu.vector_store %arg10[%swap3A_1457, %swap3A_1458], %swap3A_1461 {strides = array<i32>} : memref<128x128xf32, #tpu.memory_space<vmem>>, vector<1x16xf32>,
        %add3A_1462 = arith.constant 14 : i32
        %add3A_1463 = arith.addi %mul3A_48, %add3A_1462 : i32
        %get3A_1464 = arith.index_cast %add3A_1463 : i32 to index
        %get3A_1465 = arith.constant 32 : index
        %get3A_1466 = tpu.vector_load %arg10[%get3A_1464, %get3A_1465] {strides = array<i32>} : memref<128x128xf32, #tpu.memory_space<vmem>>, vector<1x16xf32>,
        %get3A_1467 = vector.shape_cast %get3A_1466 : vector<1x16xf32> to vector<16xf32>
        %mul3A_1468 = arith.mulf %get3A_1467, %broadcast_in_dim3A_1437 : vector<16xf32>
        %swap3A_1469 = arith.index_cast %add3A_1463 : i32 to index
        %swap3A_1470 = arith.constant 32 : index
        %swap3A_1471 = tpu.vector_load %arg10[%swap3A_1469, %swap3A_1470] {strides = array<i32>} : memref<128x128xf32, #tpu.memory_space<vmem>>, vector<1x16xf32>,
        %swap3A_1472 = vector.shape_cast %swap3A_1471 : vector<1x16xf32> to vector<16xf32>
        %swap3A_1473 = vector.shape_cast %mul3A_1468 : vector<16xf32> to vector<1x16xf32>
        tpu.vector_store %arg10[%swap3A_1469, %swap3A_1470], %swap3A_1473 {strides = array<i32>} : memref<128x128xf32, #tpu.memory_space<vmem>>, vector<1x16xf32>,
        %add3A_1474 = arith.constant 14 : i32
        %add3A_1475 = arith.addi %mul3A_48, %add3A_1474 : i32
        %get3A_1476 = arith.index_cast %add3A_1475 : i32 to index
        %get3A_1477 = arith.constant 48 : index
        %get3A_1478 = tpu.vector_load %arg10[%get3A_1476, %get3A_1477] {strides = array<i32>} : memref<128x128xf32, #tpu.memory_space<vmem>>, vector<1x16xf32>,
        %get3A_1479 = vector.shape_cast %get3A_1478 : vector<1x16xf32> to vector<16xf32>
        %mul3A_1480 = arith.mulf %get3A_1479, %broadcast_in_dim3A_1437 : vector<16xf32>
        %swap3A_1481 = arith.index_cast %add3A_1475 : i32 to index
        %swap3A_1482 = arith.constant 48 : index
        %swap3A_1483 = tpu.vector_load %arg10[%swap3A_1481, %swap3A_1482] {strides = array<i32>} : memref<128x128xf32, #tpu.memory_space<vmem>>, vector<1x16xf32>,
        %swap3A_1484 = vector.shape_cast %swap3A_1483 : vector<1x16xf32> to vector<16xf32>
        %swap3A_1485 = vector.shape_cast %mul3A_1480 : vector<16xf32> to vector<1x16xf32>
        tpu.vector_store %arg10[%swap3A_1481, %swap3A_1482], %swap3A_1485 {strides = array<i32>} : memref<128x128xf32, #tpu.memory_space<vmem>>, vector<1x16xf32>,
        %add3A_1486 = arith.constant 14 : i32
        %add3A_1487 = arith.addi %mul3A_48, %add3A_1486 : i32
        %get3A_1488 = arith.index_cast %add3A_1487 : i32 to index
        %get3A_1489 = arith.constant 64 : index
        %get3A_1490 = tpu.vector_load %arg10[%get3A_1488, %get3A_1489] {strides = array<i32>} : memref<128x128xf32, #tpu.memory_space<vmem>>, vector<1x16xf32>,
        %get3A_1491 = vector.shape_cast %get3A_1490 : vector<1x16xf32> to vector<16xf32>
        %mul3A_1492 = arith.mulf %get3A_1491, %broadcast_in_dim3A_1437 : vector<16xf32>
        %swap3A_1493 = arith.index_cast %add3A_1487 : i32 to index
        %swap3A_1494 = arith.constant 64 : index
        %swap3A_1495 = tpu.vector_load %arg10[%swap3A_1493, %swap3A_1494] {strides = array<i32>} : memref<128x128xf32, #tpu.memory_space<vmem>>, vector<1x16xf32>,
        %swap3A_1496 = vector.shape_cast %swap3A_1495 : vector<1x16xf32> to vector<16xf32>
        %swap3A_1497 = vector.shape_cast %mul3A_1492 : vector<16xf32> to vector<1x16xf32>
        tpu.vector_store %arg10[%swap3A_1493, %swap3A_1494], %swap3A_1497 {strides = array<i32>} : memref<128x128xf32, #tpu.memory_space<vmem>>, vector<1x16xf32>,
        %add3A_1498 = arith.constant 14 : i32
        %add3A_1499 = arith.addi %mul3A_48, %add3A_1498 : i32
        %get3A_1500 = arith.index_cast %add3A_1499 : i32 to index
        %get3A_1501 = arith.constant 80 : index
        %get3A_1502 = tpu.vector_load %arg10[%get3A_1500, %get3A_1501] {strides = array<i32>} : memref<128x128xf32, #tpu.memory_space<vmem>>, vector<1x16xf32>,
        %get3A_1503 = vector.shape_cast %get3A_1502 : vector<1x16xf32> to vector<16xf32>
        %mul3A_1504 = arith.mulf %get3A_1503, %broadcast_in_dim3A_1437 : vector<16xf32>
        %swap3A_1505 = arith.index_cast %add3A_1499 : i32 to index
        %swap3A_1506 = arith.constant 80 : index
        %swap3A_1507 = tpu.vector_load %arg10[%swap3A_1505, %swap3A_1506] {strides = array<i32>} : memref<128x128xf32, #tpu.memory_space<vmem>>, vector<1x16xf32>,
        %swap3A_1508 = vector.shape_cast %swap3A_1507 : vector<1x16xf32> to vector<16xf32>
        %swap3A_1509 = vector.shape_cast %mul3A_1504 : vector<16xf32> to vector<1x16xf32>
        tpu.vector_store %arg10[%swap3A_1505, %swap3A_1506], %swap3A_1509 {strides = array<i32>} : memref<128x128xf32, #tpu.memory_space<vmem>>, vector<1x16xf32>,
        %add3A_1510 = arith.constant 14 : i32
        %add3A_1511 = arith.addi %mul3A_48, %add3A_1510 : i32
        %get3A_1512 = arith.index_cast %add3A_1511 : i32 to index
        %get3A_1513 = arith.constant 96 : index
        %get3A_1514 = tpu.vector_load %arg10[%get3A_1512, %get3A_1513] {strides = array<i32>} : memref<128x128xf32, #tpu.memory_space<vmem>>, vector<1x16xf32>,
        %get3A_1515 = vector.shape_cast %get3A_1514 : vector<1x16xf32> to vector<16xf32>
        %mul3A_1516 = arith.mulf %get3A_1515, %broadcast_in_dim3A_1437 : vector<16xf32>
        %swap3A_1517 = arith.index_cast %add3A_1511 : i32 to index
        %swap3A_1518 = arith.constant 96 : index
        %swap3A_1519 = tpu.vector_load %arg10[%swap3A_1517, %swap3A_1518] {strides = array<i32>} : memref<128x128xf32, #tpu.memory_space<vmem>>, vector<1x16xf32>,
        %swap3A_1520 = vector.shape_cast %swap3A_1519 : vector<1x16xf32> to vector<16xf32>
        %swap3A_1521 = vector.shape_cast %mul3A_1516 : vector<16xf32> to vector<1x16xf32>
        tpu.vector_store %arg10[%swap3A_1517, %swap3A_1518], %swap3A_1521 {strides = array<i32>} : memref<128x128xf32, #tpu.memory_space<vmem>>, vector<1x16xf32>,
        %add3A_1522 = arith.constant 14 : i32
        %add3A_1523 = arith.addi %mul3A_48, %add3A_1522 : i32
        %get3A_1524 = arith.index_cast %add3A_1523 : i32 to index
        %get3A_1525 = arith.constant 112 : index
        %get3A_1526 = tpu.vector_load %arg10[%get3A_1524, %get3A_1525] {strides = array<i32>} : memref<128x128xf32, #tpu.memory_space<vmem>>, vector<1x16xf32>,
        %get3A_1527 = vector.shape_cast %get3A_1526 : vector<1x16xf32> to vector<16xf32>
        %mul3A_1528 = arith.mulf %get3A_1527, %broadcast_in_dim3A_1437 : vector<16xf32>
        %swap3A_1529 = arith.index_cast %add3A_1523 : i32 to index
        %swap3A_1530 = arith.constant 112 : index
        %swap3A_1531 = tpu.vector_load %arg10[%swap3A_1529, %swap3A_1530] {strides = array<i32>} : memref<128x128xf32, #tpu.memory_space<vmem>>, vector<1x16xf32>,
        %swap3A_1532 = vector.shape_cast %swap3A_1531 : vector<1x16xf32> to vector<16xf32>
        %swap3A_1533 = vector.shape_cast %mul3A_1528 : vector<16xf32> to vector<1x16xf32>
        tpu.vector_store %arg10[%swap3A_1529, %swap3A_1530], %swap3A_1533 {strides = array<i32>} : memref<128x128xf32, #tpu.memory_space<vmem>>, vector<1x16xf32>,
        %slice3A_1534 = vector.extract_strided_slice %get3A_51 {offsets = [15], sizes = [1], strides = [1]} : vector<16xf32> to vector<1xf32>
        %squeeze3A_1535 = vector.extract %slice3A_1534[0] : f32 from vector<1xf32>
        %broadcast_in_dim3A_1536 = vector.broadcast %squeeze3A_1535 : f32 to vector<16xf32>
        %add3A_1537 = arith.constant 15 : i32
        %add3A_1538 = arith.addi %mul3A_48, %add3A_1537 : i32
        %get3A_1539 = arith.index_cast %add3A_1538 : i32 to index
        %get3A_1540 = arith.constant 0 : index
        %get3A_1541 = tpu.vector_load %arg10[%get3A_1539, %get3A_1540] {strides = array<i32>} : memref<128x128xf32, #tpu.memory_space<vmem>>, vector<1x16xf32>,
        %get3A_1542 = vector.shape_cast %get3A_1541 : vector<1x16xf32> to vector<16xf32>
        %mul3A_1543 = arith.mulf %get3A_1542, %broadcast_in_dim3A_1536 : vector<16xf32>
        %swap3A_1544 = arith.index_cast %add3A_1538 : i32 to index
        %swap3A_1545 = arith.constant 0 : index
        %swap3A_1546 = tpu.vector_load %arg10[%swap3A_1544, %swap3A_1545] {strides = array<i32>} : memref<128x128xf32, #tpu.memory_space<vmem>>, vector<1x16xf32>,
        %swap3A_1547 = vector.shape_cast %swap3A_1546 : vector<1x16xf32> to vector<16xf32>
        %swap3A_1548 = vector.shape_cast %mul3A_1543 : vector<16xf32> to vector<1x16xf32>
        tpu.vector_store %arg10[%swap3A_1544, %swap3A_1545], %swap3A_1548 {strides = array<i32>} : memref<128x128xf32, #tpu.memory_space<vmem>>, vector<1x16xf32>,
        %add3A_1549 = arith.constant 15 : i32
        %add3A_1550 = arith.addi %mul3A_48, %add3A_1549 : i32
        %get3A_1551 = arith.index_cast %add3A_1550 : i32 to index
        %get3A_1552 = arith.constant 16 : index
        %get3A_1553 = tpu.vector_load %arg10[%get3A_1551, %get3A_1552] {strides = array<i32>} : memref<128x128xf32, #tpu.memory_space<vmem>>, vector<1x16xf32>,
        %get3A_1554 = vector.shape_cast %get3A_1553 : vector<1x16xf32> to vector<16xf32>
        %mul3A_1555 = arith.mulf %get3A_1554, %broadcast_in_dim3A_1536 : vector<16xf32>
        %swap3A_1556 = arith.index_cast %add3A_1550 : i32 to index
        %swap3A_1557 = arith.constant 16 : index
        %swap3A_1558 = tpu.vector_load %arg10[%swap3A_1556, %swap3A_1557] {strides = array<i32>} : memref<128x128xf32, #tpu.memory_space<vmem>>, vector<1x16xf32>,
        %swap3A_1559 = vector.shape_cast %swap3A_1558 : vector<1x16xf32> to vector<16xf32>
        %swap3A_1560 = vector.shape_cast %mul3A_1555 : vector<16xf32> to vector<1x16xf32>
        tpu.vector_store %arg10[%swap3A_1556, %swap3A_1557], %swap3A_1560 {strides = array<i32>} : memref<128x128xf32, #tpu.memory_space<vmem>>, vector<1x16xf32>,
        %add3A_1561 = arith.constant 15 : i32
        %add3A_1562 = arith.addi %mul3A_48, %add3A_1561 : i32
        %get3A_1563 = arith.index_cast %add3A_1562 : i32 to index
        %get3A_1564 = arith.constant 32 : index
        %get3A_1565 = tpu.vector_load %arg10[%get3A_1563, %get3A_1564] {strides = array<i32>} : memref<128x128xf32, #tpu.memory_space<vmem>>, vector<1x16xf32>,
        %get3A_1566 = vector.shape_cast %get3A_1565 : vector<1x16xf32> to vector<16xf32>
        %mul3A_1567 = arith.mulf %get3A_1566, %broadcast_in_dim3A_1536 : vector<16xf32>
        %swap3A_1568 = arith.index_cast %add3A_1562 : i32 to index
        %swap3A_1569 = arith.constant 32 : index
        %swap3A_1570 = tpu.vector_load %arg10[%swap3A_1568, %swap3A_1569] {strides = array<i32>} : memref<128x128xf32, #tpu.memory_space<vmem>>, vector<1x16xf32>,
        %swap3A_1571 = vector.shape_cast %swap3A_1570 : vector<1x16xf32> to vector<16xf32>
        %swap3A_1572 = vector.shape_cast %mul3A_1567 : vector<16xf32> to vector<1x16xf32>
        tpu.vector_store %arg10[%swap3A_1568, %swap3A_1569], %swap3A_1572 {strides = array<i32>} : memref<128x128xf32, #tpu.memory_space<vmem>>, vector<1x16xf32>,
        %add3A_1573 = arith.constant 15 : i32
        %add3A_1574 = arith.addi %mul3A_48, %add3A_1573 : i32
        %get3A_1575 = arith.index_cast %add3A_1574 : i32 to index
        %get3A_1576 = arith.constant 48 : index
        %get3A_1577 = tpu.vector_load %arg10[%get3A_1575, %get3A_1576] {strides = array<i32>} : memref<128x128xf32, #tpu.memory_space<vmem>>, vector<1x16xf32>,
        %get3A_1578 = vector.shape_cast %get3A_1577 : vector<1x16xf32> to vector<16xf32>
        %mul3A_1579 = arith.mulf %get3A_1578, %broadcast_in_dim3A_1536 : vector<16xf32>
        %swap3A_1580 = arith.index_cast %add3A_1574 : i32 to index
        %swap3A_1581 = arith.constant 48 : index
        %swap3A_1582 = tpu.vector_load %arg10[%swap3A_1580, %swap3A_1581] {strides = array<i32>} : memref<128x128xf32, #tpu.memory_space<vmem>>, vector<1x16xf32>,
        %swap3A_1583 = vector.shape_cast %swap3A_1582 : vector<1x16xf32> to vector<16xf32>
        %swap3A_1584 = vector.shape_cast %mul3A_1579 : vector<16xf32> to vector<1x16xf32>
        tpu.vector_store %arg10[%swap3A_1580, %swap3A_1581], %swap3A_1584 {strides = array<i32>} : memref<128x128xf32, #tpu.memory_space<vmem>>, vector<1x16xf32>,
        %add3A_1585 = arith.constant 15 : i32
        %add3A_1586 = arith.addi %mul3A_48, %add3A_1585 : i32
        %get3A_1587 = arith.index_cast %add3A_1586 : i32 to index
        %get3A_1588 = arith.constant 64 : index
        %get3A_1589 = tpu.vector_load %arg10[%get3A_1587, %get3A_1588] {strides = array<i32>} : memref<128x128xf32, #tpu.memory_space<vmem>>, vector<1x16xf32>,
        %get3A_1590 = vector.shape_cast %get3A_1589 : vector<1x16xf32> to vector<16xf32>
        %mul3A_1591 = arith.mulf %get3A_1590, %broadcast_in_dim3A_1536 : vector<16xf32>
        %swap3A_1592 = arith.index_cast %add3A_1586 : i32 to index
        %swap3A_1593 = arith.constant 64 : index
        %swap3A_1594 = tpu.vector_load %arg10[%swap3A_1592, %swap3A_1593] {strides = array<i32>} : memref<128x128xf32, #tpu.memory_space<vmem>>, vector<1x16xf32>,
        %swap3A_1595 = vector.shape_cast %swap3A_1594 : vector<1x16xf32> to vector<16xf32>
        %swap3A_1596 = vector.shape_cast %mul3A_1591 : vector<16xf32> to vector<1x16xf32>
        tpu.vector_store %arg10[%swap3A_1592, %swap3A_1593], %swap3A_1596 {strides = array<i32>} : memref<128x128xf32, #tpu.memory_space<vmem>>, vector<1x16xf32>,
        %add3A_1597 = arith.constant 15 : i32
        %add3A_1598 = arith.addi %mul3A_48, %add3A_1597 : i32
        %get3A_1599 = arith.index_cast %add3A_1598 : i32 to index
        %get3A_1600 = arith.constant 80 : index
        %get3A_1601 = tpu.vector_load %arg10[%get3A_1599, %get3A_1600] {strides = array<i32>} : memref<128x128xf32, #tpu.memory_space<vmem>>, vector<1x16xf32>,
        %get3A_1602 = vector.shape_cast %get3A_1601 : vector<1x16xf32> to vector<16xf32>
        %mul3A_1603 = arith.mulf %get3A_1602, %broadcast_in_dim3A_1536 : vector<16xf32>
        %swap3A_1604 = arith.index_cast %add3A_1598 : i32 to index
        %swap3A_1605 = arith.constant 80 : index
        %swap3A_1606 = tpu.vector_load %arg10[%swap3A_1604, %swap3A_1605] {strides = array<i32>} : memref<128x128xf32, #tpu.memory_space<vmem>>, vector<1x16xf32>,
        %swap3A_1607 = vector.shape_cast %swap3A_1606 : vector<1x16xf32> to vector<16xf32>
        %swap3A_1608 = vector.shape_cast %mul3A_1603 : vector<16xf32> to vector<1x16xf32>
        tpu.vector_store %arg10[%swap3A_1604, %swap3A_1605], %swap3A_1608 {strides = array<i32>} : memref<128x128xf32, #tpu.memory_space<vmem>>, vector<1x16xf32>,
        %add3A_1609 = arith.constant 15 : i32
        %add3A_1610 = arith.addi %mul3A_48, %add3A_1609 : i32
        %get3A_1611 = arith.index_cast %add3A_1610 : i32 to index
        %get3A_1612 = arith.constant 96 : index
        %get3A_1613 = tpu.vector_load %arg10[%get3A_1611, %get3A_1612] {strides = array<i32>} : memref<128x128xf32, #tpu.memory_space<vmem>>, vector<1x16xf32>,
        %get3A_1614 = vector.shape_cast %get3A_1613 : vector<1x16xf32> to vector<16xf32>
        %mul3A_1615 = arith.mulf %get3A_1614, %broadcast_in_dim3A_1536 : vector<16xf32>
        %swap3A_1616 = arith.index_cast %add3A_1610 : i32 to index
        %swap3A_1617 = arith.constant 96 : index
        %swap3A_1618 = tpu.vector_load %arg10[%swap3A_1616, %swap3A_1617] {strides = array<i32>} : memref<128x128xf32, #tpu.memory_space<vmem>>, vector<1x16xf32>,
        %swap3A_1619 = vector.shape_cast %swap3A_1618 : vector<1x16xf32> to vector<16xf32>
        %swap3A_1620 = vector.shape_cast %mul3A_1615 : vector<16xf32> to vector<1x16xf32>
        tpu.vector_store %arg10[%swap3A_1616, %swap3A_1617], %swap3A_1620 {strides = array<i32>} : memref<128x128xf32, #tpu.memory_space<vmem>>, vector<1x16xf32>,
        %add3A_1621 = arith.constant 15 : i32
        %add3A_1622 = arith.addi %mul3A_48, %add3A_1621 : i32
        %get3A_1623 = arith.index_cast %add3A_1622 : i32 to index
        %get3A_1624 = arith.constant 112 : index
        %get3A_1625 = tpu.vector_load %arg10[%get3A_1623, %get3A_1624] {strides = array<i32>} : memref<128x128xf32, #tpu.memory_space<vmem>>, vector<1x16xf32>,
        %get3A_1626 = vector.shape_cast %get3A_1625 : vector<1x16xf32> to vector<16xf32>
        %mul3A_1627 = arith.mulf %get3A_1626, %broadcast_in_dim3A_1536 : vector<16xf32>
        %swap3A_1628 = arith.index_cast %add3A_1622 : i32 to index
        %swap3A_1629 = arith.constant 112 : index
        %swap3A_1630 = tpu.vector_load %arg10[%swap3A_1628, %swap3A_1629] {strides = array<i32>} : memref<128x128xf32, #tpu.memory_space<vmem>>, vector<1x16xf32>,
        %swap3A_1631 = vector.shape_cast %swap3A_1630 : vector<1x16xf32> to vector<16xf32>
        %swap3A_1632 = vector.shape_cast %mul3A_1627 : vector<16xf32> to vector<1x16xf32>
        tpu.vector_store %arg10[%swap3A_1628, %swap3A_1629], %swap3A_1632 {strides = array<i32>} : memref<128x128xf32, #tpu.memory_space<vmem>>, vector<1x16xf32>,
      }
      %scan3A_45 = arith.constant 8 : i32
      "tpu.region"() ({
        %run_scoped3A = tpu.sem_alloc : memref<!tpu.dma_semaphore, #tpu.memory_space<semaphore_mem>>
        %dma_start3A_46 = arith.constant 0 : i32
        %dma_start3A_47 = tpu.memref_slice %arg8[%scan3A_29, %dma_start3A_46] : memref<79x128xi32, #tpu.memory_space<vmem>> -> memref<1x128xi32, #tpu.memory_space<vmem>>
        %dma_start3A_48 = tpu.memref_squeeze %dma_start3A_47 : memref<1x128xi32, #tpu.memory_space<vmem>> -> memref<128xi32, #tpu.memory_space<vmem>>
        %dma_start3A_49 = arith.constant 0 : i32
        %dma_start3A_50 = arith.constant 0 : i32
        %dma_start3A_51 = tpu.memref_slice %arg11[%dma_start3A_49, %dma_start3A_50] : memref<10240x128xf32, #tpu.memory_space<vmem_shared>> -> memref<10240x128xf32, #tpu.memory_space<vmem_shared>>
        tpu.enqueue_indirect_dma source(%arg10 : memref<128x128xf32, #tpu.memory_space<vmem>>) target(%dma_start3A_51 : memref<10240x128xf32, #tpu.memory_space<vmem_shared>>) offsets(%dma_start3A_48 : memref<128xi32, #tpu.memory_space<vmem>>) semaphore(%run_scoped3A : memref<!tpu.dma_semaphore, #tpu.memory_space<semaphore_mem>>) {add = true}
        %dma_wait3A_52 = arith.constant 0 : i32
        %dma_wait3A_53 = tpu.memref_slice %arg8[%scan3A_29, %dma_wait3A_52] : memref<79x128xi32, #tpu.memory_space<vmem>> -> memref<1x128xi32, #tpu.memory_space<vmem>>
        %dma_wait3A_54 = tpu.memref_squeeze %dma_wait3A_53 : memref<1x128xi32, #tpu.memory_space<vmem>> -> memref<128xi32, #tpu.memory_space<vmem>>
        %dma_wait3A_55 = arith.constant 0 : i32
        %dma_wait3A_56 = arith.constant 0 : i32
        %dma_wait3A_57 = tpu.memref_slice %arg11[%dma_wait3A_55, %dma_wait3A_56] : memref<10240x128xf32, #tpu.memory_space<vmem_shared>> -> memref<10240x128xf32, #tpu.memory_space<vmem_shared>>
        tpu.wait_indirect_dma semaphore(%run_scoped3A : memref<!tpu.dma_semaphore, #tpu.memory_space<semaphore_mem>>) src(%arg10 : memref<128x128xf32, #tpu.memory_space<vmem>>) dst(%dma_wait3A_57 : memref<10240x128xf32, #tpu.memory_space<vmem_shared>>)
        tpu.yield
      }) : () -> ()
    }
    %scan3A_21 = arith.constant 79 : i32
    %barrier3A_22 = arith.constant 0 : index
    tpu.barrier barrier_id(%barrier3A_22)
    %lt3A = arith.constant 15 : i32
    %lt3A_23 = arith.cmpi slt, %arg1, %lt3A : i32
    %convert_element_type3A = arith.extui %lt3A_23 : i1 to i32
    %cond3A = arith.constant 0 : i32
    %cond3A_24 = arith.cmpi ne, %convert_element_type3A, %cond3A : i32
    scf.if %cond3A_24 {
      "tpu.region"() ({
        %run_scoped3A = tpu.sem_alloc : memref<!tpu.dma_semaphore, #tpu.memory_space<semaphore_mem>>
        %dma_start3A = arith.constant 0 : i32
        %dma_start3A_29 = tpu.memref_slice %arg6[%arg0, %mul3A_6, %dma_start3A] : memref<2x10000x128xf32, #tpu.memory_space<hbm>> -> memref<1x640x128xf32, #tpu.memory_space<hbm>>
        %dma_start3A_30 = tpu.memref_squeeze %dma_start3A_29 : memref<1x640x128xf32, #tpu.memory_space<hbm>> -> memref<640x128xf32, #tpu.memory_space<hbm>>
        %dma_start3A_31 = arith.constant 0 : i32
        %dma_start3A_32 = tpu.memref_slice %arg11[%mul3A_6, %dma_start3A_31] : memref<10240x128xf32, #tpu.memory_space<vmem_shared>> -> memref<640x128xf32, #tpu.memory_space<vmem_shared>>
        tpu.enqueue_dma source(%dma_start3A_32 : memref<640x128xf32, #tpu.memory_space<vmem_shared>>) target(%dma_start3A_30 : memref<640x128xf32, #tpu.memory_space<hbm>>) target_semaphore(%run_scoped3A : memref<!tpu.dma_semaphore, #tpu.memory_space<semaphore_mem>>)
        %dma_wait3A = arith.constant 0 : i32
        %dma_wait3A_33 = tpu.memref_slice %arg6[%arg0, %mul3A_6, %dma_wait3A] : memref<2x10000x128xf32, #tpu.memory_space<hbm>> -> memref<1x640x128xf32, #tpu.memory_space<hbm>>
        %dma_wait3A_34 = tpu.memref_squeeze %dma_wait3A_33 : memref<1x640x128xf32, #tpu.memory_space<hbm>> -> memref<640x128xf32, #tpu.memory_space<hbm>>
        %dma_wait3A_35 = arith.constant 0 : i32
        %dma_wait3A_36 = tpu.memref_slice %arg11[%mul3A_6, %dma_wait3A_35] : memref<10240x128xf32, #tpu.memory_space<vmem_shared>> -> memref<640x128xf32, #tpu.memory_space<vmem_shared>>
        tpu.wait_dma2 semaphore(%run_scoped3A : memref<!tpu.dma_semaphore, #tpu.memory_space<semaphore_mem>>) src(%dma_wait3A_36 : memref<640x128xf32, #tpu.memory_space<vmem_shared>>) dst(%dma_wait3A_34 : memref<640x128xf32, #tpu.memory_space<hbm>>)
        tpu.yield
      }) : () -> ()
    } else {
    }
    %eq3A = arith.constant 15 : i32
    %eq3A_25 = arith.cmpi eq, %arg1, %eq3A : i32
    %convert_element_type3A_26 = arith.extui %eq3A_25 : i1 to i32
    %cond3A_27 = arith.constant 0 : i32
    %cond3A_28 = arith.cmpi ne, %convert_element_type3A_26, %cond3A_27 : i32
    scf.if %cond3A_28 {
      "tpu.region"() ({
        %run_scoped3A = tpu.sem_alloc : memref<!tpu.dma_semaphore, #tpu.memory_space<semaphore_mem>>
        %dma_start3A = arith.constant 9600 : i32
        %dma_start3A_29 = arith.constant 0 : i32
        %dma_start3A_30 = tpu.memref_slice %arg6[%arg0, %dma_start3A, %dma_start3A_29] : memref<2x10000x128xf32, #tpu.memory_space<hbm>> -> memref<1x400x128xf32, #tpu.memory_space<hbm>>
        %dma_start3A_31 = tpu.memref_squeeze %dma_start3A_30 : memref<1x400x128xf32, #tpu.memory_space<hbm>> -> memref<400x128xf32, #tpu.memory_space<hbm>>
        %dma_start3A_32 = arith.constant 9600 : i32
        %dma_start3A_33 = arith.constant 0 : i32
        %dma_start3A_34 = tpu.memref_slice %arg11[%dma_start3A_32, %dma_start3A_33] : memref<10240x128xf32, #tpu.memory_space<vmem_shared>> -> memref<400x128xf32, #tpu.memory_space<vmem_shared>>
        tpu.enqueue_dma source(%dma_start3A_34 : memref<400x128xf32, #tpu.memory_space<vmem_shared>>) target(%dma_start3A_31 : memref<400x128xf32, #tpu.memory_space<hbm>>) target_semaphore(%run_scoped3A : memref<!tpu.dma_semaphore, #tpu.memory_space<semaphore_mem>>)
        %dma_wait3A = arith.constant 9600 : i32
        %dma_wait3A_35 = arith.constant 0 : i32
        %dma_wait3A_36 = tpu.memref_slice %arg6[%arg0, %dma_wait3A, %dma_wait3A_35] : memref<2x10000x128xf32, #tpu.memory_space<hbm>> -> memref<1x400x128xf32, #tpu.memory_space<hbm>>
        %dma_wait3A_37 = tpu.memref_squeeze %dma_wait3A_36 : memref<1x400x128xf32, #tpu.memory_space<hbm>> -> memref<400x128xf32, #tpu.memory_space<hbm>>
        %dma_wait3A_38 = arith.constant 9600 : i32
        %dma_wait3A_39 = arith.constant 0 : i32
        %dma_wait3A_40 = tpu.memref_slice %arg11[%dma_wait3A_38, %dma_wait3A_39] : memref<10240x128xf32, #tpu.memory_space<vmem_shared>> -> memref<400x128xf32, #tpu.memory_space<vmem_shared>>
        tpu.wait_dma2 semaphore(%run_scoped3A : memref<!tpu.dma_semaphore, #tpu.memory_space<semaphore_mem>>) src(%dma_wait3A_40 : memref<400x128xf32, #tpu.memory_space<vmem_shared>>) dst(%dma_wait3A_37 : memref<400x128xf32, #tpu.memory_space<hbm>>)
        tpu.yield
      }) : () -> ()
    } else {
    }
    return
  }
}

#map = affine_map<(d0, d1) -> (0, 0)>
#map1 = affine_map<(d0, d1) -> (0, 0, 0, 0)>
#map2 = affine_map<(d0, d1) -> (0, 0, 0)>
module attributes {stable_mosaic.version = 14 : i64} {
  func.func @_conv_body(%arg0: i32, %arg1: i32, %arg2: memref<10000x128xf32, #tpu.memory_space<hbm>>, %arg3: memref<2x16x79x128xi32, #tpu.memory_space<hbm>>, %arg4: memref<2x16x79x128xi32, #tpu.memory_space<hbm>>, %arg5: memref<2x16x79x128xf32, #tpu.memory_space<hbm>>, %arg6: memref<2x10000x128xf32, #tpu.memory_space<hbm>>, %arg7: memref<79x128xi32, #tpu.memory_space<vmem>>, %arg8: memref<79x128xi32, #tpu.memory_space<vmem>>, %arg9: memref<79x128xf32, #tpu.memory_space<vmem>>, %arg10: memref<128x128xf32, #tpu.memory_space<vmem>>, %arg11: memref<10240x128xf32, #tpu.memory_space<vmem_shared>>, %arg12: memref<!tpu.dma_semaphore, #tpu.memory_space<semaphore_mem>>) attributes {dimension_semantics = [#tpu.dimension_semantics<core_parallel>, #tpu.dimension_semantics<subcore_parallel>], iteration_bounds = array<i64: 2, 16>, scalar_prefetch = 0 : i64, scratch_operands = 6 : i64, tpu.core_type = #tpu.core_type<sc_vector_subcore>, window_params = [{transform_indices = #map}, {transform_indices = #map1}, {transform_indices = #map1}, {transform_indices = #map1}, {transform_indices = #map2}]} {
    "tpu.region"() ({
      %run_scoped3A = tpu.sem_alloc : memref<!tpu.dma_semaphore, #tpu.memory_space<semaphore_mem>>
      %dma_start3A = arith.constant 0 : i32
      %dma_start3A_29 = arith.constant 0 : i32
      %dma_start3A_30 = tpu.memref_slice %arg3[%arg0, %arg1, %dma_start3A, %dma_start3A_29] : memref<2x16x79x128xi32, #tpu.memory_space<hbm>> -> memref<1x1x79x128xi32, #tpu.memory_space<hbm>>
      %dma_start3A_31 = tpu.memref_squeeze %dma_start3A_30 : memref<1x1x79x128xi32, #tpu.memory_space<hbm>> -> memref<79x128xi32, #tpu.memory_space<hbm>>
      %dma_start3A_32 = arith.constant 0 : i32
      %dma_start3A_33 = arith.constant 0 : i32
      %dma_start3A_34 = tpu.memref_slice %arg3[%arg0, %arg1, %dma_start3A_32, %dma_start3A_33] : memref<2x16x79x128xi32, #tpu.memory_space<hbm>> -> memref<1x1x79x128xi32, #tpu.memory_space<hbm>>
      %dma_start3A_35 = tpu.memref_squeeze %dma_start3A_34 : memref<1x1x79x128xi32, #tpu.memory_space<hbm>> -> memref<79x128xi32, #tpu.memory_space<hbm>>
      tpu.enqueue_dma source(%dma_start3A_35 : memref<79x128xi32, #tpu.memory_space<hbm>>) target(%arg7 : memref<79x128xi32, #tpu.memory_space<vmem>>) target_semaphore(%run_scoped3A : memref<!tpu.dma_semaphore, #tpu.memory_space<semaphore_mem>>)
      %dma_wait3A = arith.constant 0 : i32
      %dma_wait3A_36 = arith.constant 0 : i32
      %dma_wait3A_37 = tpu.memref_slice %arg3[%arg0, %arg1, %dma_wait3A, %dma_wait3A_36] : memref<2x16x79x128xi32, #tpu.memory_space<hbm>> -> memref<1x1x79x128xi32, #tpu.memory_space<hbm>>
      %dma_wait3A_38 = tpu.memref_squeeze %dma_wait3A_37 : memref<1x1x79x128xi32, #tpu.memory_space<hbm>> -> memref<79x128xi32, #tpu.memory_space<hbm>>
      %dma_wait3A_39 = arith.constant 0 : i32
      %dma_wait3A_40 = arith.constant 0 : i32
      %dma_wait3A_41 = tpu.memref_slice %arg3[%arg0, %arg1, %dma_wait3A_39, %dma_wait3A_40] : memref<2x16x79x128xi32, #tpu.memory_space<hbm>> -> memref<1x1x79x128xi32, #tpu.memory_space<hbm>>
      %dma_wait3A_42 = tpu.memref_squeeze %dma_wait3A_41 : memref<1x1x79x128xi32, #tpu.memory_space<hbm>> -> memref<79x128xi32, #tpu.memory_space<hbm>>
      tpu.wait_dma2 semaphore(%run_scoped3A : memref<!tpu.dma_semaphore, #tpu.memory_space<semaphore_mem>>) src(%dma_wait3A_42 : memref<79x128xi32, #tpu.memory_space<hbm>>) dst(%arg7 : memref<79x128xi32, #tpu.memory_space<vmem>>)
      tpu.yield
    }) : () -> ()
    "tpu.region"() ({
      %run_scoped3A = tpu.sem_alloc : memref<!tpu.dma_semaphore, #tpu.memory_space<semaphore_mem>>
      %dma_start3A = arith.constant 0 : i32
      %dma_start3A_29 = arith.constant 0 : i32
      %dma_start3A_30 = tpu.memref_slice %arg4[%arg0, %arg1, %dma_start3A, %dma_start3A_29] : memref<2x16x79x128xi32, #tpu.memory_space<hbm>> -> memref<1x1x79x128xi32, #tpu.memory_space<hbm>>
      %dma_start3A_31 = tpu.memref_squeeze %dma_start3A_30 : memref<1x1x79x128xi32, #tpu.memory_space<hbm>> -> memref<79x128xi32, #tpu.memory_space<hbm>>
      %dma_start3A_32 = arith.constant 0 : i32
      %dma_start3A_33 = arith.constant 0 : i32
      %dma_start3A_34 = tpu.memref_slice %arg4[%arg0, %arg1, %dma_start3A_32, %dma_start3A_33] : memref<2x16x79x128xi32, #tpu.memory_space<hbm>> -> memref<1x1x79x128xi32, #tpu.memory_space<hbm>>
      %dma_start3A_35 = tpu.memref_squeeze %dma_start3A_34 : memref<1x1x79x128xi32, #tpu.memory_space<hbm>> -> memref<79x128xi32, #tpu.memory_space<hbm>>
      tpu.enqueue_dma source(%dma_start3A_35 : memref<79x128xi32, #tpu.memory_space<hbm>>) target(%arg8 : memref<79x128xi32, #tpu.memory_space<vmem>>) target_semaphore(%run_scoped3A : memref<!tpu.dma_semaphore, #tpu.memory_space<semaphore_mem>>)
      %dma_wait3A = arith.constant 0 : i32
      %dma_wait3A_36 = arith.constant 0 : i32
      %dma_wait3A_37 = tpu.memref_slice %arg4[%arg0, %arg1, %dma_wait3A, %dma_wait3A_36] : memref<2x16x79x128xi32, #tpu.memory_space<hbm>> -> memref<1x1x79x128xi32, #tpu.memory_space<hbm>>
      %dma_wait3A_38 = tpu.memref_squeeze %dma_wait3A_37 : memref<1x1x79x128xi32, #tpu.memory_space<hbm>> -> memref<79x128xi32, #tpu.memory_space<hbm>>
      %dma_wait3A_39 = arith.constant 0 : i32
      %dma_wait3A_40 = arith.constant 0 : i32
      %dma_wait3A_41 = tpu.memref_slice %arg4[%arg0, %arg1, %dma_wait3A_39, %dma_wait3A_40] : memref<2x16x79x128xi32, #tpu.memory_space<hbm>> -> memref<1x1x79x128xi32, #tpu.memory_space<hbm>>
      %dma_wait3A_42 = tpu.memref_squeeze %dma_wait3A_41 : memref<1x1x79x128xi32, #tpu.memory_space<hbm>> -> memref<79x128xi32, #tpu.memory_space<hbm>>
      tpu.wait_dma2 semaphore(%run_scoped3A : memref<!tpu.dma_semaphore, #tpu.memory_space<semaphore_mem>>) src(%dma_wait3A_42 : memref<79x128xi32, #tpu.memory_space<hbm>>) dst(%arg8 : memref<79x128xi32, #tpu.memory_space<vmem>>)
      tpu.yield
    }) : () -> ()
    "tpu.region"() ({
      %run_scoped3A = tpu.sem_alloc : memref<!tpu.dma_semaphore, #tpu.memory_space<semaphore_mem>>
      %dma_start3A = arith.constant 0 : i32
      %dma_start3A_29 = arith.constant 0 : i32
      %dma_start3A_30 = tpu.memref_slice %arg5[%arg0, %arg1, %dma_start3A, %dma_start3A_29] : memref<2x16x79x128xf32, #tpu.memory_space<hbm>> -> memref<1x1x79x128xf32, #tpu.memory_space<hbm>>
      %dma_start3A_31 = tpu.memref_squeeze %dma_start3A_30 : memref<1x1x79x128xf32, #tpu.memory_space<hbm>> -> memref<79x128xf32, #tpu.memory_space<hbm>>
      %dma_start3A_32 = arith.constant 0 : i32
      %dma_start3A_33 = arith.constant 0 : i32
      %dma_start3A_34 = tpu.memref_slice %arg5[%arg0, %arg1, %dma_start3A_32, %dma_start3A_33] : memref<2x16x79x128xf32, #tpu.memory_space<hbm>> -> memref<1x1x79x128xf32, #tpu.memory_space<hbm>>
      %dma_start3A_35 = tpu.memref_squeeze %dma_start3A_34 : memref<1x1x79x128xf32, #tpu.memory_space<hbm>> -> memref<79x128xf32, #tpu.memory_space<hbm>>
      tpu.enqueue_dma source(%dma_start3A_35 : memref<79x128xf32, #tpu.memory_space<hbm>>) target(%arg9 : memref<79x128xf32, #tpu.memory_space<vmem>>) target_semaphore(%run_scoped3A : memref<!tpu.dma_semaphore, #tpu.memory_space<semaphore_mem>>)
      %dma_wait3A = arith.constant 0 : i32
      %dma_wait3A_36 = arith.constant 0 : i32
      %dma_wait3A_37 = tpu.memref_slice %arg5[%arg0, %arg1, %dma_wait3A, %dma_wait3A_36] : memref<2x16x79x128xf32, #tpu.memory_space<hbm>> -> memref<1x1x79x128xf32, #tpu.memory_space<hbm>>
      %dma_wait3A_38 = tpu.memref_squeeze %dma_wait3A_37 : memref<1x1x79x128xf32, #tpu.memory_space<hbm>> -> memref<79x128xf32, #tpu.memory_space<hbm>>
      %dma_wait3A_39 = arith.constant 0 : i32
      %dma_wait3A_40 = arith.constant 0 : i32
      %dma_wait3A_41 = tpu.memref_slice %arg5[%arg0, %arg1, %dma_wait3A_39, %dma_wait3A_40] : memref<2x16x79x128xf32, #tpu.memory_space<hbm>> -> memref<1x1x79x128xf32, #tpu.memory_space<hbm>>
      %dma_wait3A_42 = tpu.memref_squeeze %dma_wait3A_41 : memref<1x1x79x128xf32, #tpu.memory_space<hbm>> -> memref<79x128xf32, #tpu.memory_space<hbm>>
      tpu.wait_dma2 semaphore(%run_scoped3A : memref<!tpu.dma_semaphore, #tpu.memory_space<semaphore_mem>>) src(%dma_wait3A_42 : memref<79x128xf32, #tpu.memory_space<hbm>>) dst(%arg9 : memref<79x128xf32, #tpu.memory_space<vmem>>)
      tpu.yield
    }) : () -> ()
    %broadcast_in_dim3A = arith.constant 0.000000e+00 : f32
    %broadcast_in_dim3A_0 = vector.broadcast %broadcast_in_dim3A : f32 to vector<16xf32>
    %scan3A = arith.constant 0 : i32
    %scan3A_1 = arith.constant 0 : i32
    %scan3A_2 = arith.constant 1024 : i32
    %scan3A_3 = arith.addi %scan3A_1, %scan3A_2 : i32
    %scan3A_4 = arith.constant 1 : i32
    scf.for %scan3A_29 = %scan3A_1 to %scan3A_3 step %scan3A_4  : i32 {
      %jit3A = arith.constant 8 : i32
      %div3A = arith.divsi %scan3A_29, %jit3A : i32
      %sign3A = arith.constant 0 : i32
      %sign3A_30 = arith.cmpi sgt, %scan3A_29, %sign3A : i32
      %sign3A_31 = arith.extui %sign3A_30 : i1 to i32
      %sign3A_32 = arith.constant 0 : i32
      %sign3A_33 = arith.cmpi slt, %scan3A_29, %sign3A_32 : i32
      %sign3A_34 = arith.extui %sign3A_33 : i1 to i32
      %sign3A_35 = arith.subi %sign3A_31, %sign3A_34 : i32
      %sign3A_36 = arith.constant 0 : i32
      %sign3A_37 = arith.cmpi sgt, %jit3A, %sign3A_36 : i32
      %sign3A_38 = arith.extui %sign3A_37 : i1 to i32
      %sign3A_39 = arith.constant 0 : i32
      %sign3A_40 = arith.cmpi slt, %jit3A, %sign3A_39 : i32
      %sign3A_41 = arith.extui %sign3A_40 : i1 to i32
      %sign3A_42 = arith.subi %sign3A_38, %sign3A_41 : i32
      %ne3A = arith.cmpi ne, %sign3A_35, %sign3A_42 : i32
      %rem3A = arith.remsi %scan3A_29, %jit3A : i32
      %ne3A_43 = arith.constant 0 : i32
      %ne3A_44 = arith.cmpi ne, %rem3A, %ne3A_43 : i32
      %and3A = arith.andi %ne3A, %ne3A_44 : i1
      %sub3A = arith.constant 1 : i32
      %sub3A_45 = arith.subi %div3A, %sub3A : i32
      %select_n3A = arith.select %and3A, %sub3A_45, %div3A : i32
      %jit3A_46 = arith.constant 8 : i32
      %eq3A_47 = arith.constant 0 : i32
      %eq3A_48 = arith.cmpi eq, %jit3A_46, %eq3A_47 : i32
      %jit3A_49 = arith.constant 1 : i32
      %select_n3A_50 = arith.select %eq3A_48, %jit3A_49, %jit3A_46 : i32
      %rem3A_51 = arith.remsi %scan3A_29, %select_n3A_50 : i32
      %ne3A_52 = arith.constant 0 : i32
      %ne3A_53 = arith.cmpi ne, %rem3A_51, %ne3A_52 : i32
      %lt3A_54 = arith.constant 0 : i32
      %lt3A_55 = arith.cmpi slt, %rem3A_51, %lt3A_54 : i32
      %lt3A_56 = arith.constant 0 : i32
      %lt3A_57 = arith.cmpi slt, %select_n3A_50, %lt3A_56 : i32
      %ne3A_58 = arith.xori %lt3A_55, %lt3A_57 : i1
      %and3A_59 = arith.andi %ne3A_58, %ne3A_53 : i1
      %add3A_60 = arith.addi %rem3A_51, %select_n3A_50 : i32
      %select_n3A_61 = arith.select %and3A_59, %add3A_60, %rem3A_51 : i32
      %mul3A_62 = arith.constant 16 : i32
      %mul3A_63 = arith.muli %select_n3A_61, %mul3A_62 : i32
      %swap3A = arith.index_cast %select_n3A : i32 to index
      %swap3A_64 = arith.index_cast %mul3A_63 : i32 to index
      %swap3A_65 = tpu.vector_load %arg10[%swap3A, %swap3A_64] {strides = array<i32>} : memref<128x128xf32, #tpu.memory_space<vmem>>, vector<1x16xf32>,
      %swap3A_66 = vector.shape_cast %swap3A_65 : vector<1x16xf32> to vector<16xf32>
      %swap3A_67 = vector.shape_cast %broadcast_in_dim3A_0 : vector<16xf32> to vector<1x16xf32>
      tpu.vector_store %arg10[%swap3A, %swap3A_64], %swap3A_67 {strides = array<i32>} : memref<128x128xf32, #tpu.memory_space<vmem>>, vector<1x16xf32>,
    }
    %scan3A_5 = arith.constant 1024 : i32
    %mul3A = arith.constant 640 : i32
    %mul3A_6 = arith.muli %arg1, %mul3A : i32
    %add3A = arith.constant 0 : i32
    %add3A_7 = arith.addi %mul3A_6, %add3A : i32
    "tpu.region"() ({
      %run_scoped3A = tpu.sem_alloc : memref<!tpu.dma_semaphore, #tpu.memory_space<semaphore_mem>>
      %dma_start3A = arith.constant 0 : i32
      %dma_start3A_29 = tpu.memref_slice %arg11[%add3A_7, %dma_start3A] : memref<10240x128xf32, #tpu.memory_space<vmem_shared>> -> memref<128x128xf32, #tpu.memory_space<vmem_shared>>
      %dma_start3A_30 = arith.constant 0 : i32
      %dma_start3A_31 = tpu.memref_slice %arg11[%add3A_7, %dma_start3A_30] : memref<10240x128xf32, #tpu.memory_space<vmem_shared>> -> memref<128x128xf32, #tpu.memory_space<vmem_shared>>
      tpu.enqueue_dma source(%arg10 : memref<128x128xf32, #tpu.memory_space<vmem>>) target(%dma_start3A_31 : memref<128x128xf32, #tpu.memory_space<vmem_shared>>) target_semaphore(%run_scoped3A : memref<!tpu.dma_semaphore, #tpu.memory_space<semaphore_mem>>)
      %dma_wait3A = arith.constant 0 : i32
      %dma_wait3A_32 = tpu.memref_slice %arg11[%add3A_7, %dma_wait3A] : memref<10240x128xf32, #tpu.memory_space<vmem_shared>> -> memref<128x128xf32, #tpu.memory_space<vmem_shared>>
      %dma_wait3A_33 = arith.constant 0 : i32
      %dma_wait3A_34 = tpu.memref_slice %arg11[%add3A_7, %dma_wait3A_33] : memref<10240x128xf32, #tpu.memory_space<vmem_shared>> -> memref<128x128xf32, #tpu.memory_space<vmem_shared>>
      tpu.wait_dma2 semaphore(%run_scoped3A : memref<!tpu.dma_semaphore, #tpu.memory_space<semaphore_mem>>) src(%arg10 : memref<128x128xf32, #tpu.memory_space<vmem>>) dst(%dma_wait3A_34 : memref<128x128xf32, #tpu.memory_space<vmem_shared>>)
      tpu.yield
    }) : () -> ()
    %add3A_8 = arith.constant 128 : i32
    %add3A_9 = arith.addi %mul3A_6, %add3A_8 : i32
    "tpu.region"() ({
      %run_scoped3A = tpu.sem_alloc : memref<!tpu.dma_semaphore, #tpu.memory_space<semaphore_mem>>
      %dma_start3A = arith.constant 0 : i32
      %dma_start3A_29 = tpu.memref_slice %arg11[%add3A_9, %dma_start3A] : memref<10240x128xf32, #tpu.memory_space<vmem_shared>> -> memref<128x128xf32, #tpu.memory_space<vmem_shared>>
      %dma_start3A_30 = arith.constant 0 : i32
      %dma_start3A_31 = tpu.memref_slice %arg11[%add3A_9, %dma_start3A_30] : memref<10240x128xf32, #tpu.memory_space<vmem_shared>> -> memref<128x128xf32, #tpu.memory_space<vmem_shared>>
      tpu.enqueue_dma source(%arg10 : memref<128x128xf32, #tpu.memory_space<vmem>>) target(%dma_start3A_31 : memref<128x128xf32, #tpu.memory_space<vmem_shared>>) target_semaphore(%run_scoped3A : memref<!tpu.dma_semaphore, #tpu.memory_space<semaphore_mem>>)
      %dma_wait3A = arith.constant 0 : i32
      %dma_wait3A_32 = tpu.memref_slice %arg11[%add3A_9, %dma_wait3A] : memref<10240x128xf32, #tpu.memory_space<vmem_shared>> -> memref<128x128xf32, #tpu.memory_space<vmem_shared>>
      %dma_wait3A_33 = arith.constant 0 : i32
      %dma_wait3A_34 = tpu.memref_slice %arg11[%add3A_9, %dma_wait3A_33] : memref<10240x128xf32, #tpu.memory_space<vmem_shared>> -> memref<128x128xf32, #tpu.memory_space<vmem_shared>>
      tpu.wait_dma2 semaphore(%run_scoped3A : memref<!tpu.dma_semaphore, #tpu.memory_space<semaphore_mem>>) src(%arg10 : memref<128x128xf32, #tpu.memory_space<vmem>>) dst(%dma_wait3A_34 : memref<128x128xf32, #tpu.memory_space<vmem_shared>>)
      tpu.yield
    }) : () -> ()
    %add3A_10 = arith.constant 256 : i32
    %add3A_11 = arith.addi %mul3A_6, %add3A_10 : i32
    "tpu.region"() ({
      %run_scoped3A = tpu.sem_alloc : memref<!tpu.dma_semaphore, #tpu.memory_space<semaphore_mem>>
      %dma_start3A = arith.constant 0 : i32
      %dma_start3A_29 = tpu.memref_slice %arg11[%add3A_11, %dma_start3A] : memref<10240x128xf32, #tpu.memory_space<vmem_shared>> -> memref<128x128xf32, #tpu.memory_space<vmem_shared>>
      %dma_start3A_30 = arith.constant 0 : i32
      %dma_start3A_31 = tpu.memref_slice %arg11[%add3A_11, %dma_start3A_30] : memref<10240x128xf32, #tpu.memory_space<vmem_shared>> -> memref<128x128xf32, #tpu.memory_space<vmem_shared>>
      tpu.enqueue_dma source(%arg10 : memref<128x128xf32, #tpu.memory_space<vmem>>) target(%dma_start3A_31 : memref<128x128xf32, #tpu.memory_space<vmem_shared>>) target_semaphore(%run_scoped3A : memref<!tpu.dma_semaphore, #tpu.memory_space<semaphore_mem>>)
      %dma_wait3A = arith.constant 0 : i32
      %dma_wait3A_32 = tpu.memref_slice %arg11[%add3A_11, %dma_wait3A] : memref<10240x128xf32, #tpu.memory_space<vmem_shared>> -> memref<128x128xf32, #tpu.memory_space<vmem_shared>>
      %dma_wait3A_33 = arith.constant 0 : i32
      %dma_wait3A_34 = tpu.memref_slice %arg11[%add3A_11, %dma_wait3A_33] : memref<10240x128xf32, #tpu.memory_space<vmem_shared>> -> memref<128x128xf32, #tpu.memory_space<vmem_shared>>
      tpu.wait_dma2 semaphore(%run_scoped3A : memref<!tpu.dma_semaphore, #tpu.memory_space<semaphore_mem>>) src(%arg10 : memref<128x128xf32, #tpu.memory_space<vmem>>) dst(%dma_wait3A_34 : memref<128x128xf32, #tpu.memory_space<vmem_shared>>)
      tpu.yield
    }) : () -> ()
    %add3A_12 = arith.constant 384 : i32
    %add3A_13 = arith.addi %mul3A_6, %add3A_12 : i32
    "tpu.region"() ({
      %run_scoped3A = tpu.sem_alloc : memref<!tpu.dma_semaphore, #tpu.memory_space<semaphore_mem>>
      %dma_start3A = arith.constant 0 : i32
      %dma_start3A_29 = tpu.memref_slice %arg11[%add3A_13, %dma_start3A] : memref<10240x128xf32, #tpu.memory_space<vmem_shared>> -> memref<128x128xf32, #tpu.memory_space<vmem_shared>>
      %dma_start3A_30 = arith.constant 0 : i32
      %dma_start3A_31 = tpu.memref_slice %arg11[%add3A_13, %dma_start3A_30] : memref<10240x128xf32, #tpu.memory_space<vmem_shared>> -> memref<128x128xf32, #tpu.memory_space<vmem_shared>>
      tpu.enqueue_dma source(%arg10 : memref<128x128xf32, #tpu.memory_space<vmem>>) target(%dma_start3A_31 : memref<128x128xf32, #tpu.memory_space<vmem_shared>>) target_semaphore(%run_scoped3A : memref<!tpu.dma_semaphore, #tpu.memory_space<semaphore_mem>>)
      %dma_wait3A = arith.constant 0 : i32
      %dma_wait3A_32 = tpu.memref_slice %arg11[%add3A_13, %dma_wait3A] : memref<10240x128xf32, #tpu.memory_space<vmem_shared>> -> memref<128x128xf32, #tpu.memory_space<vmem_shared>>
      %dma_wait3A_33 = arith.constant 0 : i32
      %dma_wait3A_34 = tpu.memref_slice %arg11[%add3A_13, %dma_wait3A_33] : memref<10240x128xf32, #tpu.memory_space<vmem_shared>> -> memref<128x128xf32, #tpu.memory_space<vmem_shared>>
      tpu.wait_dma2 semaphore(%run_scoped3A : memref<!tpu.dma_semaphore, #tpu.memory_space<semaphore_mem>>) src(%arg10 : memref<128x128xf32, #tpu.memory_space<vmem>>) dst(%dma_wait3A_34 : memref<128x128xf32, #tpu.memory_space<vmem_shared>>)
      tpu.yield
    }) : () -> ()
    %add3A_14 = arith.constant 512 : i32
    %add3A_15 = arith.addi %mul3A_6, %add3A_14 : i32
    "tpu.region"() ({
      %run_scoped3A = tpu.sem_alloc : memref<!tpu.dma_semaphore, #tpu.memory_space<semaphore_mem>>
      %dma_start3A = arith.constant 0 : i32
      %dma_start3A_29 = tpu.memref_slice %arg11[%add3A_15, %dma_start3A] : memref<10240x128xf32, #tpu.memory_space<vmem_shared>> -> memref<128x128xf32, #tpu.memory_space<vmem_shared>>
      %dma_start3A_30 = arith.constant 0 : i32
      %dma_start3A_31 = tpu.memref_slice %arg11[%add3A_15, %dma_start3A_30] : memref<10240x128xf32, #tpu.memory_space<vmem_shared>> -> memref<128x128xf32, #tpu.memory_space<vmem_shared>>
      tpu.enqueue_dma source(%arg10 : memref<128x128xf32, #tpu.memory_space<vmem>>) target(%dma_start3A_31 : memref<128x128xf32, #tpu.memory_space<vmem_shared>>) target_semaphore(%run_scoped3A : memref<!tpu.dma_semaphore, #tpu.memory_space<semaphore_mem>>)
      %dma_wait3A = arith.constant 0 : i32
      %dma_wait3A_32 = tpu.memref_slice %arg11[%add3A_15, %dma_wait3A] : memref<10240x128xf32, #tpu.memory_space<vmem_shared>> -> memref<128x128xf32, #tpu.memory_space<vmem_shared>>
      %dma_wait3A_33 = arith.constant 0 : i32
      %dma_wait3A_34 = tpu.memref_slice %arg11[%add3A_15, %dma_wait3A_33] : memref<10240x128xf32, #tpu.memory_space<vmem_shared>> -> memref<128x128xf32, #tpu.memory_space<vmem_shared>>
      tpu.wait_dma2 semaphore(%run_scoped3A : memref<!tpu.dma_semaphore, #tpu.memory_space<semaphore_mem>>) src(%arg10 : memref<128x128xf32, #tpu.memory_space<vmem>>) dst(%dma_wait3A_34 : memref<128x128xf32, #tpu.memory_space<vmem_shared>>)
      tpu.yield
    }) : () -> ()
    %barrier3A = arith.constant 0 : index
    tpu.barrier barrier_id(%barrier3A)
    %scan3A_16 = arith.constant 0 : i32
    %scan3A_17 = arith.constant 0 : i32
    %scan3A_18 = arith.constant 79 : i32
    %scan3A_19 = arith.addi %scan3A_17, %scan3A_18 : i32
    %scan3A_20 = arith.constant 1 : i32
    scf.for %scan3A_29 = %scan3A_17 to %scan3A_19 step %scan3A_20  : i32 {
      %dma_start3A = arith.constant 0 : i32
      %dma_start3A_30 = tpu.memref_slice %arg7[%scan3A_29, %dma_start3A] : memref<79x128xi32, #tpu.memory_space<vmem>> -> memref<1x128xi32, #tpu.memory_space<vmem>>
      %dma_start3A_31 = tpu.memref_squeeze %dma_start3A_30 : memref<1x128xi32, #tpu.memory_space<vmem>> -> memref<128xi32, #tpu.memory_space<vmem>>
      %dma_start3A_32 = arith.constant 0 : i32
      %dma_start3A_33 = arith.constant 0 : i32
      %dma_start3A_34 = tpu.memref_slice %arg2[%dma_start3A_32, %dma_start3A_33] : memref<10000x128xf32, #tpu.memory_space<hbm>> -> memref<10000x128xf32, #tpu.memory_space<hbm>>
      tpu.enqueue_indirect_dma source(%dma_start3A_34 : memref<10000x128xf32, #tpu.memory_space<hbm>>) target(%arg10 : memref<128x128xf32, #tpu.memory_space<vmem>>) offsets(%dma_start3A_31 : memref<128xi32, #tpu.memory_space<vmem>>) semaphore(%arg12 : memref<!tpu.dma_semaphore, #tpu.memory_space<semaphore_mem>>)
      %dma_wait3A = arith.constant 0 : i32
      %dma_wait3A_35 = tpu.memref_slice %arg7[%scan3A_29, %dma_wait3A] : memref<79x128xi32, #tpu.memory_space<vmem>> -> memref<1x128xi32, #tpu.memory_space<vmem>>
      %dma_wait3A_36 = tpu.memref_squeeze %dma_wait3A_35 : memref<1x128xi32, #tpu.memory_space<vmem>> -> memref<128xi32, #tpu.memory_space<vmem>>
      %dma_wait3A_37 = arith.constant 0 : i32
      %dma_wait3A_38 = arith.constant 0 : i32
      %dma_wait3A_39 = tpu.memref_slice %arg2[%dma_wait3A_37, %dma_wait3A_38] : memref<10000x128xf32, #tpu.memory_space<hbm>> -> memref<10000x128xf32, #tpu.memory_space<hbm>>
      tpu.wait_indirect_dma semaphore(%arg12 : memref<!tpu.dma_semaphore, #tpu.memory_space<semaphore_mem>>) src(%dma_wait3A_39 : memref<10000x128xf32, #tpu.memory_space<hbm>>) dst(%arg10 : memref<128x128xf32, #tpu.memory_space<vmem>>)
      %scan3A_40 = arith.constant 0 : i32
      %scan3A_41 = arith.constant 0 : i32
      %scan3A_42 = arith.constant 8 : i32
      %scan3A_43 = arith.addi %scan3A_41, %scan3A_42 : i32
      %scan3A_44 = arith.constant 1 : i32
      scf.for %scan3A_46 = %scan3A_41 to %scan3A_43 step %scan3A_44  : i32 {
        %mul3A_47 = arith.constant 16 : i32
        %mul3A_48 = arith.muli %scan3A_46, %mul3A_47 : i32
        %get3A = arith.index_cast %scan3A_29 : i32 to index
        %get3A_49 = arith.index_cast %mul3A_48 : i32 to index
        %get3A_50 = tpu.vector_load %arg9[%get3A, %get3A_49] {strides = array<i32>} : memref<79x128xf32, #tpu.memory_space<vmem>>, vector<1x16xf32>,
        %get3A_51 = vector.shape_cast %get3A_50 : vector<1x16xf32> to vector<16xf32>
        %slice3A = vector.extract_strided_slice %get3A_51 {offsets = [0], sizes = [1], strides = [1]} : vector<16xf32> to vector<1xf32>
        %squeeze3A = vector.extract %slice3A[0] : f32 from vector<1xf32>
        %broadcast_in_dim3A_52 = vector.broadcast %squeeze3A : f32 to vector<16xf32>
        %add3A_53 = arith.constant 0 : i32
        %add3A_54 = arith.addi %mul3A_48, %add3A_53 : i32
        %get3A_55 = arith.index_cast %add3A_54 : i32 to index
        %get3A_56 = arith.constant 0 : index
        %get3A_57 = tpu.vector_load %arg10[%get3A_55, %get3A_56] {strides = array<i32>} : memref<128x128xf32, #tpu.memory_space<vmem>>, vector<1x16xf32>,
        %get3A_58 = vector.shape_cast %get3A_57 : vector<1x16xf32> to vector<16xf32>
        %mul3A_59 = arith.mulf %get3A_58, %broadcast_in_dim3A_52 : vector<16xf32>
        %swap3A = arith.index_cast %add3A_54 : i32 to index
        %swap3A_60 = arith.constant 0 : index
        %swap3A_61 = tpu.vector_load %arg10[%swap3A, %swap3A_60] {strides = array<i32>} : memref<128x128xf32, #tpu.memory_space<vmem>>, vector<1x16xf32>,
        %swap3A_62 = vector.shape_cast %swap3A_61 : vector<1x16xf32> to vector<16xf32>
        %swap3A_63 = vector.shape_cast %mul3A_59 : vector<16xf32> to vector<1x16xf32>
        tpu.vector_store %arg10[%swap3A, %swap3A_60], %swap3A_63 {strides = array<i32>} : memref<128x128xf32, #tpu.memory_space<vmem>>, vector<1x16xf32>,
        %add3A_64 = arith.constant 0 : i32
        %add3A_65 = arith.addi %mul3A_48, %add3A_64 : i32
        %get3A_66 = arith.index_cast %add3A_65 : i32 to index
        %get3A_67 = arith.constant 16 : index
        %get3A_68 = tpu.vector_load %arg10[%get3A_66, %get3A_67] {strides = array<i32>} : memref<128x128xf32, #tpu.memory_space<vmem>>, vector<1x16xf32>,
        %get3A_69 = vector.shape_cast %get3A_68 : vector<1x16xf32> to vector<16xf32>
        %mul3A_70 = arith.mulf %get3A_69, %broadcast_in_dim3A_52 : vector<16xf32>
        %swap3A_71 = arith.index_cast %add3A_65 : i32 to index
        %swap3A_72 = arith.constant 16 : index
        %swap3A_73 = tpu.vector_load %arg10[%swap3A_71, %swap3A_72] {strides = array<i32>} : memref<128x128xf32, #tpu.memory_space<vmem>>, vector<1x16xf32>,
        %swap3A_74 = vector.shape_cast %swap3A_73 : vector<1x16xf32> to vector<16xf32>
        %swap3A_75 = vector.shape_cast %mul3A_70 : vector<16xf32> to vector<1x16xf32>
        tpu.vector_store %arg10[%swap3A_71, %swap3A_72], %swap3A_75 {strides = array<i32>} : memref<128x128xf32, #tpu.memory_space<vmem>>, vector<1x16xf32>,
        %add3A_76 = arith.constant 0 : i32
        %add3A_77 = arith.addi %mul3A_48, %add3A_76 : i32
        %get3A_78 = arith.index_cast %add3A_77 : i32 to index
        %get3A_79 = arith.constant 32 : index
        %get3A_80 = tpu.vector_load %arg10[%get3A_78, %get3A_79] {strides = array<i32>} : memref<128x128xf32, #tpu.memory_space<vmem>>, vector<1x16xf32>,
        %get3A_81 = vector.shape_cast %get3A_80 : vector<1x16xf32> to vector<16xf32>
        %mul3A_82 = arith.mulf %get3A_81, %broadcast_in_dim3A_52 : vector<16xf32>
        %swap3A_83 = arith.index_cast %add3A_77 : i32 to index
        %swap3A_84 = arith.constant 32 : index
        %swap3A_85 = tpu.vector_load %arg10[%swap3A_83, %swap3A_84] {strides = array<i32>} : memref<128x128xf32, #tpu.memory_space<vmem>>, vector<1x16xf32>,
        %swap3A_86 = vector.shape_cast %swap3A_85 : vector<1x16xf32> to vector<16xf32>
        %swap3A_87 = vector.shape_cast %mul3A_82 : vector<16xf32> to vector<1x16xf32>
        tpu.vector_store %arg10[%swap3A_83, %swap3A_84], %swap3A_87 {strides = array<i32>} : memref<128x128xf32, #tpu.memory_space<vmem>>, vector<1x16xf32>,
        %add3A_88 = arith.constant 0 : i32
        %add3A_89 = arith.addi %mul3A_48, %add3A_88 : i32
        %get3A_90 = arith.index_cast %add3A_89 : i32 to index
        %get3A_91 = arith.constant 48 : index
        %get3A_92 = tpu.vector_load %arg10[%get3A_90, %get3A_91] {strides = array<i32>} : memref<128x128xf32, #tpu.memory_space<vmem>>, vector<1x16xf32>,
        %get3A_93 = vector.shape_cast %get3A_92 : vector<1x16xf32> to vector<16xf32>
        %mul3A_94 = arith.mulf %get3A_93, %broadcast_in_dim3A_52 : vector<16xf32>
        %swap3A_95 = arith.index_cast %add3A_89 : i32 to index
        %swap3A_96 = arith.constant 48 : index
        %swap3A_97 = tpu.vector_load %arg10[%swap3A_95, %swap3A_96] {strides = array<i32>} : memref<128x128xf32, #tpu.memory_space<vmem>>, vector<1x16xf32>,
        %swap3A_98 = vector.shape_cast %swap3A_97 : vector<1x16xf32> to vector<16xf32>
        %swap3A_99 = vector.shape_cast %mul3A_94 : vector<16xf32> to vector<1x16xf32>
        tpu.vector_store %arg10[%swap3A_95, %swap3A_96], %swap3A_99 {strides = array<i32>} : memref<128x128xf32, #tpu.memory_space<vmem>>, vector<1x16xf32>,
        %add3A_100 = arith.constant 0 : i32
        %add3A_101 = arith.addi %mul3A_48, %add3A_100 : i32
        %get3A_102 = arith.index_cast %add3A_101 : i32 to index
        %get3A_103 = arith.constant 64 : index
        %get3A_104 = tpu.vector_load %arg10[%get3A_102, %get3A_103] {strides = array<i32>} : memref<128x128xf32, #tpu.memory_space<vmem>>, vector<1x16xf32>,
        %get3A_105 = vector.shape_cast %get3A_104 : vector<1x16xf32> to vector<16xf32>
        %mul3A_106 = arith.mulf %get3A_105, %broadcast_in_dim3A_52 : vector<16xf32>
        %swap3A_107 = arith.index_cast %add3A_101 : i32 to index
        %swap3A_108 = arith.constant 64 : index
        %swap3A_109 = tpu.vector_load %arg10[%swap3A_107, %swap3A_108] {strides = array<i32>} : memref<128x128xf32, #tpu.memory_space<vmem>>, vector<1x16xf32>,
        %swap3A_110 = vector.shape_cast %swap3A_109 : vector<1x16xf32> to vector<16xf32>
        %swap3A_111 = vector.shape_cast %mul3A_106 : vector<16xf32> to vector<1x16xf32>
        tpu.vector_store %arg10[%swap3A_107, %swap3A_108], %swap3A_111 {strides = array<i32>} : memref<128x128xf32, #tpu.memory_space<vmem>>, vector<1x16xf32>,
        %add3A_112 = arith.constant 0 : i32
        %add3A_113 = arith.addi %mul3A_48, %add3A_112 : i32
        %get3A_114 = arith.index_cast %add3A_113 : i32 to index
        %get3A_115 = arith.constant 80 : index
        %get3A_116 = tpu.vector_load %arg10[%get3A_114, %get3A_115] {strides = array<i32>} : memref<128x128xf32, #tpu.memory_space<vmem>>, vector<1x16xf32>,
        %get3A_117 = vector.shape_cast %get3A_116 : vector<1x16xf32> to vector<16xf32>
        %mul3A_118 = arith.mulf %get3A_117, %broadcast_in_dim3A_52 : vector<16xf32>
        %swap3A_119 = arith.index_cast %add3A_113 : i32 to index
        %swap3A_120 = arith.constant 80 : index
        %swap3A_121 = tpu.vector_load %arg10[%swap3A_119, %swap3A_120] {strides = array<i32>} : memref<128x128xf32, #tpu.memory_space<vmem>>, vector<1x16xf32>,
        %swap3A_122 = vector.shape_cast %swap3A_121 : vector<1x16xf32> to vector<16xf32>
        %swap3A_123 = vector.shape_cast %mul3A_118 : vector<16xf32> to vector<1x16xf32>
        tpu.vector_store %arg10[%swap3A_119, %swap3A_120], %swap3A_123 {strides = array<i32>} : memref<128x128xf32, #tpu.memory_space<vmem>>, vector<1x16xf32>,
        %add3A_124 = arith.constant 0 : i32
        %add3A_125 = arith.addi %mul3A_48, %add3A_124 : i32
        %get3A_126 = arith.index_cast %add3A_125 : i32 to index
        %get3A_127 = arith.constant 96 : index
        %get3A_128 = tpu.vector_load %arg10[%get3A_126, %get3A_127] {strides = array<i32>} : memref<128x128xf32, #tpu.memory_space<vmem>>, vector<1x16xf32>,
        %get3A_129 = vector.shape_cast %get3A_128 : vector<1x16xf32> to vector<16xf32>
        %mul3A_130 = arith.mulf %get3A_129, %broadcast_in_dim3A_52 : vector<16xf32>
        %swap3A_131 = arith.index_cast %add3A_125 : i32 to index
        %swap3A_132 = arith.constant 96 : index
        %swap3A_133 = tpu.vector_load %arg10[%swap3A_131, %swap3A_132] {strides = array<i32>} : memref<128x128xf32, #tpu.memory_space<vmem>>, vector<1x16xf32>,
        %swap3A_134 = vector.shape_cast %swap3A_133 : vector<1x16xf32> to vector<16xf32>
        %swap3A_135 = vector.shape_cast %mul3A_130 : vector<16xf32> to vector<1x16xf32>
        tpu.vector_store %arg10[%swap3A_131, %swap3A_132], %swap3A_135 {strides = array<i32>} : memref<128x128xf32, #tpu.memory_space<vmem>>, vector<1x16xf32>,
        %add3A_136 = arith.constant 0 : i32
        %add3A_137 = arith.addi %mul3A_48, %add3A_136 : i32
        %get3A_138 = arith.index_cast %add3A_137 : i32 to index
        %get3A_139 = arith.constant 112 : index
        %get3A_140 = tpu.vector_load %arg10[%get3A_138, %get3A_139] {strides = array<i32>} : memref<128x128xf32, #tpu.memory_space<vmem>>, vector<1x16xf32>,
        %get3A_141 = vector.shape_cast %get3A_140 : vector<1x16xf32> to vector<16xf32>
        %mul3A_142 = arith.mulf %get3A_141, %broadcast_in_dim3A_52 : vector<16xf32>
        %swap3A_143 = arith.index_cast %add3A_137 : i32 to index
        %swap3A_144 = arith.constant 112 : index
        %swap3A_145 = tpu.vector_load %arg10[%swap3A_143, %swap3A_144] {strides = array<i32>} : memref<128x128xf32, #tpu.memory_space<vmem>>, vector<1x16xf32>,
        %swap3A_146 = vector.shape_cast %swap3A_145 : vector<1x16xf32> to vector<16xf32>
        %swap3A_147 = vector.shape_cast %mul3A_142 : vector<16xf32> to vector<1x16xf32>
        tpu.vector_store %arg10[%swap3A_143, %swap3A_144], %swap3A_147 {strides = array<i32>} : memref<128x128xf32, #tpu.memory_space<vmem>>, vector<1x16xf32>,
        %slice3A_148 = vector.extract_strided_slice %get3A_51 {offsets = [1], sizes = [1], strides = [1]} : vector<16xf32> to vector<1xf32>
        %squeeze3A_149 = vector.extract %slice3A_148[0] : f32 from vector<1xf32>
        %broadcast_in_dim3A_150 = vector.broadcast %squeeze3A_149 : f32 to vector<16xf32>
        %add3A_151 = arith.constant 1 : i32
        %add3A_152 = arith.addi %mul3A_48, %add3A_151 : i32
        %get3A_153 = arith.index_cast %add3A_152 : i32 to index
        %get3A_154 = arith.constant 0 : index
        %get3A_155 = tpu.vector_load %arg10[%get3A_153, %get3A_154] {strides = array<i32>} : memref<128x128xf32, #tpu.memory_space<vmem>>, vector<1x16xf32>,
        %get3A_156 = vector.shape_cast %get3A_155 : vector<1x16xf32> to vector<16xf32>
        %mul3A_157 = arith.mulf %get3A_156, %broadcast_in_dim3A_150 : vector<16xf32>
        %swap3A_158 = arith.index_cast %add3A_152 : i32 to index
        %swap3A_159 = arith.constant 0 : index
        %swap3A_160 = tpu.vector_load %arg10[%swap3A_158, %swap3A_159] {strides = array<i32>} : memref<128x128xf32, #tpu.memory_space<vmem>>, vector<1x16xf32>,
        %swap3A_161 = vector.shape_cast %swap3A_160 : vector<1x16xf32> to vector<16xf32>
        %swap3A_162 = vector.shape_cast %mul3A_157 : vector<16xf32> to vector<1x16xf32>
        tpu.vector_store %arg10[%swap3A_158, %swap3A_159], %swap3A_162 {strides = array<i32>} : memref<128x128xf32, #tpu.memory_space<vmem>>, vector<1x16xf32>,
        %add3A_163 = arith.constant 1 : i32
        %add3A_164 = arith.addi %mul3A_48, %add3A_163 : i32
        %get3A_165 = arith.index_cast %add3A_164 : i32 to index
        %get3A_166 = arith.constant 16 : index
        %get3A_167 = tpu.vector_load %arg10[%get3A_165, %get3A_166] {strides = array<i32>} : memref<128x128xf32, #tpu.memory_space<vmem>>, vector<1x16xf32>,
        %get3A_168 = vector.shape_cast %get3A_167 : vector<1x16xf32> to vector<16xf32>
        %mul3A_169 = arith.mulf %get3A_168, %broadcast_in_dim3A_150 : vector<16xf32>
        %swap3A_170 = arith.index_cast %add3A_164 : i32 to index
        %swap3A_171 = arith.constant 16 : index
        %swap3A_172 = tpu.vector_load %arg10[%swap3A_170, %swap3A_171] {strides = array<i32>} : memref<128x128xf32, #tpu.memory_space<vmem>>, vector<1x16xf32>,
        %swap3A_173 = vector.shape_cast %swap3A_172 : vector<1x16xf32> to vector<16xf32>
        %swap3A_174 = vector.shape_cast %mul3A_169 : vector<16xf32> to vector<1x16xf32>
        tpu.vector_store %arg10[%swap3A_170, %swap3A_171], %swap3A_174 {strides = array<i32>} : memref<128x128xf32, #tpu.memory_space<vmem>>, vector<1x16xf32>,
        %add3A_175 = arith.constant 1 : i32
        %add3A_176 = arith.addi %mul3A_48, %add3A_175 : i32
        %get3A_177 = arith.index_cast %add3A_176 : i32 to index
        %get3A_178 = arith.constant 32 : index
        %get3A_179 = tpu.vector_load %arg10[%get3A_177, %get3A_178] {strides = array<i32>} : memref<128x128xf32, #tpu.memory_space<vmem>>, vector<1x16xf32>,
        %get3A_180 = vector.shape_cast %get3A_179 : vector<1x16xf32> to vector<16xf32>
        %mul3A_181 = arith.mulf %get3A_180, %broadcast_in_dim3A_150 : vector<16xf32>
        %swap3A_182 = arith.index_cast %add3A_176 : i32 to index
        %swap3A_183 = arith.constant 32 : index
        %swap3A_184 = tpu.vector_load %arg10[%swap3A_182, %swap3A_183] {strides = array<i32>} : memref<128x128xf32, #tpu.memory_space<vmem>>, vector<1x16xf32>,
        %swap3A_185 = vector.shape_cast %swap3A_184 : vector<1x16xf32> to vector<16xf32>
        %swap3A_186 = vector.shape_cast %mul3A_181 : vector<16xf32> to vector<1x16xf32>
        tpu.vector_store %arg10[%swap3A_182, %swap3A_183], %swap3A_186 {strides = array<i32>} : memref<128x128xf32, #tpu.memory_space<vmem>>, vector<1x16xf32>,
        %add3A_187 = arith.constant 1 : i32
        %add3A_188 = arith.addi %mul3A_48, %add3A_187 : i32
        %get3A_189 = arith.index_cast %add3A_188 : i32 to index
        %get3A_190 = arith.constant 48 : index
        %get3A_191 = tpu.vector_load %arg10[%get3A_189, %get3A_190] {strides = array<i32>} : memref<128x128xf32, #tpu.memory_space<vmem>>, vector<1x16xf32>,
        %get3A_192 = vector.shape_cast %get3A_191 : vector<1x16xf32> to vector<16xf32>
        %mul3A_193 = arith.mulf %get3A_192, %broadcast_in_dim3A_150 : vector<16xf32>
        %swap3A_194 = arith.index_cast %add3A_188 : i32 to index
        %swap3A_195 = arith.constant 48 : index
        %swap3A_196 = tpu.vector_load %arg10[%swap3A_194, %swap3A_195] {strides = array<i32>} : memref<128x128xf32, #tpu.memory_space<vmem>>, vector<1x16xf32>,
        %swap3A_197 = vector.shape_cast %swap3A_196 : vector<1x16xf32> to vector<16xf32>
        %swap3A_198 = vector.shape_cast %mul3A_193 : vector<16xf32> to vector<1x16xf32>
        tpu.vector_store %arg10[%swap3A_194, %swap3A_195], %swap3A_198 {strides = array<i32>} : memref<128x128xf32, #tpu.memory_space<vmem>>, vector<1x16xf32>,
        %add3A_199 = arith.constant 1 : i32
        %add3A_200 = arith.addi %mul3A_48, %add3A_199 : i32
        %get3A_201 = arith.index_cast %add3A_200 : i32 to index
        %get3A_202 = arith.constant 64 : index
        %get3A_203 = tpu.vector_load %arg10[%get3A_201, %get3A_202] {strides = array<i32>} : memref<128x128xf32, #tpu.memory_space<vmem>>, vector<1x16xf32>,
        %get3A_204 = vector.shape_cast %get3A_203 : vector<1x16xf32> to vector<16xf32>
        %mul3A_205 = arith.mulf %get3A_204, %broadcast_in_dim3A_150 : vector<16xf32>
        %swap3A_206 = arith.index_cast %add3A_200 : i32 to index
        %swap3A_207 = arith.constant 64 : index
        %swap3A_208 = tpu.vector_load %arg10[%swap3A_206, %swap3A_207] {strides = array<i32>} : memref<128x128xf32, #tpu.memory_space<vmem>>, vector<1x16xf32>,
        %swap3A_209 = vector.shape_cast %swap3A_208 : vector<1x16xf32> to vector<16xf32>
        %swap3A_210 = vector.shape_cast %mul3A_205 : vector<16xf32> to vector<1x16xf32>
        tpu.vector_store %arg10[%swap3A_206, %swap3A_207], %swap3A_210 {strides = array<i32>} : memref<128x128xf32, #tpu.memory_space<vmem>>, vector<1x16xf32>,
        %add3A_211 = arith.constant 1 : i32
        %add3A_212 = arith.addi %mul3A_48, %add3A_211 : i32
        %get3A_213 = arith.index_cast %add3A_212 : i32 to index
        %get3A_214 = arith.constant 80 : index
        %get3A_215 = tpu.vector_load %arg10[%get3A_213, %get3A_214] {strides = array<i32>} : memref<128x128xf32, #tpu.memory_space<vmem>>, vector<1x16xf32>,
        %get3A_216 = vector.shape_cast %get3A_215 : vector<1x16xf32> to vector<16xf32>
        %mul3A_217 = arith.mulf %get3A_216, %broadcast_in_dim3A_150 : vector<16xf32>
        %swap3A_218 = arith.index_cast %add3A_212 : i32 to index
        %swap3A_219 = arith.constant 80 : index
        %swap3A_220 = tpu.vector_load %arg10[%swap3A_218, %swap3A_219] {strides = array<i32>} : memref<128x128xf32, #tpu.memory_space<vmem>>, vector<1x16xf32>,
        %swap3A_221 = vector.shape_cast %swap3A_220 : vector<1x16xf32> to vector<16xf32>
        %swap3A_222 = vector.shape_cast %mul3A_217 : vector<16xf32> to vector<1x16xf32>
        tpu.vector_store %arg10[%swap3A_218, %swap3A_219], %swap3A_222 {strides = array<i32>} : memref<128x128xf32, #tpu.memory_space<vmem>>, vector<1x16xf32>,
        %add3A_223 = arith.constant 1 : i32
        %add3A_224 = arith.addi %mul3A_48, %add3A_223 : i32
        %get3A_225 = arith.index_cast %add3A_224 : i32 to index
        %get3A_226 = arith.constant 96 : index
        %get3A_227 = tpu.vector_load %arg10[%get3A_225, %get3A_226] {strides = array<i32>} : memref<128x128xf32, #tpu.memory_space<vmem>>, vector<1x16xf32>,
        %get3A_228 = vector.shape_cast %get3A_227 : vector<1x16xf32> to vector<16xf32>
        %mul3A_229 = arith.mulf %get3A_228, %broadcast_in_dim3A_150 : vector<16xf32>
        %swap3A_230 = arith.index_cast %add3A_224 : i32 to index
        %swap3A_231 = arith.constant 96 : index
        %swap3A_232 = tpu.vector_load %arg10[%swap3A_230, %swap3A_231] {strides = array<i32>} : memref<128x128xf32, #tpu.memory_space<vmem>>, vector<1x16xf32>,
        %swap3A_233 = vector.shape_cast %swap3A_232 : vector<1x16xf32> to vector<16xf32>
        %swap3A_234 = vector.shape_cast %mul3A_229 : vector<16xf32> to vector<1x16xf32>
        tpu.vector_store %arg10[%swap3A_230, %swap3A_231], %swap3A_234 {strides = array<i32>} : memref<128x128xf32, #tpu.memory_space<vmem>>, vector<1x16xf32>,
        %add3A_235 = arith.constant 1 : i32
        %add3A_236 = arith.addi %mul3A_48, %add3A_235 : i32
        %get3A_237 = arith.index_cast %add3A_236 : i32 to index
        %get3A_238 = arith.constant 112 : index
        %get3A_239 = tpu.vector_load %arg10[%get3A_237, %get3A_238] {strides = array<i32>} : memref<128x128xf32, #tpu.memory_space<vmem>>, vector<1x16xf32>,
        %get3A_240 = vector.shape_cast %get3A_239 : vector<1x16xf32> to vector<16xf32>
        %mul3A_241 = arith.mulf %get3A_240, %broadcast_in_dim3A_150 : vector<16xf32>
        %swap3A_242 = arith.index_cast %add3A_236 : i32 to index
        %swap3A_243 = arith.constant 112 : index
        %swap3A_244 = tpu.vector_load %arg10[%swap3A_242, %swap3A_243] {strides = array<i32>} : memref<128x128xf32, #tpu.memory_space<vmem>>, vector<1x16xf32>,
        %swap3A_245 = vector.shape_cast %swap3A_244 : vector<1x16xf32> to vector<16xf32>
        %swap3A_246 = vector.shape_cast %mul3A_241 : vector<16xf32> to vector<1x16xf32>
        tpu.vector_store %arg10[%swap3A_242, %swap3A_243], %swap3A_246 {strides = array<i32>} : memref<128x128xf32, #tpu.memory_space<vmem>>, vector<1x16xf32>,
        %slice3A_247 = vector.extract_strided_slice %get3A_51 {offsets = [2], sizes = [1], strides = [1]} : vector<16xf32> to vector<1xf32>
        %squeeze3A_248 = vector.extract %slice3A_247[0] : f32 from vector<1xf32>
        %broadcast_in_dim3A_249 = vector.broadcast %squeeze3A_248 : f32 to vector<16xf32>
        %add3A_250 = arith.constant 2 : i32
        %add3A_251 = arith.addi %mul3A_48, %add3A_250 : i32
        %get3A_252 = arith.index_cast %add3A_251 : i32 to index
        %get3A_253 = arith.constant 0 : index
        %get3A_254 = tpu.vector_load %arg10[%get3A_252, %get3A_253] {strides = array<i32>} : memref<128x128xf32, #tpu.memory_space<vmem>>, vector<1x16xf32>,
        %get3A_255 = vector.shape_cast %get3A_254 : vector<1x16xf32> to vector<16xf32>
        %mul3A_256 = arith.mulf %get3A_255, %broadcast_in_dim3A_249 : vector<16xf32>
        %swap3A_257 = arith.index_cast %add3A_251 : i32 to index
        %swap3A_258 = arith.constant 0 : index
        %swap3A_259 = tpu.vector_load %arg10[%swap3A_257, %swap3A_258] {strides = array<i32>} : memref<128x128xf32, #tpu.memory_space<vmem>>, vector<1x16xf32>,
        %swap3A_260 = vector.shape_cast %swap3A_259 : vector<1x16xf32> to vector<16xf32>
        %swap3A_261 = vector.shape_cast %mul3A_256 : vector<16xf32> to vector<1x16xf32>
        tpu.vector_store %arg10[%swap3A_257, %swap3A_258], %swap3A_261 {strides = array<i32>} : memref<128x128xf32, #tpu.memory_space<vmem>>, vector<1x16xf32>,
        %add3A_262 = arith.constant 2 : i32
        %add3A_263 = arith.addi %mul3A_48, %add3A_262 : i32
        %get3A_264 = arith.index_cast %add3A_263 : i32 to index
        %get3A_265 = arith.constant 16 : index
        %get3A_266 = tpu.vector_load %arg10[%get3A_264, %get3A_265] {strides = array<i32>} : memref<128x128xf32, #tpu.memory_space<vmem>>, vector<1x16xf32>,
        %get3A_267 = vector.shape_cast %get3A_266 : vector<1x16xf32> to vector<16xf32>
        %mul3A_268 = arith.mulf %get3A_267, %broadcast_in_dim3A_249 : vector<16xf32>
        %swap3A_269 = arith.index_cast %add3A_263 : i32 to index
        %swap3A_270 = arith.constant 16 : index
        %swap3A_271 = tpu.vector_load %arg10[%swap3A_269, %swap3A_270] {strides = array<i32>} : memref<128x128xf32, #tpu.memory_space<vmem>>, vector<1x16xf32>,
        %swap3A_272 = vector.shape_cast %swap3A_271 : vector<1x16xf32> to vector<16xf32>
        %swap3A_273 = vector.shape_cast %mul3A_268 : vector<16xf32> to vector<1x16xf32>
        tpu.vector_store %arg10[%swap3A_269, %swap3A_270], %swap3A_273 {strides = array<i32>} : memref<128x128xf32, #tpu.memory_space<vmem>>, vector<1x16xf32>,
        %add3A_274 = arith.constant 2 : i32
        %add3A_275 = arith.addi %mul3A_48, %add3A_274 : i32
        %get3A_276 = arith.index_cast %add3A_275 : i32 to index
        %get3A_277 = arith.constant 32 : index
        %get3A_278 = tpu.vector_load %arg10[%get3A_276, %get3A_277] {strides = array<i32>} : memref<128x128xf32, #tpu.memory_space<vmem>>, vector<1x16xf32>,
        %get3A_279 = vector.shape_cast %get3A_278 : vector<1x16xf32> to vector<16xf32>
        %mul3A_280 = arith.mulf %get3A_279, %broadcast_in_dim3A_249 : vector<16xf32>
        %swap3A_281 = arith.index_cast %add3A_275 : i32 to index
        %swap3A_282 = arith.constant 32 : index
        %swap3A_283 = tpu.vector_load %arg10[%swap3A_281, %swap3A_282] {strides = array<i32>} : memref<128x128xf32, #tpu.memory_space<vmem>>, vector<1x16xf32>,
        %swap3A_284 = vector.shape_cast %swap3A_283 : vector<1x16xf32> to vector<16xf32>
        %swap3A_285 = vector.shape_cast %mul3A_280 : vector<16xf32> to vector<1x16xf32>
        tpu.vector_store %arg10[%swap3A_281, %swap3A_282], %swap3A_285 {strides = array<i32>} : memref<128x128xf32, #tpu.memory_space<vmem>>, vector<1x16xf32>,
        %add3A_286 = arith.constant 2 : i32
        %add3A_287 = arith.addi %mul3A_48, %add3A_286 : i32
        %get3A_288 = arith.index_cast %add3A_287 : i32 to index
        %get3A_289 = arith.constant 48 : index
        %get3A_290 = tpu.vector_load %arg10[%get3A_288, %get3A_289] {strides = array<i32>} : memref<128x128xf32, #tpu.memory_space<vmem>>, vector<1x16xf32>,
        %get3A_291 = vector.shape_cast %get3A_290 : vector<1x16xf32> to vector<16xf32>
        %mul3A_292 = arith.mulf %get3A_291, %broadcast_in_dim3A_249 : vector<16xf32>
        %swap3A_293 = arith.index_cast %add3A_287 : i32 to index
        %swap3A_294 = arith.constant 48 : index
        %swap3A_295 = tpu.vector_load %arg10[%swap3A_293, %swap3A_294] {strides = array<i32>} : memref<128x128xf32, #tpu.memory_space<vmem>>, vector<1x16xf32>,
        %swap3A_296 = vector.shape_cast %swap3A_295 : vector<1x16xf32> to vector<16xf32>
        %swap3A_297 = vector.shape_cast %mul3A_292 : vector<16xf32> to vector<1x16xf32>
        tpu.vector_store %arg10[%swap3A_293, %swap3A_294], %swap3A_297 {strides = array<i32>} : memref<128x128xf32, #tpu.memory_space<vmem>>, vector<1x16xf32>,
        %add3A_298 = arith.constant 2 : i32
        %add3A_299 = arith.addi %mul3A_48, %add3A_298 : i32
        %get3A_300 = arith.index_cast %add3A_299 : i32 to index
        %get3A_301 = arith.constant 64 : index
        %get3A_302 = tpu.vector_load %arg10[%get3A_300, %get3A_301] {strides = array<i32>} : memref<128x128xf32, #tpu.memory_space<vmem>>, vector<1x16xf32>,
        %get3A_303 = vector.shape_cast %get3A_302 : vector<1x16xf32> to vector<16xf32>
        %mul3A_304 = arith.mulf %get3A_303, %broadcast_in_dim3A_249 : vector<16xf32>
        %swap3A_305 = arith.index_cast %add3A_299 : i32 to index
        %swap3A_306 = arith.constant 64 : index
        %swap3A_307 = tpu.vector_load %arg10[%swap3A_305, %swap3A_306] {strides = array<i32>} : memref<128x128xf32, #tpu.memory_space<vmem>>, vector<1x16xf32>,
        %swap3A_308 = vector.shape_cast %swap3A_307 : vector<1x16xf32> to vector<16xf32>
        %swap3A_309 = vector.shape_cast %mul3A_304 : vector<16xf32> to vector<1x16xf32>
        tpu.vector_store %arg10[%swap3A_305, %swap3A_306], %swap3A_309 {strides = array<i32>} : memref<128x128xf32, #tpu.memory_space<vmem>>, vector<1x16xf32>,
        %add3A_310 = arith.constant 2 : i32
        %add3A_311 = arith.addi %mul3A_48, %add3A_310 : i32
        %get3A_312 = arith.index_cast %add3A_311 : i32 to index
        %get3A_313 = arith.constant 80 : index
        %get3A_314 = tpu.vector_load %arg10[%get3A_312, %get3A_313] {strides = array<i32>} : memref<128x128xf32, #tpu.memory_space<vmem>>, vector<1x16xf32>,
        %get3A_315 = vector.shape_cast %get3A_314 : vector<1x16xf32> to vector<16xf32>
        %mul3A_316 = arith.mulf %get3A_315, %broadcast_in_dim3A_249 : vector<16xf32>
        %swap3A_317 = arith.index_cast %add3A_311 : i32 to index
        %swap3A_318 = arith.constant 80 : index
        %swap3A_319 = tpu.vector_load %arg10[%swap3A_317, %swap3A_318] {strides = array<i32>} : memref<128x128xf32, #tpu.memory_space<vmem>>, vector<1x16xf32>,
        %swap3A_320 = vector.shape_cast %swap3A_319 : vector<1x16xf32> to vector<16xf32>
        %swap3A_321 = vector.shape_cast %mul3A_316 : vector<16xf32> to vector<1x16xf32>
        tpu.vector_store %arg10[%swap3A_317, %swap3A_318], %swap3A_321 {strides = array<i32>} : memref<128x128xf32, #tpu.memory_space<vmem>>, vector<1x16xf32>,
        %add3A_322 = arith.constant 2 : i32
        %add3A_323 = arith.addi %mul3A_48, %add3A_322 : i32
        %get3A_324 = arith.index_cast %add3A_323 : i32 to index
        %get3A_325 = arith.constant 96 : index
        %get3A_326 = tpu.vector_load %arg10[%get3A_324, %get3A_325] {strides = array<i32>} : memref<128x128xf32, #tpu.memory_space<vmem>>, vector<1x16xf32>,
        %get3A_327 = vector.shape_cast %get3A_326 : vector<1x16xf32> to vector<16xf32>
        %mul3A_328 = arith.mulf %get3A_327, %broadcast_in_dim3A_249 : vector<16xf32>
        %swap3A_329 = arith.index_cast %add3A_323 : i32 to index
        %swap3A_330 = arith.constant 96 : index
        %swap3A_331 = tpu.vector_load %arg10[%swap3A_329, %swap3A_330] {strides = array<i32>} : memref<128x128xf32, #tpu.memory_space<vmem>>, vector<1x16xf32>,
        %swap3A_332 = vector.shape_cast %swap3A_331 : vector<1x16xf32> to vector<16xf32>
        %swap3A_333 = vector.shape_cast %mul3A_328 : vector<16xf32> to vector<1x16xf32>
        tpu.vector_store %arg10[%swap3A_329, %swap3A_330], %swap3A_333 {strides = array<i32>} : memref<128x128xf32, #tpu.memory_space<vmem>>, vector<1x16xf32>,
        %add3A_334 = arith.constant 2 : i32
        %add3A_335 = arith.addi %mul3A_48, %add3A_334 : i32
        %get3A_336 = arith.index_cast %add3A_335 : i32 to index
        %get3A_337 = arith.constant 112 : index
        %get3A_338 = tpu.vector_load %arg10[%get3A_336, %get3A_337] {strides = array<i32>} : memref<128x128xf32, #tpu.memory_space<vmem>>, vector<1x16xf32>,
        %get3A_339 = vector.shape_cast %get3A_338 : vector<1x16xf32> to vector<16xf32>
        %mul3A_340 = arith.mulf %get3A_339, %broadcast_in_dim3A_249 : vector<16xf32>
        %swap3A_341 = arith.index_cast %add3A_335 : i32 to index
        %swap3A_342 = arith.constant 112 : index
        %swap3A_343 = tpu.vector_load %arg10[%swap3A_341, %swap3A_342] {strides = array<i32>} : memref<128x128xf32, #tpu.memory_space<vmem>>, vector<1x16xf32>,
        %swap3A_344 = vector.shape_cast %swap3A_343 : vector<1x16xf32> to vector<16xf32>
        %swap3A_345 = vector.shape_cast %mul3A_340 : vector<16xf32> to vector<1x16xf32>
        tpu.vector_store %arg10[%swap3A_341, %swap3A_342], %swap3A_345 {strides = array<i32>} : memref<128x128xf32, #tpu.memory_space<vmem>>, vector<1x16xf32>,
        %slice3A_346 = vector.extract_strided_slice %get3A_51 {offsets = [3], sizes = [1], strides = [1]} : vector<16xf32> to vector<1xf32>
        %squeeze3A_347 = vector.extract %slice3A_346[0] : f32 from vector<1xf32>
        %broadcast_in_dim3A_348 = vector.broadcast %squeeze3A_347 : f32 to vector<16xf32>
        %add3A_349 = arith.constant 3 : i32
        %add3A_350 = arith.addi %mul3A_48, %add3A_349 : i32
        %get3A_351 = arith.index_cast %add3A_350 : i32 to index
        %get3A_352 = arith.constant 0 : index
        %get3A_353 = tpu.vector_load %arg10[%get3A_351, %get3A_352] {strides = array<i32>} : memref<128x128xf32, #tpu.memory_space<vmem>>, vector<1x16xf32>,
        %get3A_354 = vector.shape_cast %get3A_353 : vector<1x16xf32> to vector<16xf32>
        %mul3A_355 = arith.mulf %get3A_354, %broadcast_in_dim3A_348 : vector<16xf32>
        %swap3A_356 = arith.index_cast %add3A_350 : i32 to index
        %swap3A_357 = arith.constant 0 : index
        %swap3A_358 = tpu.vector_load %arg10[%swap3A_356, %swap3A_357] {strides = array<i32>} : memref<128x128xf32, #tpu.memory_space<vmem>>, vector<1x16xf32>,
        %swap3A_359 = vector.shape_cast %swap3A_358 : vector<1x16xf32> to vector<16xf32>
        %swap3A_360 = vector.shape_cast %mul3A_355 : vector<16xf32> to vector<1x16xf32>
        tpu.vector_store %arg10[%swap3A_356, %swap3A_357], %swap3A_360 {strides = array<i32>} : memref<128x128xf32, #tpu.memory_space<vmem>>, vector<1x16xf32>,
        %add3A_361 = arith.constant 3 : i32
        %add3A_362 = arith.addi %mul3A_48, %add3A_361 : i32
        %get3A_363 = arith.index_cast %add3A_362 : i32 to index
        %get3A_364 = arith.constant 16 : index
        %get3A_365 = tpu.vector_load %arg10[%get3A_363, %get3A_364] {strides = array<i32>} : memref<128x128xf32, #tpu.memory_space<vmem>>, vector<1x16xf32>,
        %get3A_366 = vector.shape_cast %get3A_365 : vector<1x16xf32> to vector<16xf32>
        %mul3A_367 = arith.mulf %get3A_366, %broadcast_in_dim3A_348 : vector<16xf32>
        %swap3A_368 = arith.index_cast %add3A_362 : i32 to index
        %swap3A_369 = arith.constant 16 : index
        %swap3A_370 = tpu.vector_load %arg10[%swap3A_368, %swap3A_369] {strides = array<i32>} : memref<128x128xf32, #tpu.memory_space<vmem>>, vector<1x16xf32>,
        %swap3A_371 = vector.shape_cast %swap3A_370 : vector<1x16xf32> to vector<16xf32>
        %swap3A_372 = vector.shape_cast %mul3A_367 : vector<16xf32> to vector<1x16xf32>
        tpu.vector_store %arg10[%swap3A_368, %swap3A_369], %swap3A_372 {strides = array<i32>} : memref<128x128xf32, #tpu.memory_space<vmem>>, vector<1x16xf32>,
        %add3A_373 = arith.constant 3 : i32
        %add3A_374 = arith.addi %mul3A_48, %add3A_373 : i32
        %get3A_375 = arith.index_cast %add3A_374 : i32 to index
        %get3A_376 = arith.constant 32 : index
        %get3A_377 = tpu.vector_load %arg10[%get3A_375, %get3A_376] {strides = array<i32>} : memref<128x128xf32, #tpu.memory_space<vmem>>, vector<1x16xf32>,
        %get3A_378 = vector.shape_cast %get3A_377 : vector<1x16xf32> to vector<16xf32>
        %mul3A_379 = arith.mulf %get3A_378, %broadcast_in_dim3A_348 : vector<16xf32>
        %swap3A_380 = arith.index_cast %add3A_374 : i32 to index
        %swap3A_381 = arith.constant 32 : index
        %swap3A_382 = tpu.vector_load %arg10[%swap3A_380, %swap3A_381] {strides = array<i32>} : memref<128x128xf32, #tpu.memory_space<vmem>>, vector<1x16xf32>,
        %swap3A_383 = vector.shape_cast %swap3A_382 : vector<1x16xf32> to vector<16xf32>
        %swap3A_384 = vector.shape_cast %mul3A_379 : vector<16xf32> to vector<1x16xf32>
        tpu.vector_store %arg10[%swap3A_380, %swap3A_381], %swap3A_384 {strides = array<i32>} : memref<128x128xf32, #tpu.memory_space<vmem>>, vector<1x16xf32>,
        %add3A_385 = arith.constant 3 : i32
        %add3A_386 = arith.addi %mul3A_48, %add3A_385 : i32
        %get3A_387 = arith.index_cast %add3A_386 : i32 to index
        %get3A_388 = arith.constant 48 : index
        %get3A_389 = tpu.vector_load %arg10[%get3A_387, %get3A_388] {strides = array<i32>} : memref<128x128xf32, #tpu.memory_space<vmem>>, vector<1x16xf32>,
        %get3A_390 = vector.shape_cast %get3A_389 : vector<1x16xf32> to vector<16xf32>
        %mul3A_391 = arith.mulf %get3A_390, %broadcast_in_dim3A_348 : vector<16xf32>
        %swap3A_392 = arith.index_cast %add3A_386 : i32 to index
        %swap3A_393 = arith.constant 48 : index
        %swap3A_394 = tpu.vector_load %arg10[%swap3A_392, %swap3A_393] {strides = array<i32>} : memref<128x128xf32, #tpu.memory_space<vmem>>, vector<1x16xf32>,
        %swap3A_395 = vector.shape_cast %swap3A_394 : vector<1x16xf32> to vector<16xf32>
        %swap3A_396 = vector.shape_cast %mul3A_391 : vector<16xf32> to vector<1x16xf32>
        tpu.vector_store %arg10[%swap3A_392, %swap3A_393], %swap3A_396 {strides = array<i32>} : memref<128x128xf32, #tpu.memory_space<vmem>>, vector<1x16xf32>,
        %add3A_397 = arith.constant 3 : i32
        %add3A_398 = arith.addi %mul3A_48, %add3A_397 : i32
        %get3A_399 = arith.index_cast %add3A_398 : i32 to index
        %get3A_400 = arith.constant 64 : index
        %get3A_401 = tpu.vector_load %arg10[%get3A_399, %get3A_400] {strides = array<i32>} : memref<128x128xf32, #tpu.memory_space<vmem>>, vector<1x16xf32>,
        %get3A_402 = vector.shape_cast %get3A_401 : vector<1x16xf32> to vector<16xf32>
        %mul3A_403 = arith.mulf %get3A_402, %broadcast_in_dim3A_348 : vector<16xf32>
        %swap3A_404 = arith.index_cast %add3A_398 : i32 to index
        %swap3A_405 = arith.constant 64 : index
        %swap3A_406 = tpu.vector_load %arg10[%swap3A_404, %swap3A_405] {strides = array<i32>} : memref<128x128xf32, #tpu.memory_space<vmem>>, vector<1x16xf32>,
        %swap3A_407 = vector.shape_cast %swap3A_406 : vector<1x16xf32> to vector<16xf32>
        %swap3A_408 = vector.shape_cast %mul3A_403 : vector<16xf32> to vector<1x16xf32>
        tpu.vector_store %arg10[%swap3A_404, %swap3A_405], %swap3A_408 {strides = array<i32>} : memref<128x128xf32, #tpu.memory_space<vmem>>, vector<1x16xf32>,
        %add3A_409 = arith.constant 3 : i32
        %add3A_410 = arith.addi %mul3A_48, %add3A_409 : i32
        %get3A_411 = arith.index_cast %add3A_410 : i32 to index
        %get3A_412 = arith.constant 80 : index
        %get3A_413 = tpu.vector_load %arg10[%get3A_411, %get3A_412] {strides = array<i32>} : memref<128x128xf32, #tpu.memory_space<vmem>>, vector<1x16xf32>,
        %get3A_414 = vector.shape_cast %get3A_413 : vector<1x16xf32> to vector<16xf32>
        %mul3A_415 = arith.mulf %get3A_414, %broadcast_in_dim3A_348 : vector<16xf32>
        %swap3A_416 = arith.index_cast %add3A_410 : i32 to index
        %swap3A_417 = arith.constant 80 : index
        %swap3A_418 = tpu.vector_load %arg10[%swap3A_416, %swap3A_417] {strides = array<i32>} : memref<128x128xf32, #tpu.memory_space<vmem>>, vector<1x16xf32>,
        %swap3A_419 = vector.shape_cast %swap3A_418 : vector<1x16xf32> to vector<16xf32>
        %swap3A_420 = vector.shape_cast %mul3A_415 : vector<16xf32> to vector<1x16xf32>
        tpu.vector_store %arg10[%swap3A_416, %swap3A_417], %swap3A_420 {strides = array<i32>} : memref<128x128xf32, #tpu.memory_space<vmem>>, vector<1x16xf32>,
        %add3A_421 = arith.constant 3 : i32
        %add3A_422 = arith.addi %mul3A_48, %add3A_421 : i32
        %get3A_423 = arith.index_cast %add3A_422 : i32 to index
        %get3A_424 = arith.constant 96 : index
        %get3A_425 = tpu.vector_load %arg10[%get3A_423, %get3A_424] {strides = array<i32>} : memref<128x128xf32, #tpu.memory_space<vmem>>, vector<1x16xf32>,
        %get3A_426 = vector.shape_cast %get3A_425 : vector<1x16xf32> to vector<16xf32>
        %mul3A_427 = arith.mulf %get3A_426, %broadcast_in_dim3A_348 : vector<16xf32>
        %swap3A_428 = arith.index_cast %add3A_422 : i32 to index
        %swap3A_429 = arith.constant 96 : index
        %swap3A_430 = tpu.vector_load %arg10[%swap3A_428, %swap3A_429] {strides = array<i32>} : memref<128x128xf32, #tpu.memory_space<vmem>>, vector<1x16xf32>,
        %swap3A_431 = vector.shape_cast %swap3A_430 : vector<1x16xf32> to vector<16xf32>
        %swap3A_432 = vector.shape_cast %mul3A_427 : vector<16xf32> to vector<1x16xf32>
        tpu.vector_store %arg10[%swap3A_428, %swap3A_429], %swap3A_432 {strides = array<i32>} : memref<128x128xf32, #tpu.memory_space<vmem>>, vector<1x16xf32>,
        %add3A_433 = arith.constant 3 : i32
        %add3A_434 = arith.addi %mul3A_48, %add3A_433 : i32
        %get3A_435 = arith.index_cast %add3A_434 : i32 to index
        %get3A_436 = arith.constant 112 : index
        %get3A_437 = tpu.vector_load %arg10[%get3A_435, %get3A_436] {strides = array<i32>} : memref<128x128xf32, #tpu.memory_space<vmem>>, vector<1x16xf32>,
        %get3A_438 = vector.shape_cast %get3A_437 : vector<1x16xf32> to vector<16xf32>
        %mul3A_439 = arith.mulf %get3A_438, %broadcast_in_dim3A_348 : vector<16xf32>
        %swap3A_440 = arith.index_cast %add3A_434 : i32 to index
        %swap3A_441 = arith.constant 112 : index
        %swap3A_442 = tpu.vector_load %arg10[%swap3A_440, %swap3A_441] {strides = array<i32>} : memref<128x128xf32, #tpu.memory_space<vmem>>, vector<1x16xf32>,
        %swap3A_443 = vector.shape_cast %swap3A_442 : vector<1x16xf32> to vector<16xf32>
        %swap3A_444 = vector.shape_cast %mul3A_439 : vector<16xf32> to vector<1x16xf32>
        tpu.vector_store %arg10[%swap3A_440, %swap3A_441], %swap3A_444 {strides = array<i32>} : memref<128x128xf32, #tpu.memory_space<vmem>>, vector<1x16xf32>,
        %slice3A_445 = vector.extract_strided_slice %get3A_51 {offsets = [4], sizes = [1], strides = [1]} : vector<16xf32> to vector<1xf32>
        %squeeze3A_446 = vector.extract %slice3A_445[0] : f32 from vector<1xf32>
        %broadcast_in_dim3A_447 = vector.broadcast %squeeze3A_446 : f32 to vector<16xf32>
        %add3A_448 = arith.constant 4 : i32
        %add3A_449 = arith.addi %mul3A_48, %add3A_448 : i32
        %get3A_450 = arith.index_cast %add3A_449 : i32 to index
        %get3A_451 = arith.constant 0 : index
        %get3A_452 = tpu.vector_load %arg10[%get3A_450, %get3A_451] {strides = array<i32>} : memref<128x128xf32, #tpu.memory_space<vmem>>, vector<1x16xf32>,
        %get3A_453 = vector.shape_cast %get3A_452 : vector<1x16xf32> to vector<16xf32>
        %mul3A_454 = arith.mulf %get3A_453, %broadcast_in_dim3A_447 : vector<16xf32>
        %swap3A_455 = arith.index_cast %add3A_449 : i32 to index
        %swap3A_456 = arith.constant 0 : index
        %swap3A_457 = tpu.vector_load %arg10[%swap3A_455, %swap3A_456] {strides = array<i32>} : memref<128x128xf32, #tpu.memory_space<vmem>>, vector<1x16xf32>,
        %swap3A_458 = vector.shape_cast %swap3A_457 : vector<1x16xf32> to vector<16xf32>
        %swap3A_459 = vector.shape_cast %mul3A_454 : vector<16xf32> to vector<1x16xf32>
        tpu.vector_store %arg10[%swap3A_455, %swap3A_456], %swap3A_459 {strides = array<i32>} : memref<128x128xf32, #tpu.memory_space<vmem>>, vector<1x16xf32>,
        %add3A_460 = arith.constant 4 : i32
        %add3A_461 = arith.addi %mul3A_48, %add3A_460 : i32
        %get3A_462 = arith.index_cast %add3A_461 : i32 to index
        %get3A_463 = arith.constant 16 : index
        %get3A_464 = tpu.vector_load %arg10[%get3A_462, %get3A_463] {strides = array<i32>} : memref<128x128xf32, #tpu.memory_space<vmem>>, vector<1x16xf32>,
        %get3A_465 = vector.shape_cast %get3A_464 : vector<1x16xf32> to vector<16xf32>
        %mul3A_466 = arith.mulf %get3A_465, %broadcast_in_dim3A_447 : vector<16xf32>
        %swap3A_467 = arith.index_cast %add3A_461 : i32 to index
        %swap3A_468 = arith.constant 16 : index
        %swap3A_469 = tpu.vector_load %arg10[%swap3A_467, %swap3A_468] {strides = array<i32>} : memref<128x128xf32, #tpu.memory_space<vmem>>, vector<1x16xf32>,
        %swap3A_470 = vector.shape_cast %swap3A_469 : vector<1x16xf32> to vector<16xf32>
        %swap3A_471 = vector.shape_cast %mul3A_466 : vector<16xf32> to vector<1x16xf32>
        tpu.vector_store %arg10[%swap3A_467, %swap3A_468], %swap3A_471 {strides = array<i32>} : memref<128x128xf32, #tpu.memory_space<vmem>>, vector<1x16xf32>,
        %add3A_472 = arith.constant 4 : i32
        %add3A_473 = arith.addi %mul3A_48, %add3A_472 : i32
        %get3A_474 = arith.index_cast %add3A_473 : i32 to index
        %get3A_475 = arith.constant 32 : index
        %get3A_476 = tpu.vector_load %arg10[%get3A_474, %get3A_475] {strides = array<i32>} : memref<128x128xf32, #tpu.memory_space<vmem>>, vector<1x16xf32>,
        %get3A_477 = vector.shape_cast %get3A_476 : vector<1x16xf32> to vector<16xf32>
        %mul3A_478 = arith.mulf %get3A_477, %broadcast_in_dim3A_447 : vector<16xf32>
        %swap3A_479 = arith.index_cast %add3A_473 : i32 to index
        %swap3A_480 = arith.constant 32 : index
        %swap3A_481 = tpu.vector_load %arg10[%swap3A_479, %swap3A_480] {strides = array<i32>} : memref<128x128xf32, #tpu.memory_space<vmem>>, vector<1x16xf32>,
        %swap3A_482 = vector.shape_cast %swap3A_481 : vector<1x16xf32> to vector<16xf32>
        %swap3A_483 = vector.shape_cast %mul3A_478 : vector<16xf32> to vector<1x16xf32>
        tpu.vector_store %arg10[%swap3A_479, %swap3A_480], %swap3A_483 {strides = array<i32>} : memref<128x128xf32, #tpu.memory_space<vmem>>, vector<1x16xf32>,
        %add3A_484 = arith.constant 4 : i32
        %add3A_485 = arith.addi %mul3A_48, %add3A_484 : i32
        %get3A_486 = arith.index_cast %add3A_485 : i32 to index
        %get3A_487 = arith.constant 48 : index
        %get3A_488 = tpu.vector_load %arg10[%get3A_486, %get3A_487] {strides = array<i32>} : memref<128x128xf32, #tpu.memory_space<vmem>>, vector<1x16xf32>,
        %get3A_489 = vector.shape_cast %get3A_488 : vector<1x16xf32> to vector<16xf32>
        %mul3A_490 = arith.mulf %get3A_489, %broadcast_in_dim3A_447 : vector<16xf32>
        %swap3A_491 = arith.index_cast %add3A_485 : i32 to index
        %swap3A_492 = arith.constant 48 : index
        %swap3A_493 = tpu.vector_load %arg10[%swap3A_491, %swap3A_492] {strides = array<i32>} : memref<128x128xf32, #tpu.memory_space<vmem>>, vector<1x16xf32>,
        %swap3A_494 = vector.shape_cast %swap3A_493 : vector<1x16xf32> to vector<16xf32>
        %swap3A_495 = vector.shape_cast %mul3A_490 : vector<16xf32> to vector<1x16xf32>
        tpu.vector_store %arg10[%swap3A_491, %swap3A_492], %swap3A_495 {strides = array<i32>} : memref<128x128xf32, #tpu.memory_space<vmem>>, vector<1x16xf32>,
        %add3A_496 = arith.constant 4 : i32
        %add3A_497 = arith.addi %mul3A_48, %add3A_496 : i32
        %get3A_498 = arith.index_cast %add3A_497 : i32 to index
        %get3A_499 = arith.constant 64 : index
        %get3A_500 = tpu.vector_load %arg10[%get3A_498, %get3A_499] {strides = array<i32>} : memref<128x128xf32, #tpu.memory_space<vmem>>, vector<1x16xf32>,
        %get3A_501 = vector.shape_cast %get3A_500 : vector<1x16xf32> to vector<16xf32>
        %mul3A_502 = arith.mulf %get3A_501, %broadcast_in_dim3A_447 : vector<16xf32>
        %swap3A_503 = arith.index_cast %add3A_497 : i32 to index
        %swap3A_504 = arith.constant 64 : index
        %swap3A_505 = tpu.vector_load %arg10[%swap3A_503, %swap3A_504] {strides = array<i32>} : memref<128x128xf32, #tpu.memory_space<vmem>>, vector<1x16xf32>,
        %swap3A_506 = vector.shape_cast %swap3A_505 : vector<1x16xf32> to vector<16xf32>
        %swap3A_507 = vector.shape_cast %mul3A_502 : vector<16xf32> to vector<1x16xf32>
        tpu.vector_store %arg10[%swap3A_503, %swap3A_504], %swap3A_507 {strides = array<i32>} : memref<128x128xf32, #tpu.memory_space<vmem>>, vector<1x16xf32>,
        %add3A_508 = arith.constant 4 : i32
        %add3A_509 = arith.addi %mul3A_48, %add3A_508 : i32
        %get3A_510 = arith.index_cast %add3A_509 : i32 to index
        %get3A_511 = arith.constant 80 : index
        %get3A_512 = tpu.vector_load %arg10[%get3A_510, %get3A_511] {strides = array<i32>} : memref<128x128xf32, #tpu.memory_space<vmem>>, vector<1x16xf32>,
        %get3A_513 = vector.shape_cast %get3A_512 : vector<1x16xf32> to vector<16xf32>
        %mul3A_514 = arith.mulf %get3A_513, %broadcast_in_dim3A_447 : vector<16xf32>
        %swap3A_515 = arith.index_cast %add3A_509 : i32 to index
        %swap3A_516 = arith.constant 80 : index
        %swap3A_517 = tpu.vector_load %arg10[%swap3A_515, %swap3A_516] {strides = array<i32>} : memref<128x128xf32, #tpu.memory_space<vmem>>, vector<1x16xf32>,
        %swap3A_518 = vector.shape_cast %swap3A_517 : vector<1x16xf32> to vector<16xf32>
        %swap3A_519 = vector.shape_cast %mul3A_514 : vector<16xf32> to vector<1x16xf32>
        tpu.vector_store %arg10[%swap3A_515, %swap3A_516], %swap3A_519 {strides = array<i32>} : memref<128x128xf32, #tpu.memory_space<vmem>>, vector<1x16xf32>,
        %add3A_520 = arith.constant 4 : i32
        %add3A_521 = arith.addi %mul3A_48, %add3A_520 : i32
        %get3A_522 = arith.index_cast %add3A_521 : i32 to index
        %get3A_523 = arith.constant 96 : index
        %get3A_524 = tpu.vector_load %arg10[%get3A_522, %get3A_523] {strides = array<i32>} : memref<128x128xf32, #tpu.memory_space<vmem>>, vector<1x16xf32>,
        %get3A_525 = vector.shape_cast %get3A_524 : vector<1x16xf32> to vector<16xf32>
        %mul3A_526 = arith.mulf %get3A_525, %broadcast_in_dim3A_447 : vector<16xf32>
        %swap3A_527 = arith.index_cast %add3A_521 : i32 to index
        %swap3A_528 = arith.constant 96 : index
        %swap3A_529 = tpu.vector_load %arg10[%swap3A_527, %swap3A_528] {strides = array<i32>} : memref<128x128xf32, #tpu.memory_space<vmem>>, vector<1x16xf32>,
        %swap3A_530 = vector.shape_cast %swap3A_529 : vector<1x16xf32> to vector<16xf32>
        %swap3A_531 = vector.shape_cast %mul3A_526 : vector<16xf32> to vector<1x16xf32>
        tpu.vector_store %arg10[%swap3A_527, %swap3A_528], %swap3A_531 {strides = array<i32>} : memref<128x128xf32, #tpu.memory_space<vmem>>, vector<1x16xf32>,
        %add3A_532 = arith.constant 4 : i32
        %add3A_533 = arith.addi %mul3A_48, %add3A_532 : i32
        %get3A_534 = arith.index_cast %add3A_533 : i32 to index
        %get3A_535 = arith.constant 112 : index
        %get3A_536 = tpu.vector_load %arg10[%get3A_534, %get3A_535] {strides = array<i32>} : memref<128x128xf32, #tpu.memory_space<vmem>>, vector<1x16xf32>,
        %get3A_537 = vector.shape_cast %get3A_536 : vector<1x16xf32> to vector<16xf32>
        %mul3A_538 = arith.mulf %get3A_537, %broadcast_in_dim3A_447 : vector<16xf32>
        %swap3A_539 = arith.index_cast %add3A_533 : i32 to index
        %swap3A_540 = arith.constant 112 : index
        %swap3A_541 = tpu.vector_load %arg10[%swap3A_539, %swap3A_540] {strides = array<i32>} : memref<128x128xf32, #tpu.memory_space<vmem>>, vector<1x16xf32>,
        %swap3A_542 = vector.shape_cast %swap3A_541 : vector<1x16xf32> to vector<16xf32>
        %swap3A_543 = vector.shape_cast %mul3A_538 : vector<16xf32> to vector<1x16xf32>
        tpu.vector_store %arg10[%swap3A_539, %swap3A_540], %swap3A_543 {strides = array<i32>} : memref<128x128xf32, #tpu.memory_space<vmem>>, vector<1x16xf32>,
        %slice3A_544 = vector.extract_strided_slice %get3A_51 {offsets = [5], sizes = [1], strides = [1]} : vector<16xf32> to vector<1xf32>
        %squeeze3A_545 = vector.extract %slice3A_544[0] : f32 from vector<1xf32>
        %broadcast_in_dim3A_546 = vector.broadcast %squeeze3A_545 : f32 to vector<16xf32>
        %add3A_547 = arith.constant 5 : i32
        %add3A_548 = arith.addi %mul3A_48, %add3A_547 : i32
        %get3A_549 = arith.index_cast %add3A_548 : i32 to index
        %get3A_550 = arith.constant 0 : index
        %get3A_551 = tpu.vector_load %arg10[%get3A_549, %get3A_550] {strides = array<i32>} : memref<128x128xf32, #tpu.memory_space<vmem>>, vector<1x16xf32>,
        %get3A_552 = vector.shape_cast %get3A_551 : vector<1x16xf32> to vector<16xf32>
        %mul3A_553 = arith.mulf %get3A_552, %broadcast_in_dim3A_546 : vector<16xf32>
        %swap3A_554 = arith.index_cast %add3A_548 : i32 to index
        %swap3A_555 = arith.constant 0 : index
        %swap3A_556 = tpu.vector_load %arg10[%swap3A_554, %swap3A_555] {strides = array<i32>} : memref<128x128xf32, #tpu.memory_space<vmem>>, vector<1x16xf32>,
        %swap3A_557 = vector.shape_cast %swap3A_556 : vector<1x16xf32> to vector<16xf32>
        %swap3A_558 = vector.shape_cast %mul3A_553 : vector<16xf32> to vector<1x16xf32>
        tpu.vector_store %arg10[%swap3A_554, %swap3A_555], %swap3A_558 {strides = array<i32>} : memref<128x128xf32, #tpu.memory_space<vmem>>, vector<1x16xf32>,
        %add3A_559 = arith.constant 5 : i32
        %add3A_560 = arith.addi %mul3A_48, %add3A_559 : i32
        %get3A_561 = arith.index_cast %add3A_560 : i32 to index
        %get3A_562 = arith.constant 16 : index
        %get3A_563 = tpu.vector_load %arg10[%get3A_561, %get3A_562] {strides = array<i32>} : memref<128x128xf32, #tpu.memory_space<vmem>>, vector<1x16xf32>,
        %get3A_564 = vector.shape_cast %get3A_563 : vector<1x16xf32> to vector<16xf32>
        %mul3A_565 = arith.mulf %get3A_564, %broadcast_in_dim3A_546 : vector<16xf32>
        %swap3A_566 = arith.index_cast %add3A_560 : i32 to index
        %swap3A_567 = arith.constant 16 : index
        %swap3A_568 = tpu.vector_load %arg10[%swap3A_566, %swap3A_567] {strides = array<i32>} : memref<128x128xf32, #tpu.memory_space<vmem>>, vector<1x16xf32>,
        %swap3A_569 = vector.shape_cast %swap3A_568 : vector<1x16xf32> to vector<16xf32>
        %swap3A_570 = vector.shape_cast %mul3A_565 : vector<16xf32> to vector<1x16xf32>
        tpu.vector_store %arg10[%swap3A_566, %swap3A_567], %swap3A_570 {strides = array<i32>} : memref<128x128xf32, #tpu.memory_space<vmem>>, vector<1x16xf32>,
        %add3A_571 = arith.constant 5 : i32
        %add3A_572 = arith.addi %mul3A_48, %add3A_571 : i32
        %get3A_573 = arith.index_cast %add3A_572 : i32 to index
        %get3A_574 = arith.constant 32 : index
        %get3A_575 = tpu.vector_load %arg10[%get3A_573, %get3A_574] {strides = array<i32>} : memref<128x128xf32, #tpu.memory_space<vmem>>, vector<1x16xf32>,
        %get3A_576 = vector.shape_cast %get3A_575 : vector<1x16xf32> to vector<16xf32>
        %mul3A_577 = arith.mulf %get3A_576, %broadcast_in_dim3A_546 : vector<16xf32>
        %swap3A_578 = arith.index_cast %add3A_572 : i32 to index
        %swap3A_579 = arith.constant 32 : index
        %swap3A_580 = tpu.vector_load %arg10[%swap3A_578, %swap3A_579] {strides = array<i32>} : memref<128x128xf32, #tpu.memory_space<vmem>>, vector<1x16xf32>,
        %swap3A_581 = vector.shape_cast %swap3A_580 : vector<1x16xf32> to vector<16xf32>
        %swap3A_582 = vector.shape_cast %mul3A_577 : vector<16xf32> to vector<1x16xf32>
        tpu.vector_store %arg10[%swap3A_578, %swap3A_579], %swap3A_582 {strides = array<i32>} : memref<128x128xf32, #tpu.memory_space<vmem>>, vector<1x16xf32>,
        %add3A_583 = arith.constant 5 : i32
        %add3A_584 = arith.addi %mul3A_48, %add3A_583 : i32
        %get3A_585 = arith.index_cast %add3A_584 : i32 to index
        %get3A_586 = arith.constant 48 : index
        %get3A_587 = tpu.vector_load %arg10[%get3A_585, %get3A_586] {strides = array<i32>} : memref<128x128xf32, #tpu.memory_space<vmem>>, vector<1x16xf32>,
        %get3A_588 = vector.shape_cast %get3A_587 : vector<1x16xf32> to vector<16xf32>
        %mul3A_589 = arith.mulf %get3A_588, %broadcast_in_dim3A_546 : vector<16xf32>
        %swap3A_590 = arith.index_cast %add3A_584 : i32 to index
        %swap3A_591 = arith.constant 48 : index
        %swap3A_592 = tpu.vector_load %arg10[%swap3A_590, %swap3A_591] {strides = array<i32>} : memref<128x128xf32, #tpu.memory_space<vmem>>, vector<1x16xf32>,
        %swap3A_593 = vector.shape_cast %swap3A_592 : vector<1x16xf32> to vector<16xf32>
        %swap3A_594 = vector.shape_cast %mul3A_589 : vector<16xf32> to vector<1x16xf32>
        tpu.vector_store %arg10[%swap3A_590, %swap3A_591], %swap3A_594 {strides = array<i32>} : memref<128x128xf32, #tpu.memory_space<vmem>>, vector<1x16xf32>,
        %add3A_595 = arith.constant 5 : i32
        %add3A_596 = arith.addi %mul3A_48, %add3A_595 : i32
        %get3A_597 = arith.index_cast %add3A_596 : i32 to index
        %get3A_598 = arith.constant 64 : index
        %get3A_599 = tpu.vector_load %arg10[%get3A_597, %get3A_598] {strides = array<i32>} : memref<128x128xf32, #tpu.memory_space<vmem>>, vector<1x16xf32>,
        %get3A_600 = vector.shape_cast %get3A_599 : vector<1x16xf32> to vector<16xf32>
        %mul3A_601 = arith.mulf %get3A_600, %broadcast_in_dim3A_546 : vector<16xf32>
        %swap3A_602 = arith.index_cast %add3A_596 : i32 to index
        %swap3A_603 = arith.constant 64 : index
        %swap3A_604 = tpu.vector_load %arg10[%swap3A_602, %swap3A_603] {strides = array<i32>} : memref<128x128xf32, #tpu.memory_space<vmem>>, vector<1x16xf32>,
        %swap3A_605 = vector.shape_cast %swap3A_604 : vector<1x16xf32> to vector<16xf32>
        %swap3A_606 = vector.shape_cast %mul3A_601 : vector<16xf32> to vector<1x16xf32>
        tpu.vector_store %arg10[%swap3A_602, %swap3A_603], %swap3A_606 {strides = array<i32>} : memref<128x128xf32, #tpu.memory_space<vmem>>, vector<1x16xf32>,
        %add3A_607 = arith.constant 5 : i32
        %add3A_608 = arith.addi %mul3A_48, %add3A_607 : i32
        %get3A_609 = arith.index_cast %add3A_608 : i32 to index
        %get3A_610 = arith.constant 80 : index
        %get3A_611 = tpu.vector_load %arg10[%get3A_609, %get3A_610] {strides = array<i32>} : memref<128x128xf32, #tpu.memory_space<vmem>>, vector<1x16xf32>,
        %get3A_612 = vector.shape_cast %get3A_611 : vector<1x16xf32> to vector<16xf32>
        %mul3A_613 = arith.mulf %get3A_612, %broadcast_in_dim3A_546 : vector<16xf32>
        %swap3A_614 = arith.index_cast %add3A_608 : i32 to index
        %swap3A_615 = arith.constant 80 : index
        %swap3A_616 = tpu.vector_load %arg10[%swap3A_614, %swap3A_615] {strides = array<i32>} : memref<128x128xf32, #tpu.memory_space<vmem>>, vector<1x16xf32>,
        %swap3A_617 = vector.shape_cast %swap3A_616 : vector<1x16xf32> to vector<16xf32>
        %swap3A_618 = vector.shape_cast %mul3A_613 : vector<16xf32> to vector<1x16xf32>
        tpu.vector_store %arg10[%swap3A_614, %swap3A_615], %swap3A_618 {strides = array<i32>} : memref<128x128xf32, #tpu.memory_space<vmem>>, vector<1x16xf32>,
        %add3A_619 = arith.constant 5 : i32
        %add3A_620 = arith.addi %mul3A_48, %add3A_619 : i32
        %get3A_621 = arith.index_cast %add3A_620 : i32 to index
        %get3A_622 = arith.constant 96 : index
        %get3A_623 = tpu.vector_load %arg10[%get3A_621, %get3A_622] {strides = array<i32>} : memref<128x128xf32, #tpu.memory_space<vmem>>, vector<1x16xf32>,
        %get3A_624 = vector.shape_cast %get3A_623 : vector<1x16xf32> to vector<16xf32>
        %mul3A_625 = arith.mulf %get3A_624, %broadcast_in_dim3A_546 : vector<16xf32>
        %swap3A_626 = arith.index_cast %add3A_620 : i32 to index
        %swap3A_627 = arith.constant 96 : index
        %swap3A_628 = tpu.vector_load %arg10[%swap3A_626, %swap3A_627] {strides = array<i32>} : memref<128x128xf32, #tpu.memory_space<vmem>>, vector<1x16xf32>,
        %swap3A_629 = vector.shape_cast %swap3A_628 : vector<1x16xf32> to vector<16xf32>
        %swap3A_630 = vector.shape_cast %mul3A_625 : vector<16xf32> to vector<1x16xf32>
        tpu.vector_store %arg10[%swap3A_626, %swap3A_627], %swap3A_630 {strides = array<i32>} : memref<128x128xf32, #tpu.memory_space<vmem>>, vector<1x16xf32>,
        %add3A_631 = arith.constant 5 : i32
        %add3A_632 = arith.addi %mul3A_48, %add3A_631 : i32
        %get3A_633 = arith.index_cast %add3A_632 : i32 to index
        %get3A_634 = arith.constant 112 : index
        %get3A_635 = tpu.vector_load %arg10[%get3A_633, %get3A_634] {strides = array<i32>} : memref<128x128xf32, #tpu.memory_space<vmem>>, vector<1x16xf32>,
        %get3A_636 = vector.shape_cast %get3A_635 : vector<1x16xf32> to vector<16xf32>
        %mul3A_637 = arith.mulf %get3A_636, %broadcast_in_dim3A_546 : vector<16xf32>
        %swap3A_638 = arith.index_cast %add3A_632 : i32 to index
        %swap3A_639 = arith.constant 112 : index
        %swap3A_640 = tpu.vector_load %arg10[%swap3A_638, %swap3A_639] {strides = array<i32>} : memref<128x128xf32, #tpu.memory_space<vmem>>, vector<1x16xf32>,
        %swap3A_641 = vector.shape_cast %swap3A_640 : vector<1x16xf32> to vector<16xf32>
        %swap3A_642 = vector.shape_cast %mul3A_637 : vector<16xf32> to vector<1x16xf32>
        tpu.vector_store %arg10[%swap3A_638, %swap3A_639], %swap3A_642 {strides = array<i32>} : memref<128x128xf32, #tpu.memory_space<vmem>>, vector<1x16xf32>,
        %slice3A_643 = vector.extract_strided_slice %get3A_51 {offsets = [6], sizes = [1], strides = [1]} : vector<16xf32> to vector<1xf32>
        %squeeze3A_644 = vector.extract %slice3A_643[0] : f32 from vector<1xf32>
        %broadcast_in_dim3A_645 = vector.broadcast %squeeze3A_644 : f32 to vector<16xf32>
        %add3A_646 = arith.constant 6 : i32
        %add3A_647 = arith.addi %mul3A_48, %add3A_646 : i32
        %get3A_648 = arith.index_cast %add3A_647 : i32 to index
        %get3A_649 = arith.constant 0 : index
        %get3A_650 = tpu.vector_load %arg10[%get3A_648, %get3A_649] {strides = array<i32>} : memref<128x128xf32, #tpu.memory_space<vmem>>, vector<1x16xf32>,
        %get3A_651 = vector.shape_cast %get3A_650 : vector<1x16xf32> to vector<16xf32>
        %mul3A_652 = arith.mulf %get3A_651, %broadcast_in_dim3A_645 : vector<16xf32>
        %swap3A_653 = arith.index_cast %add3A_647 : i32 to index
        %swap3A_654 = arith.constant 0 : index
        %swap3A_655 = tpu.vector_load %arg10[%swap3A_653, %swap3A_654] {strides = array<i32>} : memref<128x128xf32, #tpu.memory_space<vmem>>, vector<1x16xf32>,
        %swap3A_656 = vector.shape_cast %swap3A_655 : vector<1x16xf32> to vector<16xf32>
        %swap3A_657 = vector.shape_cast %mul3A_652 : vector<16xf32> to vector<1x16xf32>
        tpu.vector_store %arg10[%swap3A_653, %swap3A_654], %swap3A_657 {strides = array<i32>} : memref<128x128xf32, #tpu.memory_space<vmem>>, vector<1x16xf32>,
        %add3A_658 = arith.constant 6 : i32
        %add3A_659 = arith.addi %mul3A_48, %add3A_658 : i32
        %get3A_660 = arith.index_cast %add3A_659 : i32 to index
        %get3A_661 = arith.constant 16 : index
        %get3A_662 = tpu.vector_load %arg10[%get3A_660, %get3A_661] {strides = array<i32>} : memref<128x128xf32, #tpu.memory_space<vmem>>, vector<1x16xf32>,
        %get3A_663 = vector.shape_cast %get3A_662 : vector<1x16xf32> to vector<16xf32>
        %mul3A_664 = arith.mulf %get3A_663, %broadcast_in_dim3A_645 : vector<16xf32>
        %swap3A_665 = arith.index_cast %add3A_659 : i32 to index
        %swap3A_666 = arith.constant 16 : index
        %swap3A_667 = tpu.vector_load %arg10[%swap3A_665, %swap3A_666] {strides = array<i32>} : memref<128x128xf32, #tpu.memory_space<vmem>>, vector<1x16xf32>,
        %swap3A_668 = vector.shape_cast %swap3A_667 : vector<1x16xf32> to vector<16xf32>
        %swap3A_669 = vector.shape_cast %mul3A_664 : vector<16xf32> to vector<1x16xf32>
        tpu.vector_store %arg10[%swap3A_665, %swap3A_666], %swap3A_669 {strides = array<i32>} : memref<128x128xf32, #tpu.memory_space<vmem>>, vector<1x16xf32>,
        %add3A_670 = arith.constant 6 : i32
        %add3A_671 = arith.addi %mul3A_48, %add3A_670 : i32
        %get3A_672 = arith.index_cast %add3A_671 : i32 to index
        %get3A_673 = arith.constant 32 : index
        %get3A_674 = tpu.vector_load %arg10[%get3A_672, %get3A_673] {strides = array<i32>} : memref<128x128xf32, #tpu.memory_space<vmem>>, vector<1x16xf32>,
        %get3A_675 = vector.shape_cast %get3A_674 : vector<1x16xf32> to vector<16xf32>
        %mul3A_676 = arith.mulf %get3A_675, %broadcast_in_dim3A_645 : vector<16xf32>
        %swap3A_677 = arith.index_cast %add3A_671 : i32 to index
        %swap3A_678 = arith.constant 32 : index
        %swap3A_679 = tpu.vector_load %arg10[%swap3A_677, %swap3A_678] {strides = array<i32>} : memref<128x128xf32, #tpu.memory_space<vmem>>, vector<1x16xf32>,
        %swap3A_680 = vector.shape_cast %swap3A_679 : vector<1x16xf32> to vector<16xf32>
        %swap3A_681 = vector.shape_cast %mul3A_676 : vector<16xf32> to vector<1x16xf32>
        tpu.vector_store %arg10[%swap3A_677, %swap3A_678], %swap3A_681 {strides = array<i32>} : memref<128x128xf32, #tpu.memory_space<vmem>>, vector<1x16xf32>,
        %add3A_682 = arith.constant 6 : i32
        %add3A_683 = arith.addi %mul3A_48, %add3A_682 : i32
        %get3A_684 = arith.index_cast %add3A_683 : i32 to index
        %get3A_685 = arith.constant 48 : index
        %get3A_686 = tpu.vector_load %arg10[%get3A_684, %get3A_685] {strides = array<i32>} : memref<128x128xf32, #tpu.memory_space<vmem>>, vector<1x16xf32>,
        %get3A_687 = vector.shape_cast %get3A_686 : vector<1x16xf32> to vector<16xf32>
        %mul3A_688 = arith.mulf %get3A_687, %broadcast_in_dim3A_645 : vector<16xf32>
        %swap3A_689 = arith.index_cast %add3A_683 : i32 to index
        %swap3A_690 = arith.constant 48 : index
        %swap3A_691 = tpu.vector_load %arg10[%swap3A_689, %swap3A_690] {strides = array<i32>} : memref<128x128xf32, #tpu.memory_space<vmem>>, vector<1x16xf32>,
        %swap3A_692 = vector.shape_cast %swap3A_691 : vector<1x16xf32> to vector<16xf32>
        %swap3A_693 = vector.shape_cast %mul3A_688 : vector<16xf32> to vector<1x16xf32>
        tpu.vector_store %arg10[%swap3A_689, %swap3A_690], %swap3A_693 {strides = array<i32>} : memref<128x128xf32, #tpu.memory_space<vmem>>, vector<1x16xf32>,
        %add3A_694 = arith.constant 6 : i32
        %add3A_695 = arith.addi %mul3A_48, %add3A_694 : i32
        %get3A_696 = arith.index_cast %add3A_695 : i32 to index
        %get3A_697 = arith.constant 64 : index
        %get3A_698 = tpu.vector_load %arg10[%get3A_696, %get3A_697] {strides = array<i32>} : memref<128x128xf32, #tpu.memory_space<vmem>>, vector<1x16xf32>,
        %get3A_699 = vector.shape_cast %get3A_698 : vector<1x16xf32> to vector<16xf32>
        %mul3A_700 = arith.mulf %get3A_699, %broadcast_in_dim3A_645 : vector<16xf32>
        %swap3A_701 = arith.index_cast %add3A_695 : i32 to index
        %swap3A_702 = arith.constant 64 : index
        %swap3A_703 = tpu.vector_load %arg10[%swap3A_701, %swap3A_702] {strides = array<i32>} : memref<128x128xf32, #tpu.memory_space<vmem>>, vector<1x16xf32>,
        %swap3A_704 = vector.shape_cast %swap3A_703 : vector<1x16xf32> to vector<16xf32>
        %swap3A_705 = vector.shape_cast %mul3A_700 : vector<16xf32> to vector<1x16xf32>
        tpu.vector_store %arg10[%swap3A_701, %swap3A_702], %swap3A_705 {strides = array<i32>} : memref<128x128xf32, #tpu.memory_space<vmem>>, vector<1x16xf32>,
        %add3A_706 = arith.constant 6 : i32
        %add3A_707 = arith.addi %mul3A_48, %add3A_706 : i32
        %get3A_708 = arith.index_cast %add3A_707 : i32 to index
        %get3A_709 = arith.constant 80 : index
        %get3A_710 = tpu.vector_load %arg10[%get3A_708, %get3A_709] {strides = array<i32>} : memref<128x128xf32, #tpu.memory_space<vmem>>, vector<1x16xf32>,
        %get3A_711 = vector.shape_cast %get3A_710 : vector<1x16xf32> to vector<16xf32>
        %mul3A_712 = arith.mulf %get3A_711, %broadcast_in_dim3A_645 : vector<16xf32>
        %swap3A_713 = arith.index_cast %add3A_707 : i32 to index
        %swap3A_714 = arith.constant 80 : index
        %swap3A_715 = tpu.vector_load %arg10[%swap3A_713, %swap3A_714] {strides = array<i32>} : memref<128x128xf32, #tpu.memory_space<vmem>>, vector<1x16xf32>,
        %swap3A_716 = vector.shape_cast %swap3A_715 : vector<1x16xf32> to vector<16xf32>
        %swap3A_717 = vector.shape_cast %mul3A_712 : vector<16xf32> to vector<1x16xf32>
        tpu.vector_store %arg10[%swap3A_713, %swap3A_714], %swap3A_717 {strides = array<i32>} : memref<128x128xf32, #tpu.memory_space<vmem>>, vector<1x16xf32>,
        %add3A_718 = arith.constant 6 : i32
        %add3A_719 = arith.addi %mul3A_48, %add3A_718 : i32
        %get3A_720 = arith.index_cast %add3A_719 : i32 to index
        %get3A_721 = arith.constant 96 : index
        %get3A_722 = tpu.vector_load %arg10[%get3A_720, %get3A_721] {strides = array<i32>} : memref<128x128xf32, #tpu.memory_space<vmem>>, vector<1x16xf32>,
        %get3A_723 = vector.shape_cast %get3A_722 : vector<1x16xf32> to vector<16xf32>
        %mul3A_724 = arith.mulf %get3A_723, %broadcast_in_dim3A_645 : vector<16xf32>
        %swap3A_725 = arith.index_cast %add3A_719 : i32 to index
        %swap3A_726 = arith.constant 96 : index
        %swap3A_727 = tpu.vector_load %arg10[%swap3A_725, %swap3A_726] {strides = array<i32>} : memref<128x128xf32, #tpu.memory_space<vmem>>, vector<1x16xf32>,
        %swap3A_728 = vector.shape_cast %swap3A_727 : vector<1x16xf32> to vector<16xf32>
        %swap3A_729 = vector.shape_cast %mul3A_724 : vector<16xf32> to vector<1x16xf32>
        tpu.vector_store %arg10[%swap3A_725, %swap3A_726], %swap3A_729 {strides = array<i32>} : memref<128x128xf32, #tpu.memory_space<vmem>>, vector<1x16xf32>,
        %add3A_730 = arith.constant 6 : i32
        %add3A_731 = arith.addi %mul3A_48, %add3A_730 : i32
        %get3A_732 = arith.index_cast %add3A_731 : i32 to index
        %get3A_733 = arith.constant 112 : index
        %get3A_734 = tpu.vector_load %arg10[%get3A_732, %get3A_733] {strides = array<i32>} : memref<128x128xf32, #tpu.memory_space<vmem>>, vector<1x16xf32>,
        %get3A_735 = vector.shape_cast %get3A_734 : vector<1x16xf32> to vector<16xf32>
        %mul3A_736 = arith.mulf %get3A_735, %broadcast_in_dim3A_645 : vector<16xf32>
        %swap3A_737 = arith.index_cast %add3A_731 : i32 to index
        %swap3A_738 = arith.constant 112 : index
        %swap3A_739 = tpu.vector_load %arg10[%swap3A_737, %swap3A_738] {strides = array<i32>} : memref<128x128xf32, #tpu.memory_space<vmem>>, vector<1x16xf32>,
        %swap3A_740 = vector.shape_cast %swap3A_739 : vector<1x16xf32> to vector<16xf32>
        %swap3A_741 = vector.shape_cast %mul3A_736 : vector<16xf32> to vector<1x16xf32>
        tpu.vector_store %arg10[%swap3A_737, %swap3A_738], %swap3A_741 {strides = array<i32>} : memref<128x128xf32, #tpu.memory_space<vmem>>, vector<1x16xf32>,
        %slice3A_742 = vector.extract_strided_slice %get3A_51 {offsets = [7], sizes = [1], strides = [1]} : vector<16xf32> to vector<1xf32>
        %squeeze3A_743 = vector.extract %slice3A_742[0] : f32 from vector<1xf32>
        %broadcast_in_dim3A_744 = vector.broadcast %squeeze3A_743 : f32 to vector<16xf32>
        %add3A_745 = arith.constant 7 : i32
        %add3A_746 = arith.addi %mul3A_48, %add3A_745 : i32
        %get3A_747 = arith.index_cast %add3A_746 : i32 to index
        %get3A_748 = arith.constant 0 : index
        %get3A_749 = tpu.vector_load %arg10[%get3A_747, %get3A_748] {strides = array<i32>} : memref<128x128xf32, #tpu.memory_space<vmem>>, vector<1x16xf32>,
        %get3A_750 = vector.shape_cast %get3A_749 : vector<1x16xf32> to vector<16xf32>
        %mul3A_751 = arith.mulf %get3A_750, %broadcast_in_dim3A_744 : vector<16xf32>
        %swap3A_752 = arith.index_cast %add3A_746 : i32 to index
        %swap3A_753 = arith.constant 0 : index
        %swap3A_754 = tpu.vector_load %arg10[%swap3A_752, %swap3A_753] {strides = array<i32>} : memref<128x128xf32, #tpu.memory_space<vmem>>, vector<1x16xf32>,
        %swap3A_755 = vector.shape_cast %swap3A_754 : vector<1x16xf32> to vector<16xf32>
        %swap3A_756 = vector.shape_cast %mul3A_751 : vector<16xf32> to vector<1x16xf32>
        tpu.vector_store %arg10[%swap3A_752, %swap3A_753], %swap3A_756 {strides = array<i32>} : memref<128x128xf32, #tpu.memory_space<vmem>>, vector<1x16xf32>,
        %add3A_757 = arith.constant 7 : i32
        %add3A_758 = arith.addi %mul3A_48, %add3A_757 : i32
        %get3A_759 = arith.index_cast %add3A_758 : i32 to index
        %get3A_760 = arith.constant 16 : index
        %get3A_761 = tpu.vector_load %arg10[%get3A_759, %get3A_760] {strides = array<i32>} : memref<128x128xf32, #tpu.memory_space<vmem>>, vector<1x16xf32>,
        %get3A_762 = vector.shape_cast %get3A_761 : vector<1x16xf32> to vector<16xf32>
        %mul3A_763 = arith.mulf %get3A_762, %broadcast_in_dim3A_744 : vector<16xf32>
        %swap3A_764 = arith.index_cast %add3A_758 : i32 to index
        %swap3A_765 = arith.constant 16 : index
        %swap3A_766 = tpu.vector_load %arg10[%swap3A_764, %swap3A_765] {strides = array<i32>} : memref<128x128xf32, #tpu.memory_space<vmem>>, vector<1x16xf32>,
        %swap3A_767 = vector.shape_cast %swap3A_766 : vector<1x16xf32> to vector<16xf32>
        %swap3A_768 = vector.shape_cast %mul3A_763 : vector<16xf32> to vector<1x16xf32>
        tpu.vector_store %arg10[%swap3A_764, %swap3A_765], %swap3A_768 {strides = array<i32>} : memref<128x128xf32, #tpu.memory_space<vmem>>, vector<1x16xf32>,
        %add3A_769 = arith.constant 7 : i32
        %add3A_770 = arith.addi %mul3A_48, %add3A_769 : i32
        %get3A_771 = arith.index_cast %add3A_770 : i32 to index
        %get3A_772 = arith.constant 32 : index
        %get3A_773 = tpu.vector_load %arg10[%get3A_771, %get3A_772] {strides = array<i32>} : memref<128x128xf32, #tpu.memory_space<vmem>>, vector<1x16xf32>,
        %get3A_774 = vector.shape_cast %get3A_773 : vector<1x16xf32> to vector<16xf32>
        %mul3A_775 = arith.mulf %get3A_774, %broadcast_in_dim3A_744 : vector<16xf32>
        %swap3A_776 = arith.index_cast %add3A_770 : i32 to index
        %swap3A_777 = arith.constant 32 : index
        %swap3A_778 = tpu.vector_load %arg10[%swap3A_776, %swap3A_777] {strides = array<i32>} : memref<128x128xf32, #tpu.memory_space<vmem>>, vector<1x16xf32>,
        %swap3A_779 = vector.shape_cast %swap3A_778 : vector<1x16xf32> to vector<16xf32>
        %swap3A_780 = vector.shape_cast %mul3A_775 : vector<16xf32> to vector<1x16xf32>
        tpu.vector_store %arg10[%swap3A_776, %swap3A_777], %swap3A_780 {strides = array<i32>} : memref<128x128xf32, #tpu.memory_space<vmem>>, vector<1x16xf32>,
        %add3A_781 = arith.constant 7 : i32
        %add3A_782 = arith.addi %mul3A_48, %add3A_781 : i32
        %get3A_783 = arith.index_cast %add3A_782 : i32 to index
        %get3A_784 = arith.constant 48 : index
        %get3A_785 = tpu.vector_load %arg10[%get3A_783, %get3A_784] {strides = array<i32>} : memref<128x128xf32, #tpu.memory_space<vmem>>, vector<1x16xf32>,
        %get3A_786 = vector.shape_cast %get3A_785 : vector<1x16xf32> to vector<16xf32>
        %mul3A_787 = arith.mulf %get3A_786, %broadcast_in_dim3A_744 : vector<16xf32>
        %swap3A_788 = arith.index_cast %add3A_782 : i32 to index
        %swap3A_789 = arith.constant 48 : index
        %swap3A_790 = tpu.vector_load %arg10[%swap3A_788, %swap3A_789] {strides = array<i32>} : memref<128x128xf32, #tpu.memory_space<vmem>>, vector<1x16xf32>,
        %swap3A_791 = vector.shape_cast %swap3A_790 : vector<1x16xf32> to vector<16xf32>
        %swap3A_792 = vector.shape_cast %mul3A_787 : vector<16xf32> to vector<1x16xf32>
        tpu.vector_store %arg10[%swap3A_788, %swap3A_789], %swap3A_792 {strides = array<i32>} : memref<128x128xf32, #tpu.memory_space<vmem>>, vector<1x16xf32>,
        %add3A_793 = arith.constant 7 : i32
        %add3A_794 = arith.addi %mul3A_48, %add3A_793 : i32
        %get3A_795 = arith.index_cast %add3A_794 : i32 to index
        %get3A_796 = arith.constant 64 : index
        %get3A_797 = tpu.vector_load %arg10[%get3A_795, %get3A_796] {strides = array<i32>} : memref<128x128xf32, #tpu.memory_space<vmem>>, vector<1x16xf32>,
        %get3A_798 = vector.shape_cast %get3A_797 : vector<1x16xf32> to vector<16xf32>
        %mul3A_799 = arith.mulf %get3A_798, %broadcast_in_dim3A_744 : vector<16xf32>
        %swap3A_800 = arith.index_cast %add3A_794 : i32 to index
        %swap3A_801 = arith.constant 64 : index
        %swap3A_802 = tpu.vector_load %arg10[%swap3A_800, %swap3A_801] {strides = array<i32>} : memref<128x128xf32, #tpu.memory_space<vmem>>, vector<1x16xf32>,
        %swap3A_803 = vector.shape_cast %swap3A_802 : vector<1x16xf32> to vector<16xf32>
        %swap3A_804 = vector.shape_cast %mul3A_799 : vector<16xf32> to vector<1x16xf32>
        tpu.vector_store %arg10[%swap3A_800, %swap3A_801], %swap3A_804 {strides = array<i32>} : memref<128x128xf32, #tpu.memory_space<vmem>>, vector<1x16xf32>,
        %add3A_805 = arith.constant 7 : i32
        %add3A_806 = arith.addi %mul3A_48, %add3A_805 : i32
        %get3A_807 = arith.index_cast %add3A_806 : i32 to index
        %get3A_808 = arith.constant 80 : index
        %get3A_809 = tpu.vector_load %arg10[%get3A_807, %get3A_808] {strides = array<i32>} : memref<128x128xf32, #tpu.memory_space<vmem>>, vector<1x16xf32>,
        %get3A_810 = vector.shape_cast %get3A_809 : vector<1x16xf32> to vector<16xf32>
        %mul3A_811 = arith.mulf %get3A_810, %broadcast_in_dim3A_744 : vector<16xf32>
        %swap3A_812 = arith.index_cast %add3A_806 : i32 to index
        %swap3A_813 = arith.constant 80 : index
        %swap3A_814 = tpu.vector_load %arg10[%swap3A_812, %swap3A_813] {strides = array<i32>} : memref<128x128xf32, #tpu.memory_space<vmem>>, vector<1x16xf32>,
        %swap3A_815 = vector.shape_cast %swap3A_814 : vector<1x16xf32> to vector<16xf32>
        %swap3A_816 = vector.shape_cast %mul3A_811 : vector<16xf32> to vector<1x16xf32>
        tpu.vector_store %arg10[%swap3A_812, %swap3A_813], %swap3A_816 {strides = array<i32>} : memref<128x128xf32, #tpu.memory_space<vmem>>, vector<1x16xf32>,
        %add3A_817 = arith.constant 7 : i32
        %add3A_818 = arith.addi %mul3A_48, %add3A_817 : i32
        %get3A_819 = arith.index_cast %add3A_818 : i32 to index
        %get3A_820 = arith.constant 96 : index
        %get3A_821 = tpu.vector_load %arg10[%get3A_819, %get3A_820] {strides = array<i32>} : memref<128x128xf32, #tpu.memory_space<vmem>>, vector<1x16xf32>,
        %get3A_822 = vector.shape_cast %get3A_821 : vector<1x16xf32> to vector<16xf32>
        %mul3A_823 = arith.mulf %get3A_822, %broadcast_in_dim3A_744 : vector<16xf32>
        %swap3A_824 = arith.index_cast %add3A_818 : i32 to index
        %swap3A_825 = arith.constant 96 : index
        %swap3A_826 = tpu.vector_load %arg10[%swap3A_824, %swap3A_825] {strides = array<i32>} : memref<128x128xf32, #tpu.memory_space<vmem>>, vector<1x16xf32>,
        %swap3A_827 = vector.shape_cast %swap3A_826 : vector<1x16xf32> to vector<16xf32>
        %swap3A_828 = vector.shape_cast %mul3A_823 : vector<16xf32> to vector<1x16xf32>
        tpu.vector_store %arg10[%swap3A_824, %swap3A_825], %swap3A_828 {strides = array<i32>} : memref<128x128xf32, #tpu.memory_space<vmem>>, vector<1x16xf32>,
        %add3A_829 = arith.constant 7 : i32
        %add3A_830 = arith.addi %mul3A_48, %add3A_829 : i32
        %get3A_831 = arith.index_cast %add3A_830 : i32 to index
        %get3A_832 = arith.constant 112 : index
        %get3A_833 = tpu.vector_load %arg10[%get3A_831, %get3A_832] {strides = array<i32>} : memref<128x128xf32, #tpu.memory_space<vmem>>, vector<1x16xf32>,
        %get3A_834 = vector.shape_cast %get3A_833 : vector<1x16xf32> to vector<16xf32>
        %mul3A_835 = arith.mulf %get3A_834, %broadcast_in_dim3A_744 : vector<16xf32>
        %swap3A_836 = arith.index_cast %add3A_830 : i32 to index
        %swap3A_837 = arith.constant 112 : index
        %swap3A_838 = tpu.vector_load %arg10[%swap3A_836, %swap3A_837] {strides = array<i32>} : memref<128x128xf32, #tpu.memory_space<vmem>>, vector<1x16xf32>,
        %swap3A_839 = vector.shape_cast %swap3A_838 : vector<1x16xf32> to vector<16xf32>
        %swap3A_840 = vector.shape_cast %mul3A_835 : vector<16xf32> to vector<1x16xf32>
        tpu.vector_store %arg10[%swap3A_836, %swap3A_837], %swap3A_840 {strides = array<i32>} : memref<128x128xf32, #tpu.memory_space<vmem>>, vector<1x16xf32>,
        %slice3A_841 = vector.extract_strided_slice %get3A_51 {offsets = [8], sizes = [1], strides = [1]} : vector<16xf32> to vector<1xf32>
        %squeeze3A_842 = vector.extract %slice3A_841[0] : f32 from vector<1xf32>
        %broadcast_in_dim3A_843 = vector.broadcast %squeeze3A_842 : f32 to vector<16xf32>
        %add3A_844 = arith.constant 8 : i32
        %add3A_845 = arith.addi %mul3A_48, %add3A_844 : i32
        %get3A_846 = arith.index_cast %add3A_845 : i32 to index
        %get3A_847 = arith.constant 0 : index
        %get3A_848 = tpu.vector_load %arg10[%get3A_846, %get3A_847] {strides = array<i32>} : memref<128x128xf32, #tpu.memory_space<vmem>>, vector<1x16xf32>,
        %get3A_849 = vector.shape_cast %get3A_848 : vector<1x16xf32> to vector<16xf32>
        %mul3A_850 = arith.mulf %get3A_849, %broadcast_in_dim3A_843 : vector<16xf32>
        %swap3A_851 = arith.index_cast %add3A_845 : i32 to index
        %swap3A_852 = arith.constant 0 : index
        %swap3A_853 = tpu.vector_load %arg10[%swap3A_851, %swap3A_852] {strides = array<i32>} : memref<128x128xf32, #tpu.memory_space<vmem>>, vector<1x16xf32>,
        %swap3A_854 = vector.shape_cast %swap3A_853 : vector<1x16xf32> to vector<16xf32>
        %swap3A_855 = vector.shape_cast %mul3A_850 : vector<16xf32> to vector<1x16xf32>
        tpu.vector_store %arg10[%swap3A_851, %swap3A_852], %swap3A_855 {strides = array<i32>} : memref<128x128xf32, #tpu.memory_space<vmem>>, vector<1x16xf32>,
        %add3A_856 = arith.constant 8 : i32
        %add3A_857 = arith.addi %mul3A_48, %add3A_856 : i32
        %get3A_858 = arith.index_cast %add3A_857 : i32 to index
        %get3A_859 = arith.constant 16 : index
        %get3A_860 = tpu.vector_load %arg10[%get3A_858, %get3A_859] {strides = array<i32>} : memref<128x128xf32, #tpu.memory_space<vmem>>, vector<1x16xf32>,
        %get3A_861 = vector.shape_cast %get3A_860 : vector<1x16xf32> to vector<16xf32>
        %mul3A_862 = arith.mulf %get3A_861, %broadcast_in_dim3A_843 : vector<16xf32>
        %swap3A_863 = arith.index_cast %add3A_857 : i32 to index
        %swap3A_864 = arith.constant 16 : index
        %swap3A_865 = tpu.vector_load %arg10[%swap3A_863, %swap3A_864] {strides = array<i32>} : memref<128x128xf32, #tpu.memory_space<vmem>>, vector<1x16xf32>,
        %swap3A_866 = vector.shape_cast %swap3A_865 : vector<1x16xf32> to vector<16xf32>
        %swap3A_867 = vector.shape_cast %mul3A_862 : vector<16xf32> to vector<1x16xf32>
        tpu.vector_store %arg10[%swap3A_863, %swap3A_864], %swap3A_867 {strides = array<i32>} : memref<128x128xf32, #tpu.memory_space<vmem>>, vector<1x16xf32>,
        %add3A_868 = arith.constant 8 : i32
        %add3A_869 = arith.addi %mul3A_48, %add3A_868 : i32
        %get3A_870 = arith.index_cast %add3A_869 : i32 to index
        %get3A_871 = arith.constant 32 : index
        %get3A_872 = tpu.vector_load %arg10[%get3A_870, %get3A_871] {strides = array<i32>} : memref<128x128xf32, #tpu.memory_space<vmem>>, vector<1x16xf32>,
        %get3A_873 = vector.shape_cast %get3A_872 : vector<1x16xf32> to vector<16xf32>
        %mul3A_874 = arith.mulf %get3A_873, %broadcast_in_dim3A_843 : vector<16xf32>
        %swap3A_875 = arith.index_cast %add3A_869 : i32 to index
        %swap3A_876 = arith.constant 32 : index
        %swap3A_877 = tpu.vector_load %arg10[%swap3A_875, %swap3A_876] {strides = array<i32>} : memref<128x128xf32, #tpu.memory_space<vmem>>, vector<1x16xf32>,
        %swap3A_878 = vector.shape_cast %swap3A_877 : vector<1x16xf32> to vector<16xf32>
        %swap3A_879 = vector.shape_cast %mul3A_874 : vector<16xf32> to vector<1x16xf32>
        tpu.vector_store %arg10[%swap3A_875, %swap3A_876], %swap3A_879 {strides = array<i32>} : memref<128x128xf32, #tpu.memory_space<vmem>>, vector<1x16xf32>,
        %add3A_880 = arith.constant 8 : i32
        %add3A_881 = arith.addi %mul3A_48, %add3A_880 : i32
        %get3A_882 = arith.index_cast %add3A_881 : i32 to index
        %get3A_883 = arith.constant 48 : index
        %get3A_884 = tpu.vector_load %arg10[%get3A_882, %get3A_883] {strides = array<i32>} : memref<128x128xf32, #tpu.memory_space<vmem>>, vector<1x16xf32>,
        %get3A_885 = vector.shape_cast %get3A_884 : vector<1x16xf32> to vector<16xf32>
        %mul3A_886 = arith.mulf %get3A_885, %broadcast_in_dim3A_843 : vector<16xf32>
        %swap3A_887 = arith.index_cast %add3A_881 : i32 to index
        %swap3A_888 = arith.constant 48 : index
        %swap3A_889 = tpu.vector_load %arg10[%swap3A_887, %swap3A_888] {strides = array<i32>} : memref<128x128xf32, #tpu.memory_space<vmem>>, vector<1x16xf32>,
        %swap3A_890 = vector.shape_cast %swap3A_889 : vector<1x16xf32> to vector<16xf32>
        %swap3A_891 = vector.shape_cast %mul3A_886 : vector<16xf32> to vector<1x16xf32>
        tpu.vector_store %arg10[%swap3A_887, %swap3A_888], %swap3A_891 {strides = array<i32>} : memref<128x128xf32, #tpu.memory_space<vmem>>, vector<1x16xf32>,
        %add3A_892 = arith.constant 8 : i32
        %add3A_893 = arith.addi %mul3A_48, %add3A_892 : i32
        %get3A_894 = arith.index_cast %add3A_893 : i32 to index
        %get3A_895 = arith.constant 64 : index
        %get3A_896 = tpu.vector_load %arg10[%get3A_894, %get3A_895] {strides = array<i32>} : memref<128x128xf32, #tpu.memory_space<vmem>>, vector<1x16xf32>,
        %get3A_897 = vector.shape_cast %get3A_896 : vector<1x16xf32> to vector<16xf32>
        %mul3A_898 = arith.mulf %get3A_897, %broadcast_in_dim3A_843 : vector<16xf32>
        %swap3A_899 = arith.index_cast %add3A_893 : i32 to index
        %swap3A_900 = arith.constant 64 : index
        %swap3A_901 = tpu.vector_load %arg10[%swap3A_899, %swap3A_900] {strides = array<i32>} : memref<128x128xf32, #tpu.memory_space<vmem>>, vector<1x16xf32>,
        %swap3A_902 = vector.shape_cast %swap3A_901 : vector<1x16xf32> to vector<16xf32>
        %swap3A_903 = vector.shape_cast %mul3A_898 : vector<16xf32> to vector<1x16xf32>
        tpu.vector_store %arg10[%swap3A_899, %swap3A_900], %swap3A_903 {strides = array<i32>} : memref<128x128xf32, #tpu.memory_space<vmem>>, vector<1x16xf32>,
        %add3A_904 = arith.constant 8 : i32
        %add3A_905 = arith.addi %mul3A_48, %add3A_904 : i32
        %get3A_906 = arith.index_cast %add3A_905 : i32 to index
        %get3A_907 = arith.constant 80 : index
        %get3A_908 = tpu.vector_load %arg10[%get3A_906, %get3A_907] {strides = array<i32>} : memref<128x128xf32, #tpu.memory_space<vmem>>, vector<1x16xf32>,
        %get3A_909 = vector.shape_cast %get3A_908 : vector<1x16xf32> to vector<16xf32>
        %mul3A_910 = arith.mulf %get3A_909, %broadcast_in_dim3A_843 : vector<16xf32>
        %swap3A_911 = arith.index_cast %add3A_905 : i32 to index
        %swap3A_912 = arith.constant 80 : index
        %swap3A_913 = tpu.vector_load %arg10[%swap3A_911, %swap3A_912] {strides = array<i32>} : memref<128x128xf32, #tpu.memory_space<vmem>>, vector<1x16xf32>,
        %swap3A_914 = vector.shape_cast %swap3A_913 : vector<1x16xf32> to vector<16xf32>
        %swap3A_915 = vector.shape_cast %mul3A_910 : vector<16xf32> to vector<1x16xf32>
        tpu.vector_store %arg10[%swap3A_911, %swap3A_912], %swap3A_915 {strides = array<i32>} : memref<128x128xf32, #tpu.memory_space<vmem>>, vector<1x16xf32>,
        %add3A_916 = arith.constant 8 : i32
        %add3A_917 = arith.addi %mul3A_48, %add3A_916 : i32
        %get3A_918 = arith.index_cast %add3A_917 : i32 to index
        %get3A_919 = arith.constant 96 : index
        %get3A_920 = tpu.vector_load %arg10[%get3A_918, %get3A_919] {strides = array<i32>} : memref<128x128xf32, #tpu.memory_space<vmem>>, vector<1x16xf32>,
        %get3A_921 = vector.shape_cast %get3A_920 : vector<1x16xf32> to vector<16xf32>
        %mul3A_922 = arith.mulf %get3A_921, %broadcast_in_dim3A_843 : vector<16xf32>
        %swap3A_923 = arith.index_cast %add3A_917 : i32 to index
        %swap3A_924 = arith.constant 96 : index
        %swap3A_925 = tpu.vector_load %arg10[%swap3A_923, %swap3A_924] {strides = array<i32>} : memref<128x128xf32, #tpu.memory_space<vmem>>, vector<1x16xf32>,
        %swap3A_926 = vector.shape_cast %swap3A_925 : vector<1x16xf32> to vector<16xf32>
        %swap3A_927 = vector.shape_cast %mul3A_922 : vector<16xf32> to vector<1x16xf32>
        tpu.vector_store %arg10[%swap3A_923, %swap3A_924], %swap3A_927 {strides = array<i32>} : memref<128x128xf32, #tpu.memory_space<vmem>>, vector<1x16xf32>,
        %add3A_928 = arith.constant 8 : i32
        %add3A_929 = arith.addi %mul3A_48, %add3A_928 : i32
        %get3A_930 = arith.index_cast %add3A_929 : i32 to index
        %get3A_931 = arith.constant 112 : index
        %get3A_932 = tpu.vector_load %arg10[%get3A_930, %get3A_931] {strides = array<i32>} : memref<128x128xf32, #tpu.memory_space<vmem>>, vector<1x16xf32>,
        %get3A_933 = vector.shape_cast %get3A_932 : vector<1x16xf32> to vector<16xf32>
        %mul3A_934 = arith.mulf %get3A_933, %broadcast_in_dim3A_843 : vector<16xf32>
        %swap3A_935 = arith.index_cast %add3A_929 : i32 to index
        %swap3A_936 = arith.constant 112 : index
        %swap3A_937 = tpu.vector_load %arg10[%swap3A_935, %swap3A_936] {strides = array<i32>} : memref<128x128xf32, #tpu.memory_space<vmem>>, vector<1x16xf32>,
        %swap3A_938 = vector.shape_cast %swap3A_937 : vector<1x16xf32> to vector<16xf32>
        %swap3A_939 = vector.shape_cast %mul3A_934 : vector<16xf32> to vector<1x16xf32>
        tpu.vector_store %arg10[%swap3A_935, %swap3A_936], %swap3A_939 {strides = array<i32>} : memref<128x128xf32, #tpu.memory_space<vmem>>, vector<1x16xf32>,
        %slice3A_940 = vector.extract_strided_slice %get3A_51 {offsets = [9], sizes = [1], strides = [1]} : vector<16xf32> to vector<1xf32>
        %squeeze3A_941 = vector.extract %slice3A_940[0] : f32 from vector<1xf32>
        %broadcast_in_dim3A_942 = vector.broadcast %squeeze3A_941 : f32 to vector<16xf32>
        %add3A_943 = arith.constant 9 : i32
        %add3A_944 = arith.addi %mul3A_48, %add3A_943 : i32
        %get3A_945 = arith.index_cast %add3A_944 : i32 to index
        %get3A_946 = arith.constant 0 : index
        %get3A_947 = tpu.vector_load %arg10[%get3A_945, %get3A_946] {strides = array<i32>} : memref<128x128xf32, #tpu.memory_space<vmem>>, vector<1x16xf32>,
        %get3A_948 = vector.shape_cast %get3A_947 : vector<1x16xf32> to vector<16xf32>
        %mul3A_949 = arith.mulf %get3A_948, %broadcast_in_dim3A_942 : vector<16xf32>
        %swap3A_950 = arith.index_cast %add3A_944 : i32 to index
        %swap3A_951 = arith.constant 0 : index
        %swap3A_952 = tpu.vector_load %arg10[%swap3A_950, %swap3A_951] {strides = array<i32>} : memref<128x128xf32, #tpu.memory_space<vmem>>, vector<1x16xf32>,
        %swap3A_953 = vector.shape_cast %swap3A_952 : vector<1x16xf32> to vector<16xf32>
        %swap3A_954 = vector.shape_cast %mul3A_949 : vector<16xf32> to vector<1x16xf32>
        tpu.vector_store %arg10[%swap3A_950, %swap3A_951], %swap3A_954 {strides = array<i32>} : memref<128x128xf32, #tpu.memory_space<vmem>>, vector<1x16xf32>,
        %add3A_955 = arith.constant 9 : i32
        %add3A_956 = arith.addi %mul3A_48, %add3A_955 : i32
        %get3A_957 = arith.index_cast %add3A_956 : i32 to index
        %get3A_958 = arith.constant 16 : index
        %get3A_959 = tpu.vector_load %arg10[%get3A_957, %get3A_958] {strides = array<i32>} : memref<128x128xf32, #tpu.memory_space<vmem>>, vector<1x16xf32>,
        %get3A_960 = vector.shape_cast %get3A_959 : vector<1x16xf32> to vector<16xf32>
        %mul3A_961 = arith.mulf %get3A_960, %broadcast_in_dim3A_942 : vector<16xf32>
        %swap3A_962 = arith.index_cast %add3A_956 : i32 to index
        %swap3A_963 = arith.constant 16 : index
        %swap3A_964 = tpu.vector_load %arg10[%swap3A_962, %swap3A_963] {strides = array<i32>} : memref<128x128xf32, #tpu.memory_space<vmem>>, vector<1x16xf32>,
        %swap3A_965 = vector.shape_cast %swap3A_964 : vector<1x16xf32> to vector<16xf32>
        %swap3A_966 = vector.shape_cast %mul3A_961 : vector<16xf32> to vector<1x16xf32>
        tpu.vector_store %arg10[%swap3A_962, %swap3A_963], %swap3A_966 {strides = array<i32>} : memref<128x128xf32, #tpu.memory_space<vmem>>, vector<1x16xf32>,
        %add3A_967 = arith.constant 9 : i32
        %add3A_968 = arith.addi %mul3A_48, %add3A_967 : i32
        %get3A_969 = arith.index_cast %add3A_968 : i32 to index
        %get3A_970 = arith.constant 32 : index
        %get3A_971 = tpu.vector_load %arg10[%get3A_969, %get3A_970] {strides = array<i32>} : memref<128x128xf32, #tpu.memory_space<vmem>>, vector<1x16xf32>,
        %get3A_972 = vector.shape_cast %get3A_971 : vector<1x16xf32> to vector<16xf32>
        %mul3A_973 = arith.mulf %get3A_972, %broadcast_in_dim3A_942 : vector<16xf32>
        %swap3A_974 = arith.index_cast %add3A_968 : i32 to index
        %swap3A_975 = arith.constant 32 : index
        %swap3A_976 = tpu.vector_load %arg10[%swap3A_974, %swap3A_975] {strides = array<i32>} : memref<128x128xf32, #tpu.memory_space<vmem>>, vector<1x16xf32>,
        %swap3A_977 = vector.shape_cast %swap3A_976 : vector<1x16xf32> to vector<16xf32>
        %swap3A_978 = vector.shape_cast %mul3A_973 : vector<16xf32> to vector<1x16xf32>
        tpu.vector_store %arg10[%swap3A_974, %swap3A_975], %swap3A_978 {strides = array<i32>} : memref<128x128xf32, #tpu.memory_space<vmem>>, vector<1x16xf32>,
        %add3A_979 = arith.constant 9 : i32
        %add3A_980 = arith.addi %mul3A_48, %add3A_979 : i32
        %get3A_981 = arith.index_cast %add3A_980 : i32 to index
        %get3A_982 = arith.constant 48 : index
        %get3A_983 = tpu.vector_load %arg10[%get3A_981, %get3A_982] {strides = array<i32>} : memref<128x128xf32, #tpu.memory_space<vmem>>, vector<1x16xf32>,
        %get3A_984 = vector.shape_cast %get3A_983 : vector<1x16xf32> to vector<16xf32>
        %mul3A_985 = arith.mulf %get3A_984, %broadcast_in_dim3A_942 : vector<16xf32>
        %swap3A_986 = arith.index_cast %add3A_980 : i32 to index
        %swap3A_987 = arith.constant 48 : index
        %swap3A_988 = tpu.vector_load %arg10[%swap3A_986, %swap3A_987] {strides = array<i32>} : memref<128x128xf32, #tpu.memory_space<vmem>>, vector<1x16xf32>,
        %swap3A_989 = vector.shape_cast %swap3A_988 : vector<1x16xf32> to vector<16xf32>
        %swap3A_990 = vector.shape_cast %mul3A_985 : vector<16xf32> to vector<1x16xf32>
        tpu.vector_store %arg10[%swap3A_986, %swap3A_987], %swap3A_990 {strides = array<i32>} : memref<128x128xf32, #tpu.memory_space<vmem>>, vector<1x16xf32>,
        %add3A_991 = arith.constant 9 : i32
        %add3A_992 = arith.addi %mul3A_48, %add3A_991 : i32
        %get3A_993 = arith.index_cast %add3A_992 : i32 to index
        %get3A_994 = arith.constant 64 : index
        %get3A_995 = tpu.vector_load %arg10[%get3A_993, %get3A_994] {strides = array<i32>} : memref<128x128xf32, #tpu.memory_space<vmem>>, vector<1x16xf32>,
        %get3A_996 = vector.shape_cast %get3A_995 : vector<1x16xf32> to vector<16xf32>
        %mul3A_997 = arith.mulf %get3A_996, %broadcast_in_dim3A_942 : vector<16xf32>
        %swap3A_998 = arith.index_cast %add3A_992 : i32 to index
        %swap3A_999 = arith.constant 64 : index
        %swap3A_1000 = tpu.vector_load %arg10[%swap3A_998, %swap3A_999] {strides = array<i32>} : memref<128x128xf32, #tpu.memory_space<vmem>>, vector<1x16xf32>,
        %swap3A_1001 = vector.shape_cast %swap3A_1000 : vector<1x16xf32> to vector<16xf32>
        %swap3A_1002 = vector.shape_cast %mul3A_997 : vector<16xf32> to vector<1x16xf32>
        tpu.vector_store %arg10[%swap3A_998, %swap3A_999], %swap3A_1002 {strides = array<i32>} : memref<128x128xf32, #tpu.memory_space<vmem>>, vector<1x16xf32>,
        %add3A_1003 = arith.constant 9 : i32
        %add3A_1004 = arith.addi %mul3A_48, %add3A_1003 : i32
        %get3A_1005 = arith.index_cast %add3A_1004 : i32 to index
        %get3A_1006 = arith.constant 80 : index
        %get3A_1007 = tpu.vector_load %arg10[%get3A_1005, %get3A_1006] {strides = array<i32>} : memref<128x128xf32, #tpu.memory_space<vmem>>, vector<1x16xf32>,
        %get3A_1008 = vector.shape_cast %get3A_1007 : vector<1x16xf32> to vector<16xf32>
        %mul3A_1009 = arith.mulf %get3A_1008, %broadcast_in_dim3A_942 : vector<16xf32>
        %swap3A_1010 = arith.index_cast %add3A_1004 : i32 to index
        %swap3A_1011 = arith.constant 80 : index
        %swap3A_1012 = tpu.vector_load %arg10[%swap3A_1010, %swap3A_1011] {strides = array<i32>} : memref<128x128xf32, #tpu.memory_space<vmem>>, vector<1x16xf32>,
        %swap3A_1013 = vector.shape_cast %swap3A_1012 : vector<1x16xf32> to vector<16xf32>
        %swap3A_1014 = vector.shape_cast %mul3A_1009 : vector<16xf32> to vector<1x16xf32>
        tpu.vector_store %arg10[%swap3A_1010, %swap3A_1011], %swap3A_1014 {strides = array<i32>} : memref<128x128xf32, #tpu.memory_space<vmem>>, vector<1x16xf32>,
        %add3A_1015 = arith.constant 9 : i32
        %add3A_1016 = arith.addi %mul3A_48, %add3A_1015 : i32
        %get3A_1017 = arith.index_cast %add3A_1016 : i32 to index
        %get3A_1018 = arith.constant 96 : index
        %get3A_1019 = tpu.vector_load %arg10[%get3A_1017, %get3A_1018] {strides = array<i32>} : memref<128x128xf32, #tpu.memory_space<vmem>>, vector<1x16xf32>,
        %get3A_1020 = vector.shape_cast %get3A_1019 : vector<1x16xf32> to vector<16xf32>
        %mul3A_1021 = arith.mulf %get3A_1020, %broadcast_in_dim3A_942 : vector<16xf32>
        %swap3A_1022 = arith.index_cast %add3A_1016 : i32 to index
        %swap3A_1023 = arith.constant 96 : index
        %swap3A_1024 = tpu.vector_load %arg10[%swap3A_1022, %swap3A_1023] {strides = array<i32>} : memref<128x128xf32, #tpu.memory_space<vmem>>, vector<1x16xf32>,
        %swap3A_1025 = vector.shape_cast %swap3A_1024 : vector<1x16xf32> to vector<16xf32>
        %swap3A_1026 = vector.shape_cast %mul3A_1021 : vector<16xf32> to vector<1x16xf32>
        tpu.vector_store %arg10[%swap3A_1022, %swap3A_1023], %swap3A_1026 {strides = array<i32>} : memref<128x128xf32, #tpu.memory_space<vmem>>, vector<1x16xf32>,
        %add3A_1027 = arith.constant 9 : i32
        %add3A_1028 = arith.addi %mul3A_48, %add3A_1027 : i32
        %get3A_1029 = arith.index_cast %add3A_1028 : i32 to index
        %get3A_1030 = arith.constant 112 : index
        %get3A_1031 = tpu.vector_load %arg10[%get3A_1029, %get3A_1030] {strides = array<i32>} : memref<128x128xf32, #tpu.memory_space<vmem>>, vector<1x16xf32>,
        %get3A_1032 = vector.shape_cast %get3A_1031 : vector<1x16xf32> to vector<16xf32>
        %mul3A_1033 = arith.mulf %get3A_1032, %broadcast_in_dim3A_942 : vector<16xf32>
        %swap3A_1034 = arith.index_cast %add3A_1028 : i32 to index
        %swap3A_1035 = arith.constant 112 : index
        %swap3A_1036 = tpu.vector_load %arg10[%swap3A_1034, %swap3A_1035] {strides = array<i32>} : memref<128x128xf32, #tpu.memory_space<vmem>>, vector<1x16xf32>,
        %swap3A_1037 = vector.shape_cast %swap3A_1036 : vector<1x16xf32> to vector<16xf32>
        %swap3A_1038 = vector.shape_cast %mul3A_1033 : vector<16xf32> to vector<1x16xf32>
        tpu.vector_store %arg10[%swap3A_1034, %swap3A_1035], %swap3A_1038 {strides = array<i32>} : memref<128x128xf32, #tpu.memory_space<vmem>>, vector<1x16xf32>,
        %slice3A_1039 = vector.extract_strided_slice %get3A_51 {offsets = [10], sizes = [1], strides = [1]} : vector<16xf32> to vector<1xf32>
        %squeeze3A_1040 = vector.extract %slice3A_1039[0] : f32 from vector<1xf32>
        %broadcast_in_dim3A_1041 = vector.broadcast %squeeze3A_1040 : f32 to vector<16xf32>
        %add3A_1042 = arith.constant 10 : i32
        %add3A_1043 = arith.addi %mul3A_48, %add3A_1042 : i32
        %get3A_1044 = arith.index_cast %add3A_1043 : i32 to index
        %get3A_1045 = arith.constant 0 : index
        %get3A_1046 = tpu.vector_load %arg10[%get3A_1044, %get3A_1045] {strides = array<i32>} : memref<128x128xf32, #tpu.memory_space<vmem>>, vector<1x16xf32>,
        %get3A_1047 = vector.shape_cast %get3A_1046 : vector<1x16xf32> to vector<16xf32>
        %mul3A_1048 = arith.mulf %get3A_1047, %broadcast_in_dim3A_1041 : vector<16xf32>
        %swap3A_1049 = arith.index_cast %add3A_1043 : i32 to index
        %swap3A_1050 = arith.constant 0 : index
        %swap3A_1051 = tpu.vector_load %arg10[%swap3A_1049, %swap3A_1050] {strides = array<i32>} : memref<128x128xf32, #tpu.memory_space<vmem>>, vector<1x16xf32>,
        %swap3A_1052 = vector.shape_cast %swap3A_1051 : vector<1x16xf32> to vector<16xf32>
        %swap3A_1053 = vector.shape_cast %mul3A_1048 : vector<16xf32> to vector<1x16xf32>
        tpu.vector_store %arg10[%swap3A_1049, %swap3A_1050], %swap3A_1053 {strides = array<i32>} : memref<128x128xf32, #tpu.memory_space<vmem>>, vector<1x16xf32>,
        %add3A_1054 = arith.constant 10 : i32
        %add3A_1055 = arith.addi %mul3A_48, %add3A_1054 : i32
        %get3A_1056 = arith.index_cast %add3A_1055 : i32 to index
        %get3A_1057 = arith.constant 16 : index
        %get3A_1058 = tpu.vector_load %arg10[%get3A_1056, %get3A_1057] {strides = array<i32>} : memref<128x128xf32, #tpu.memory_space<vmem>>, vector<1x16xf32>,
        %get3A_1059 = vector.shape_cast %get3A_1058 : vector<1x16xf32> to vector<16xf32>
        %mul3A_1060 = arith.mulf %get3A_1059, %broadcast_in_dim3A_1041 : vector<16xf32>
        %swap3A_1061 = arith.index_cast %add3A_1055 : i32 to index
        %swap3A_1062 = arith.constant 16 : index
        %swap3A_1063 = tpu.vector_load %arg10[%swap3A_1061, %swap3A_1062] {strides = array<i32>} : memref<128x128xf32, #tpu.memory_space<vmem>>, vector<1x16xf32>,
        %swap3A_1064 = vector.shape_cast %swap3A_1063 : vector<1x16xf32> to vector<16xf32>
        %swap3A_1065 = vector.shape_cast %mul3A_1060 : vector<16xf32> to vector<1x16xf32>
        tpu.vector_store %arg10[%swap3A_1061, %swap3A_1062], %swap3A_1065 {strides = array<i32>} : memref<128x128xf32, #tpu.memory_space<vmem>>, vector<1x16xf32>,
        %add3A_1066 = arith.constant 10 : i32
        %add3A_1067 = arith.addi %mul3A_48, %add3A_1066 : i32
        %get3A_1068 = arith.index_cast %add3A_1067 : i32 to index
        %get3A_1069 = arith.constant 32 : index
        %get3A_1070 = tpu.vector_load %arg10[%get3A_1068, %get3A_1069] {strides = array<i32>} : memref<128x128xf32, #tpu.memory_space<vmem>>, vector<1x16xf32>,
        %get3A_1071 = vector.shape_cast %get3A_1070 : vector<1x16xf32> to vector<16xf32>
        %mul3A_1072 = arith.mulf %get3A_1071, %broadcast_in_dim3A_1041 : vector<16xf32>
        %swap3A_1073 = arith.index_cast %add3A_1067 : i32 to index
        %swap3A_1074 = arith.constant 32 : index
        %swap3A_1075 = tpu.vector_load %arg10[%swap3A_1073, %swap3A_1074] {strides = array<i32>} : memref<128x128xf32, #tpu.memory_space<vmem>>, vector<1x16xf32>,
        %swap3A_1076 = vector.shape_cast %swap3A_1075 : vector<1x16xf32> to vector<16xf32>
        %swap3A_1077 = vector.shape_cast %mul3A_1072 : vector<16xf32> to vector<1x16xf32>
        tpu.vector_store %arg10[%swap3A_1073, %swap3A_1074], %swap3A_1077 {strides = array<i32>} : memref<128x128xf32, #tpu.memory_space<vmem>>, vector<1x16xf32>,
        %add3A_1078 = arith.constant 10 : i32
        %add3A_1079 = arith.addi %mul3A_48, %add3A_1078 : i32
        %get3A_1080 = arith.index_cast %add3A_1079 : i32 to index
        %get3A_1081 = arith.constant 48 : index
        %get3A_1082 = tpu.vector_load %arg10[%get3A_1080, %get3A_1081] {strides = array<i32>} : memref<128x128xf32, #tpu.memory_space<vmem>>, vector<1x16xf32>,
        %get3A_1083 = vector.shape_cast %get3A_1082 : vector<1x16xf32> to vector<16xf32>
        %mul3A_1084 = arith.mulf %get3A_1083, %broadcast_in_dim3A_1041 : vector<16xf32>
        %swap3A_1085 = arith.index_cast %add3A_1079 : i32 to index
        %swap3A_1086 = arith.constant 48 : index
        %swap3A_1087 = tpu.vector_load %arg10[%swap3A_1085, %swap3A_1086] {strides = array<i32>} : memref<128x128xf32, #tpu.memory_space<vmem>>, vector<1x16xf32>,
        %swap3A_1088 = vector.shape_cast %swap3A_1087 : vector<1x16xf32> to vector<16xf32>
        %swap3A_1089 = vector.shape_cast %mul3A_1084 : vector<16xf32> to vector<1x16xf32>
        tpu.vector_store %arg10[%swap3A_1085, %swap3A_1086], %swap3A_1089 {strides = array<i32>} : memref<128x128xf32, #tpu.memory_space<vmem>>, vector<1x16xf32>,
        %add3A_1090 = arith.constant 10 : i32
        %add3A_1091 = arith.addi %mul3A_48, %add3A_1090 : i32
        %get3A_1092 = arith.index_cast %add3A_1091 : i32 to index
        %get3A_1093 = arith.constant 64 : index
        %get3A_1094 = tpu.vector_load %arg10[%get3A_1092, %get3A_1093] {strides = array<i32>} : memref<128x128xf32, #tpu.memory_space<vmem>>, vector<1x16xf32>,
        %get3A_1095 = vector.shape_cast %get3A_1094 : vector<1x16xf32> to vector<16xf32>
        %mul3A_1096 = arith.mulf %get3A_1095, %broadcast_in_dim3A_1041 : vector<16xf32>
        %swap3A_1097 = arith.index_cast %add3A_1091 : i32 to index
        %swap3A_1098 = arith.constant 64 : index
        %swap3A_1099 = tpu.vector_load %arg10[%swap3A_1097, %swap3A_1098] {strides = array<i32>} : memref<128x128xf32, #tpu.memory_space<vmem>>, vector<1x16xf32>,
        %swap3A_1100 = vector.shape_cast %swap3A_1099 : vector<1x16xf32> to vector<16xf32>
        %swap3A_1101 = vector.shape_cast %mul3A_1096 : vector<16xf32> to vector<1x16xf32>
        tpu.vector_store %arg10[%swap3A_1097, %swap3A_1098], %swap3A_1101 {strides = array<i32>} : memref<128x128xf32, #tpu.memory_space<vmem>>, vector<1x16xf32>,
        %add3A_1102 = arith.constant 10 : i32
        %add3A_1103 = arith.addi %mul3A_48, %add3A_1102 : i32
        %get3A_1104 = arith.index_cast %add3A_1103 : i32 to index
        %get3A_1105 = arith.constant 80 : index
        %get3A_1106 = tpu.vector_load %arg10[%get3A_1104, %get3A_1105] {strides = array<i32>} : memref<128x128xf32, #tpu.memory_space<vmem>>, vector<1x16xf32>,
        %get3A_1107 = vector.shape_cast %get3A_1106 : vector<1x16xf32> to vector<16xf32>
        %mul3A_1108 = arith.mulf %get3A_1107, %broadcast_in_dim3A_1041 : vector<16xf32>
        %swap3A_1109 = arith.index_cast %add3A_1103 : i32 to index
        %swap3A_1110 = arith.constant 80 : index
        %swap3A_1111 = tpu.vector_load %arg10[%swap3A_1109, %swap3A_1110] {strides = array<i32>} : memref<128x128xf32, #tpu.memory_space<vmem>>, vector<1x16xf32>,
        %swap3A_1112 = vector.shape_cast %swap3A_1111 : vector<1x16xf32> to vector<16xf32>
        %swap3A_1113 = vector.shape_cast %mul3A_1108 : vector<16xf32> to vector<1x16xf32>
        tpu.vector_store %arg10[%swap3A_1109, %swap3A_1110], %swap3A_1113 {strides = array<i32>} : memref<128x128xf32, #tpu.memory_space<vmem>>, vector<1x16xf32>,
        %add3A_1114 = arith.constant 10 : i32
        %add3A_1115 = arith.addi %mul3A_48, %add3A_1114 : i32
        %get3A_1116 = arith.index_cast %add3A_1115 : i32 to index
        %get3A_1117 = arith.constant 96 : index
        %get3A_1118 = tpu.vector_load %arg10[%get3A_1116, %get3A_1117] {strides = array<i32>} : memref<128x128xf32, #tpu.memory_space<vmem>>, vector<1x16xf32>,
        %get3A_1119 = vector.shape_cast %get3A_1118 : vector<1x16xf32> to vector<16xf32>
        %mul3A_1120 = arith.mulf %get3A_1119, %broadcast_in_dim3A_1041 : vector<16xf32>
        %swap3A_1121 = arith.index_cast %add3A_1115 : i32 to index
        %swap3A_1122 = arith.constant 96 : index
        %swap3A_1123 = tpu.vector_load %arg10[%swap3A_1121, %swap3A_1122] {strides = array<i32>} : memref<128x128xf32, #tpu.memory_space<vmem>>, vector<1x16xf32>,
        %swap3A_1124 = vector.shape_cast %swap3A_1123 : vector<1x16xf32> to vector<16xf32>
        %swap3A_1125 = vector.shape_cast %mul3A_1120 : vector<16xf32> to vector<1x16xf32>
        tpu.vector_store %arg10[%swap3A_1121, %swap3A_1122], %swap3A_1125 {strides = array<i32>} : memref<128x128xf32, #tpu.memory_space<vmem>>, vector<1x16xf32>,
        %add3A_1126 = arith.constant 10 : i32
        %add3A_1127 = arith.addi %mul3A_48, %add3A_1126 : i32
        %get3A_1128 = arith.index_cast %add3A_1127 : i32 to index
        %get3A_1129 = arith.constant 112 : index
        %get3A_1130 = tpu.vector_load %arg10[%get3A_1128, %get3A_1129] {strides = array<i32>} : memref<128x128xf32, #tpu.memory_space<vmem>>, vector<1x16xf32>,
        %get3A_1131 = vector.shape_cast %get3A_1130 : vector<1x16xf32> to vector<16xf32>
        %mul3A_1132 = arith.mulf %get3A_1131, %broadcast_in_dim3A_1041 : vector<16xf32>
        %swap3A_1133 = arith.index_cast %add3A_1127 : i32 to index
        %swap3A_1134 = arith.constant 112 : index
        %swap3A_1135 = tpu.vector_load %arg10[%swap3A_1133, %swap3A_1134] {strides = array<i32>} : memref<128x128xf32, #tpu.memory_space<vmem>>, vector<1x16xf32>,
        %swap3A_1136 = vector.shape_cast %swap3A_1135 : vector<1x16xf32> to vector<16xf32>
        %swap3A_1137 = vector.shape_cast %mul3A_1132 : vector<16xf32> to vector<1x16xf32>
        tpu.vector_store %arg10[%swap3A_1133, %swap3A_1134], %swap3A_1137 {strides = array<i32>} : memref<128x128xf32, #tpu.memory_space<vmem>>, vector<1x16xf32>,
        %slice3A_1138 = vector.extract_strided_slice %get3A_51 {offsets = [11], sizes = [1], strides = [1]} : vector<16xf32> to vector<1xf32>
        %squeeze3A_1139 = vector.extract %slice3A_1138[0] : f32 from vector<1xf32>
        %broadcast_in_dim3A_1140 = vector.broadcast %squeeze3A_1139 : f32 to vector<16xf32>
        %add3A_1141 = arith.constant 11 : i32
        %add3A_1142 = arith.addi %mul3A_48, %add3A_1141 : i32
        %get3A_1143 = arith.index_cast %add3A_1142 : i32 to index
        %get3A_1144 = arith.constant 0 : index
        %get3A_1145 = tpu.vector_load %arg10[%get3A_1143, %get3A_1144] {strides = array<i32>} : memref<128x128xf32, #tpu.memory_space<vmem>>, vector<1x16xf32>,
        %get3A_1146 = vector.shape_cast %get3A_1145 : vector<1x16xf32> to vector<16xf32>
        %mul3A_1147 = arith.mulf %get3A_1146, %broadcast_in_dim3A_1140 : vector<16xf32>
        %swap3A_1148 = arith.index_cast %add3A_1142 : i32 to index
        %swap3A_1149 = arith.constant 0 : index
        %swap3A_1150 = tpu.vector_load %arg10[%swap3A_1148, %swap3A_1149] {strides = array<i32>} : memref<128x128xf32, #tpu.memory_space<vmem>>, vector<1x16xf32>,
        %swap3A_1151 = vector.shape_cast %swap3A_1150 : vector<1x16xf32> to vector<16xf32>
        %swap3A_1152 = vector.shape_cast %mul3A_1147 : vector<16xf32> to vector<1x16xf32>
        tpu.vector_store %arg10[%swap3A_1148, %swap3A_1149], %swap3A_1152 {strides = array<i32>} : memref<128x128xf32, #tpu.memory_space<vmem>>, vector<1x16xf32>,
        %add3A_1153 = arith.constant 11 : i32
        %add3A_1154 = arith.addi %mul3A_48, %add3A_1153 : i32
        %get3A_1155 = arith.index_cast %add3A_1154 : i32 to index
        %get3A_1156 = arith.constant 16 : index
        %get3A_1157 = tpu.vector_load %arg10[%get3A_1155, %get3A_1156] {strides = array<i32>} : memref<128x128xf32, #tpu.memory_space<vmem>>, vector<1x16xf32>,
        %get3A_1158 = vector.shape_cast %get3A_1157 : vector<1x16xf32> to vector<16xf32>
        %mul3A_1159 = arith.mulf %get3A_1158, %broadcast_in_dim3A_1140 : vector<16xf32>
        %swap3A_1160 = arith.index_cast %add3A_1154 : i32 to index
        %swap3A_1161 = arith.constant 16 : index
        %swap3A_1162 = tpu.vector_load %arg10[%swap3A_1160, %swap3A_1161] {strides = array<i32>} : memref<128x128xf32, #tpu.memory_space<vmem>>, vector<1x16xf32>,
        %swap3A_1163 = vector.shape_cast %swap3A_1162 : vector<1x16xf32> to vector<16xf32>
        %swap3A_1164 = vector.shape_cast %mul3A_1159 : vector<16xf32> to vector<1x16xf32>
        tpu.vector_store %arg10[%swap3A_1160, %swap3A_1161], %swap3A_1164 {strides = array<i32>} : memref<128x128xf32, #tpu.memory_space<vmem>>, vector<1x16xf32>,
        %add3A_1165 = arith.constant 11 : i32
        %add3A_1166 = arith.addi %mul3A_48, %add3A_1165 : i32
        %get3A_1167 = arith.index_cast %add3A_1166 : i32 to index
        %get3A_1168 = arith.constant 32 : index
        %get3A_1169 = tpu.vector_load %arg10[%get3A_1167, %get3A_1168] {strides = array<i32>} : memref<128x128xf32, #tpu.memory_space<vmem>>, vector<1x16xf32>,
        %get3A_1170 = vector.shape_cast %get3A_1169 : vector<1x16xf32> to vector<16xf32>
        %mul3A_1171 = arith.mulf %get3A_1170, %broadcast_in_dim3A_1140 : vector<16xf32>
        %swap3A_1172 = arith.index_cast %add3A_1166 : i32 to index
        %swap3A_1173 = arith.constant 32 : index
        %swap3A_1174 = tpu.vector_load %arg10[%swap3A_1172, %swap3A_1173] {strides = array<i32>} : memref<128x128xf32, #tpu.memory_space<vmem>>, vector<1x16xf32>,
        %swap3A_1175 = vector.shape_cast %swap3A_1174 : vector<1x16xf32> to vector<16xf32>
        %swap3A_1176 = vector.shape_cast %mul3A_1171 : vector<16xf32> to vector<1x16xf32>
        tpu.vector_store %arg10[%swap3A_1172, %swap3A_1173], %swap3A_1176 {strides = array<i32>} : memref<128x128xf32, #tpu.memory_space<vmem>>, vector<1x16xf32>,
        %add3A_1177 = arith.constant 11 : i32
        %add3A_1178 = arith.addi %mul3A_48, %add3A_1177 : i32
        %get3A_1179 = arith.index_cast %add3A_1178 : i32 to index
        %get3A_1180 = arith.constant 48 : index
        %get3A_1181 = tpu.vector_load %arg10[%get3A_1179, %get3A_1180] {strides = array<i32>} : memref<128x128xf32, #tpu.memory_space<vmem>>, vector<1x16xf32>,
        %get3A_1182 = vector.shape_cast %get3A_1181 : vector<1x16xf32> to vector<16xf32>
        %mul3A_1183 = arith.mulf %get3A_1182, %broadcast_in_dim3A_1140 : vector<16xf32>
        %swap3A_1184 = arith.index_cast %add3A_1178 : i32 to index
        %swap3A_1185 = arith.constant 48 : index
        %swap3A_1186 = tpu.vector_load %arg10[%swap3A_1184, %swap3A_1185] {strides = array<i32>} : memref<128x128xf32, #tpu.memory_space<vmem>>, vector<1x16xf32>,
        %swap3A_1187 = vector.shape_cast %swap3A_1186 : vector<1x16xf32> to vector<16xf32>
        %swap3A_1188 = vector.shape_cast %mul3A_1183 : vector<16xf32> to vector<1x16xf32>
        tpu.vector_store %arg10[%swap3A_1184, %swap3A_1185], %swap3A_1188 {strides = array<i32>} : memref<128x128xf32, #tpu.memory_space<vmem>>, vector<1x16xf32>,
        %add3A_1189 = arith.constant 11 : i32
        %add3A_1190 = arith.addi %mul3A_48, %add3A_1189 : i32
        %get3A_1191 = arith.index_cast %add3A_1190 : i32 to index
        %get3A_1192 = arith.constant 64 : index
        %get3A_1193 = tpu.vector_load %arg10[%get3A_1191, %get3A_1192] {strides = array<i32>} : memref<128x128xf32, #tpu.memory_space<vmem>>, vector<1x16xf32>,
        %get3A_1194 = vector.shape_cast %get3A_1193 : vector<1x16xf32> to vector<16xf32>
        %mul3A_1195 = arith.mulf %get3A_1194, %broadcast_in_dim3A_1140 : vector<16xf32>
        %swap3A_1196 = arith.index_cast %add3A_1190 : i32 to index
        %swap3A_1197 = arith.constant 64 : index
        %swap3A_1198 = tpu.vector_load %arg10[%swap3A_1196, %swap3A_1197] {strides = array<i32>} : memref<128x128xf32, #tpu.memory_space<vmem>>, vector<1x16xf32>,
        %swap3A_1199 = vector.shape_cast %swap3A_1198 : vector<1x16xf32> to vector<16xf32>
        %swap3A_1200 = vector.shape_cast %mul3A_1195 : vector<16xf32> to vector<1x16xf32>
        tpu.vector_store %arg10[%swap3A_1196, %swap3A_1197], %swap3A_1200 {strides = array<i32>} : memref<128x128xf32, #tpu.memory_space<vmem>>, vector<1x16xf32>,
        %add3A_1201 = arith.constant 11 : i32
        %add3A_1202 = arith.addi %mul3A_48, %add3A_1201 : i32
        %get3A_1203 = arith.index_cast %add3A_1202 : i32 to index
        %get3A_1204 = arith.constant 80 : index
        %get3A_1205 = tpu.vector_load %arg10[%get3A_1203, %get3A_1204] {strides = array<i32>} : memref<128x128xf32, #tpu.memory_space<vmem>>, vector<1x16xf32>,
        %get3A_1206 = vector.shape_cast %get3A_1205 : vector<1x16xf32> to vector<16xf32>
        %mul3A_1207 = arith.mulf %get3A_1206, %broadcast_in_dim3A_1140 : vector<16xf32>
        %swap3A_1208 = arith.index_cast %add3A_1202 : i32 to index
        %swap3A_1209 = arith.constant 80 : index
        %swap3A_1210 = tpu.vector_load %arg10[%swap3A_1208, %swap3A_1209] {strides = array<i32>} : memref<128x128xf32, #tpu.memory_space<vmem>>, vector<1x16xf32>,
        %swap3A_1211 = vector.shape_cast %swap3A_1210 : vector<1x16xf32> to vector<16xf32>
        %swap3A_1212 = vector.shape_cast %mul3A_1207 : vector<16xf32> to vector<1x16xf32>
        tpu.vector_store %arg10[%swap3A_1208, %swap3A_1209], %swap3A_1212 {strides = array<i32>} : memref<128x128xf32, #tpu.memory_space<vmem>>, vector<1x16xf32>,
        %add3A_1213 = arith.constant 11 : i32
        %add3A_1214 = arith.addi %mul3A_48, %add3A_1213 : i32
        %get3A_1215 = arith.index_cast %add3A_1214 : i32 to index
        %get3A_1216 = arith.constant 96 : index
        %get3A_1217 = tpu.vector_load %arg10[%get3A_1215, %get3A_1216] {strides = array<i32>} : memref<128x128xf32, #tpu.memory_space<vmem>>, vector<1x16xf32>,
        %get3A_1218 = vector.shape_cast %get3A_1217 : vector<1x16xf32> to vector<16xf32>
        %mul3A_1219 = arith.mulf %get3A_1218, %broadcast_in_dim3A_1140 : vector<16xf32>
        %swap3A_1220 = arith.index_cast %add3A_1214 : i32 to index
        %swap3A_1221 = arith.constant 96 : index
        %swap3A_1222 = tpu.vector_load %arg10[%swap3A_1220, %swap3A_1221] {strides = array<i32>} : memref<128x128xf32, #tpu.memory_space<vmem>>, vector<1x16xf32>,
        %swap3A_1223 = vector.shape_cast %swap3A_1222 : vector<1x16xf32> to vector<16xf32>
        %swap3A_1224 = vector.shape_cast %mul3A_1219 : vector<16xf32> to vector<1x16xf32>
        tpu.vector_store %arg10[%swap3A_1220, %swap3A_1221], %swap3A_1224 {strides = array<i32>} : memref<128x128xf32, #tpu.memory_space<vmem>>, vector<1x16xf32>,
        %add3A_1225 = arith.constant 11 : i32
        %add3A_1226 = arith.addi %mul3A_48, %add3A_1225 : i32
        %get3A_1227 = arith.index_cast %add3A_1226 : i32 to index
        %get3A_1228 = arith.constant 112 : index
        %get3A_1229 = tpu.vector_load %arg10[%get3A_1227, %get3A_1228] {strides = array<i32>} : memref<128x128xf32, #tpu.memory_space<vmem>>, vector<1x16xf32>,
        %get3A_1230 = vector.shape_cast %get3A_1229 : vector<1x16xf32> to vector<16xf32>
        %mul3A_1231 = arith.mulf %get3A_1230, %broadcast_in_dim3A_1140 : vector<16xf32>
        %swap3A_1232 = arith.index_cast %add3A_1226 : i32 to index
        %swap3A_1233 = arith.constant 112 : index
        %swap3A_1234 = tpu.vector_load %arg10[%swap3A_1232, %swap3A_1233] {strides = array<i32>} : memref<128x128xf32, #tpu.memory_space<vmem>>, vector<1x16xf32>,
        %swap3A_1235 = vector.shape_cast %swap3A_1234 : vector<1x16xf32> to vector<16xf32>
        %swap3A_1236 = vector.shape_cast %mul3A_1231 : vector<16xf32> to vector<1x16xf32>
        tpu.vector_store %arg10[%swap3A_1232, %swap3A_1233], %swap3A_1236 {strides = array<i32>} : memref<128x128xf32, #tpu.memory_space<vmem>>, vector<1x16xf32>,
        %slice3A_1237 = vector.extract_strided_slice %get3A_51 {offsets = [12], sizes = [1], strides = [1]} : vector<16xf32> to vector<1xf32>
        %squeeze3A_1238 = vector.extract %slice3A_1237[0] : f32 from vector<1xf32>
        %broadcast_in_dim3A_1239 = vector.broadcast %squeeze3A_1238 : f32 to vector<16xf32>
        %add3A_1240 = arith.constant 12 : i32
        %add3A_1241 = arith.addi %mul3A_48, %add3A_1240 : i32
        %get3A_1242 = arith.index_cast %add3A_1241 : i32 to index
        %get3A_1243 = arith.constant 0 : index
        %get3A_1244 = tpu.vector_load %arg10[%get3A_1242, %get3A_1243] {strides = array<i32>} : memref<128x128xf32, #tpu.memory_space<vmem>>, vector<1x16xf32>,
        %get3A_1245 = vector.shape_cast %get3A_1244 : vector<1x16xf32> to vector<16xf32>
        %mul3A_1246 = arith.mulf %get3A_1245, %broadcast_in_dim3A_1239 : vector<16xf32>
        %swap3A_1247 = arith.index_cast %add3A_1241 : i32 to index
        %swap3A_1248 = arith.constant 0 : index
        %swap3A_1249 = tpu.vector_load %arg10[%swap3A_1247, %swap3A_1248] {strides = array<i32>} : memref<128x128xf32, #tpu.memory_space<vmem>>, vector<1x16xf32>,
        %swap3A_1250 = vector.shape_cast %swap3A_1249 : vector<1x16xf32> to vector<16xf32>
        %swap3A_1251 = vector.shape_cast %mul3A_1246 : vector<16xf32> to vector<1x16xf32>
        tpu.vector_store %arg10[%swap3A_1247, %swap3A_1248], %swap3A_1251 {strides = array<i32>} : memref<128x128xf32, #tpu.memory_space<vmem>>, vector<1x16xf32>,
        %add3A_1252 = arith.constant 12 : i32
        %add3A_1253 = arith.addi %mul3A_48, %add3A_1252 : i32
        %get3A_1254 = arith.index_cast %add3A_1253 : i32 to index
        %get3A_1255 = arith.constant 16 : index
        %get3A_1256 = tpu.vector_load %arg10[%get3A_1254, %get3A_1255] {strides = array<i32>} : memref<128x128xf32, #tpu.memory_space<vmem>>, vector<1x16xf32>,
        %get3A_1257 = vector.shape_cast %get3A_1256 : vector<1x16xf32> to vector<16xf32>
        %mul3A_1258 = arith.mulf %get3A_1257, %broadcast_in_dim3A_1239 : vector<16xf32>
        %swap3A_1259 = arith.index_cast %add3A_1253 : i32 to index
        %swap3A_1260 = arith.constant 16 : index
        %swap3A_1261 = tpu.vector_load %arg10[%swap3A_1259, %swap3A_1260] {strides = array<i32>} : memref<128x128xf32, #tpu.memory_space<vmem>>, vector<1x16xf32>,
        %swap3A_1262 = vector.shape_cast %swap3A_1261 : vector<1x16xf32> to vector<16xf32>
        %swap3A_1263 = vector.shape_cast %mul3A_1258 : vector<16xf32> to vector<1x16xf32>
        tpu.vector_store %arg10[%swap3A_1259, %swap3A_1260], %swap3A_1263 {strides = array<i32>} : memref<128x128xf32, #tpu.memory_space<vmem>>, vector<1x16xf32>,
        %add3A_1264 = arith.constant 12 : i32
        %add3A_1265 = arith.addi %mul3A_48, %add3A_1264 : i32
        %get3A_1266 = arith.index_cast %add3A_1265 : i32 to index
        %get3A_1267 = arith.constant 32 : index
        %get3A_1268 = tpu.vector_load %arg10[%get3A_1266, %get3A_1267] {strides = array<i32>} : memref<128x128xf32, #tpu.memory_space<vmem>>, vector<1x16xf32>,
        %get3A_1269 = vector.shape_cast %get3A_1268 : vector<1x16xf32> to vector<16xf32>
        %mul3A_1270 = arith.mulf %get3A_1269, %broadcast_in_dim3A_1239 : vector<16xf32>
        %swap3A_1271 = arith.index_cast %add3A_1265 : i32 to index
        %swap3A_1272 = arith.constant 32 : index
        %swap3A_1273 = tpu.vector_load %arg10[%swap3A_1271, %swap3A_1272] {strides = array<i32>} : memref<128x128xf32, #tpu.memory_space<vmem>>, vector<1x16xf32>,
        %swap3A_1274 = vector.shape_cast %swap3A_1273 : vector<1x16xf32> to vector<16xf32>
        %swap3A_1275 = vector.shape_cast %mul3A_1270 : vector<16xf32> to vector<1x16xf32>
        tpu.vector_store %arg10[%swap3A_1271, %swap3A_1272], %swap3A_1275 {strides = array<i32>} : memref<128x128xf32, #tpu.memory_space<vmem>>, vector<1x16xf32>,
        %add3A_1276 = arith.constant 12 : i32
        %add3A_1277 = arith.addi %mul3A_48, %add3A_1276 : i32
        %get3A_1278 = arith.index_cast %add3A_1277 : i32 to index
        %get3A_1279 = arith.constant 48 : index
        %get3A_1280 = tpu.vector_load %arg10[%get3A_1278, %get3A_1279] {strides = array<i32>} : memref<128x128xf32, #tpu.memory_space<vmem>>, vector<1x16xf32>,
        %get3A_1281 = vector.shape_cast %get3A_1280 : vector<1x16xf32> to vector<16xf32>
        %mul3A_1282 = arith.mulf %get3A_1281, %broadcast_in_dim3A_1239 : vector<16xf32>
        %swap3A_1283 = arith.index_cast %add3A_1277 : i32 to index
        %swap3A_1284 = arith.constant 48 : index
        %swap3A_1285 = tpu.vector_load %arg10[%swap3A_1283, %swap3A_1284] {strides = array<i32>} : memref<128x128xf32, #tpu.memory_space<vmem>>, vector<1x16xf32>,
        %swap3A_1286 = vector.shape_cast %swap3A_1285 : vector<1x16xf32> to vector<16xf32>
        %swap3A_1287 = vector.shape_cast %mul3A_1282 : vector<16xf32> to vector<1x16xf32>
        tpu.vector_store %arg10[%swap3A_1283, %swap3A_1284], %swap3A_1287 {strides = array<i32>} : memref<128x128xf32, #tpu.memory_space<vmem>>, vector<1x16xf32>,
        %add3A_1288 = arith.constant 12 : i32
        %add3A_1289 = arith.addi %mul3A_48, %add3A_1288 : i32
        %get3A_1290 = arith.index_cast %add3A_1289 : i32 to index
        %get3A_1291 = arith.constant 64 : index
        %get3A_1292 = tpu.vector_load %arg10[%get3A_1290, %get3A_1291] {strides = array<i32>} : memref<128x128xf32, #tpu.memory_space<vmem>>, vector<1x16xf32>,
        %get3A_1293 = vector.shape_cast %get3A_1292 : vector<1x16xf32> to vector<16xf32>
        %mul3A_1294 = arith.mulf %get3A_1293, %broadcast_in_dim3A_1239 : vector<16xf32>
        %swap3A_1295 = arith.index_cast %add3A_1289 : i32 to index
        %swap3A_1296 = arith.constant 64 : index
        %swap3A_1297 = tpu.vector_load %arg10[%swap3A_1295, %swap3A_1296] {strides = array<i32>} : memref<128x128xf32, #tpu.memory_space<vmem>>, vector<1x16xf32>,
        %swap3A_1298 = vector.shape_cast %swap3A_1297 : vector<1x16xf32> to vector<16xf32>
        %swap3A_1299 = vector.shape_cast %mul3A_1294 : vector<16xf32> to vector<1x16xf32>
        tpu.vector_store %arg10[%swap3A_1295, %swap3A_1296], %swap3A_1299 {strides = array<i32>} : memref<128x128xf32, #tpu.memory_space<vmem>>, vector<1x16xf32>,
        %add3A_1300 = arith.constant 12 : i32
        %add3A_1301 = arith.addi %mul3A_48, %add3A_1300 : i32
        %get3A_1302 = arith.index_cast %add3A_1301 : i32 to index
        %get3A_1303 = arith.constant 80 : index
        %get3A_1304 = tpu.vector_load %arg10[%get3A_1302, %get3A_1303] {strides = array<i32>} : memref<128x128xf32, #tpu.memory_space<vmem>>, vector<1x16xf32>,
        %get3A_1305 = vector.shape_cast %get3A_1304 : vector<1x16xf32> to vector<16xf32>
        %mul3A_1306 = arith.mulf %get3A_1305, %broadcast_in_dim3A_1239 : vector<16xf32>
        %swap3A_1307 = arith.index_cast %add3A_1301 : i32 to index
        %swap3A_1308 = arith.constant 80 : index
        %swap3A_1309 = tpu.vector_load %arg10[%swap3A_1307, %swap3A_1308] {strides = array<i32>} : memref<128x128xf32, #tpu.memory_space<vmem>>, vector<1x16xf32>,
        %swap3A_1310 = vector.shape_cast %swap3A_1309 : vector<1x16xf32> to vector<16xf32>
        %swap3A_1311 = vector.shape_cast %mul3A_1306 : vector<16xf32> to vector<1x16xf32>
        tpu.vector_store %arg10[%swap3A_1307, %swap3A_1308], %swap3A_1311 {strides = array<i32>} : memref<128x128xf32, #tpu.memory_space<vmem>>, vector<1x16xf32>,
        %add3A_1312 = arith.constant 12 : i32
        %add3A_1313 = arith.addi %mul3A_48, %add3A_1312 : i32
        %get3A_1314 = arith.index_cast %add3A_1313 : i32 to index
        %get3A_1315 = arith.constant 96 : index
        %get3A_1316 = tpu.vector_load %arg10[%get3A_1314, %get3A_1315] {strides = array<i32>} : memref<128x128xf32, #tpu.memory_space<vmem>>, vector<1x16xf32>,
        %get3A_1317 = vector.shape_cast %get3A_1316 : vector<1x16xf32> to vector<16xf32>
        %mul3A_1318 = arith.mulf %get3A_1317, %broadcast_in_dim3A_1239 : vector<16xf32>
        %swap3A_1319 = arith.index_cast %add3A_1313 : i32 to index
        %swap3A_1320 = arith.constant 96 : index
        %swap3A_1321 = tpu.vector_load %arg10[%swap3A_1319, %swap3A_1320] {strides = array<i32>} : memref<128x128xf32, #tpu.memory_space<vmem>>, vector<1x16xf32>,
        %swap3A_1322 = vector.shape_cast %swap3A_1321 : vector<1x16xf32> to vector<16xf32>
        %swap3A_1323 = vector.shape_cast %mul3A_1318 : vector<16xf32> to vector<1x16xf32>
        tpu.vector_store %arg10[%swap3A_1319, %swap3A_1320], %swap3A_1323 {strides = array<i32>} : memref<128x128xf32, #tpu.memory_space<vmem>>, vector<1x16xf32>,
        %add3A_1324 = arith.constant 12 : i32
        %add3A_1325 = arith.addi %mul3A_48, %add3A_1324 : i32
        %get3A_1326 = arith.index_cast %add3A_1325 : i32 to index
        %get3A_1327 = arith.constant 112 : index
        %get3A_1328 = tpu.vector_load %arg10[%get3A_1326, %get3A_1327] {strides = array<i32>} : memref<128x128xf32, #tpu.memory_space<vmem>>, vector<1x16xf32>,
        %get3A_1329 = vector.shape_cast %get3A_1328 : vector<1x16xf32> to vector<16xf32>
        %mul3A_1330 = arith.mulf %get3A_1329, %broadcast_in_dim3A_1239 : vector<16xf32>
        %swap3A_1331 = arith.index_cast %add3A_1325 : i32 to index
        %swap3A_1332 = arith.constant 112 : index
        %swap3A_1333 = tpu.vector_load %arg10[%swap3A_1331, %swap3A_1332] {strides = array<i32>} : memref<128x128xf32, #tpu.memory_space<vmem>>, vector<1x16xf32>,
        %swap3A_1334 = vector.shape_cast %swap3A_1333 : vector<1x16xf32> to vector<16xf32>
        %swap3A_1335 = vector.shape_cast %mul3A_1330 : vector<16xf32> to vector<1x16xf32>
        tpu.vector_store %arg10[%swap3A_1331, %swap3A_1332], %swap3A_1335 {strides = array<i32>} : memref<128x128xf32, #tpu.memory_space<vmem>>, vector<1x16xf32>,
        %slice3A_1336 = vector.extract_strided_slice %get3A_51 {offsets = [13], sizes = [1], strides = [1]} : vector<16xf32> to vector<1xf32>
        %squeeze3A_1337 = vector.extract %slice3A_1336[0] : f32 from vector<1xf32>
        %broadcast_in_dim3A_1338 = vector.broadcast %squeeze3A_1337 : f32 to vector<16xf32>
        %add3A_1339 = arith.constant 13 : i32
        %add3A_1340 = arith.addi %mul3A_48, %add3A_1339 : i32
        %get3A_1341 = arith.index_cast %add3A_1340 : i32 to index
        %get3A_1342 = arith.constant 0 : index
        %get3A_1343 = tpu.vector_load %arg10[%get3A_1341, %get3A_1342] {strides = array<i32>} : memref<128x128xf32, #tpu.memory_space<vmem>>, vector<1x16xf32>,
        %get3A_1344 = vector.shape_cast %get3A_1343 : vector<1x16xf32> to vector<16xf32>
        %mul3A_1345 = arith.mulf %get3A_1344, %broadcast_in_dim3A_1338 : vector<16xf32>
        %swap3A_1346 = arith.index_cast %add3A_1340 : i32 to index
        %swap3A_1347 = arith.constant 0 : index
        %swap3A_1348 = tpu.vector_load %arg10[%swap3A_1346, %swap3A_1347] {strides = array<i32>} : memref<128x128xf32, #tpu.memory_space<vmem>>, vector<1x16xf32>,
        %swap3A_1349 = vector.shape_cast %swap3A_1348 : vector<1x16xf32> to vector<16xf32>
        %swap3A_1350 = vector.shape_cast %mul3A_1345 : vector<16xf32> to vector<1x16xf32>
        tpu.vector_store %arg10[%swap3A_1346, %swap3A_1347], %swap3A_1350 {strides = array<i32>} : memref<128x128xf32, #tpu.memory_space<vmem>>, vector<1x16xf32>,
        %add3A_1351 = arith.constant 13 : i32
        %add3A_1352 = arith.addi %mul3A_48, %add3A_1351 : i32
        %get3A_1353 = arith.index_cast %add3A_1352 : i32 to index
        %get3A_1354 = arith.constant 16 : index
        %get3A_1355 = tpu.vector_load %arg10[%get3A_1353, %get3A_1354] {strides = array<i32>} : memref<128x128xf32, #tpu.memory_space<vmem>>, vector<1x16xf32>,
        %get3A_1356 = vector.shape_cast %get3A_1355 : vector<1x16xf32> to vector<16xf32>
        %mul3A_1357 = arith.mulf %get3A_1356, %broadcast_in_dim3A_1338 : vector<16xf32>
        %swap3A_1358 = arith.index_cast %add3A_1352 : i32 to index
        %swap3A_1359 = arith.constant 16 : index
        %swap3A_1360 = tpu.vector_load %arg10[%swap3A_1358, %swap3A_1359] {strides = array<i32>} : memref<128x128xf32, #tpu.memory_space<vmem>>, vector<1x16xf32>,
        %swap3A_1361 = vector.shape_cast %swap3A_1360 : vector<1x16xf32> to vector<16xf32>
        %swap3A_1362 = vector.shape_cast %mul3A_1357 : vector<16xf32> to vector<1x16xf32>
        tpu.vector_store %arg10[%swap3A_1358, %swap3A_1359], %swap3A_1362 {strides = array<i32>} : memref<128x128xf32, #tpu.memory_space<vmem>>, vector<1x16xf32>,
        %add3A_1363 = arith.constant 13 : i32
        %add3A_1364 = arith.addi %mul3A_48, %add3A_1363 : i32
        %get3A_1365 = arith.index_cast %add3A_1364 : i32 to index
        %get3A_1366 = arith.constant 32 : index
        %get3A_1367 = tpu.vector_load %arg10[%get3A_1365, %get3A_1366] {strides = array<i32>} : memref<128x128xf32, #tpu.memory_space<vmem>>, vector<1x16xf32>,
        %get3A_1368 = vector.shape_cast %get3A_1367 : vector<1x16xf32> to vector<16xf32>
        %mul3A_1369 = arith.mulf %get3A_1368, %broadcast_in_dim3A_1338 : vector<16xf32>
        %swap3A_1370 = arith.index_cast %add3A_1364 : i32 to index
        %swap3A_1371 = arith.constant 32 : index
        %swap3A_1372 = tpu.vector_load %arg10[%swap3A_1370, %swap3A_1371] {strides = array<i32>} : memref<128x128xf32, #tpu.memory_space<vmem>>, vector<1x16xf32>,
        %swap3A_1373 = vector.shape_cast %swap3A_1372 : vector<1x16xf32> to vector<16xf32>
        %swap3A_1374 = vector.shape_cast %mul3A_1369 : vector<16xf32> to vector<1x16xf32>
        tpu.vector_store %arg10[%swap3A_1370, %swap3A_1371], %swap3A_1374 {strides = array<i32>} : memref<128x128xf32, #tpu.memory_space<vmem>>, vector<1x16xf32>,
        %add3A_1375 = arith.constant 13 : i32
        %add3A_1376 = arith.addi %mul3A_48, %add3A_1375 : i32
        %get3A_1377 = arith.index_cast %add3A_1376 : i32 to index
        %get3A_1378 = arith.constant 48 : index
        %get3A_1379 = tpu.vector_load %arg10[%get3A_1377, %get3A_1378] {strides = array<i32>} : memref<128x128xf32, #tpu.memory_space<vmem>>, vector<1x16xf32>,
        %get3A_1380 = vector.shape_cast %get3A_1379 : vector<1x16xf32> to vector<16xf32>
        %mul3A_1381 = arith.mulf %get3A_1380, %broadcast_in_dim3A_1338 : vector<16xf32>
        %swap3A_1382 = arith.index_cast %add3A_1376 : i32 to index
        %swap3A_1383 = arith.constant 48 : index
        %swap3A_1384 = tpu.vector_load %arg10[%swap3A_1382, %swap3A_1383] {strides = array<i32>} : memref<128x128xf32, #tpu.memory_space<vmem>>, vector<1x16xf32>,
        %swap3A_1385 = vector.shape_cast %swap3A_1384 : vector<1x16xf32> to vector<16xf32>
        %swap3A_1386 = vector.shape_cast %mul3A_1381 : vector<16xf32> to vector<1x16xf32>
        tpu.vector_store %arg10[%swap3A_1382, %swap3A_1383], %swap3A_1386 {strides = array<i32>} : memref<128x128xf32, #tpu.memory_space<vmem>>, vector<1x16xf32>,
        %add3A_1387 = arith.constant 13 : i32
        %add3A_1388 = arith.addi %mul3A_48, %add3A_1387 : i32
        %get3A_1389 = arith.index_cast %add3A_1388 : i32 to index
        %get3A_1390 = arith.constant 64 : index
        %get3A_1391 = tpu.vector_load %arg10[%get3A_1389, %get3A_1390] {strides = array<i32>} : memref<128x128xf32, #tpu.memory_space<vmem>>, vector<1x16xf32>,
        %get3A_1392 = vector.shape_cast %get3A_1391 : vector<1x16xf32> to vector<16xf32>
        %mul3A_1393 = arith.mulf %get3A_1392, %broadcast_in_dim3A_1338 : vector<16xf32>
        %swap3A_1394 = arith.index_cast %add3A_1388 : i32 to index
        %swap3A_1395 = arith.constant 64 : index
        %swap3A_1396 = tpu.vector_load %arg10[%swap3A_1394, %swap3A_1395] {strides = array<i32>} : memref<128x128xf32, #tpu.memory_space<vmem>>, vector<1x16xf32>,
        %swap3A_1397 = vector.shape_cast %swap3A_1396 : vector<1x16xf32> to vector<16xf32>
        %swap3A_1398 = vector.shape_cast %mul3A_1393 : vector<16xf32> to vector<1x16xf32>
        tpu.vector_store %arg10[%swap3A_1394, %swap3A_1395], %swap3A_1398 {strides = array<i32>} : memref<128x128xf32, #tpu.memory_space<vmem>>, vector<1x16xf32>,
        %add3A_1399 = arith.constant 13 : i32
        %add3A_1400 = arith.addi %mul3A_48, %add3A_1399 : i32
        %get3A_1401 = arith.index_cast %add3A_1400 : i32 to index
        %get3A_1402 = arith.constant 80 : index
        %get3A_1403 = tpu.vector_load %arg10[%get3A_1401, %get3A_1402] {strides = array<i32>} : memref<128x128xf32, #tpu.memory_space<vmem>>, vector<1x16xf32>,
        %get3A_1404 = vector.shape_cast %get3A_1403 : vector<1x16xf32> to vector<16xf32>
        %mul3A_1405 = arith.mulf %get3A_1404, %broadcast_in_dim3A_1338 : vector<16xf32>
        %swap3A_1406 = arith.index_cast %add3A_1400 : i32 to index
        %swap3A_1407 = arith.constant 80 : index
        %swap3A_1408 = tpu.vector_load %arg10[%swap3A_1406, %swap3A_1407] {strides = array<i32>} : memref<128x128xf32, #tpu.memory_space<vmem>>, vector<1x16xf32>,
        %swap3A_1409 = vector.shape_cast %swap3A_1408 : vector<1x16xf32> to vector<16xf32>
        %swap3A_1410 = vector.shape_cast %mul3A_1405 : vector<16xf32> to vector<1x16xf32>
        tpu.vector_store %arg10[%swap3A_1406, %swap3A_1407], %swap3A_1410 {strides = array<i32>} : memref<128x128xf32, #tpu.memory_space<vmem>>, vector<1x16xf32>,
        %add3A_1411 = arith.constant 13 : i32
        %add3A_1412 = arith.addi %mul3A_48, %add3A_1411 : i32
        %get3A_1413 = arith.index_cast %add3A_1412 : i32 to index
        %get3A_1414 = arith.constant 96 : index
        %get3A_1415 = tpu.vector_load %arg10[%get3A_1413, %get3A_1414] {strides = array<i32>} : memref<128x128xf32, #tpu.memory_space<vmem>>, vector<1x16xf32>,
        %get3A_1416 = vector.shape_cast %get3A_1415 : vector<1x16xf32> to vector<16xf32>
        %mul3A_1417 = arith.mulf %get3A_1416, %broadcast_in_dim3A_1338 : vector<16xf32>
        %swap3A_1418 = arith.index_cast %add3A_1412 : i32 to index
        %swap3A_1419 = arith.constant 96 : index
        %swap3A_1420 = tpu.vector_load %arg10[%swap3A_1418, %swap3A_1419] {strides = array<i32>} : memref<128x128xf32, #tpu.memory_space<vmem>>, vector<1x16xf32>,
        %swap3A_1421 = vector.shape_cast %swap3A_1420 : vector<1x16xf32> to vector<16xf32>
        %swap3A_1422 = vector.shape_cast %mul3A_1417 : vector<16xf32> to vector<1x16xf32>
        tpu.vector_store %arg10[%swap3A_1418, %swap3A_1419], %swap3A_1422 {strides = array<i32>} : memref<128x128xf32, #tpu.memory_space<vmem>>, vector<1x16xf32>,
        %add3A_1423 = arith.constant 13 : i32
        %add3A_1424 = arith.addi %mul3A_48, %add3A_1423 : i32
        %get3A_1425 = arith.index_cast %add3A_1424 : i32 to index
        %get3A_1426 = arith.constant 112 : index
        %get3A_1427 = tpu.vector_load %arg10[%get3A_1425, %get3A_1426] {strides = array<i32>} : memref<128x128xf32, #tpu.memory_space<vmem>>, vector<1x16xf32>,
        %get3A_1428 = vector.shape_cast %get3A_1427 : vector<1x16xf32> to vector<16xf32>
        %mul3A_1429 = arith.mulf %get3A_1428, %broadcast_in_dim3A_1338 : vector<16xf32>
        %swap3A_1430 = arith.index_cast %add3A_1424 : i32 to index
        %swap3A_1431 = arith.constant 112 : index
        %swap3A_1432 = tpu.vector_load %arg10[%swap3A_1430, %swap3A_1431] {strides = array<i32>} : memref<128x128xf32, #tpu.memory_space<vmem>>, vector<1x16xf32>,
        %swap3A_1433 = vector.shape_cast %swap3A_1432 : vector<1x16xf32> to vector<16xf32>
        %swap3A_1434 = vector.shape_cast %mul3A_1429 : vector<16xf32> to vector<1x16xf32>
        tpu.vector_store %arg10[%swap3A_1430, %swap3A_1431], %swap3A_1434 {strides = array<i32>} : memref<128x128xf32, #tpu.memory_space<vmem>>, vector<1x16xf32>,
        %slice3A_1435 = vector.extract_strided_slice %get3A_51 {offsets = [14], sizes = [1], strides = [1]} : vector<16xf32> to vector<1xf32>
        %squeeze3A_1436 = vector.extract %slice3A_1435[0] : f32 from vector<1xf32>
        %broadcast_in_dim3A_1437 = vector.broadcast %squeeze3A_1436 : f32 to vector<16xf32>
        %add3A_1438 = arith.constant 14 : i32
        %add3A_1439 = arith.addi %mul3A_48, %add3A_1438 : i32
        %get3A_1440 = arith.index_cast %add3A_1439 : i32 to index
        %get3A_1441 = arith.constant 0 : index
        %get3A_1442 = tpu.vector_load %arg10[%get3A_1440, %get3A_1441] {strides = array<i32>} : memref<128x128xf32, #tpu.memory_space<vmem>>, vector<1x16xf32>,
        %get3A_1443 = vector.shape_cast %get3A_1442 : vector<1x16xf32> to vector<16xf32>
        %mul3A_1444 = arith.mulf %get3A_1443, %broadcast_in_dim3A_1437 : vector<16xf32>
        %swap3A_1445 = arith.index_cast %add3A_1439 : i32 to index
        %swap3A_1446 = arith.constant 0 : index
        %swap3A_1447 = tpu.vector_load %arg10[%swap3A_1445, %swap3A_1446] {strides = array<i32>} : memref<128x128xf32, #tpu.memory_space<vmem>>, vector<1x16xf32>,
        %swap3A_1448 = vector.shape_cast %swap3A_1447 : vector<1x16xf32> to vector<16xf32>
        %swap3A_1449 = vector.shape_cast %mul3A_1444 : vector<16xf32> to vector<1x16xf32>
        tpu.vector_store %arg10[%swap3A_1445, %swap3A_1446], %swap3A_1449 {strides = array<i32>} : memref<128x128xf32, #tpu.memory_space<vmem>>, vector<1x16xf32>,
        %add3A_1450 = arith.constant 14 : i32
        %add3A_1451 = arith.addi %mul3A_48, %add3A_1450 : i32
        %get3A_1452 = arith.index_cast %add3A_1451 : i32 to index
        %get3A_1453 = arith.constant 16 : index
        %get3A_1454 = tpu.vector_load %arg10[%get3A_1452, %get3A_1453] {strides = array<i32>} : memref<128x128xf32, #tpu.memory_space<vmem>>, vector<1x16xf32>,
        %get3A_1455 = vector.shape_cast %get3A_1454 : vector<1x16xf32> to vector<16xf32>
        %mul3A_1456 = arith.mulf %get3A_1455, %broadcast_in_dim3A_1437 : vector<16xf32>
        %swap3A_1457 = arith.index_cast %add3A_1451 : i32 to index
        %swap3A_1458 = arith.constant 16 : index
        %swap3A_1459 = tpu.vector_load %arg10[%swap3A_1457, %swap3A_1458] {strides = array<i32>} : memref<128x128xf32, #tpu.memory_space<vmem>>, vector<1x16xf32>,
        %swap3A_1460 = vector.shape_cast %swap3A_1459 : vector<1x16xf32> to vector<16xf32>
        %swap3A_1461 = vector.shape_cast %mul3A_1456 : vector<16xf32> to vector<1x16xf32>
        tpu.vector_store %arg10[%swap3A_1457, %swap3A_1458], %swap3A_1461 {strides = array<i32>} : memref<128x128xf32, #tpu.memory_space<vmem>>, vector<1x16xf32>,
        %add3A_1462 = arith.constant 14 : i32
        %add3A_1463 = arith.addi %mul3A_48, %add3A_1462 : i32
        %get3A_1464 = arith.index_cast %add3A_1463 : i32 to index
        %get3A_1465 = arith.constant 32 : index
        %get3A_1466 = tpu.vector_load %arg10[%get3A_1464, %get3A_1465] {strides = array<i32>} : memref<128x128xf32, #tpu.memory_space<vmem>>, vector<1x16xf32>,
        %get3A_1467 = vector.shape_cast %get3A_1466 : vector<1x16xf32> to vector<16xf32>
        %mul3A_1468 = arith.mulf %get3A_1467, %broadcast_in_dim3A_1437 : vector<16xf32>
        %swap3A_1469 = arith.index_cast %add3A_1463 : i32 to index
        %swap3A_1470 = arith.constant 32 : index
        %swap3A_1471 = tpu.vector_load %arg10[%swap3A_1469, %swap3A_1470] {strides = array<i32>} : memref<128x128xf32, #tpu.memory_space<vmem>>, vector<1x16xf32>,
        %swap3A_1472 = vector.shape_cast %swap3A_1471 : vector<1x16xf32> to vector<16xf32>
        %swap3A_1473 = vector.shape_cast %mul3A_1468 : vector<16xf32> to vector<1x16xf32>
        tpu.vector_store %arg10[%swap3A_1469, %swap3A_1470], %swap3A_1473 {strides = array<i32>} : memref<128x128xf32, #tpu.memory_space<vmem>>, vector<1x16xf32>,
        %add3A_1474 = arith.constant 14 : i32
        %add3A_1475 = arith.addi %mul3A_48, %add3A_1474 : i32
        %get3A_1476 = arith.index_cast %add3A_1475 : i32 to index
        %get3A_1477 = arith.constant 48 : index
        %get3A_1478 = tpu.vector_load %arg10[%get3A_1476, %get3A_1477] {strides = array<i32>} : memref<128x128xf32, #tpu.memory_space<vmem>>, vector<1x16xf32>,
        %get3A_1479 = vector.shape_cast %get3A_1478 : vector<1x16xf32> to vector<16xf32>
        %mul3A_1480 = arith.mulf %get3A_1479, %broadcast_in_dim3A_1437 : vector<16xf32>
        %swap3A_1481 = arith.index_cast %add3A_1475 : i32 to index
        %swap3A_1482 = arith.constant 48 : index
        %swap3A_1483 = tpu.vector_load %arg10[%swap3A_1481, %swap3A_1482] {strides = array<i32>} : memref<128x128xf32, #tpu.memory_space<vmem>>, vector<1x16xf32>,
        %swap3A_1484 = vector.shape_cast %swap3A_1483 : vector<1x16xf32> to vector<16xf32>
        %swap3A_1485 = vector.shape_cast %mul3A_1480 : vector<16xf32> to vector<1x16xf32>
        tpu.vector_store %arg10[%swap3A_1481, %swap3A_1482], %swap3A_1485 {strides = array<i32>} : memref<128x128xf32, #tpu.memory_space<vmem>>, vector<1x16xf32>,
        %add3A_1486 = arith.constant 14 : i32
        %add3A_1487 = arith.addi %mul3A_48, %add3A_1486 : i32
        %get3A_1488 = arith.index_cast %add3A_1487 : i32 to index
        %get3A_1489 = arith.constant 64 : index
        %get3A_1490 = tpu.vector_load %arg10[%get3A_1488, %get3A_1489] {strides = array<i32>} : memref<128x128xf32, #tpu.memory_space<vmem>>, vector<1x16xf32>,
        %get3A_1491 = vector.shape_cast %get3A_1490 : vector<1x16xf32> to vector<16xf32>
        %mul3A_1492 = arith.mulf %get3A_1491, %broadcast_in_dim3A_1437 : vector<16xf32>
        %swap3A_1493 = arith.index_cast %add3A_1487 : i32 to index
        %swap3A_1494 = arith.constant 64 : index
        %swap3A_1495 = tpu.vector_load %arg10[%swap3A_1493, %swap3A_1494] {strides = array<i32>} : memref<128x128xf32, #tpu.memory_space<vmem>>, vector<1x16xf32>,
        %swap3A_1496 = vector.shape_cast %swap3A_1495 : vector<1x16xf32> to vector<16xf32>
        %swap3A_1497 = vector.shape_cast %mul3A_1492 : vector<16xf32> to vector<1x16xf32>
        tpu.vector_store %arg10[%swap3A_1493, %swap3A_1494], %swap3A_1497 {strides = array<i32>} : memref<128x128xf32, #tpu.memory_space<vmem>>, vector<1x16xf32>,
        %add3A_1498 = arith.constant 14 : i32
        %add3A_1499 = arith.addi %mul3A_48, %add3A_1498 : i32
        %get3A_1500 = arith.index_cast %add3A_1499 : i32 to index
        %get3A_1501 = arith.constant 80 : index
        %get3A_1502 = tpu.vector_load %arg10[%get3A_1500, %get3A_1501] {strides = array<i32>} : memref<128x128xf32, #tpu.memory_space<vmem>>, vector<1x16xf32>,
        %get3A_1503 = vector.shape_cast %get3A_1502 : vector<1x16xf32> to vector<16xf32>
        %mul3A_1504 = arith.mulf %get3A_1503, %broadcast_in_dim3A_1437 : vector<16xf32>
        %swap3A_1505 = arith.index_cast %add3A_1499 : i32 to index
        %swap3A_1506 = arith.constant 80 : index
        %swap3A_1507 = tpu.vector_load %arg10[%swap3A_1505, %swap3A_1506] {strides = array<i32>} : memref<128x128xf32, #tpu.memory_space<vmem>>, vector<1x16xf32>,
        %swap3A_1508 = vector.shape_cast %swap3A_1507 : vector<1x16xf32> to vector<16xf32>
        %swap3A_1509 = vector.shape_cast %mul3A_1504 : vector<16xf32> to vector<1x16xf32>
        tpu.vector_store %arg10[%swap3A_1505, %swap3A_1506], %swap3A_1509 {strides = array<i32>} : memref<128x128xf32, #tpu.memory_space<vmem>>, vector<1x16xf32>,
        %add3A_1510 = arith.constant 14 : i32
        %add3A_1511 = arith.addi %mul3A_48, %add3A_1510 : i32
        %get3A_1512 = arith.index_cast %add3A_1511 : i32 to index
        %get3A_1513 = arith.constant 96 : index
        %get3A_1514 = tpu.vector_load %arg10[%get3A_1512, %get3A_1513] {strides = array<i32>} : memref<128x128xf32, #tpu.memory_space<vmem>>, vector<1x16xf32>,
        %get3A_1515 = vector.shape_cast %get3A_1514 : vector<1x16xf32> to vector<16xf32>
        %mul3A_1516 = arith.mulf %get3A_1515, %broadcast_in_dim3A_1437 : vector<16xf32>
        %swap3A_1517 = arith.index_cast %add3A_1511 : i32 to index
        %swap3A_1518 = arith.constant 96 : index
        %swap3A_1519 = tpu.vector_load %arg10[%swap3A_1517, %swap3A_1518] {strides = array<i32>} : memref<128x128xf32, #tpu.memory_space<vmem>>, vector<1x16xf32>,
        %swap3A_1520 = vector.shape_cast %swap3A_1519 : vector<1x16xf32> to vector<16xf32>
        %swap3A_1521 = vector.shape_cast %mul3A_1516 : vector<16xf32> to vector<1x16xf32>
        tpu.vector_store %arg10[%swap3A_1517, %swap3A_1518], %swap3A_1521 {strides = array<i32>} : memref<128x128xf32, #tpu.memory_space<vmem>>, vector<1x16xf32>,
        %add3A_1522 = arith.constant 14 : i32
        %add3A_1523 = arith.addi %mul3A_48, %add3A_1522 : i32
        %get3A_1524 = arith.index_cast %add3A_1523 : i32 to index
        %get3A_1525 = arith.constant 112 : index
        %get3A_1526 = tpu.vector_load %arg10[%get3A_1524, %get3A_1525] {strides = array<i32>} : memref<128x128xf32, #tpu.memory_space<vmem>>, vector<1x16xf32>,
        %get3A_1527 = vector.shape_cast %get3A_1526 : vector<1x16xf32> to vector<16xf32>
        %mul3A_1528 = arith.mulf %get3A_1527, %broadcast_in_dim3A_1437 : vector<16xf32>
        %swap3A_1529 = arith.index_cast %add3A_1523 : i32 to index
        %swap3A_1530 = arith.constant 112 : index
        %swap3A_1531 = tpu.vector_load %arg10[%swap3A_1529, %swap3A_1530] {strides = array<i32>} : memref<128x128xf32, #tpu.memory_space<vmem>>, vector<1x16xf32>,
        %swap3A_1532 = vector.shape_cast %swap3A_1531 : vector<1x16xf32> to vector<16xf32>
        %swap3A_1533 = vector.shape_cast %mul3A_1528 : vector<16xf32> to vector<1x16xf32>
        tpu.vector_store %arg10[%swap3A_1529, %swap3A_1530], %swap3A_1533 {strides = array<i32>} : memref<128x128xf32, #tpu.memory_space<vmem>>, vector<1x16xf32>,
        %slice3A_1534 = vector.extract_strided_slice %get3A_51 {offsets = [15], sizes = [1], strides = [1]} : vector<16xf32> to vector<1xf32>
        %squeeze3A_1535 = vector.extract %slice3A_1534[0] : f32 from vector<1xf32>
        %broadcast_in_dim3A_1536 = vector.broadcast %squeeze3A_1535 : f32 to vector<16xf32>
        %add3A_1537 = arith.constant 15 : i32
        %add3A_1538 = arith.addi %mul3A_48, %add3A_1537 : i32
        %get3A_1539 = arith.index_cast %add3A_1538 : i32 to index
        %get3A_1540 = arith.constant 0 : index
        %get3A_1541 = tpu.vector_load %arg10[%get3A_1539, %get3A_1540] {strides = array<i32>} : memref<128x128xf32, #tpu.memory_space<vmem>>, vector<1x16xf32>,
        %get3A_1542 = vector.shape_cast %get3A_1541 : vector<1x16xf32> to vector<16xf32>
        %mul3A_1543 = arith.mulf %get3A_1542, %broadcast_in_dim3A_1536 : vector<16xf32>
        %swap3A_1544 = arith.index_cast %add3A_1538 : i32 to index
        %swap3A_1545 = arith.constant 0 : index
        %swap3A_1546 = tpu.vector_load %arg10[%swap3A_1544, %swap3A_1545] {strides = array<i32>} : memref<128x128xf32, #tpu.memory_space<vmem>>, vector<1x16xf32>,
        %swap3A_1547 = vector.shape_cast %swap3A_1546 : vector<1x16xf32> to vector<16xf32>
        %swap3A_1548 = vector.shape_cast %mul3A_1543 : vector<16xf32> to vector<1x16xf32>
        tpu.vector_store %arg10[%swap3A_1544, %swap3A_1545], %swap3A_1548 {strides = array<i32>} : memref<128x128xf32, #tpu.memory_space<vmem>>, vector<1x16xf32>,
        %add3A_1549 = arith.constant 15 : i32
        %add3A_1550 = arith.addi %mul3A_48, %add3A_1549 : i32
        %get3A_1551 = arith.index_cast %add3A_1550 : i32 to index
        %get3A_1552 = arith.constant 16 : index
        %get3A_1553 = tpu.vector_load %arg10[%get3A_1551, %get3A_1552] {strides = array<i32>} : memref<128x128xf32, #tpu.memory_space<vmem>>, vector<1x16xf32>,
        %get3A_1554 = vector.shape_cast %get3A_1553 : vector<1x16xf32> to vector<16xf32>
        %mul3A_1555 = arith.mulf %get3A_1554, %broadcast_in_dim3A_1536 : vector<16xf32>
        %swap3A_1556 = arith.index_cast %add3A_1550 : i32 to index
        %swap3A_1557 = arith.constant 16 : index
        %swap3A_1558 = tpu.vector_load %arg10[%swap3A_1556, %swap3A_1557] {strides = array<i32>} : memref<128x128xf32, #tpu.memory_space<vmem>>, vector<1x16xf32>,
        %swap3A_1559 = vector.shape_cast %swap3A_1558 : vector<1x16xf32> to vector<16xf32>
        %swap3A_1560 = vector.shape_cast %mul3A_1555 : vector<16xf32> to vector<1x16xf32>
        tpu.vector_store %arg10[%swap3A_1556, %swap3A_1557], %swap3A_1560 {strides = array<i32>} : memref<128x128xf32, #tpu.memory_space<vmem>>, vector<1x16xf32>,
        %add3A_1561 = arith.constant 15 : i32
        %add3A_1562 = arith.addi %mul3A_48, %add3A_1561 : i32
        %get3A_1563 = arith.index_cast %add3A_1562 : i32 to index
        %get3A_1564 = arith.constant 32 : index
        %get3A_1565 = tpu.vector_load %arg10[%get3A_1563, %get3A_1564] {strides = array<i32>} : memref<128x128xf32, #tpu.memory_space<vmem>>, vector<1x16xf32>,
        %get3A_1566 = vector.shape_cast %get3A_1565 : vector<1x16xf32> to vector<16xf32>
        %mul3A_1567 = arith.mulf %get3A_1566, %broadcast_in_dim3A_1536 : vector<16xf32>
        %swap3A_1568 = arith.index_cast %add3A_1562 : i32 to index
        %swap3A_1569 = arith.constant 32 : index
        %swap3A_1570 = tpu.vector_load %arg10[%swap3A_1568, %swap3A_1569] {strides = array<i32>} : memref<128x128xf32, #tpu.memory_space<vmem>>, vector<1x16xf32>,
        %swap3A_1571 = vector.shape_cast %swap3A_1570 : vector<1x16xf32> to vector<16xf32>
        %swap3A_1572 = vector.shape_cast %mul3A_1567 : vector<16xf32> to vector<1x16xf32>
        tpu.vector_store %arg10[%swap3A_1568, %swap3A_1569], %swap3A_1572 {strides = array<i32>} : memref<128x128xf32, #tpu.memory_space<vmem>>, vector<1x16xf32>,
        %add3A_1573 = arith.constant 15 : i32
        %add3A_1574 = arith.addi %mul3A_48, %add3A_1573 : i32
        %get3A_1575 = arith.index_cast %add3A_1574 : i32 to index
        %get3A_1576 = arith.constant 48 : index
        %get3A_1577 = tpu.vector_load %arg10[%get3A_1575, %get3A_1576] {strides = array<i32>} : memref<128x128xf32, #tpu.memory_space<vmem>>, vector<1x16xf32>,
        %get3A_1578 = vector.shape_cast %get3A_1577 : vector<1x16xf32> to vector<16xf32>
        %mul3A_1579 = arith.mulf %get3A_1578, %broadcast_in_dim3A_1536 : vector<16xf32>
        %swap3A_1580 = arith.index_cast %add3A_1574 : i32 to index
        %swap3A_1581 = arith.constant 48 : index
        %swap3A_1582 = tpu.vector_load %arg10[%swap3A_1580, %swap3A_1581] {strides = array<i32>} : memref<128x128xf32, #tpu.memory_space<vmem>>, vector<1x16xf32>,
        %swap3A_1583 = vector.shape_cast %swap3A_1582 : vector<1x16xf32> to vector<16xf32>
        %swap3A_1584 = vector.shape_cast %mul3A_1579 : vector<16xf32> to vector<1x16xf32>
        tpu.vector_store %arg10[%swap3A_1580, %swap3A_1581], %swap3A_1584 {strides = array<i32>} : memref<128x128xf32, #tpu.memory_space<vmem>>, vector<1x16xf32>,
        %add3A_1585 = arith.constant 15 : i32
        %add3A_1586 = arith.addi %mul3A_48, %add3A_1585 : i32
        %get3A_1587 = arith.index_cast %add3A_1586 : i32 to index
        %get3A_1588 = arith.constant 64 : index
        %get3A_1589 = tpu.vector_load %arg10[%get3A_1587, %get3A_1588] {strides = array<i32>} : memref<128x128xf32, #tpu.memory_space<vmem>>, vector<1x16xf32>,
        %get3A_1590 = vector.shape_cast %get3A_1589 : vector<1x16xf32> to vector<16xf32>
        %mul3A_1591 = arith.mulf %get3A_1590, %broadcast_in_dim3A_1536 : vector<16xf32>
        %swap3A_1592 = arith.index_cast %add3A_1586 : i32 to index
        %swap3A_1593 = arith.constant 64 : index
        %swap3A_1594 = tpu.vector_load %arg10[%swap3A_1592, %swap3A_1593] {strides = array<i32>} : memref<128x128xf32, #tpu.memory_space<vmem>>, vector<1x16xf32>,
        %swap3A_1595 = vector.shape_cast %swap3A_1594 : vector<1x16xf32> to vector<16xf32>
        %swap3A_1596 = vector.shape_cast %mul3A_1591 : vector<16xf32> to vector<1x16xf32>
        tpu.vector_store %arg10[%swap3A_1592, %swap3A_1593], %swap3A_1596 {strides = array<i32>} : memref<128x128xf32, #tpu.memory_space<vmem>>, vector<1x16xf32>,
        %add3A_1597 = arith.constant 15 : i32
        %add3A_1598 = arith.addi %mul3A_48, %add3A_1597 : i32
        %get3A_1599 = arith.index_cast %add3A_1598 : i32 to index
        %get3A_1600 = arith.constant 80 : index
        %get3A_1601 = tpu.vector_load %arg10[%get3A_1599, %get3A_1600] {strides = array<i32>} : memref<128x128xf32, #tpu.memory_space<vmem>>, vector<1x16xf32>,
        %get3A_1602 = vector.shape_cast %get3A_1601 : vector<1x16xf32> to vector<16xf32>
        %mul3A_1603 = arith.mulf %get3A_1602, %broadcast_in_dim3A_1536 : vector<16xf32>
        %swap3A_1604 = arith.index_cast %add3A_1598 : i32 to index
        %swap3A_1605 = arith.constant 80 : index
        %swap3A_1606 = tpu.vector_load %arg10[%swap3A_1604, %swap3A_1605] {strides = array<i32>} : memref<128x128xf32, #tpu.memory_space<vmem>>, vector<1x16xf32>,
        %swap3A_1607 = vector.shape_cast %swap3A_1606 : vector<1x16xf32> to vector<16xf32>
        %swap3A_1608 = vector.shape_cast %mul3A_1603 : vector<16xf32> to vector<1x16xf32>
        tpu.vector_store %arg10[%swap3A_1604, %swap3A_1605], %swap3A_1608 {strides = array<i32>} : memref<128x128xf32, #tpu.memory_space<vmem>>, vector<1x16xf32>,
        %add3A_1609 = arith.constant 15 : i32
        %add3A_1610 = arith.addi %mul3A_48, %add3A_1609 : i32
        %get3A_1611 = arith.index_cast %add3A_1610 : i32 to index
        %get3A_1612 = arith.constant 96 : index
        %get3A_1613 = tpu.vector_load %arg10[%get3A_1611, %get3A_1612] {strides = array<i32>} : memref<128x128xf32, #tpu.memory_space<vmem>>, vector<1x16xf32>,
        %get3A_1614 = vector.shape_cast %get3A_1613 : vector<1x16xf32> to vector<16xf32>
        %mul3A_1615 = arith.mulf %get3A_1614, %broadcast_in_dim3A_1536 : vector<16xf32>
        %swap3A_1616 = arith.index_cast %add3A_1610 : i32 to index
        %swap3A_1617 = arith.constant 96 : index
        %swap3A_1618 = tpu.vector_load %arg10[%swap3A_1616, %swap3A_1617] {strides = array<i32>} : memref<128x128xf32, #tpu.memory_space<vmem>>, vector<1x16xf32>,
        %swap3A_1619 = vector.shape_cast %swap3A_1618 : vector<1x16xf32> to vector<16xf32>
        %swap3A_1620 = vector.shape_cast %mul3A_1615 : vector<16xf32> to vector<1x16xf32>
        tpu.vector_store %arg10[%swap3A_1616, %swap3A_1617], %swap3A_1620 {strides = array<i32>} : memref<128x128xf32, #tpu.memory_space<vmem>>, vector<1x16xf32>,
        %add3A_1621 = arith.constant 15 : i32
        %add3A_1622 = arith.addi %mul3A_48, %add3A_1621 : i32
        %get3A_1623 = arith.index_cast %add3A_1622 : i32 to index
        %get3A_1624 = arith.constant 112 : index
        %get3A_1625 = tpu.vector_load %arg10[%get3A_1623, %get3A_1624] {strides = array<i32>} : memref<128x128xf32, #tpu.memory_space<vmem>>, vector<1x16xf32>,
        %get3A_1626 = vector.shape_cast %get3A_1625 : vector<1x16xf32> to vector<16xf32>
        %mul3A_1627 = arith.mulf %get3A_1626, %broadcast_in_dim3A_1536 : vector<16xf32>
        %swap3A_1628 = arith.index_cast %add3A_1622 : i32 to index
        %swap3A_1629 = arith.constant 112 : index
        %swap3A_1630 = tpu.vector_load %arg10[%swap3A_1628, %swap3A_1629] {strides = array<i32>} : memref<128x128xf32, #tpu.memory_space<vmem>>, vector<1x16xf32>,
        %swap3A_1631 = vector.shape_cast %swap3A_1630 : vector<1x16xf32> to vector<16xf32>
        %swap3A_1632 = vector.shape_cast %mul3A_1627 : vector<16xf32> to vector<1x16xf32>
        tpu.vector_store %arg10[%swap3A_1628, %swap3A_1629], %swap3A_1632 {strides = array<i32>} : memref<128x128xf32, #tpu.memory_space<vmem>>, vector<1x16xf32>,
      }
      %scan3A_45 = arith.constant 8 : i32
      "tpu.region"() ({
        %run_scoped3A = tpu.sem_alloc : memref<!tpu.dma_semaphore, #tpu.memory_space<semaphore_mem>>
        %dma_start3A_46 = arith.constant 0 : i32
        %dma_start3A_47 = tpu.memref_slice %arg8[%scan3A_29, %dma_start3A_46] : memref<79x128xi32, #tpu.memory_space<vmem>> -> memref<1x128xi32, #tpu.memory_space<vmem>>
        %dma_start3A_48 = tpu.memref_squeeze %dma_start3A_47 : memref<1x128xi32, #tpu.memory_space<vmem>> -> memref<128xi32, #tpu.memory_space<vmem>>
        %dma_start3A_49 = arith.constant 0 : i32
        %dma_start3A_50 = arith.constant 0 : i32
        %dma_start3A_51 = tpu.memref_slice %arg11[%dma_start3A_49, %dma_start3A_50] : memref<10240x128xf32, #tpu.memory_space<vmem_shared>> -> memref<10240x128xf32, #tpu.memory_space<vmem_shared>>
        tpu.enqueue_indirect_dma source(%arg10 : memref<128x128xf32, #tpu.memory_space<vmem>>) target(%dma_start3A_51 : memref<10240x128xf32, #tpu.memory_space<vmem_shared>>) offsets(%dma_start3A_48 : memref<128xi32, #tpu.memory_space<vmem>>) semaphore(%run_scoped3A : memref<!tpu.dma_semaphore, #tpu.memory_space<semaphore_mem>>) {add = true}
        %dma_wait3A_52 = arith.constant 0 : i32
        %dma_wait3A_53 = tpu.memref_slice %arg8[%scan3A_29, %dma_wait3A_52] : memref<79x128xi32, #tpu.memory_space<vmem>> -> memref<1x128xi32, #tpu.memory_space<vmem>>
        %dma_wait3A_54 = tpu.memref_squeeze %dma_wait3A_53 : memref<1x128xi32, #tpu.memory_space<vmem>> -> memref<128xi32, #tpu.memory_space<vmem>>
        %dma_wait3A_55 = arith.constant 0 : i32
        %dma_wait3A_56 = arith.constant 0 : i32
        %dma_wait3A_57 = tpu.memref_slice %arg11[%dma_wait3A_55, %dma_wait3A_56] : memref<10240x128xf32, #tpu.memory_space<vmem_shared>> -> memref<10240x128xf32, #tpu.memory_space<vmem_shared>>
        tpu.wait_indirect_dma semaphore(%run_scoped3A : memref<!tpu.dma_semaphore, #tpu.memory_space<semaphore_mem>>) src(%arg10 : memref<128x128xf32, #tpu.memory_space<vmem>>) dst(%dma_wait3A_57 : memref<10240x128xf32, #tpu.memory_space<vmem_shared>>)
        tpu.yield
      }) : () -> ()
    }
    %scan3A_21 = arith.constant 79 : i32
    %barrier3A_22 = arith.constant 0 : index
    tpu.barrier barrier_id(%barrier3A_22)
    %lt3A = arith.constant 15 : i32
    %lt3A_23 = arith.cmpi slt, %arg1, %lt3A : i32
    %convert_element_type3A = arith.extui %lt3A_23 : i1 to i32
    %cond3A = arith.constant 0 : i32
    %cond3A_24 = arith.cmpi ne, %convert_element_type3A, %cond3A : i32
    scf.if %cond3A_24 {
      "tpu.region"() ({
        %run_scoped3A = tpu.sem_alloc : memref<!tpu.dma_semaphore, #tpu.memory_space<semaphore_mem>>
        %dma_start3A = arith.constant 0 : i32
        %dma_start3A_29 = tpu.memref_slice %arg6[%arg0, %mul3A_6, %dma_start3A] : memref<2x10000x128xf32, #tpu.memory_space<hbm>> -> memref<1x640x128xf32, #tpu.memory_space<hbm>>
        %dma_start3A_30 = tpu.memref_squeeze %dma_start3A_29 : memref<1x640x128xf32, #tpu.memory_space<hbm>> -> memref<640x128xf32, #tpu.memory_space<hbm>>
        %dma_start3A_31 = arith.constant 0 : i32
        %dma_start3A_32 = tpu.memref_slice %arg11[%mul3A_6, %dma_start3A_31] : memref<10240x128xf32, #tpu.memory_space<vmem_shared>> -> memref<640x128xf32, #tpu.memory_space<vmem_shared>>
        tpu.enqueue_dma source(%dma_start3A_32 : memref<640x128xf32, #tpu.memory_space<vmem_shared>>) target(%dma_start3A_30 : memref<640x128xf32, #tpu.memory_space<hbm>>) target_semaphore(%run_scoped3A : memref<!tpu.dma_semaphore, #tpu.memory_space<semaphore_mem>>)
        %dma_wait3A = arith.constant 0 : i32
        %dma_wait3A_33 = tpu.memref_slice %arg6[%arg0, %mul3A_6, %dma_wait3A] : memref<2x10000x128xf32, #tpu.memory_space<hbm>> -> memref<1x640x128xf32, #tpu.memory_space<hbm>>
        %dma_wait3A_34 = tpu.memref_squeeze %dma_wait3A_33 : memref<1x640x128xf32, #tpu.memory_space<hbm>> -> memref<640x128xf32, #tpu.memory_space<hbm>>
        %dma_wait3A_35 = arith.constant 0 : i32
        %dma_wait3A_36 = tpu.memref_slice %arg11[%mul3A_6, %dma_wait3A_35] : memref<10240x128xf32, #tpu.memory_space<vmem_shared>> -> memref<640x128xf32, #tpu.memory_space<vmem_shared>>
        tpu.wait_dma2 semaphore(%run_scoped3A : memref<!tpu.dma_semaphore, #tpu.memory_space<semaphore_mem>>) src(%dma_wait3A_36 : memref<640x128xf32, #tpu.memory_space<vmem_shared>>) dst(%dma_wait3A_34 : memref<640x128xf32, #tpu.memory_space<hbm>>)
        tpu.yield
      }) : () -> ()
    } else {
    }
    %eq3A = arith.constant 15 : i32
    %eq3A_25 = arith.cmpi eq, %arg1, %eq3A : i32
    %convert_element_type3A_26 = arith.extui %eq3A_25 : i1 to i32
    %cond3A_27 = arith.constant 0 : i32
    %cond3A_28 = arith.cmpi ne, %convert_element_type3A_26, %cond3A_27 : i32
    scf.if %cond3A_28 {
      "tpu.region"() ({
        %run_scoped3A = tpu.sem_alloc : memref<!tpu.dma_semaphore, #tpu.memory_space<semaphore_mem>>
        %dma_start3A = arith.constant 9600 : i32
        %dma_start3A_29 = arith.constant 0 : i32
        %dma_start3A_30 = tpu.memref_slice %arg6[%arg0, %dma_start3A, %dma_start3A_29] : memref<2x10000x128xf32, #tpu.memory_space<hbm>> -> memref<1x400x128xf32, #tpu.memory_space<hbm>>
        %dma_start3A_31 = tpu.memref_squeeze %dma_start3A_30 : memref<1x400x128xf32, #tpu.memory_space<hbm>> -> memref<400x128xf32, #tpu.memory_space<hbm>>
        %dma_start3A_32 = arith.constant 9600 : i32
        %dma_start3A_33 = arith.constant 0 : i32
        %dma_start3A_34 = tpu.memref_slice %arg11[%dma_start3A_32, %dma_start3A_33] : memref<10240x128xf32, #tpu.memory_space<vmem_shared>> -> memref<400x128xf32, #tpu.memory_space<vmem_shared>>
        tpu.enqueue_dma source(%dma_start3A_34 : memref<400x128xf32, #tpu.memory_space<vmem_shared>>) target(%dma_start3A_31 : memref<400x128xf32, #tpu.memory_space<hbm>>) target_semaphore(%run_scoped3A : memref<!tpu.dma_semaphore, #tpu.memory_space<semaphore_mem>>)
        %dma_wait3A = arith.constant 9600 : i32
        %dma_wait3A_35 = arith.constant 0 : i32
        %dma_wait3A_36 = tpu.memref_slice %arg6[%arg0, %dma_wait3A, %dma_wait3A_35] : memref<2x10000x128xf32, #tpu.memory_space<hbm>> -> memref<1x400x128xf32, #tpu.memory_space<hbm>>
        %dma_wait3A_37 = tpu.memref_squeeze %dma_wait3A_36 : memref<1x400x128xf32, #tpu.memory_space<hbm>> -> memref<400x128xf32, #tpu.memory_space<hbm>>
        %dma_wait3A_38 = arith.constant 9600 : i32
        %dma_wait3A_39 = arith.constant 0 : i32
        %dma_wait3A_40 = tpu.memref_slice %arg11[%dma_wait3A_38, %dma_wait3A_39] : memref<10240x128xf32, #tpu.memory_space<vmem_shared>> -> memref<400x128xf32, #tpu.memory_space<vmem_shared>>
        tpu.wait_dma2 semaphore(%run_scoped3A : memref<!tpu.dma_semaphore, #tpu.memory_space<semaphore_mem>>) src(%dma_wait3A_40 : memref<400x128xf32, #tpu.memory_space<vmem_shared>>) dst(%dma_wait3A_37 : memref<400x128xf32, #tpu.memory_space<hbm>>)
        tpu.yield
      }) : () -> ()
    } else {
    }
    return
  }
}

module attributes {stable_mosaic.version = 14 : i64} {
  func.func @_mm1_body(%arg0: i32, %arg1: memref<400x128xf32, #tpu.memory_space<vmem>>, %arg2: memref<128x128xf32, #tpu.memory_space<vmem>>, %arg3: memref<1x128xf32, #tpu.memory_space<vmem>>, %arg4: memref<400x128xf32, #tpu.memory_space<vmem>>) attributes {dimension_semantics = [#tpu.dimension_semantics<arbitrary>], iteration_bounds = array<i64: 25>, scalar_prefetch = 0 : i64, scratch_operands = 0 : i64, tpu.core_type = #tpu.core_type<tc>, window_params = [{transform_indices = @transform_0, window_bounds = array<i64: 400, 128>}, {pipeline_mode = #tpu.pipeline_mode<synchronous>, transform_indices = @transform_1, window_bounds = array<i64: 128, 128>}, {pipeline_mode = #tpu.pipeline_mode<synchronous>, transform_indices = @transform_2, window_bounds = array<i64: 1, 128>}, {transform_indices = @transform_3, window_bounds = array<i64: 400, 128>}]} {
    %get3A = arith.constant 0 : index
    %get3A_0 = arith.constant 0 : index
    %get3A_1 = vector.load %arg1[%get3A, %get3A_0] : memref<400x128xf32, #tpu.memory_space<vmem>>, vector<400x128xf32>
    %get3A_2 = arith.constant 0 : index
    %get3A_3 = arith.constant 0 : index
    %get3A_4 = vector.load %arg2[%get3A_2, %get3A_3] : memref<128x128xf32, #tpu.memory_space<vmem>>, vector<128x128xf32>
    %dot_general3A = arith.constant dense<0.000000e+00> : vector<400x128xf32>
    %dot_general3A_5 = tpu.matmul %get3A_1, %get3A_4, %dot_general3A {dimension_numbers = #tpu.dot_dimension_numbers<[1], [0], [0], [1], [0, 0, 1, 1], [], []>, transpose_lhs_hint = false} : vector<400x128xf32>, vector<128x128xf32>, vector<400x128xf32> -> vector<400x128xf32>
    %get3A_6 = arith.constant 0 : index
    %get3A_7 = arith.constant 0 : index
    %get3A_8 = vector.load %arg3[%get3A_6, %get3A_7] : memref<1x128xf32, #tpu.memory_space<vmem>>, vector<1x128xf32>
    %add3A = vector.broadcast %get3A_8 : vector<1x128xf32> to vector<400x128xf32>
    %add3A_9 = arith.addf %dot_general3A_5, %add3A : vector<400x128xf32>
    %swap3A = arith.constant 0 : index
    %swap3A_10 = arith.constant 0 : index
    %swap3A_11 = vector.load %arg4[%swap3A, %swap3A_10] : memref<400x128xf32, #tpu.memory_space<vmem>>, vector<400x128xf32>
    tpu.vector_store %arg4[%swap3A, %swap3A_10], %add3A_9 {strides = array<i32>} : memref<400x128xf32, #tpu.memory_space<vmem>>, vector<400x128xf32>,
    return
  }
  func.func @transform_0(%arg0: i32) -> (i32, i32) {
    %c0_i32 = arith.constant 0 : i32
    %c0_i32_0 = arith.constant 0 : i32
    return %arg0, %c0_i32 : i32, i32
  }
  func.func @transform_1(%arg0: i32) -> (i32, i32) {
    %c0_i32 = arith.constant 0 : i32
    %c0_i32_0 = arith.constant 0 : i32
    %c0_i32_1 = arith.constant 0 : i32
    return %c0_i32, %c0_i32_0 : i32, i32
  }
  func.func @transform_2(%arg0: i32) -> (i32, i32) {
    %c0_i32 = arith.constant 0 : i32
    %c0_i32_0 = arith.constant 0 : i32
    %c0_i32_1 = arith.constant 0 : i32
    return %c0_i32, %c0_i32_0 : i32, i32
  }
  func.func @transform_3(%arg0: i32) -> (i32, i32) {
    %c0_i32 = arith.constant 0 : i32
    %c0_i32_0 = arith.constant 0 : i32
    return %arg0, %c0_i32 : i32, i32
  }
}

module attributes {stable_mosaic.version = 14 : i64} {
  func.func @_mm2_body(%arg0: i32, %arg1: memref<1x400x128xf32, #tpu.memory_space<vmem>>, %arg2: memref<1x400x128xf32, #tpu.memory_space<vmem>>, %arg3: memref<128x128xf32, #tpu.memory_space<vmem>>, %arg4: memref<1x128xf32, #tpu.memory_space<vmem>>, %arg5: memref<400x128xf32, #tpu.memory_space<vmem>>) attributes {dimension_semantics = [#tpu.dimension_semantics<arbitrary>], iteration_bounds = array<i64: 25>, scalar_prefetch = 0 : i64, scratch_operands = 0 : i64, tpu.core_type = #tpu.core_type<tc>, window_params = [{transform_indices = @transform_0, window_bounds = array<i64: 1, 400, 128>}, {transform_indices = @transform_1, window_bounds = array<i64: 1, 400, 128>}, {pipeline_mode = #tpu.pipeline_mode<synchronous>, transform_indices = @transform_2, window_bounds = array<i64: 128, 128>}, {pipeline_mode = #tpu.pipeline_mode<synchronous>, transform_indices = @transform_3, window_bounds = array<i64: 1, 128>}, {transform_indices = @transform_4, window_bounds = array<i64: 400, 128>}]} {
    %get3A = arith.constant 0 : index
    %get3A_0 = arith.constant 0 : index
    %get3A_1 = arith.constant 0 : index
    %get3A_2 = vector.load %arg1[%get3A, %get3A_0, %get3A_1] : memref<1x400x128xf32, #tpu.memory_space<vmem>>, vector<1x400x128xf32>
    %get3A_3 = vector.shape_cast %get3A_2 : vector<1x400x128xf32> to vector<400x128xf32>
    %get3A_4 = arith.constant 0 : index
    %get3A_5 = arith.constant 0 : index
    %get3A_6 = arith.constant 0 : index
    %get3A_7 = vector.load %arg2[%get3A_4, %get3A_5, %get3A_6] : memref<1x400x128xf32, #tpu.memory_space<vmem>>, vector<1x400x128xf32>
    %get3A_8 = vector.shape_cast %get3A_7 : vector<1x400x128xf32> to vector<400x128xf32>
    %add3A = arith.addf %get3A_3, %get3A_8 : vector<400x128xf32>
    %max3A = arith.constant 0.000000e+00 : f32
    %max3A_9 = vector.broadcast %max3A : f32 to vector<400x128xf32>
    %max3A_10 = arith.maximumf %add3A, %max3A_9 : vector<400x128xf32>
    %get3A_11 = arith.constant 0 : index
    %get3A_12 = arith.constant 0 : index
    %get3A_13 = vector.load %arg3[%get3A_11, %get3A_12] : memref<128x128xf32, #tpu.memory_space<vmem>>, vector<128x128xf32>
    %dot_general3A = arith.constant dense<0.000000e+00> : vector<400x128xf32>
    %dot_general3A_14 = tpu.matmul %max3A_10, %get3A_13, %dot_general3A {dimension_numbers = #tpu.dot_dimension_numbers<[1], [0], [0], [1], [0, 0, 1, 1], [], []>, transpose_lhs_hint = false} : vector<400x128xf32>, vector<128x128xf32>, vector<400x128xf32> -> vector<400x128xf32>
    %get3A_15 = arith.constant 0 : index
    %get3A_16 = arith.constant 0 : index
    %get3A_17 = vector.load %arg4[%get3A_15, %get3A_16] : memref<1x128xf32, #tpu.memory_space<vmem>>, vector<1x128xf32>
    %add3A_18 = vector.broadcast %get3A_17 : vector<1x128xf32> to vector<400x128xf32>
    %add3A_19 = arith.addf %dot_general3A_14, %add3A_18 : vector<400x128xf32>
    %swap3A = arith.constant 0 : index
    %swap3A_20 = arith.constant 0 : index
    %swap3A_21 = vector.load %arg5[%swap3A, %swap3A_20] : memref<400x128xf32, #tpu.memory_space<vmem>>, vector<400x128xf32>
    tpu.vector_store %arg5[%swap3A, %swap3A_20], %add3A_19 {strides = array<i32>} : memref<400x128xf32, #tpu.memory_space<vmem>>, vector<400x128xf32>,
    return
  }
  func.func @transform_0(%arg0: i32) -> (i32, i32, i32) {
    %c0_i32 = arith.constant 0 : i32
    %c0_i32_0 = arith.constant 0 : i32
    %c0_i32_1 = arith.constant 0 : i32
    return %c0_i32, %arg0, %c0_i32_0 : i32, i32, i32
  }
  func.func @transform_1(%arg0: i32) -> (i32, i32, i32) {
    %c1_i32 = arith.constant 1 : i32
    %c0_i32 = arith.constant 0 : i32
    %c0_i32_0 = arith.constant 0 : i32
    return %c1_i32, %arg0, %c0_i32 : i32, i32, i32
  }
  func.func @transform_2(%arg0: i32) -> (i32, i32) {
    %c0_i32 = arith.constant 0 : i32
    %c0_i32_0 = arith.constant 0 : i32
    %c0_i32_1 = arith.constant 0 : i32
    return %c0_i32, %c0_i32_0 : i32, i32
  }
  func.func @transform_3(%arg0: i32) -> (i32, i32) {
    %c0_i32 = arith.constant 0 : i32
    %c0_i32_0 = arith.constant 0 : i32
    %c0_i32_1 = arith.constant 0 : i32
    return %c0_i32, %c0_i32_0 : i32, i32
  }
  func.func @transform_4(%arg0: i32) -> (i32, i32) {
    %c0_i32 = arith.constant 0 : i32
    %c0_i32_0 = arith.constant 0 : i32
    return %arg0, %c0_i32 : i32, i32
  }
}

module attributes {stable_mosaic.version = 14 : i64} {
  func.func @_add_body(%arg0: i32, %arg1: memref<1x400x128xf32, #tpu.memory_space<vmem>>, %arg2: memref<1x400x128xf32, #tpu.memory_space<vmem>>, %arg3: memref<400x128xf32, #tpu.memory_space<vmem>>) attributes {dimension_semantics = [#tpu.dimension_semantics<arbitrary>], iteration_bounds = array<i64: 25>, scalar_prefetch = 0 : i64, scratch_operands = 0 : i64, tpu.core_type = #tpu.core_type<tc>, window_params = [{transform_indices = @transform_0, window_bounds = array<i64: 1, 400, 128>}, {transform_indices = @transform_1, window_bounds = array<i64: 1, 400, 128>}, {transform_indices = @transform_2, window_bounds = array<i64: 400, 128>}]} {
    %get3A = arith.constant 0 : index
    %get3A_0 = arith.constant 0 : index
    %get3A_1 = arith.constant 0 : index
    %get3A_2 = vector.load %arg1[%get3A, %get3A_0, %get3A_1] : memref<1x400x128xf32, #tpu.memory_space<vmem>>, vector<1x400x128xf32>
    %get3A_3 = vector.shape_cast %get3A_2 : vector<1x400x128xf32> to vector<400x128xf32>
    %get3A_4 = arith.constant 0 : index
    %get3A_5 = arith.constant 0 : index
    %get3A_6 = arith.constant 0 : index
    %get3A_7 = vector.load %arg2[%get3A_4, %get3A_5, %get3A_6] : memref<1x400x128xf32, #tpu.memory_space<vmem>>, vector<1x400x128xf32>
    %get3A_8 = vector.shape_cast %get3A_7 : vector<1x400x128xf32> to vector<400x128xf32>
    %add3A = arith.addf %get3A_3, %get3A_8 : vector<400x128xf32>
    %swap3A = arith.constant 0 : index
    %swap3A_9 = arith.constant 0 : index
    %swap3A_10 = vector.load %arg3[%swap3A, %swap3A_9] : memref<400x128xf32, #tpu.memory_space<vmem>>, vector<400x128xf32>
    tpu.vector_store %arg3[%swap3A, %swap3A_9], %add3A {strides = array<i32>} : memref<400x128xf32, #tpu.memory_space<vmem>>, vector<400x128xf32>,
    return
  }
  func.func @transform_0(%arg0: i32) -> (i32, i32, i32) {
    %c0_i32 = arith.constant 0 : i32
    %c0_i32_0 = arith.constant 0 : i32
    %c0_i32_1 = arith.constant 0 : i32
    return %c0_i32, %arg0, %c0_i32_0 : i32, i32, i32
  }
  func.func @transform_1(%arg0: i32) -> (i32, i32, i32) {
    %c1_i32 = arith.constant 1 : i32
    %c0_i32 = arith.constant 0 : i32
    %c0_i32_0 = arith.constant 0 : i32
    return %c1_i32, %arg0, %c0_i32 : i32, i32, i32
  }
  func.func @transform_2(%arg0: i32) -> (i32, i32) {
    %c0_i32 = arith.constant 0 : i32
    %c0_i32_0 = arith.constant 0 : i32
    return %arg0, %c0_i32 : i32, i32
  }
}

</mosaic_0001>

<sc_bundles>
// kernel: kernel.10.cloned.1.call-start
scs
__scs_entry_jumppad:
0x0: {  	(pc) =	sbr.rel $0x88, $3  }
0x1: {  	(tag) =	ssettag $0x0;
	lr =	simm.s32 $0x1  }
0x2: {  	[smem:$0x3F9A] =	sst lr;
	_ =	strace $0xD0000000  }
0x3: {  	_ = 	snop  }
0x4: {  	_ = 	snop  }
0x5: {  	_ = 	snop  }
0x6: {  	_ = 	snop  }
0x7: {  	_ = 	snop  }
__scs_overlays_trampoline_lowered:
0x8: {  	[smem:$0x3FA9] =	sst s0  }
0x9: {  	[smem:$0x3FAA] =	sst s1  }
0xa: {  	[smem:$0x3FAB] =	sst s2  }
0xb: {  	[smem:$0x3FAC] =	sst s3  }
0xc: {  	[smem:$0x3FAD] =	sst s4  }
0xd: {  	[smem:$0x3FAE] =	sst s5  }
0xe: {  	[smem:$0x3FAF] =	sst s6  }
0xf: {  	[smem:$0x3FB0] =	sst s7  }
0x10: {  	[smem:$0x3FB1] =	sst s8  }
0x11: {  	[smem:$0x3FB2] =	sst s9;
	s0 =	simm.s32 @!p0 $0x0  }
0x12: {  	s1 =	sld [smem:$0x3F98];
	s0 =	simm.s32 @p0 $0x1  }
0x13: {  	[smem:$0x3FB3] =	sst s0;
	s0 =	simm.s32 @!p1 $0x0  }
0x14: {  	s2 =	sld [smem:$0x3F97];
	s0 =	simm.s32 @p1 $0x1  }
0x15: {  	[smem:$0x3FB4] =	sst s0;
	s0 =	simm.s32 @!p2 $0x0  }
0x16: {  	s3 =	sld [smem:$0x3FDB];
	s0 =	simm.s32 @p2 $0x1  }
0x17: {  	s4 =	simm.s32 $0x1BF5;
	[smem:$0x3FB6] =	sst s0  }
0x18: {  	s0 =	sld [smem:$0x3F99];
	_ =	swait.ge [sflag:s4], $0x0  }
0x19: {  	s7 =	sld [smem:$0x3F9A]  }
0x1a: {  	s8 =	sadd.s32 $0xFFFFE003, lr  }
0x1b: {  	s9 =	sadd.s32 $0xFFFFFEF7, lr;
	s5 =	simm.s32 $0xFFFFFFFF;
	p2 =	slt.u32 s8, $0xFFFFF086  }
0x1c: {  	p1 =	slt.u32 s9, $0xF7A;
	s5 =	simm.s32 @!p2 $0x0  }
0x1d: {  	s5 =	simm.s32 @p1 $0x1;
	p0 =	seq.s32 s7, s2  }
0x1e: {  	s7 =	smul.u32 @!p0 $0xF7A, s2;
	p2 =	seq.s32 @!p0 s5, $0x0  }
0x1f: {  	s9 =	smul.u32 $0xF7A, s1;
	s8 =	simm.s32 @!p0 $0x1BF5;
	p2 =	por !p2, p0  }
0x20: {  	[sflag:s8] =	ssyncset.s32 @!p0 $0xFFFFF086;
	s6 =	sadd.s32 @!p0 s3, s7;
	s7 =	simm.s32 @!p0 $0x108  }
0x21: {  	s3 =	sadd.s32 s3, s9;
	s6 =	sadd.s32 @!p0 $0x88, s6;
	s7 =	simm.s32 @p2 $0x1082  }
0x22: {  	[simem:s7], [sflag:s8] =	dma.local @!p0 [hbm:s6], $0xF7A  }
0x23: {  	s9 =	sor.u32 $0xD0000000, s2;
	s6 =	simm.s32 $0x108;
	_ =	swait.ge @!p0 [sflag:s8], $0x0  }
0x24: {  	s3 =	sadd.s32 $0x88, s3;
	s6 =	simm.s32 @!p1 $0x1082;
	[sflag:s4] =	ssyncset.s32 $0xFFFFF086  }
0x25: {  	[simem:s6], [sflag:s4] =	dma.local [hbm:s3], $0xF7A  }
0x26: {  	[smem:$0x3F9A] =	sst s1;
	(tag) =	ssettag s2;
	_ =	strace s9  }
0x27: {  	s1 =	sld [smem:$0x3FAA]  }
0x28: {  	s2 =	sld [smem:$0x3FAB]  }
0x29: {  	s4 =	sld [smem:$0x3FAD]  }
0x2a: {  	p0 =	seq.s32 s5, $0x0;
	s5 =	sld [smem:$0x3FAE]  }
0x2b: {  	s6 =	sld [smem:$0x3FAF]  }
0x2c: {  	s7 =	sld [smem:$0x3FB0]  }
0x2d: {  	s3 =	simm.s32 $0x108;
	s8 =	sld [smem:$0x3FB1]  }
0x2e: {  	s3 =	simm.s32 @!p0 $0x1082;
	s9 =	sld [smem:$0x3FB2]  }
0x2f: {  	lr =	sadd.s32 s0, s3;
	s0 =	sld [smem:$0x3FA9]  }
0x30: {  	s3 =	sld [smem:$0x3FAC]  }
0x31: {  	[smem:$0x3FB5] =	sst s10  }
0x32: {  	s10 =	sld [smem:$0x3FB3];
	_ =	sdelay $0x3  }
0x33: {  	p0 =	seq.s32 s10, $0x1;
	s10 =	sld [smem:$0x3FB5];
	_ =	sdelay $0x3  }
0x34: {  	[smem:$0x3FB5] =	sst s10  }
0x35: {  	s10 =	sld [smem:$0x3FB4];
	_ =	sdelay $0x3  }
0x36: {  	p1 =	seq.s32 s10, $0x1;
	s10 =	sld [smem:$0x3FB5];
	_ =	sdelay $0x3  }
0x37: {  	[smem:$0x3FB5] =	sst s10  }
0x38: {  	s10 =	sld [smem:$0x3FB6]  }
0x39: {  	_ = 	snop;
	(pc) =	sbr.ind lr, $3  }
0x3a: {  	_ = 	snop  }
0x3b: {  	_ = 	snop  }
0x3c: {  	p2 =	seq.s32 s10, $0x1;
	s10 =	sld [smem:$0x3FB5]  }
0x3d: {  	_ =	shalt  }
0x3e: {  	_ =	shalt  }
0x3f: {  	_ =	shalt  }
0x40: {  	_ =	shalt  }
0x41: {  	_ =	shalt  }
0x42: {  	_ =	shalt  }
0x43: {  	_ =	shalt  }
0x44: {  	_ =	shalt  }
0x45: {  	_ =	shalt  }
0x46: {  	_ =	shalt  }
0x47: {  	_ =	shalt  }
0x48: {  	_ =	shalt  }
0x49: {  	_ =	shalt  }
0x4a: {  	_ =	shalt  }
0x4b: {  	_ =	shalt  }
0x4c: {  	_ =	shalt  }
0x4d: {  	_ =	shalt  }
0x4e: {  	_ =	shalt  }
0x4f: {  	_ =	shalt  }
0x50: {  	_ =	shalt  }
0x51: {  	_ =	shalt  }
0x52: {  	_ =	shalt  }
0x53: {  	_ =	shalt  }
0x54: {  	_ =	shalt  }
0x55: {  	_ =	shalt  }
0x56: {  	_ =	shalt  }
0x57: {  	_ =	shalt  }
0x58: {  	_ =	shalt  }
0x59: {  	_ =	shalt  }
0x5a: {  	_ =	shalt  }
0x5b: {  	_ =	shalt  }
0x5c: {  	_ =	shalt  }
0x5d: {  	_ =	shalt  }
0x5e: {  	_ =	shalt  }
0x5f: {  	_ =	shalt  }
0x60: {  	_ =	shalt  }
0x61: {  	_ =	shalt  }
0x62: {  	_ =	shalt  }
0x63: {  	_ =	shalt  }
0x64: {  	_ =	shalt  }
0x65: {  	_ =	shalt  }
0x66: {  	_ =	shalt  }
0x67: {  	_ =	shalt  }
0x68: {  	_ =	shalt  }
0x69: {  	_ =	shalt  }
0x6a: {  	_ =	shalt  }
0x6b: {  	_ =	shalt  }
0x6c: {  	_ =	shalt  }
0x6d: {  	_ =	shalt  }
0x6e: {  	_ =	shalt  }
0x6f: {  	_ =	shalt  }
0x70: {  	_ =	shalt  }
0x71: {  	_ =	shalt  }
0x72: {  	_ =	shalt  }
0x73: {  	_ =	shalt  }
0x74: {  	_ =	shalt  }
0x75: {  	_ =	shalt  }
0x76: {  	_ =	shalt  }
0x77: {  	_ =	shalt  }
0x78: {  	_ =	shalt  }
0x79: {  	_ =	shalt  }
0x7a: {  	_ =	shalt  }
0x7b: {  	_ =	shalt  }
0x7c: {  	_ =	shalt  }
0x7d: {  	_ =	shalt  }
0x7e: {  	_ =	shalt  }
0x7f: {  	_ =	shalt  }
0x80: {  	_ =	shalt  }
0x81: {  	_ =	shalt  }
0x82: {  	_ =	shalt  }
0x83: {  	_ =	shalt  }
0x84: {  	_ =	shalt  }
0x85: {  	_ =	shalt  }
0x86: {  	_ =	shalt  }
0x87: {  	_ =	shalt  }
.Lfunc_end0:
.L_simem_size_0:
called_computation.1_lowered:
.L_overlay_start_0:
0x88: {  	s2 =	sld [smem:$0x3FD9]  }
0x89: {  	s3 =	sld [smem:$0x3FFE];
	_ =	sdelay $0x1  }
0x8a: {  	s1 =	srdreg.scid  }
0x8b: {  	s0 =	sand.u32 $0x1, s1  }
0x8c: {  	s17 =	sshll.u32 s0, $0xA;
	s2 =	sadd.s32 s3, s2  }
0x8d: {  	s2 =	sadd.s32 s2, s17  }
0x8e: {  	[smem:$0x3FC1] =	sst s2  }
0x8f: {  	_ = 	snop  }
0x90: {  	s2 =	sld [smem:$0x3FD0];
	(tm) =	ssettm $0x1  }
0x91: {  	s18 =	sld [smem:$0x3FFB];
	_ =	sdelay $0x3  }
0x92: {  	_ =	strace s18  }
0x93: {  	s3 =	sld [smem:$0x3FFC];
	_ =	sdelay $0x3  }
0x94: {  	_ =	strace s3  }
0x95: {  	s3 =	sld [smem:$0x3FFD];
	_ =	sdelay $0x3  }
0x96: {  	_ =	strace s3  }
0x97: {  	_ =	strace $0x8FFFFFFF  }
0x98: {  	s19 =	sld [smem:$0x3FDB];
	_ =	sdelay $0x1  }
0x99: {  	s4 =	simm.s32 $_scs_section_size  }
0x9a: {  	s5 =	simm.s32 $_size__tile_overlayer_lowered;
	s6 =	simm.s32 $_tile_overlayer_lowered  }
0x9b: {  	s22 =	simm.s32 $0x1BFF;
	s21 =	sshll.u32 s6, $0x1;
	s3 =	sadd.s32 s4, s19  }
0x9c: {  	s7 =	simm.s32 $0x0;
	s20 =	sshll.u32 s5, $0x1;
	s5 =	sadd.s32 s21, s3  }
0x9d: {  	[timem:s7], [sflag:s22] =	dma.local [hbm:s5], s20  }
0x9e: {  	_ =	swait.ge [sflag:s22], s20  }
0x9f: {  	s4 =	ssub.s32 $0x0, s20;
	[sflag:s22] =	ssyncset.done $0x0  }
0xa0: {  	[sflag:s22] =	ssyncadd.s32 s4;
	_ =	sdelay $0x1  }
0xa1: {  	s23 =	simm.s32 $0x1B8B  }
0xa2: {  	_ =	swait.ge [sflag:s23], $0x1  }
0xa3: {  	[sflag:s23] =	ssyncset.done $0x0  }
0xa4: {  	s25 =	simm.s32 $0x1B8E;
	s24 =	sld [smem:$0x3FFE];
	[sflag:s23] =	ssyncadd.s32 $0xFFFFFFFF  }
0xa5: {  	s26 =	simm.s32 $execute0_lowered;
	[smem:$0x3FD2] =	sst s25  }
0xa6: {  	s5 =	sshll.u32 s26, $0x1;
	_ =	strace $0x80000049;
	[dreg:$0x1] =	wrdreg $0xFFFFFFFF  }
0xa7: {  	s28 =	simm.s32 $_size_execute0_lowered;
	s3 =	sadd.s32 s3, s5;
	[dreg:$0x0] =	wrdreg $0x0  }
0xa8: {  	s5 =	sshll.u32 s28, $0x1;
	[dreg:$0x2] =	wrdreg s3  }
0xa9: {  	[dreg:$0x3] =	wrdreg s5  }
0xaa: {  	[dreg:$0x4] =	wrdreg $0xC0  }
0xab: {  	_ =	task [dreg:s7], $0x5FFFF  }
0xac: {  	[dreg:$0x1] =	wrdreg $0xFFFFFFFF  }
0xad: {  	[dreg:$0x0] =	wrdreg $0x60  }
0xae: {  	[dreg:$0x2] =	wrdreg s2  }
0xaf: {  	[dreg:$0x3] =	wrdreg s24  }
0xb0: {  	[dreg:$0x4] =	wrdreg $0xB8000  }
0xb1: {  	[dreg:$0x5] =	wrdreg $0x9  }
0xb2: {  	_ =	task.clear_ibuf [dreg:s7], $0x6FFFF;
	_ =	strace $0x90000049  }
0xb3: {  	s29 =	simm.s32 $0x9;
	_ =	strace $0x8000004B  }
0xb4: {  	_ =	swait.ge [sflag:s29], $0x1  }
0xb5: {  	[sflag:s29] =	ssyncadd.s32 $0xFFFFFFFF  }
0xb6: {  	_ =	strace $0x9000004B  }
0xb7: {  	_ =	sfence  }
0xb8: {  	s30 =	sld [smem:$0x0];
	_ =	sdelay $0x2  }
0xb9: {  	s31 =	sshll.u32 s1, $0xD;
	s1 =	sshrl.u32 s1, $0x2  }
0xba: {  	s3 =	sand.u32 $0x4000, s31;
	s1 =	sadd.s32 s1, s30  }
0xbb: {  	s0 =	sor.u32 s3, s0;
	s1 =	sshll.u32 s1, $0x11  }
0xbc: {  	s0 =	sor.u32 s1, s0  }
0xbd: {  	s0 =	sadd.s32 $0x8F2B, s0  }
0xbe: {  	[sflag:s0] =	ssyncadd.remote.s32 $0x1  }
0xbf: {  	_ =	sfence.sel $0xFFFF  }
0xc0: {  	[dreg:$0x0] =	wrdreg $0xFFFFFFFF;
	(pc) =	sbr.abs _section_cstart, $3  }
0xc1: {  	[dreg:$0x1] =	wrdreg $0xFFFFFFFF  }
0xc2: {  	_ =	task.clear_ibuf [dreg:s7], $0x2FFFF;
	_ =	strace $0x9FFFFFFF  }
0xc3: {  	(tm) =	ssettm $0x7FFFFFFF  }
tec
execute0_lowered:
.L_overlay_start_1:
0x0: {  	(tag) =	ssettag $0x1  }
0x1: {  	s1 =	rddreg [dreg:$0x0]  }
0x2: {  	s5 =	rddreg [dreg:$0x1]  }
0x3: {  	s3 =	rddreg [dreg:$0x2]  }
0x4: {  	s0 =	srdreg.scid;
	s2 =	rddreg [dreg:$0x3];
	s4 =	simm.s32 $0x0  }
0x5: {  	s17 =	simm.s32 $0x2800;
	s18 =	simm.s32 $0x5000;
	s19 =	simm.s32 $0x7800  }
0x6: {  	s20 =	simm.s32 $0x80;
	s21 =	simm.s32 $0x1;
	s6 =	sand.u32 $0x1, s0  }
0x7: {  	s23 =	simm.s32 $0x0;
	s0 =	stileid.u32;
	s7 =	smul.u32 $0x28000, s6  }
0x8: {  	[smem:$0x7FF] =	sst s4;
	s14 =	sadd.s32 $0x1FA00, s5;
	s8 =	smul.u32 $0x2800, s0  }
0x9: {  	s22 =	sadd.s32 $0x12C000, s3;
	_ =	strace $0x8000004A;
	s10 =	smul.u32 $0x50000, s0  }
0xa: {  	s30 =	ssub.s32 $0x2, s6;
	s12 =	smul.u32 $0x138800, s6;
	p0 =	seq.s32 s0, $0xF  }
0xb: {  	s11 =	smul.u32 $0x14000, s0;
	s9 =	sshrl.u32 s30, $0x1;
	s22 =	sshrl.u32 @p0 s22, $0x3  }
0xc: {  	s7 =	sadd.s32 s8, s7;
	s15 =	ssub.s32 s30, s9;
	s31 =	sshrl.u32 s10, $0x2  }
0xd: {  	s13 =	sadd.s32 s11, s12;
	s16 =	sshrl.u32 s12, $0x3;
	s7 =	sshrl.u32 s7, $0x3  }
0xe: {  	s8 =	sadd.s32 s31, s3;
	s13 =	sshrl.u32 s13, $0x3;
	s15 =	smax.u32 s15, $0x1  }
0xf: {  	s7 =	sadd.s32 s7, s5;
	s9 =	sadd.s32 $0x4000, s8;
	s10 =	sadd.s32 $0x8000, s8  }
0x10: {  	s11 =	sadd.s32 $0xC000, s8;
	s12 =	sadd.s32 $0x10000, s8;
	s13 =	sadd.s32 s14, s13  }
0x11: {  	s14 =	sadd.s32 s14, s16;
	s16 =	simm.s32 $0x2;
	s5 =	sadd.s32 $0xBA00, s7  }
0x12: {  	v0 =	vimm.f32 $0.0e+00;
	s6 =	sadd.s32 $0x15A00, s7;
	s7 =	sadd.s32 $0x1A00, s7;
	s14 =	sadd.s32 $0x25800, s14  }
.LBB2_1:
0x13: {  	[tilespmem:s4], [sflag:$0x2] =	stream.linear.gather [hbm4b:s5+s4], $0x2780, $0x38;
	[tilespmem:$0x1F800] =	vst v63  }
0x14: {  	_ =	swait.ge [sflag:s16], $0x2780  }
0x15: {  	[sflag:s16] =	ssyncset.done $0x0  }
0x16: {  	[sflag:s16] =	ssyncadd.s32 $0xFFFFD880  }
0x17: {  	[tilespmem:s17], [sflag:$0x2] =	stream.linear.gather [hbm4b:s6+s4], $0x2780, $0x38;
	[tilespmem:$0x1F800] =	vst v63  }
0x18: {  	_ =	swait.ge [sflag:s16], $0x2780  }
0x19: {  	[sflag:s16] =	ssyncset.done $0x0  }
0x1a: {  	[sflag:s16] =	ssyncadd.s32 $0xFFFFD880  }
0x1b: {  	[tilespmem:s18], [sflag:$0x2] =	stream.linear.gather [hbm4b:s7+s4], $0x2780, $0x38;
	[tilespmem:$0x1F800] =	vst v63  }
0x1c: {  	s24 =	sand.u32 $0xFE00, s4;
	s25 =	sand.u32 $0x70, s4;
	_ =	swait.ge [sflag:s16], $0x2780  }
0x1d: {  	s26 =	sshrl.u32 s24, $0x2;
	s24 =	simm.s32 $0x40;
	[sflag:s16] =	ssyncset.done $0x0  }
0x1e: {  	s26 =	sor.u32 s25, s26;
	s25 =	simm.s32 $0x0;
	[sflag:s16] =	ssyncadd.s32 $0xFFFFD880  }
.LBB2_2:
0x1f: {  	p1 =	sne.s32 s24, $0xFFC0  }
0x20: {  	[tilespmem:s26+$0x7800] =	vst v0;
	s25 =	sadd.s32 $0x10, s25;
	s26 =	smov.u32 s24;
	s24 =	sadd.s32 $0x40, s24  }
.Ltmp0:
0x21: {  	(pc) =	sbr.rel @p1 .LBB2_2-.Ltmp0, $4  }
0x22: {  	_ = 	snop  }
0x23: {  	s26 =	sand.u32 $0xFE00, s26  }
0x24: {  	s28 =	sand.u32 $0x70, s25;
	s26 =	sshrl.u32 s26, $0x2  }
0x25: {  	s26 =	sor.u32 s28, s26  }
0x26: {  	[tilespmem:s26+$0x7800] =	vst v0  }
0x27: {  	[spmem:s8] =	stream.linear.scatter [tilespmem:s19], [sflag:$0x2], $0x4000, $0x38;
	[tilespmem:$0x1F800] =	vst v63  }
0x28: {  	_ =	swait.ge [sflag:s16], $0x4000  }
0x29: {  	[sflag:s16] =	ssyncset.done $0x0  }
0x2a: {  	[sflag:s16] =	ssyncadd.s32 $0xFFFFC000  }
0x2b: {  	[spmem:s9] =	stream.linear.scatter [tilespmem:s19], [sflag:$0x2], $0x4000, $0x38;
	[tilespmem:$0x1F800] =	vst v63  }
0x2c: {  	_ =	swait.ge [sflag:s16], $0x4000  }
0x2d: {  	[sflag:s16] =	ssyncset.done $0x0  }
0x2e: {  	[sflag:s16] =	ssyncadd.s32 $0xFFFFC000  }
0x2f: {  	[spmem:s10] =	stream.linear.scatter [tilespmem:s19], [sflag:$0x2], $0x4000, $0x38;
	[tilespmem:$0x1F800] =	vst v63  }
0x30: {  	_ =	swait.ge [sflag:s16], $0x4000  }
0x31: {  	[sflag:s16] =	ssyncset.done $0x0  }
0x32: {  	[sflag:s16] =	ssyncadd.s32 $0xFFFFC000  }
0x33: {  	[spmem:s11] =	stream.linear.scatter [tilespmem:s19], [sflag:$0x2], $0x4000, $0x38;
	[tilespmem:$0x1F800] =	vst v63  }
0x34: {  	_ =	swait.ge [sflag:s16], $0x4000  }
0x35: {  	[sflag:s16] =	ssyncset.done $0x0  }
0x36: {  	[sflag:s16] =	ssyncadd.s32 $0xFFFFC000  }
0x37: {  	[spmem:s12] =	stream.linear.scatter [tilespmem:s19], [sflag:$0x2], $0x4000, $0x38;
	[tilespmem:$0x1F800] =	vst v63  }
0x38: {  	_ =	swait.ge [sflag:s16], $0x4000  }
0x39: {  	[sflag:s16] =	ssyncset.done $0x0  }
0x3a: {  	[sflag:s16] =	ssyncadd.s32 $0xFFFFC000  }
0x3b: {  	s24 =	simm.s32 $0x0;
	[bflag:$0x0] =	sbarrier.arrive $0xFFFF  }
.LBB2_4:
0x3c: {  	s25 =	sshll.u32 s24, $0x7  }
0x3d: {  	[tilespmem:s19], [sflag:$0x1] =	stream.indirect.gather [hbm4b:s1+s20], $0x80, s25, s20, $0xb8;
	[tilespmem:$0x1F800] =	vst v63  }
0x3e: {  	s26 =	sadd.s32 $0x5000, s25  }
0x3f: {  	_ =	swait.ge [sflag:s21], $0x4000;
	v1 =	vmov s26  }
0x40: {  	[sflag:s21] =	ssyncset.done $0x0  }
0x41: {  	s26 =	simm.s32 $0x0;
	[sflag:s21] =	ssyncadd.s32 $0xFFFFC000  }
.LBB2_5:
0x42: {  	s28 =	sshll.u32 s26, $0x4  }
0x43: {  	s28 =	sand.u32 $0x3FFFFFF0, s28  }
0x44: {  	s31 =	sshll.u32 s26, $0xB;
	v2 =	vld.idx.msk [tilespmem:v1+s28+$0x0 ss:$0x1], $0xffff  }
0x45: {  	s28 =	sand.u32 $0x3FFFF800, s31  }
0x46: {  	v3 =	vld [tilespmem:s28+$0x7800]  }
0x47: {  	v4 =	vld [tilespmem:s28+$0x7810]  }
0x48: {  	v5 =	vld [tilespmem:s28+$0x7820]  }
0x49: {  	v7 =	vld [tilespmem:s28+$0x7830];
	v6 =	vbroadcast v2, $0x0  }
0x4a: {  	v8 =	vld [tilespmem:s28+$0x7840]  }
0x4b: {  	v9 =	vld [tilespmem:s28+$0x7850];
	v3 =	vmul.f32 v6, v3  }
0x4c: {  	v10 =	vld [tilespmem:s28+$0x7860];
	v4 =	vmul.f32 v4, v6  }
0x4d: {  	v24 =	vld [tilespmem:s28+$0x7870];
	[tilespmem:s28+$0x7800] =	vst v3;
	v3 =	vmul.f32 v5, v6  }
0x4e: {  	v26 =	vld [tilespmem:s28+$0x7880];
	v25 =	vmul.f32 v7, v6;
	[tilespmem:s28+$0x7810] =	vst v4  }
0x4f: {  	v27 =	vld [tilespmem:s28+$0x7890];
	[tilespmem:s28+$0x7820] =	vst v3;
	v3 =	vmul.f32 v8, v6  }
0x50: {  	v29 =	vld [tilespmem:s28+$0x78A0];
	v28 =	vmul.f32 v9, v6;
	[tilespmem:s28+$0x7830] =	vst v25  }
0x51: {  	v11 =	vld [tilespmem:s28+$0x78B0];
	v30 =	vbroadcast v2, $0x1;
	[tilespmem:s28+$0x7840] =	vst v3;
	v3 =	vmul.f32 v10, v6  }
0x52: {  	v32 =	vld [tilespmem:s28+$0x78C0];
	v31 =	vmul.f32 v24, v6;
	[tilespmem:s28+$0x7850] =	vst v28  }
0x53: {  	v33 =	vld [tilespmem:s28+$0x78D0];
	[tilespmem:s28+$0x7860] =	vst v3;
	v3 =	vmul.f32 v26, v30  }
0x54: {  	v35 =	vld [tilespmem:s28+$0x78E0];
	v34 =	vmul.f32 v27, v30;
	[tilespmem:s28+$0x7870] =	vst v31  }
0x55: {  	v36 =	vld [tilespmem:s28+$0x78F0];
	[tilespmem:s28+$0x7880] =	vst v3;
	v3 =	vmul.f32 v29, v30  }
0x56: {  	v38 =	vld [tilespmem:s28+$0x7900];
	v37 =	vmul.f32 v11, v30;
	[tilespmem:s28+$0x7890] =	vst v34  }
0x57: {  	v39 =	vld [tilespmem:s28+$0x7910];
	[tilespmem:s28+$0x78A0] =	vst v3;
	v3 =	vmul.f32 v32, v30  }
0x58: {  	v41 =	vld [tilespmem:s28+$0x7920];
	v40 =	vmul.f32 v33, v30;
	[tilespmem:s28+$0x78B0] =	vst v37  }
0x59: {  	v43 =	vld [tilespmem:s28+$0x7930];
	v42 =	vbroadcast v2, $0x2;
	[tilespmem:s28+$0x78C0] =	vst v3;
	v3 =	vmul.f32 v35, v30  }
0x5a: {  	v45 =	vld [tilespmem:s28+$0x7940];
	v44 =	vmul.f32 v36, v30;
	[tilespmem:s28+$0x78D0] =	vst v40  }
0x5b: {  	v46 =	vld [tilespmem:s28+$0x7950];
	[tilespmem:s28+$0x78E0] =	vst v3;
	v3 =	vmul.f32 v38, v42  }
0x5c: {  	v48 =	vld [tilespmem:s28+$0x7960];
	v47 =	vmul.f32 v39, v42;
	[tilespmem:s28+$0x78F0] =	vst v44  }
0x5d: {  	v49 =	vld [tilespmem:s28+$0x7970];
	[tilespmem:s28+$0x7900] =	vst v3;
	v3 =	vmul.f32 v41, v42  }
0x5e: {  	v51 =	vld [tilespmem:s28+$0x7980];
	v50 =	vmul.f32 v43, v42;
	[tilespmem:s28+$0x7910] =	vst v47  }
0x5f: {  	v52 =	vld [tilespmem:s28+$0x7990];
	[tilespmem:s28+$0x7920] =	vst v3;
	v3 =	vmul.f32 v45, v42  }
0x60: {  	v54 =	vld [tilespmem:s28+$0x79A0];
	v53 =	vmul.f32 v46, v42;
	[tilespmem:s28+$0x7930] =	vst v50  }
0x61: {  	v56 =	vld [tilespmem:s28+$0x79B0];
	v55 =	vbroadcast v2, $0x3;
	[tilespmem:s28+$0x7940] =	vst v3;
	v3 =	vmul.f32 v48, v42  }
0x62: {  	v58 =	vld [tilespmem:s28+$0x79C0];
	v57 =	vmul.f32 v49, v42;
	[tilespmem:s28+$0x7950] =	vst v53  }
0x63: {  	v59 =	vld [tilespmem:s28+$0x79D0];
	[tilespmem:s28+$0x7960] =	vst v3;
	v3 =	vmul.f32 v51, v55  }
0x64: {  	v61 =	vld [tilespmem:s28+$0x79E0];
	v60 =	vmul.f32 v52, v55;
	[tilespmem:s28+$0x7970] =	vst v57  }
0x65: {  	v62 =	vld [tilespmem:s28+$0x79F0];
	[tilespmem:s28+$0x7980] =	vst v3;
	v3 =	vmul.f32 v54, v55  }
0x66: {  	v12 =	vld [tilespmem:s28+$0x7A00];
	v63 =	vmul.f32 v56, v55;
	[tilespmem:s28+$0x7990] =	vst v60  }
0x67: {  	v13 =	vld [tilespmem:s28+$0x7A10];
	[tilespmem:s28+$0x79A0] =	vst v3;
	v3 =	vmul.f32 v58, v55  }
0x68: {  	v15 =	vld [tilespmem:s28+$0x7A20];
	v14 =	vmul.f32 v59, v55;
	[tilespmem:s28+$0x79B0] =	vst v63  }
0x69: {  	v17 =	vld [tilespmem:s28+$0x7A30];
	v16 =	vbroadcast v2, $0x4;
	[tilespmem:s28+$0x79C0] =	vst v3;
	v3 =	vmul.f32 v61, v55  }
0x6a: {  	v19 =	vld [tilespmem:s28+$0x7A40];
	v18 =	vmul.f32 v62, v55;
	[tilespmem:s28+$0x79D0] =	vst v14  }
0x6b: {  	v20 =	vld [tilespmem:s28+$0x7A50];
	[tilespmem:s28+$0x79E0] =	vst v3;
	v3 =	vmul.f32 v12, v16  }
0x6c: {  	v22 =	vld [tilespmem:s28+$0x7A60];
	v21 =	vmul.f32 v13, v16;
	[tilespmem:s28+$0x79F0] =	vst v18  }
0x6d: {  	v23 =	vld [tilespmem:s28+$0x7A70];
	[tilespmem:s28+$0x7A00] =	vst v3;
	v3 =	vmul.f32 v15, v16  }
0x6e: {  	v24 =	vmul.f32 v17, v16;
	[tilespmem:s28+$0x7A10] =	vst v21;
	v25 =	vld [tilespmem:s28+$0x7A80]  }
0x6f: {  	v33 =	vld [tilespmem:s28+$0x7AD0];
	[tilespmem:s28+$0x7A20] =	vst v3;
	v3 =	vmul.f32 v19, v16  }
0x70: {  	v27 =	vmul.f32 v20, v16;
	[tilespmem:s28+$0x7A30] =	vst v24;
	v28 =	vld [tilespmem:s28+$0x7AA0]  }
0x71: {  	v36 =	vld [tilespmem:s28+$0x7AF0];
	v29 =	vbroadcast v2, $0x5;
	[tilespmem:s28+$0x7A40] =	vst v3;
	v3 =	vmul.f32 v22, v16  }
0x72: {  	[tilespmem:s28+$0x7A50] =	vst v27;
	v31 =	vmul.f32 v23, v16;
	v32 =	vld [tilespmem:s28+$0x7AC0]  }
0x73: {  	v26 =	vld [tilespmem:s28+$0x7A90];
	[tilespmem:s28+$0x7A60] =	vst v3;
	v3 =	vmul.f32 v25, v29  }
0x74: {  	[tilespmem:s28+$0x7A70] =	vst v31;
	v40 =	vmul.f32 v33, v29;
	v35 =	vld [tilespmem:s28+$0x7AE0]  }
0x75: {  	v30 =	vld [tilespmem:s28+$0x7AB0];
	[tilespmem:s28+$0x7A80] =	vst v3;
	v3 =	vmul.f32 v28, v29  }
0x76: {  	v44 =	vmul.f32 v36, v29;
	[tilespmem:s28+$0x7AD0] =	vst v40;
	v38 =	vld [tilespmem:s28+$0x7B00]  }
0x77: {  	v39 =	vld [tilespmem:s28+$0x7B10];
	[tilespmem:s28+$0x7AA0] =	vst v3;
	v3 =	vmul.f32 v32, v29  }
0x78: {  	v34 =	vmul.f32 v26, v29;
	[tilespmem:s28+$0x7AF0] =	vst v44;
	v41 =	vld [tilespmem:s28+$0x7B20]  }
0x79: {  	v43 =	vld [tilespmem:s28+$0x7B30];
	v42 =	vbroadcast v2, $0x6;
	[tilespmem:s28+$0x7AC0] =	vst v3;
	v3 =	vmul.f32 v35, v29  }
0x7a: {  	[tilespmem:s28+$0x7A90] =	vst v34;
	v37 =	vmul.f32 v30, v29;
	v45 =	vld [tilespmem:s28+$0x7B40]  }
0x7b: {  	v46 =	vld [tilespmem:s28+$0x7B50];
	[tilespmem:s28+$0x7AE0] =	vst v3;
	v3 =	vmul.f32 v38, v42  }
0x7c: {  	[tilespmem:s28+$0x7AB0] =	vst v37;
	v48 =	vld [tilespmem:s28+$0x7B60];
	v47 =	vmul.f32 v39, v42  }
0x7d: {  	v49 =	vld [tilespmem:s28+$0x7B70];
	[tilespmem:s28+$0x7B00] =	vst v3;
	v3 =	vmul.f32 v41, v42  }
0x7e: {  	v50 =	vmul.f32 v43, v42;
	v51 =	vld [tilespmem:s28+$0x7B80];
	[tilespmem:s28+$0x7B10] =	vst v47  }
0x7f: {  	v52 =	vld [tilespmem:s28+$0x7B90];
	[tilespmem:s28+$0x7B20] =	vst v3;
	v3 =	vmul.f32 v45, v42  }
0x80: {  	v53 =	vmul.f32 v46, v42;
	[tilespmem:s28+$0x7B30] =	vst v50;
	v54 =	vld [tilespmem:s28+$0x7BA0]  }
0x81: {  	v56 =	vld [tilespmem:s28+$0x7BB0];
	v55 =	vbroadcast v2, $0x7;
	[tilespmem:s28+$0x7B40] =	vst v3;
	v3 =	vmul.f32 v48, v42  }
0x82: {  	v57 =	vmul.f32 v49, v42;
	[tilespmem:s28+$0x7B50] =	vst v53;
	v58 =	vld [tilespmem:s28+$0x7BC0]  }
0x83: {  	v59 =	vld [tilespmem:s28+$0x7BD0];
	[tilespmem:s28+$0x7B60] =	vst v3;
	v3 =	vmul.f32 v51, v55  }
0x84: {  	[tilespmem:s28+$0x7B70] =	vst v57;
	v61 =	vld [tilespmem:s28+$0x7BE0];
	v60 =	vmul.f32 v52, v55  }
0x85: {  	v62 =	vld [tilespmem:s28+$0x7BF0];
	[tilespmem:s28+$0x7B80] =	vst v3;
	v3 =	vmul.f32 v54, v55  }
0x86: {  	v63 =	vmul.f32 v56, v55;
	v12 =	vld [tilespmem:s28+$0x7C00];
	[tilespmem:s28+$0x7B90] =	vst v60  }
0x87: {  	v13 =	vld [tilespmem:s28+$0x7C10];
	[tilespmem:s28+$0x7BA0] =	vst v3;
	v3 =	vmul.f32 v58, v55  }
0x88: {  	v14 =	vmul.f32 v59, v55;
	[tilespmem:s28+$0x7BB0] =	vst v63;
	v15 =	vld [tilespmem:s28+$0x7C20]  }
0x89: {  	v17 =	vld [tilespmem:s28+$0x7C30];
	v16 =	vbroadcast v2, $0x8;
	[tilespmem:s28+$0x7BC0] =	vst v3;
	v3 =	vmul.f32 v61, v55  }
0x8a: {  	v18 =	vmul.f32 v62, v55;
	[tilespmem:s28+$0x7BD0] =	vst v14;
	v19 =	vld [tilespmem:s28+$0x7C40]  }
0x8b: {  	v20 =	vld [tilespmem:s28+$0x7C50];
	[tilespmem:s28+$0x7BE0] =	vst v3;
	v3 =	vmul.f32 v12, v16  }
0x8c: {  	[tilespmem:s28+$0x7BF0] =	vst v18;
	v22 =	vld [tilespmem:s28+$0x7C60];
	v21 =	vmul.f32 v13, v16  }
0x8d: {  	v23 =	vld [tilespmem:s28+$0x7C70];
	[tilespmem:s28+$0x7C00] =	vst v3;
	v3 =	vmul.f32 v15, v16  }
0x8e: {  	v24 =	vmul.f32 v17, v16;
	v25 =	vld [tilespmem:s28+$0x7C80];
	[tilespmem:s28+$0x7C10] =	vst v21  }
0x8f: {  	v26 =	vld [tilespmem:s28+$0x7C90];
	[tilespmem:s28+$0x7C20] =	vst v3;
	v3 =	vmul.f32 v19, v16  }
0x90: {  	v27 =	vmul.f32 v20, v16;
	[tilespmem:s28+$0x7C30] =	vst v24;
	v28 =	vld [tilespmem:s28+$0x7CA0]  }
0x91: {  	v30 =	vld [tilespmem:s28+$0x7CB0];
	v29 =	vbroadcast v2, $0x9;
	[tilespmem:s28+$0x7C40] =	vst v3;
	v3 =	vmul.f32 v22, v16  }
0x92: {  	v31 =	vmul.f32 v23, v16;
	[tilespmem:s28+$0x7C50] =	vst v27;
	v32 =	vld [tilespmem:s28+$0x7CC0]  }
0x93: {  	v33 =	vld [tilespmem:s28+$0x7CD0];
	[tilespmem:s28+$0x7C60] =	vst v3;
	v3 =	vmul.f32 v25, v29  }
0x94: {  	[tilespmem:s28+$0x7C70] =	vst v31;
	v35 =	vld [tilespmem:s28+$0x7CE0];
	v34 =	vmul.f32 v26, v29  }
0x95: {  	v36 =	vld [tilespmem:s28+$0x7CF0];
	[tilespmem:s28+$0x7C80] =	vst v3;
	v3 =	vmul.f32 v28, v29  }
0x96: {  	v37 =	vmul.f32 v30, v29;
	v38 =	vld [tilespmem:s28+$0x7D00];
	[tilespmem:s28+$0x7C90] =	vst v34  }
0x97: {  	v39 =	vld [tilespmem:s28+$0x7D10];
	[tilespmem:s28+$0x7CA0] =	vst v3;
	v3 =	vmul.f32 v32, v29  }
0x98: {  	v40 =	vmul.f32 v33, v29;
	[tilespmem:s28+$0x7CB0] =	vst v37;
	v41 =	vld [tilespmem:s28+$0x7D20]  }
0x99: {  	v43 =	vld [tilespmem:s28+$0x7D30];
	v42 =	vbroadcast v2, $0xA;
	[tilespmem:s28+$0x7CC0] =	vst v3;
	v3 =	vmul.f32 v35, v29  }
0x9a: {  	v44 =	vmul.f32 v36, v29;
	[tilespmem:s28+$0x7CD0] =	vst v40;
	v45 =	vld [tilespmem:s28+$0x7D40]  }
0x9b: {  	v46 =	vld [tilespmem:s28+$0x7D50];
	[tilespmem:s28+$0x7CE0] =	vst v3;
	v3 =	vmul.f32 v38, v42  }
0x9c: {  	[tilespmem:s28+$0x7CF0] =	vst v44;
	v48 =	vld [tilespmem:s28+$0x7D60];
	v47 =	vmul.f32 v39, v42  }
0x9d: {  	v49 =	vld [tilespmem:s28+$0x7D70];
	[tilespmem:s28+$0x7D00] =	vst v3;
	v3 =	vmul.f32 v41, v42  }
0x9e: {  	v50 =	vmul.f32 v43, v42;
	v51 =	vld [tilespmem:s28+$0x7D80];
	[tilespmem:s28+$0x7D10] =	vst v47  }
0x9f: {  	v52 =	vld [tilespmem:s28+$0x7D90];
	[tilespmem:s28+$0x7D20] =	vst v3;
	v3 =	vmul.f32 v45, v42  }
0xa0: {  	v53 =	vmul.f32 v46, v42;
	[tilespmem:s28+$0x7D30] =	vst v50;
	v54 =	vld [tilespmem:s28+$0x7DA0]  }
0xa1: {  	v56 =	vld [tilespmem:s28+$0x7DB0];
	v55 =	vbroadcast v2, $0xB;
	[tilespmem:s28+$0x7D40] =	vst v3;
	v3 =	vmul.f32 v48, v42  }
0xa2: {  	v57 =	vmul.f32 v49, v42;
	[tilespmem:s28+$0x7D50] =	vst v53;
	v58 =	vld [tilespmem:s28+$0x7DC0]  }
0xa3: {  	v59 =	vld [tilespmem:s28+$0x7DD0];
	[tilespmem:s28+$0x7D60] =	vst v3;
	v3 =	vmul.f32 v51, v55  }
0xa4: {  	[tilespmem:s28+$0x7D70] =	vst v57;
	v61 =	vld [tilespmem:s28+$0x7DE0];
	v60 =	vmul.f32 v52, v55  }
0xa5: {  	v62 =	vld [tilespmem:s28+$0x7DF0];
	[tilespmem:s28+$0x7D80] =	vst v3;
	v3 =	vmul.f32 v54, v55  }
0xa6: {  	v63 =	vmul.f32 v56, v55;
	v12 =	vld [tilespmem:s28+$0x7E00];
	[tilespmem:s28+$0x7D90] =	vst v60  }
0xa7: {  	v13 =	vld [tilespmem:s28+$0x7E10];
	[tilespmem:s28+$0x7DA0] =	vst v3;
	v3 =	vmul.f32 v58, v55  }
0xa8: {  	v14 =	vmul.f32 v59, v55;
	[tilespmem:s28+$0x7DB0] =	vst v63;
	v15 =	vld [tilespmem:s28+$0x7E20]  }
0xa9: {  	v17 =	vld [tilespmem:s28+$0x7E30];
	v16 =	vbroadcast v2, $0xC;
	[tilespmem:s28+$0x7DC0] =	vst v3;
	v3 =	vmul.f32 v61, v55  }
0xaa: {  	v18 =	vmul.f32 v62, v55;
	[tilespmem:s28+$0x7DD0] =	vst v14;
	v19 =	vld [tilespmem:s28+$0x7E40]  }
0xab: {  	v20 =	vld [tilespmem:s28+$0x7E50];
	[tilespmem:s28+$0x7DE0] =	vst v3;
	v3 =	vmul.f32 v12, v16  }
0xac: {  	[tilespmem:s28+$0x7DF0] =	vst v18;
	v22 =	vld [tilespmem:s28+$0x7E60];
	v21 =	vmul.f32 v13, v16  }
0xad: {  	v23 =	vld [tilespmem:s28+$0x7E70];
	[tilespmem:s28+$0x7E00] =	vst v3;
	v3 =	vmul.f32 v15, v16  }
0xae: {  	v24 =	vmul.f32 v17, v16;
	v25 =	vld [tilespmem:s28+$0x7E80];
	[tilespmem:s28+$0x7E10] =	vst v21  }
0xaf: {  	v26 =	vld [tilespmem:s28+$0x7E90];
	[tilespmem:s28+$0x7E20] =	vst v3;
	v3 =	vmul.f32 v19, v16  }
0xb0: {  	v27 =	vmul.f32 v20, v16;
	[tilespmem:s28+$0x7E30] =	vst v24;
	v28 =	vld [tilespmem:s28+$0x7EA0]  }
0xb1: {  	v30 =	vld [tilespmem:s28+$0x7EB0];
	v29 =	vbroadcast v2, $0xD;
	[tilespmem:s28+$0x7E40] =	vst v3;
	v3 =	vmul.f32 v22, v16  }
0xb2: {  	v31 =	vmul.f32 v23, v16;
	[tilespmem:s28+$0x7E50] =	vst v27;
	v32 =	vld [tilespmem:s28+$0x7EC0]  }
0xb3: {  	v33 =	vld [tilespmem:s28+$0x7ED0];
	[tilespmem:s28+$0x7E60] =	vst v3;
	v3 =	vmul.f32 v25, v29  }
0xb4: {  	[tilespmem:s28+$0x7E70] =	vst v31;
	v35 =	vld [tilespmem:s28+$0x7EE0];
	v34 =	vmul.f32 v26, v29  }
0xb5: {  	v36 =	vld [tilespmem:s28+$0x7EF0];
	[tilespmem:s28+$0x7E80] =	vst v3;
	v3 =	vmul.f32 v28, v29  }
0xb6: {  	v37 =	vmul.f32 v30, v29;
	v38 =	vld [tilespmem:s28+$0x7F00];
	[tilespmem:s28+$0x7E90] =	vst v34  }
0xb7: {  	v39 =	vld [tilespmem:s28+$0x7F10];
	[tilespmem:s28+$0x7EA0] =	vst v3;
	v3 =	vmul.f32 v32, v29  }
0xb8: {  	v40 =	vmul.f32 v33, v29;
	[tilespmem:s28+$0x7EB0] =	vst v37;
	v41 =	vld [tilespmem:s28+$0x7F20]  }
0xb9: {  	v43 =	vld [tilespmem:s28+$0x7F30];
	v42 =	vbroadcast v2, $0xE;
	[tilespmem:s28+$0x7EC0] =	vst v3;
	v3 =	vmul.f32 v35, v29  }
0xba: {  	v44 =	vmul.f32 v36, v29;
	[tilespmem:s28+$0x7ED0] =	vst v40;
	v45 =	vld [tilespmem:s28+$0x7F40]  }
0xbb: {  	v46 =	vld [tilespmem:s28+$0x7F50];
	[tilespmem:s28+$0x7EE0] =	vst v3;
	v3 =	vmul.f32 v38, v42  }
0xbc: {  	[tilespmem:s28+$0x7EF0] =	vst v44;
	v48 =	vld [tilespmem:s28+$0x7F60];
	v47 =	vmul.f32 v39, v42  }
0xbd: {  	v49 =	vld [tilespmem:s28+$0x7F70];
	[tilespmem:s28+$0x7F00] =	vst v3;
	v3 =	vmul.f32 v41, v42  }
0xbe: {  	v50 =	vmul.f32 v43, v42;
	v51 =	vld [tilespmem:s28+$0x7F80];
	[tilespmem:s28+$0x7F10] =	vst v47  }
0xbf: {  	v52 =	vld [tilespmem:s28+$0x7F90];
	[tilespmem:s28+$0x7F20] =	vst v3;
	v3 =	vmul.f32 v45, v42  }
0xc0: {  	v53 =	vmul.f32 v46, v42;
	[tilespmem:s28+$0x7F30] =	vst v50;
	v54 =	vld [tilespmem:s28+$0x7FA0]  }
0xc1: {  	v2 =	vbroadcast v2, $0xF;
	v58 =	vld [tilespmem:s28+$0x7FD0];
	[tilespmem:s28+$0x7F40] =	vst v3;
	v3 =	vmul.f32 v48, v42  }
0xc2: {  	v57 =	vld [tilespmem:s28+$0x7FC0];
	v56 =	vmul.f32 v49, v42;
	[tilespmem:s28+$0x7F50] =	vst v53  }
0xc3: {  	v55 =	vld [tilespmem:s28+$0x7FB0];
	[tilespmem:s28+$0x7F60] =	vst v3;
	v3 =	vmul.f32 v51, v2  }
0xc4: {  	v60 =	vld [tilespmem:s28+$0x7FE0];
	v59 =	vmul.f32 v52, v2;
	[tilespmem:s28+$0x7F70] =	vst v56  }
0xc5: {  	v61 =	vld [tilespmem:s28+$0x7FF0];
	[tilespmem:s28+$0x7F80] =	vst v3;
	v3 =	vmul.f32 v54, v2  }
0xc6: {  	[tilespmem:s28+$0x7F90] =	vst v59;
	v63 =	vmul.f32 v58, v2  }
0xc7: {  	p1 =	sne.s32 s26, $0x7;
	[tilespmem:s28+$0x7FA0] =	vst v3;
	v3 =	vmul.f32 v57, v2  }
.Ltmp1:
0xc8: {  	v62 =	vmul.f32 v55, v2;
	[tilespmem:s28+$0x7FD0] =	vst v63;
	(pc) =	sbr.rel @p1 .LBB2_5-.Ltmp1, $4  }
0xc9: {  	[tilespmem:s28+$0x7FC0] =	vst v3;
	v3 =	vmul.f32 v60, v2  }
0xca: {  	[tilespmem:s28+$0x7FB0] =	vst v62;
	v2 =	vmul.f32 v61, v2  }
0xcb: {  	[tilespmem:s28+$0x7FE0] =	vst v3  }
0xcc: {  	s26 =	sadd.s32 $0x1, s26;
	[tilespmem:s28+$0x7FF0] =	vst v2  }
0xcd: {  	s24 =	sadd.s32 $0x1, s24  }
0xce: {  	p1 =	sne.s32 s24, $0x4F  }
.Ltmp2:
0xcf: {  	s25 =	sadd.s32 $0x2800, s25;
	(pc) =	sbr.rel @p1 .LBB2_4-.Ltmp2, $4  }
0xd0: {  	[spmem:s3] =	stream.indirect.scatter.add.f32 [tilespmem:s19], [sflag:$0x2], $0x80, s25, s20, $0xb8;
	[tilespmem:$0x1F800] =	vst v63  }
0xd1: {  	_ =	swait.ge [sflag:s16], $0x4000  }
0xd2: {  	[sflag:s16] =	ssyncset.done $0x0  }
0xd3: {  	[sflag:s16] =	ssyncadd.s32 $0xFFFFC000  }
0xd4: {  	[bflag:$0x0] =	sbarrier.arrive $0xFFFF;
	s24 =	simm.s32 @p0 $0x1FC2  }
0xd5: {  	[hbm:s14], [sflag:s24] =	dma.local @p0 [spmem:s22], $0x1900  }
0xd6: {  	s24 =	simm.s32 @p0 $0x2  }
0xd7: {  	s23 =	sadd.s32 $0x1, s23;
	_ =	swait.ge @p0 [sflag:s24], $0x1900  }
0xd8: {  	s25 =	sshll.u32 @!p0 s0, $0x6;
	p1 =	sne.s32 s23, s15;
	[sflag:s24] =	ssyncset.done @p0 $0x0  }
0xd9: {  	[sflag:s24] =	ssyncadd.s32 @p0 $0xFFFFE700;
	s24 =	sor.u32 @!p0 $0x1C02, s25;
	s25 =	sshrl.u32 @!p0 s8, $0x3  }
0xda: {  	[hbm:s13], [sflag:s24] =	dma.local @!p0 [spmem:s25], $0x2800  }
.Ltmp3:
0xdb: {  	_ = 	snop;
	(pc) =	sbr.rel @p1 .LBB2_1-.Ltmp3, $4  }
0xdc: {  	s24 =	simm.s32 @!p0 $0x2  }
0xdd: {  	_ =	swait.ge @!p0 [sflag:s24], $0x2800  }
0xde: {  	[sflag:s24] =	ssyncset.done @!p0 $0x0  }
0xdf: {  	[sflag:s24] =	ssyncadd.s32 @!p0 $0xFFFFD800  }
0xe0: {  	_ =	sfence.sel $0x180000  }
0xe1: {  	[bflag:$0x0] =	sbarrier.arrive $0xFFFF  }
0xe2: {  	p0 =	sne.s32 s0, $0x0;
	_ =	strace $0x9000004A  }
0xe3: {  	s0 =	sadd.s32 @!p0 $0x100000, s2;
	[bflag:$0x2] =	sbarrier.arrive $0xFFFF  }
0xe4: {  	[sflag:s0] =	ssyncadd.tile.s32 @!p0 $0x1;
	_ =	shalt  }
.Lfunc_end2:
_tile_overlayer_lowered:
.L_overlay_start_2:
0xe5: {  	(tag) =	ssettag $0x2  }
0xe6: {  	s0 =	rddreg [dreg:$0x0];
	s2 =	stileid.u32  }
0xe7: {  	s1 =	rddreg [dreg:$0x1];
	p0 =	sne.s32 s2, $0x0  }
0xe8: {  	s3 =	rddreg [dreg:$0x2];
	[bflag:$0x3] =	sbarrier.arrive $0xFFFF;
	s2 =	simm.s32 @!p0 $0x1C02  }
0xe9: {  	[timem:s3], [sflag:s2] =	dma.local @!p0 [hbm:s0], s1  }
0xea: {  	s0 =	simm.s32 @!p0 $0x2  }
0xeb: {  	_ =	swait.ge @!p0 [sflag:s0], s1  }
0xec: {  	s1 =	ssub.s32 @!p0 $0x0, s1;
	[sflag:s0] =	ssyncset.done @!p0 $0x0  }
0xed: {  	[sflag:s0] =	ssyncadd.s32 @!p0 s1  }
0xee: {  	[bflag:$0x3] =	sbarrier.arrive $0xFFFF  }
0xef: {  	_ =	shalt  }

// kernel: kernel.7.cloned.1.call-start
scs
__scs_entry_jumppad:
0x0: {  	(pc) =	sbr.rel $0x88, $3  }
0x1: {  	(tag) =	ssettag $0x0;
	lr =	simm.s32 $0x1  }
0x2: {  	[smem:$0x3F9A] =	sst lr;
	_ =	strace $0xD0000000  }
0x3: {  	_ = 	snop  }
0x4: {  	_ = 	snop  }
0x5: {  	_ = 	snop  }
0x6: {  	_ = 	snop  }
0x7: {  	_ = 	snop  }
__scs_overlays_trampoline_lowered:
0x8: {  	[smem:$0x3FA9] =	sst s0  }
0x9: {  	[smem:$0x3FAA] =	sst s1  }
0xa: {  	[smem:$0x3FAB] =	sst s2  }
0xb: {  	[smem:$0x3FAC] =	sst s3  }
0xc: {  	[smem:$0x3FAD] =	sst s4  }
0xd: {  	[smem:$0x3FAE] =	sst s5  }
0xe: {  	[smem:$0x3FAF] =	sst s6  }
0xf: {  	[smem:$0x3FB0] =	sst s7  }
0x10: {  	[smem:$0x3FB1] =	sst s8  }
0x11: {  	[smem:$0x3FB2] =	sst s9;
	s0 =	simm.s32 @!p0 $0x0  }
0x12: {  	s1 =	sld [smem:$0x3F98];
	s0 =	simm.s32 @p0 $0x1  }
0x13: {  	[smem:$0x3FB3] =	sst s0;
	s0 =	simm.s32 @!p1 $0x0  }
0x14: {  	s2 =	sld [smem:$0x3F97];
	s0 =	simm.s32 @p1 $0x1  }
0x15: {  	[smem:$0x3FB4] =	sst s0;
	s0 =	simm.s32 @!p2 $0x0  }
0x16: {  	s3 =	sld [smem:$0x3FDB];
	s0 =	simm.s32 @p2 $0x1  }
0x17: {  	s4 =	simm.s32 $0x1BF5;
	[smem:$0x3FB6] =	sst s0  }
0x18: {  	s0 =	sld [smem:$0x3F99];
	_ =	swait.ge [sflag:s4], $0x0  }
0x19: {  	s7 =	sld [smem:$0x3F9A]  }
0x1a: {  	s8 =	sadd.s32 $0xFFFFE003, lr  }
0x1b: {  	s9 =	sadd.s32 $0xFFFFFEF7, lr;
	s5 =	simm.s32 $0xFFFFFFFF;
	p2 =	slt.u32 s8, $0xFFFFF086  }
0x1c: {  	p1 =	slt.u32 s9, $0xF7A;
	s5 =	simm.s32 @!p2 $0x0  }
0x1d: {  	s5 =	simm.s32 @p1 $0x1;
	p0 =	seq.s32 s7, s2  }
0x1e: {  	s7 =	smul.u32 @!p0 $0xF7A, s2;
	p2 =	seq.s32 @!p0 s5, $0x0  }
0x1f: {  	s9 =	smul.u32 $0xF7A, s1;
	s8 =	simm.s32 @!p0 $0x1BF5;
	p2 =	por !p2, p0  }
0x20: {  	[sflag:s8] =	ssyncset.s32 @!p0 $0xFFFFF086;
	s6 =	sadd.s32 @!p0 s3, s7;
	s7 =	simm.s32 @!p0 $0x108  }
0x21: {  	s3 =	sadd.s32 s3, s9;
	s6 =	sadd.s32 @!p0 $0x88, s6;
	s7 =	simm.s32 @p2 $0x1082  }
0x22: {  	[simem:s7], [sflag:s8] =	dma.local @!p0 [hbm:s6], $0xF7A  }
0x23: {  	s9 =	sor.u32 $0xD0000000, s2;
	s6 =	simm.s32 $0x108;
	_ =	swait.ge @!p0 [sflag:s8], $0x0  }
0x24: {  	s3 =	sadd.s32 $0x88, s3;
	s6 =	simm.s32 @!p1 $0x1082;
	[sflag:s4] =	ssyncset.s32 $0xFFFFF086  }
0x25: {  	[simem:s6], [sflag:s4] =	dma.local [hbm:s3], $0xF7A  }
0x26: {  	[smem:$0x3F9A] =	sst s1;
	(tag) =	ssettag s2;
	_ =	strace s9  }
0x27: {  	s1 =	sld [smem:$0x3FAA]  }
0x28: {  	s2 =	sld [smem:$0x3FAB]  }
0x29: {  	s4 =	sld [smem:$0x3FAD]  }
0x2a: {  	p0 =	seq.s32 s5, $0x0;
	s5 =	sld [smem:$0x3FAE]  }
0x2b: {  	s6 =	sld [smem:$0x3FAF]  }
0x2c: {  	s7 =	sld [smem:$0x3FB0]  }
0x2d: {  	s3 =	simm.s32 $0x108;
	s8 =	sld [smem:$0x3FB1]  }
0x2e: {  	s3 =	simm.s32 @!p0 $0x1082;
	s9 =	sld [smem:$0x3FB2]  }
0x2f: {  	lr =	sadd.s32 s0, s3;
	s0 =	sld [smem:$0x3FA9]  }
0x30: {  	s3 =	sld [smem:$0x3FAC]  }
0x31: {  	[smem:$0x3FB5] =	sst s10  }
0x32: {  	s10 =	sld [smem:$0x3FB3];
	_ =	sdelay $0x3  }
0x33: {  	p0 =	seq.s32 s10, $0x1;
	s10 =	sld [smem:$0x3FB5];
	_ =	sdelay $0x3  }
0x34: {  	[smem:$0x3FB5] =	sst s10  }
0x35: {  	s10 =	sld [smem:$0x3FB4];
	_ =	sdelay $0x3  }
0x36: {  	p1 =	seq.s32 s10, $0x1;
	s10 =	sld [smem:$0x3FB5];
	_ =	sdelay $0x3  }
0x37: {  	[smem:$0x3FB5] =	sst s10  }
0x38: {  	s10 =	sld [smem:$0x3FB6]  }
0x39: {  	_ = 	snop;
	(pc) =	sbr.ind lr, $3  }
0x3a: {  	_ = 	snop  }
0x3b: {  	_ = 	snop  }
0x3c: {  	p2 =	seq.s32 s10, $0x1;
	s10 =	sld [smem:$0x3FB5]  }
0x3d: {  	_ =	shalt  }
0x3e: {  	_ =	shalt  }
0x3f: {  	_ =	shalt  }
0x40: {  	_ =	shalt  }
0x41: {  	_ =	shalt  }
0x42: {  	_ =	shalt  }
0x43: {  	_ =	shalt  }
0x44: {  	_ =	shalt  }
0x45: {  	_ =	shalt  }
0x46: {  	_ =	shalt  }
0x47: {  	_ =	shalt  }
0x48: {  	_ =	shalt  }
0x49: {  	_ =	shalt  }
0x4a: {  	_ =	shalt  }
0x4b: {  	_ =	shalt  }
0x4c: {  	_ =	shalt  }
0x4d: {  	_ =	shalt  }
0x4e: {  	_ =	shalt  }
0x4f: {  	_ =	shalt  }
0x50: {  	_ =	shalt  }
0x51: {  	_ =	shalt  }
0x52: {  	_ =	shalt  }
0x53: {  	_ =	shalt  }
0x54: {  	_ =	shalt  }
0x55: {  	_ =	shalt  }
0x56: {  	_ =	shalt  }
0x57: {  	_ =	shalt  }
0x58: {  	_ =	shalt  }
0x59: {  	_ =	shalt  }
0x5a: {  	_ =	shalt  }
0x5b: {  	_ =	shalt  }
0x5c: {  	_ =	shalt  }
0x5d: {  	_ =	shalt  }
0x5e: {  	_ =	shalt  }
0x5f: {  	_ =	shalt  }
0x60: {  	_ =	shalt  }
0x61: {  	_ =	shalt  }
0x62: {  	_ =	shalt  }
0x63: {  	_ =	shalt  }
0x64: {  	_ =	shalt  }
0x65: {  	_ =	shalt  }
0x66: {  	_ =	shalt  }
0x67: {  	_ =	shalt  }
0x68: {  	_ =	shalt  }
0x69: {  	_ =	shalt  }
0x6a: {  	_ =	shalt  }
0x6b: {  	_ =	shalt  }
0x6c: {  	_ =	shalt  }
0x6d: {  	_ =	shalt  }
0x6e: {  	_ =	shalt  }
0x6f: {  	_ =	shalt  }
0x70: {  	_ =	shalt  }
0x71: {  	_ =	shalt  }
0x72: {  	_ =	shalt  }
0x73: {  	_ =	shalt  }
0x74: {  	_ =	shalt  }
0x75: {  	_ =	shalt  }
0x76: {  	_ =	shalt  }
0x77: {  	_ =	shalt  }
0x78: {  	_ =	shalt  }
0x79: {  	_ =	shalt  }
0x7a: {  	_ =	shalt  }
0x7b: {  	_ =	shalt  }
0x7c: {  	_ =	shalt  }
0x7d: {  	_ =	shalt  }
0x7e: {  	_ =	shalt  }
0x7f: {  	_ =	shalt  }
0x80: {  	_ =	shalt  }
0x81: {  	_ =	shalt  }
0x82: {  	_ =	shalt  }
0x83: {  	_ =	shalt  }
0x84: {  	_ =	shalt  }
0x85: {  	_ =	shalt  }
0x86: {  	_ =	shalt  }
0x87: {  	_ =	shalt  }
.Lfunc_end0:
.L_simem_size_0:
called_computation_lowered:
.L_overlay_start_0:
0x88: {  	s2 =	sld [smem:$0x3FD9]  }
0x89: {  	s3 =	sld [smem:$0x3FFE];
	_ =	sdelay $0x1  }
0x8a: {  	s1 =	srdreg.scid  }
0x8b: {  	s0 =	sand.u32 $0x1, s1  }
0x8c: {  	s17 =	sshll.u32 s0, $0xA;
	s2 =	sadd.s32 s3, s2  }
0x8d: {  	s2 =	sadd.s32 s2, s17  }
0x8e: {  	[smem:$0x3FC1] =	sst s2  }
0x8f: {  	_ = 	snop  }
0x90: {  	s2 =	sld [smem:$0x3FD0];
	(tm) =	ssettm $0x1  }
0x91: {  	s18 =	sld [smem:$0x3FFB];
	_ =	sdelay $0x3  }
0x92: {  	_ =	strace s18  }
0x93: {  	s3 =	sld [smem:$0x3FFC];
	_ =	sdelay $0x3  }
0x94: {  	_ =	strace s3  }
0x95: {  	s3 =	sld [smem:$0x3FFD];
	_ =	sdelay $0x3  }
0x96: {  	_ =	strace s3  }
0x97: {  	_ =	strace $0x8FFFFFFF  }
0x98: {  	s19 =	sld [smem:$0x3FDB];
	_ =	sdelay $0x1  }
0x99: {  	s4 =	simm.s32 $_scs_section_size  }
0x9a: {  	s5 =	simm.s32 $_size__tile_overlayer_lowered;
	s6 =	simm.s32 $_tile_overlayer_lowered  }
0x9b: {  	s22 =	simm.s32 $0x1BFF;
	s21 =	sshll.u32 s6, $0x1;
	s3 =	sadd.s32 s4, s19  }
0x9c: {  	s7 =	simm.s32 $0x0;
	s20 =	sshll.u32 s5, $0x1;
	s5 =	sadd.s32 s21, s3  }
0x9d: {  	[timem:s7], [sflag:s22] =	dma.local [hbm:s5], s20  }
0x9e: {  	_ =	swait.ge [sflag:s22], s20  }
0x9f: {  	s4 =	ssub.s32 $0x0, s20;
	[sflag:s22] =	ssyncset.done $0x0  }
0xa0: {  	[sflag:s22] =	ssyncadd.s32 s4;
	_ =	sdelay $0x1  }
0xa1: {  	s23 =	simm.s32 $0x1B8B  }
0xa2: {  	_ =	swait.ge [sflag:s23], $0x1  }
0xa3: {  	[sflag:s23] =	ssyncset.done $0x0  }
0xa4: {  	s25 =	simm.s32 $0x1B8E;
	s24 =	sld [smem:$0x3FFE];
	[sflag:s23] =	ssyncadd.s32 $0xFFFFFFFF  }
0xa5: {  	s26 =	simm.s32 $execute0_lowered;
	[smem:$0x3FD2] =	sst s25  }
0xa6: {  	s5 =	sshll.u32 s26, $0x1;
	_ =	strace $0x80000046;
	[dreg:$0x1] =	wrdreg $0xFFFFFFFF  }
0xa7: {  	s28 =	simm.s32 $_size_execute0_lowered;
	s3 =	sadd.s32 s3, s5;
	[dreg:$0x0] =	wrdreg $0x0  }
0xa8: {  	s5 =	sshll.u32 s28, $0x1;
	[dreg:$0x2] =	wrdreg s3  }
0xa9: {  	[dreg:$0x3] =	wrdreg s5  }
0xaa: {  	[dreg:$0x4] =	wrdreg $0xC0  }
0xab: {  	_ =	task [dreg:s7], $0x5FFFF  }
0xac: {  	[dreg:$0x1] =	wrdreg $0xFFFFFFFF  }
0xad: {  	[dreg:$0x0] =	wrdreg $0x60  }
0xae: {  	[dreg:$0x2] =	wrdreg s2  }
0xaf: {  	[dreg:$0x3] =	wrdreg s24  }
0xb0: {  	[dreg:$0x4] =	wrdreg $0xB8000  }
0xb1: {  	[dreg:$0x5] =	wrdreg $0x9  }
0xb2: {  	_ =	task.clear_ibuf [dreg:s7], $0x6FFFF;
	_ =	strace $0x90000046  }
0xb3: {  	s29 =	simm.s32 $0x9;
	_ =	strace $0x80000048  }
0xb4: {  	_ =	swait.ge [sflag:s29], $0x1  }
0xb5: {  	[sflag:s29] =	ssyncadd.s32 $0xFFFFFFFF  }
0xb6: {  	_ =	strace $0x90000048  }
0xb7: {  	_ =	sfence  }
0xb8: {  	s30 =	sld [smem:$0x0];
	_ =	sdelay $0x2  }
0xb9: {  	s31 =	sshll.u32 s1, $0xD;
	s1 =	sshrl.u32 s1, $0x2  }
0xba: {  	s3 =	sand.u32 $0x4000, s31;
	s1 =	sadd.s32 s1, s30  }
0xbb: {  	s0 =	sor.u32 s3, s0;
	s1 =	sshll.u32 s1, $0x11  }
0xbc: {  	s0 =	sor.u32 s1, s0  }
0xbd: {  	s0 =	sadd.s32 $0x8F2B, s0  }
0xbe: {  	[sflag:s0] =	ssyncadd.remote.s32 $0x1  }
0xbf: {  	_ =	sfence.sel $0xFFFF  }
0xc0: {  	[dreg:$0x0] =	wrdreg $0xFFFFFFFF;
	(pc) =	sbr.abs _section_cstart, $3  }
0xc1: {  	[dreg:$0x1] =	wrdreg $0xFFFFFFFF  }
0xc2: {  	_ =	task.clear_ibuf [dreg:s7], $0x2FFFF;
	_ =	strace $0x9FFFFFFF  }
0xc3: {  	(tm) =	ssettm $0x7FFFFFFF  }
tec
execute0_lowered:
.L_overlay_start_1:
0x0: {  	(tag) =	ssettag $0x1  }
0x1: {  	s1 =	rddreg [dreg:$0x0]  }
0x2: {  	s5 =	rddreg [dreg:$0x1]  }
0x3: {  	s3 =	rddreg [dreg:$0x2]  }
0x4: {  	s0 =	srdreg.scid;
	s2 =	rddreg [dreg:$0x3];
	s4 =	simm.s32 $0x0  }
0x5: {  	s17 =	simm.s32 $0x2800;
	s18 =	simm.s32 $0x5000;
	s19 =	simm.s32 $0x7800  }
0x6: {  	s20 =	simm.s32 $0x80;
	s21 =	simm.s32 $0x1;
	s6 =	sand.u32 $0x1, s0  }
0x7: {  	s23 =	simm.s32 $0x0;
	s0 =	stileid.u32;
	s7 =	smul.u32 $0x28000, s6  }
0x8: {  	[smem:$0x7FF] =	sst s4;
	s14 =	sadd.s32 $0x1FA00, s5;
	s8 =	smul.u32 $0x2800, s0  }
0x9: {  	s22 =	sadd.s32 $0x12C000, s3;
	_ =	strace $0x80000047;
	s10 =	smul.u32 $0x50000, s0  }
0xa: {  	s30 =	ssub.s32 $0x2, s6;
	s12 =	smul.u32 $0x138800, s6;
	p0 =	seq.s32 s0, $0xF  }
0xb: {  	s11 =	smul.u32 $0x14000, s0;
	s9 =	sshrl.u32 s30, $0x1;
	s22 =	sshrl.u32 @p0 s22, $0x3  }
0xc: {  	s7 =	sadd.s32 s8, s7;
	s15 =	ssub.s32 s30, s9;
	s31 =	sshrl.u32 s10, $0x2  }
0xd: {  	s13 =	sadd.s32 s11, s12;
	s16 =	sshrl.u32 s12, $0x3;
	s7 =	sshrl.u32 s7, $0x3  }
0xe: {  	s8 =	sadd.s32 s31, s3;
	s13 =	sshrl.u32 s13, $0x3;
	s15 =	smax.u32 s15, $0x1  }
0xf: {  	s7 =	sadd.s32 s7, s5;
	s9 =	sadd.s32 $0x4000, s8;
	s10 =	sadd.s32 $0x8000, s8  }
0x10: {  	s11 =	sadd.s32 $0xC000, s8;
	s12 =	sadd.s32 $0x10000, s8;
	s13 =	sadd.s32 s14, s13  }
0x11: {  	s14 =	sadd.s32 s14, s16;
	s16 =	simm.s32 $0x2;
	s5 =	sadd.s32 $0xBA00, s7  }
0x12: {  	v0 =	vimm.f32 $0.0e+00;
	s6 =	sadd.s32 $0x15A00, s7;
	s7 =	sadd.s32 $0x1A00, s7;
	s14 =	sadd.s32 $0x25800, s14  }
.LBB2_1:
0x13: {  	[tilespmem:s4], [sflag:$0x2] =	stream.linear.gather [hbm4b:s5+s4], $0x2780, $0x38;
	[tilespmem:$0x1F800] =	vst v63  }
0x14: {  	_ =	swait.ge [sflag:s16], $0x2780  }
0x15: {  	[sflag:s16] =	ssyncset.done $0x0  }
0x16: {  	[sflag:s16] =	ssyncadd.s32 $0xFFFFD880  }
0x17: {  	[tilespmem:s17], [sflag:$0x2] =	stream.linear.gather [hbm4b:s6+s4], $0x2780, $0x38;
	[tilespmem:$0x1F800] =	vst v63  }
0x18: {  	_ =	swait.ge [sflag:s16], $0x2780  }
0x19: {  	[sflag:s16] =	ssyncset.done $0x0  }
0x1a: {  	[sflag:s16] =	ssyncadd.s32 $0xFFFFD880  }
0x1b: {  	[tilespmem:s18], [sflag:$0x2] =	stream.linear.gather [hbm4b:s7+s4], $0x2780, $0x38;
	[tilespmem:$0x1F800] =	vst v63  }
0x1c: {  	s24 =	sand.u32 $0xFE00, s4;
	s25 =	sand.u32 $0x70, s4;
	_ =	swait.ge [sflag:s16], $0x2780  }
0x1d: {  	s26 =	sshrl.u32 s24, $0x2;
	s24 =	simm.s32 $0x40;
	[sflag:s16] =	ssyncset.done $0x0  }
0x1e: {  	s26 =	sor.u32 s25, s26;
	s25 =	simm.s32 $0x0;
	[sflag:s16] =	ssyncadd.s32 $0xFFFFD880  }
.LBB2_2:
0x1f: {  	p1 =	sne.s32 s24, $0xFFC0  }
0x20: {  	[tilespmem:s26+$0x7800] =	vst v0;
	s25 =	sadd.s32 $0x10, s25;
	s26 =	smov.u32 s24;
	s24 =	sadd.s32 $0x40, s24  }
.Ltmp0:
0x21: {  	(pc) =	sbr.rel @p1 .LBB2_2-.Ltmp0, $4  }
0x22: {  	_ = 	snop  }
0x23: {  	s26 =	sand.u32 $0xFE00, s26  }
0x24: {  	s28 =	sand.u32 $0x70, s25;
	s26 =	sshrl.u32 s26, $0x2  }
0x25: {  	s26 =	sor.u32 s28, s26  }
0x26: {  	[tilespmem:s26+$0x7800] =	vst v0  }
0x27: {  	[spmem:s8] =	stream.linear.scatter [tilespmem:s19], [sflag:$0x2], $0x4000, $0x38;
	[tilespmem:$0x1F800] =	vst v63  }
0x28: {  	_ =	swait.ge [sflag:s16], $0x4000  }
0x29: {  	[sflag:s16] =	ssyncset.done $0x0  }
0x2a: {  	[sflag:s16] =	ssyncadd.s32 $0xFFFFC000  }
0x2b: {  	[spmem:s9] =	stream.linear.scatter [tilespmem:s19], [sflag:$0x2], $0x4000, $0x38;
	[tilespmem:$0x1F800] =	vst v63  }
0x2c: {  	_ =	swait.ge [sflag:s16], $0x4000  }
0x2d: {  	[sflag:s16] =	ssyncset.done $0x0  }
0x2e: {  	[sflag:s16] =	ssyncadd.s32 $0xFFFFC000  }
0x2f: {  	[spmem:s10] =	stream.linear.scatter [tilespmem:s19], [sflag:$0x2], $0x4000, $0x38;
	[tilespmem:$0x1F800] =	vst v63  }
0x30: {  	_ =	swait.ge [sflag:s16], $0x4000  }
0x31: {  	[sflag:s16] =	ssyncset.done $0x0  }
0x32: {  	[sflag:s16] =	ssyncadd.s32 $0xFFFFC000  }
0x33: {  	[spmem:s11] =	stream.linear.scatter [tilespmem:s19], [sflag:$0x2], $0x4000, $0x38;
	[tilespmem:$0x1F800] =	vst v63  }
0x34: {  	_ =	swait.ge [sflag:s16], $0x4000  }
0x35: {  	[sflag:s16] =	ssyncset.done $0x0  }
0x36: {  	[sflag:s16] =	ssyncadd.s32 $0xFFFFC000  }
0x37: {  	[spmem:s12] =	stream.linear.scatter [tilespmem:s19], [sflag:$0x2], $0x4000, $0x38;
	[tilespmem:$0x1F800] =	vst v63  }
0x38: {  	_ =	swait.ge [sflag:s16], $0x4000  }
0x39: {  	[sflag:s16] =	ssyncset.done $0x0  }
0x3a: {  	[sflag:s16] =	ssyncadd.s32 $0xFFFFC000  }
0x3b: {  	s24 =	simm.s32 $0x0;
	[bflag:$0x0] =	sbarrier.arrive $0xFFFF  }
.LBB2_4:
0x3c: {  	s25 =	sshll.u32 s24, $0x7  }
0x3d: {  	[tilespmem:s19], [sflag:$0x1] =	stream.indirect.gather [hbm4b:s1+s20], $0x80, s25, s20, $0xb8;
	[tilespmem:$0x1F800] =	vst v63  }
0x3e: {  	s26 =	sadd.s32 $0x5000, s25  }
0x3f: {  	_ =	swait.ge [sflag:s21], $0x4000;
	v1 =	vmov s26  }
0x40: {  	[sflag:s21] =	ssyncset.done $0x0  }
0x41: {  	s26 =	simm.s32 $0x0;
	[sflag:s21] =	ssyncadd.s32 $0xFFFFC000  }
.LBB2_5:
0x42: {  	s28 =	sshll.u32 s26, $0x4  }
0x43: {  	s28 =	sand.u32 $0x3FFFFFF0, s28  }
0x44: {  	s31 =	sshll.u32 s26, $0xB;
	v2 =	vld.idx.msk [tilespmem:v1+s28+$0x0 ss:$0x1], $0xffff  }
0x45: {  	s28 =	sand.u32 $0x3FFFF800, s31  }
0x46: {  	v3 =	vld [tilespmem:s28+$0x7800]  }
0x47: {  	v4 =	vld [tilespmem:s28+$0x7810]  }
0x48: {  	v5 =	vld [tilespmem:s28+$0x7820]  }
0x49: {  	v7 =	vld [tilespmem:s28+$0x7830];
	v6 =	vbroadcast v2, $0x0  }
0x4a: {  	v8 =	vld [tilespmem:s28+$0x7840]  }
0x4b: {  	v9 =	vld [tilespmem:s28+$0x7850];
	v3 =	vmul.f32 v6, v3  }
0x4c: {  	v10 =	vld [tilespmem:s28+$0x7860];
	v4 =	vmul.f32 v4, v6  }
0x4d: {  	v24 =	vld [tilespmem:s28+$0x7870];
	[tilespmem:s28+$0x7800] =	vst v3;
	v3 =	vmul.f32 v5, v6  }
0x4e: {  	v26 =	vld [tilespmem:s28+$0x7880];
	v25 =	vmul.f32 v7, v6;
	[tilespmem:s28+$0x7810] =	vst v4  }
0x4f: {  	v27 =	vld [tilespmem:s28+$0x7890];
	[tilespmem:s28+$0x7820] =	vst v3;
	v3 =	vmul.f32 v8, v6  }
0x50: {  	v29 =	vld [tilespmem:s28+$0x78A0];
	v28 =	vmul.f32 v9, v6;
	[tilespmem:s28+$0x7830] =	vst v25  }
0x51: {  	v11 =	vld [tilespmem:s28+$0x78B0];
	v30 =	vbroadcast v2, $0x1;
	[tilespmem:s28+$0x7840] =	vst v3;
	v3 =	vmul.f32 v10, v6  }
0x52: {  	v32 =	vld [tilespmem:s28+$0x78C0];
	v31 =	vmul.f32 v24, v6;
	[tilespmem:s28+$0x7850] =	vst v28  }
0x53: {  	v33 =	vld [tilespmem:s28+$0x78D0];
	[tilespmem:s28+$0x7860] =	vst v3;
	v3 =	vmul.f32 v26, v30  }
0x54: {  	v35 =	vld [tilespmem:s28+$0x78E0];
	v34 =	vmul.f32 v27, v30;
	[tilespmem:s28+$0x7870] =	vst v31  }
0x55: {  	v36 =	vld [tilespmem:s28+$0x78F0];
	[tilespmem:s28+$0x7880] =	vst v3;
	v3 =	vmul.f32 v29, v30  }
0x56: {  	v38 =	vld [tilespmem:s28+$0x7900];
	v37 =	vmul.f32 v11, v30;
	[tilespmem:s28+$0x7890] =	vst v34  }
0x57: {  	v39 =	vld [tilespmem:s28+$0x7910];
	[tilespmem:s28+$0x78A0] =	vst v3;
	v3 =	vmul.f32 v32, v30  }
0x58: {  	v41 =	vld [tilespmem:s28+$0x7920];
	v40 =	vmul.f32 v33, v30;
	[tilespmem:s28+$0x78B0] =	vst v37  }
0x59: {  	v43 =	vld [tilespmem:s28+$0x7930];
	v42 =	vbroadcast v2, $0x2;
	[tilespmem:s28+$0x78C0] =	vst v3;
	v3 =	vmul.f32 v35, v30  }
0x5a: {  	v45 =	vld [tilespmem:s28+$0x7940];
	v44 =	vmul.f32 v36, v30;
	[tilespmem:s28+$0x78D0] =	vst v40  }
0x5b: {  	v46 =	vld [tilespmem:s28+$0x7950];
	[tilespmem:s28+$0x78E0] =	vst v3;
	v3 =	vmul.f32 v38, v42  }
0x5c: {  	v48 =	vld [tilespmem:s28+$0x7960];
	v47 =	vmul.f32 v39, v42;
	[tilespmem:s28+$0x78F0] =	vst v44  }
0x5d: {  	v49 =	vld [tilespmem:s28+$0x7970];
	[tilespmem:s28+$0x7900] =	vst v3;
	v3 =	vmul.f32 v41, v42  }
0x5e: {  	v51 =	vld [tilespmem:s28+$0x7980];
	v50 =	vmul.f32 v43, v42;
	[tilespmem:s28+$0x7910] =	vst v47  }
0x5f: {  	v52 =	vld [tilespmem:s28+$0x7990];
	[tilespmem:s28+$0x7920] =	vst v3;
	v3 =	vmul.f32 v45, v42  }
0x60: {  	v54 =	vld [tilespmem:s28+$0x79A0];
	v53 =	vmul.f32 v46, v42;
	[tilespmem:s28+$0x7930] =	vst v50  }
0x61: {  	v56 =	vld [tilespmem:s28+$0x79B0];
	v55 =	vbroadcast v2, $0x3;
	[tilespmem:s28+$0x7940] =	vst v3;
	v3 =	vmul.f32 v48, v42  }
0x62: {  	v58 =	vld [tilespmem:s28+$0x79C0];
	v57 =	vmul.f32 v49, v42;
	[tilespmem:s28+$0x7950] =	vst v53  }
0x63: {  	v59 =	vld [tilespmem:s28+$0x79D0];
	[tilespmem:s28+$0x7960] =	vst v3;
	v3 =	vmul.f32 v51, v55  }
0x64: {  	v61 =	vld [tilespmem:s28+$0x79E0];
	v60 =	vmul.f32 v52, v55;
	[tilespmem:s28+$0x7970] =	vst v57  }
0x65: {  	v62 =	vld [tilespmem:s28+$0x79F0];
	[tilespmem:s28+$0x7980] =	vst v3;
	v3 =	vmul.f32 v54, v55  }
0x66: {  	v12 =	vld [tilespmem:s28+$0x7A00];
	v63 =	vmul.f32 v56, v55;
	[tilespmem:s28+$0x7990] =	vst v60  }
0x67: {  	v13 =	vld [tilespmem:s28+$0x7A10];
	[tilespmem:s28+$0x79A0] =	vst v3;
	v3 =	vmul.f32 v58, v55  }
0x68: {  	v15 =	vld [tilespmem:s28+$0x7A20];
	v14 =	vmul.f32 v59, v55;
	[tilespmem:s28+$0x79B0] =	vst v63  }
0x69: {  	v17 =	vld [tilespmem:s28+$0x7A30];
	v16 =	vbroadcast v2, $0x4;
	[tilespmem:s28+$0x79C0] =	vst v3;
	v3 =	vmul.f32 v61, v55  }
0x6a: {  	v19 =	vld [tilespmem:s28+$0x7A40];
	v18 =	vmul.f32 v62, v55;
	[tilespmem:s28+$0x79D0] =	vst v14  }
0x6b: {  	v20 =	vld [tilespmem:s28+$0x7A50];
	[tilespmem:s28+$0x79E0] =	vst v3;
	v3 =	vmul.f32 v12, v16  }
0x6c: {  	v22 =	vld [tilespmem:s28+$0x7A60];
	v21 =	vmul.f32 v13, v16;
	[tilespmem:s28+$0x79F0] =	vst v18  }
0x6d: {  	v23 =	vld [tilespmem:s28+$0x7A70];
	[tilespmem:s28+$0x7A00] =	vst v3;
	v3 =	vmul.f32 v15, v16  }
0x6e: {  	v24 =	vmul.f32 v17, v16;
	[tilespmem:s28+$0x7A10] =	vst v21;
	v25 =	vld [tilespmem:s28+$0x7A80]  }
0x6f: {  	v33 =	vld [tilespmem:s28+$0x7AD0];
	[tilespmem:s28+$0x7A20] =	vst v3;
	v3 =	vmul.f32 v19, v16  }
0x70: {  	v27 =	vmul.f32 v20, v16;
	[tilespmem:s28+$0x7A30] =	vst v24;
	v28 =	vld [tilespmem:s28+$0x7AA0]  }
0x71: {  	v36 =	vld [tilespmem:s28+$0x7AF0];
	v29 =	vbroadcast v2, $0x5;
	[tilespmem:s28+$0x7A40] =	vst v3;
	v3 =	vmul.f32 v22, v16  }
0x72: {  	[tilespmem:s28+$0x7A50] =	vst v27;
	v31 =	vmul.f32 v23, v16;
	v32 =	vld [tilespmem:s28+$0x7AC0]  }
0x73: {  	v26 =	vld [tilespmem:s28+$0x7A90];
	[tilespmem:s28+$0x7A60] =	vst v3;
	v3 =	vmul.f32 v25, v29  }
0x74: {  	[tilespmem:s28+$0x7A70] =	vst v31;
	v40 =	vmul.f32 v33, v29;
	v35 =	vld [tilespmem:s28+$0x7AE0]  }
0x75: {  	v30 =	vld [tilespmem:s28+$0x7AB0];
	[tilespmem:s28+$0x7A80] =	vst v3;
	v3 =	vmul.f32 v28, v29  }
0x76: {  	v44 =	vmul.f32 v36, v29;
	[tilespmem:s28+$0x7AD0] =	vst v40;
	v38 =	vld [tilespmem:s28+$0x7B00]  }
0x77: {  	v39 =	vld [tilespmem:s28+$0x7B10];
	[tilespmem:s28+$0x7AA0] =	vst v3;
	v3 =	vmul.f32 v32, v29  }
0x78: {  	v34 =	vmul.f32 v26, v29;
	[tilespmem:s28+$0x7AF0] =	vst v44;
	v41 =	vld [tilespmem:s28+$0x7B20]  }
0x79: {  	v43 =	vld [tilespmem:s28+$0x7B30];
	v42 =	vbroadcast v2, $0x6;
	[tilespmem:s28+$0x7AC0] =	vst v3;
	v3 =	vmul.f32 v35, v29  }
0x7a: {  	[tilespmem:s28+$0x7A90] =	vst v34;
	v37 =	vmul.f32 v30, v29;
	v45 =	vld [tilespmem:s28+$0x7B40]  }
0x7b: {  	v46 =	vld [tilespmem:s28+$0x7B50];
	[tilespmem:s28+$0x7AE0] =	vst v3;
	v3 =	vmul.f32 v38, v42  }
0x7c: {  	[tilespmem:s28+$0x7AB0] =	vst v37;
	v48 =	vld [tilespmem:s28+$0x7B60];
	v47 =	vmul.f32 v39, v42  }
0x7d: {  	v49 =	vld [tilespmem:s28+$0x7B70];
	[tilespmem:s28+$0x7B00] =	vst v3;
	v3 =	vmul.f32 v41, v42  }
0x7e: {  	v50 =	vmul.f32 v43, v42;
	v51 =	vld [tilespmem:s28+$0x7B80];
	[tilespmem:s28+$0x7B10] =	vst v47  }
0x7f: {  	v52 =	vld [tilespmem:s28+$0x7B90];
	[tilespmem:s28+$0x7B20] =	vst v3;
	v3 =	vmul.f32 v45, v42  }
0x80: {  	v53 =	vmul.f32 v46, v42;
	[tilespmem:s28+$0x7B30] =	vst v50;
	v54 =	vld [tilespmem:s28+$0x7BA0]  }
0x81: {  	v56 =	vld [tilespmem:s28+$0x7BB0];
	v55 =	vbroadcast v2, $0x7;
	[tilespmem:s28+$0x7B40] =	vst v3;
	v3 =	vmul.f32 v48, v42  }
0x82: {  	v57 =	vmul.f32 v49, v42;
	[tilespmem:s28+$0x7B50] =	vst v53;
	v58 =	vld [tilespmem:s28+$0x7BC0]  }
0x83: {  	v59 =	vld [tilespmem:s28+$0x7BD0];
	[tilespmem:s28+$0x7B60] =	vst v3;
	v3 =	vmul.f32 v51, v55  }
0x84: {  	[tilespmem:s28+$0x7B70] =	vst v57;
	v61 =	vld [tilespmem:s28+$0x7BE0];
	v60 =	vmul.f32 v52, v55  }
0x85: {  	v62 =	vld [tilespmem:s28+$0x7BF0];
	[tilespmem:s28+$0x7B80] =	vst v3;
	v3 =	vmul.f32 v54, v55  }
0x86: {  	v63 =	vmul.f32 v56, v55;
	v12 =	vld [tilespmem:s28+$0x7C00];
	[tilespmem:s28+$0x7B90] =	vst v60  }
0x87: {  	v13 =	vld [tilespmem:s28+$0x7C10];
	[tilespmem:s28+$0x7BA0] =	vst v3;
	v3 =	vmul.f32 v58, v55  }
0x88: {  	v14 =	vmul.f32 v59, v55;
	[tilespmem:s28+$0x7BB0] =	vst v63;
	v15 =	vld [tilespmem:s28+$0x7C20]  }
0x89: {  	v17 =	vld [tilespmem:s28+$0x7C30];
	v16 =	vbroadcast v2, $0x8;
	[tilespmem:s28+$0x7BC0] =	vst v3;
	v3 =	vmul.f32 v61, v55  }
0x8a: {  	v18 =	vmul.f32 v62, v55;
	[tilespmem:s28+$0x7BD0] =	vst v14;
	v19 =	vld [tilespmem:s28+$0x7C40]  }
0x8b: {  	v20 =	vld [tilespmem:s28+$0x7C50];
	[tilespmem:s28+$0x7BE0] =	vst v3;
	v3 =	vmul.f32 v12, v16  }
0x8c: {  	[tilespmem:s28+$0x7BF0] =	vst v18;
	v22 =	vld [tilespmem:s28+$0x7C60];
	v21 =	vmul.f32 v13, v16  }
0x8d: {  	v23 =	vld [tilespmem:s28+$0x7C70];
	[tilespmem:s28+$0x7C00] =	vst v3;
	v3 =	vmul.f32 v15, v16  }
0x8e: {  	v24 =	vmul.f32 v17, v16;
	v25 =	vld [tilespmem:s28+$0x7C80];
	[tilespmem:s28+$0x7C10] =	vst v21  }
0x8f: {  	v26 =	vld [tilespmem:s28+$0x7C90];
	[tilespmem:s28+$0x7C20] =	vst v3;
	v3 =	vmul.f32 v19, v16  }
0x90: {  	v27 =	vmul.f32 v20, v16;
	[tilespmem:s28+$0x7C30] =	vst v24;
	v28 =	vld [tilespmem:s28+$0x7CA0]  }
0x91: {  	v30 =	vld [tilespmem:s28+$0x7CB0];
	v29 =	vbroadcast v2, $0x9;
	[tilespmem:s28+$0x7C40] =	vst v3;
	v3 =	vmul.f32 v22, v16  }
0x92: {  	v31 =	vmul.f32 v23, v16;
	[tilespmem:s28+$0x7C50] =	vst v27;
	v32 =	vld [tilespmem:s28+$0x7CC0]  }
0x93: {  	v33 =	vld [tilespmem:s28+$0x7CD0];
	[tilespmem:s28+$0x7C60] =	vst v3;
	v3 =	vmul.f32 v25, v29  }
0x94: {  	[tilespmem:s28+$0x7C70] =	vst v31;
	v35 =	vld [tilespmem:s28+$0x7CE0];
	v34 =	vmul.f32 v26, v29  }
0x95: {  	v36 =	vld [tilespmem:s28+$0x7CF0];
	[tilespmem:s28+$0x7C80] =	vst v3;
	v3 =	vmul.f32 v28, v29  }
0x96: {  	v37 =	vmul.f32 v30, v29;
	v38 =	vld [tilespmem:s28+$0x7D00];
	[tilespmem:s28+$0x7C90] =	vst v34  }
0x97: {  	v39 =	vld [tilespmem:s28+$0x7D10];
	[tilespmem:s28+$0x7CA0] =	vst v3;
	v3 =	vmul.f32 v32, v29  }
0x98: {  	v40 =	vmul.f32 v33, v29;
	[tilespmem:s28+$0x7CB0] =	vst v37;
	v41 =	vld [tilespmem:s28+$0x7D20]  }
0x99: {  	v43 =	vld [tilespmem:s28+$0x7D30];
	v42 =	vbroadcast v2, $0xA;
	[tilespmem:s28+$0x7CC0] =	vst v3;
	v3 =	vmul.f32 v35, v29  }
0x9a: {  	v44 =	vmul.f32 v36, v29;
	[tilespmem:s28+$0x7CD0] =	vst v40;
	v45 =	vld [tilespmem:s28+$0x7D40]  }
0x9b: {  	v46 =	vld [tilespmem:s28+$0x7D50];
	[tilespmem:s28+$0x7CE0] =	vst v3;
	v3 =	vmul.f32 v38, v42  }
0x9c: {  	[tilespmem:s28+$0x7CF0] =	vst v44;
	v48 =	vld [tilespmem:s28+$0x7D60];
	v47 =	vmul.f32 v39, v42  }
0x9d: {  	v49 =	vld [tilespmem:s28+$0x7D70];
	[tilespmem:s28+$0x7D00] =	vst v3;
	v3 =	vmul.f32 v41, v42  }
0x9e: {  	v50 =	vmul.f32 v43, v42;
	v51 =	vld [tilespmem:s28+$0x7D80];
	[tilespmem:s28+$0x7D10] =	vst v47  }
0x9f: {  	v52 =	vld [tilespmem:s28+$0x7D90];
	[tilespmem:s28+$0x7D20] =	vst v3;
	v3 =	vmul.f32 v45, v42  }
0xa0: {  	v53 =	vmul.f32 v46, v42;
	[tilespmem:s28+$0x7D30] =	vst v50;
	v54 =	vld [tilespmem:s28+$0x7DA0]  }
0xa1: {  	v56 =	vld [tilespmem:s28+$0x7DB0];
	v55 =	vbroadcast v2, $0xB;
	[tilespmem:s28+$0x7D40] =	vst v3;
	v3 =	vmul.f32 v48, v42  }
0xa2: {  	v57 =	vmul.f32 v49, v42;
	[tilespmem:s28+$0x7D50] =	vst v53;
	v58 =	vld [tilespmem:s28+$0x7DC0]  }
0xa3: {  	v59 =	vld [tilespmem:s28+$0x7DD0];
	[tilespmem:s28+$0x7D60] =	vst v3;
	v3 =	vmul.f32 v51, v55  }
0xa4: {  	[tilespmem:s28+$0x7D70] =	vst v57;
	v61 =	vld [tilespmem:s28+$0x7DE0];
	v60 =	vmul.f32 v52, v55  }
0xa5: {  	v62 =	vld [tilespmem:s28+$0x7DF0];
	[tilespmem:s28+$0x7D80] =	vst v3;
	v3 =	vmul.f32 v54, v55  }
0xa6: {  	v63 =	vmul.f32 v56, v55;
	v12 =	vld [tilespmem:s28+$0x7E00];
	[tilespmem:s28+$0x7D90] =	vst v60  }
0xa7: {  	v13 =	vld [tilespmem:s28+$0x7E10];
	[tilespmem:s28+$0x7DA0] =	vst v3;
	v3 =	vmul.f32 v58, v55  }
0xa8: {  	v14 =	vmul.f32 v59, v55;
	[tilespmem:s28+$0x7DB0] =	vst v63;
	v15 =	vld [tilespmem:s28+$0x7E20]  }
0xa9: {  	v17 =	vld [tilespmem:s28+$0x7E30];
	v16 =	vbroadcast v2, $0xC;
	[tilespmem:s28+$0x7DC0] =	vst v3;
	v3 =	vmul.f32 v61, v55  }
0xaa: {  	v18 =	vmul.f32 v62, v55;
	[tilespmem:s28+$0x7DD0] =	vst v14;
	v19 =	vld [tilespmem:s28+$0x7E40]  }
0xab: {  	v20 =	vld [tilespmem:s28+$0x7E50];
	[tilespmem:s28+$0x7DE0] =	vst v3;
	v3 =	vmul.f32 v12, v16  }
0xac: {  	[tilespmem:s28+$0x7DF0] =	vst v18;
	v22 =	vld [tilespmem:s28+$0x7E60];
	v21 =	vmul.f32 v13, v16  }
0xad: {  	v23 =	vld [tilespmem:s28+$0x7E70];
	[tilespmem:s28+$0x7E00] =	vst v3;
	v3 =	vmul.f32 v15, v16  }
0xae: {  	v24 =	vmul.f32 v17, v16;
	v25 =	vld [tilespmem:s28+$0x7E80];
	[tilespmem:s28+$0x7E10] =	vst v21  }
0xaf: {  	v26 =	vld [tilespmem:s28+$0x7E90];
	[tilespmem:s28+$0x7E20] =	vst v3;
	v3 =	vmul.f32 v19, v16  }
0xb0: {  	v27 =	vmul.f32 v20, v16;
	[tilespmem:s28+$0x7E30] =	vst v24;
	v28 =	vld [tilespmem:s28+$0x7EA0]  }
0xb1: {  	v30 =	vld [tilespmem:s28+$0x7EB0];
	v29 =	vbroadcast v2, $0xD;
	[tilespmem:s28+$0x7E40] =	vst v3;
	v3 =	vmul.f32 v22, v16  }
0xb2: {  	v31 =	vmul.f32 v23, v16;
	[tilespmem:s28+$0x7E50] =	vst v27;
	v32 =	vld [tilespmem:s28+$0x7EC0]  }
0xb3: {  	v33 =	vld [tilespmem:s28+$0x7ED0];
	[tilespmem:s28+$0x7E60] =	vst v3;
	v3 =	vmul.f32 v25, v29  }
0xb4: {  	[tilespmem:s28+$0x7E70] =	vst v31;
	v35 =	vld [tilespmem:s28+$0x7EE0];
	v34 =	vmul.f32 v26, v29  }
0xb5: {  	v36 =	vld [tilespmem:s28+$0x7EF0];
	[tilespmem:s28+$0x7E80] =	vst v3;
	v3 =	vmul.f32 v28, v29  }
0xb6: {  	v37 =	vmul.f32 v30, v29;
	v38 =	vld [tilespmem:s28+$0x7F00];
	[tilespmem:s28+$0x7E90] =	vst v34  }
0xb7: {  	v39 =	vld [tilespmem:s28+$0x7F10];
	[tilespmem:s28+$0x7EA0] =	vst v3;
	v3 =	vmul.f32 v32, v29  }
0xb8: {  	v40 =	vmul.f32 v33, v29;
	[tilespmem:s28+$0x7EB0] =	vst v37;
	v41 =	vld [tilespmem:s28+$0x7F20]  }
0xb9: {  	v43 =	vld [tilespmem:s28+$0x7F30];
	v42 =	vbroadcast v2, $0xE;
	[tilespmem:s28+$0x7EC0] =	vst v3;
	v3 =	vmul.f32 v35, v29  }
0xba: {  	v44 =	vmul.f32 v36, v29;
	[tilespmem:s28+$0x7ED0] =	vst v40;
	v45 =	vld [tilespmem:s28+$0x7F40]  }
0xbb: {  	v46 =	vld [tilespmem:s28+$0x7F50];
	[tilespmem:s28+$0x7EE0] =	vst v3;
	v3 =	vmul.f32 v38, v42  }
0xbc: {  	[tilespmem:s28+$0x7EF0] =	vst v44;
	v48 =	vld [tilespmem:s28+$0x7F60];
	v47 =	vmul.f32 v39, v42  }
0xbd: {  	v49 =	vld [tilespmem:s28+$0x7F70];
	[tilespmem:s28+$0x7F00] =	vst v3;
	v3 =	vmul.f32 v41, v42  }
0xbe: {  	v50 =	vmul.f32 v43, v42;
	v51 =	vld [tilespmem:s28+$0x7F80];
	[tilespmem:s28+$0x7F10] =	vst v47  }
0xbf: {  	v52 =	vld [tilespmem:s28+$0x7F90];
	[tilespmem:s28+$0x7F20] =	vst v3;
	v3 =	vmul.f32 v45, v42  }
0xc0: {  	v53 =	vmul.f32 v46, v42;
	[tilespmem:s28+$0x7F30] =	vst v50;
	v54 =	vld [tilespmem:s28+$0x7FA0]  }
0xc1: {  	v2 =	vbroadcast v2, $0xF;
	v58 =	vld [tilespmem:s28+$0x7FD0];
	[tilespmem:s28+$0x7F40] =	vst v3;
	v3 =	vmul.f32 v48, v42  }
0xc2: {  	v57 =	vld [tilespmem:s28+$0x7FC0];
	v56 =	vmul.f32 v49, v42;
	[tilespmem:s28+$0x7F50] =	vst v53  }
0xc3: {  	v55 =	vld [tilespmem:s28+$0x7FB0];
	[tilespmem:s28+$0x7F60] =	vst v3;
	v3 =	vmul.f32 v51, v2  }
0xc4: {  	v60 =	vld [tilespmem:s28+$0x7FE0];
	v59 =	vmul.f32 v52, v2;
	[tilespmem:s28+$0x7F70] =	vst v56  }
0xc5: {  	v61 =	vld [tilespmem:s28+$0x7FF0];
	[tilespmem:s28+$0x7F80] =	vst v3;
	v3 =	vmul.f32 v54, v2  }
0xc6: {  	[tilespmem:s28+$0x7F90] =	vst v59;
	v63 =	vmul.f32 v58, v2  }
0xc7: {  	p1 =	sne.s32 s26, $0x7;
	[tilespmem:s28+$0x7FA0] =	vst v3;
	v3 =	vmul.f32 v57, v2  }
.Ltmp1:
0xc8: {  	v62 =	vmul.f32 v55, v2;
	[tilespmem:s28+$0x7FD0] =	vst v63;
	(pc) =	sbr.rel @p1 .LBB2_5-.Ltmp1, $4  }
0xc9: {  	[tilespmem:s28+$0x7FC0] =	vst v3;
	v3 =	vmul.f32 v60, v2  }
0xca: {  	[tilespmem:s28+$0x7FB0] =	vst v62;
	v2 =	vmul.f32 v61, v2  }
0xcb: {  	[tilespmem:s28+$0x7FE0] =	vst v3  }
0xcc: {  	s26 =	sadd.s32 $0x1, s26;
	[tilespmem:s28+$0x7FF0] =	vst v2  }
0xcd: {  	s24 =	sadd.s32 $0x1, s24  }
0xce: {  	p1 =	sne.s32 s24, $0x4F  }
.Ltmp2:
0xcf: {  	s25 =	sadd.s32 $0x2800, s25;
	(pc) =	sbr.rel @p1 .LBB2_4-.Ltmp2, $4  }
0xd0: {  	[spmem:s3] =	stream.indirect.scatter.add.f32 [tilespmem:s19], [sflag:$0x2], $0x80, s25, s20, $0xb8;
	[tilespmem:$0x1F800] =	vst v63  }
0xd1: {  	_ =	swait.ge [sflag:s16], $0x4000  }
0xd2: {  	[sflag:s16] =	ssyncset.done $0x0  }
0xd3: {  	[sflag:s16] =	ssyncadd.s32 $0xFFFFC000  }
0xd4: {  	[bflag:$0x0] =	sbarrier.arrive $0xFFFF;
	s24 =	simm.s32 @p0 $0x1FC2  }
0xd5: {  	[hbm:s14], [sflag:s24] =	dma.local @p0 [spmem:s22], $0x1900  }
0xd6: {  	s24 =	simm.s32 @p0 $0x2  }
0xd7: {  	s23 =	sadd.s32 $0x1, s23;
	_ =	swait.ge @p0 [sflag:s24], $0x1900  }
0xd8: {  	s25 =	sshll.u32 @!p0 s0, $0x6;
	p1 =	sne.s32 s23, s15;
	[sflag:s24] =	ssyncset.done @p0 $0x0  }
0xd9: {  	[sflag:s24] =	ssyncadd.s32 @p0 $0xFFFFE700;
	s24 =	sor.u32 @!p0 $0x1C02, s25;
	s25 =	sshrl.u32 @!p0 s8, $0x3  }
0xda: {  	[hbm:s13], [sflag:s24] =	dma.local @!p0 [spmem:s25], $0x2800  }
.Ltmp3:
0xdb: {  	_ = 	snop;
	(pc) =	sbr.rel @p1 .LBB2_1-.Ltmp3, $4  }
0xdc: {  	s24 =	simm.s32 @!p0 $0x2  }
0xdd: {  	_ =	swait.ge @!p0 [sflag:s24], $0x2800  }
0xde: {  	[sflag:s24] =	ssyncset.done @!p0 $0x0  }
0xdf: {  	[sflag:s24] =	ssyncadd.s32 @!p0 $0xFFFFD800  }
0xe0: {  	_ =	sfence.sel $0x180000  }
0xe1: {  	[bflag:$0x0] =	sbarrier.arrive $0xFFFF  }
0xe2: {  	p0 =	sne.s32 s0, $0x0;
	_ =	strace $0x90000047  }
0xe3: {  	s0 =	sadd.s32 @!p0 $0x100000, s2;
	[bflag:$0x2] =	sbarrier.arrive $0xFFFF  }
0xe4: {  	[sflag:s0] =	ssyncadd.tile.s32 @!p0 $0x1;
	_ =	shalt  }
.Lfunc_end2:
_tile_overlayer_lowered:
.L_overlay_start_2:
0xe5: {  	(tag) =	ssettag $0x2  }
0xe6: {  	s0 =	rddreg [dreg:$0x0];
	s2 =	stileid.u32  }
0xe7: {  	s1 =	rddreg [dreg:$0x1];
	p0 =	sne.s32 s2, $0x0  }
0xe8: {  	s3 =	rddreg [dreg:$0x2];
	[bflag:$0x3] =	sbarrier.arrive $0xFFFF;
	s2 =	simm.s32 @!p0 $0x1C02  }
0xe9: {  	[timem:s3], [sflag:s2] =	dma.local @!p0 [hbm:s0], s1  }
0xea: {  	s0 =	simm.s32 @!p0 $0x2  }
0xeb: {  	_ =	swait.ge @!p0 [sflag:s0], s1  }
0xec: {  	s1 =	ssub.s32 @!p0 $0x0, s1;
	[sflag:s0] =	ssyncset.done @!p0 $0x0  }
0xed: {  	[sflag:s0] =	ssyncadd.s32 @!p0 s1  }
0xee: {  	[bflag:$0x3] =	sbarrier.arrive $0xFFFF  }
0xef: {  	_ =	shalt  }

</sc_bundles>
